<compile_context>
chip_gen: v7x
topology: tpu7x:2x2x1
jax: 0.10.2.dev20260603
libtpu: 0.0.44.dev20260713+nightly
codegen_flags: <defaults>
</compile_context>

<pallas_src>
import functools

import jax
import jax.numpy as jnp
from jax import lax
from jax.experimental import pallas as pl
from jax.experimental.pallas import tpu as pltpu
from jax.experimental.pallas import tpu_sc as plsc

NC = 2
NS = 16
NW = NC * NS


def _sc_mesh():
    return plsc.VectorSubcoreMesh(
        core_axis_name="c", subcore_axis_name="s",
        num_cores=NC, num_subcores=NS)


def _make_degree(NPD, C, K):
    ept = NPD // NS
    W = 8

    @functools.partial(
        pl.kernel,
        out_type=jax.ShapeDtypeStruct((NC, 2, NPD), jnp.float32),
        mesh=_sc_mesh(),
        scratch_types=[
            pltpu.VMEM((C, K), jnp.int32),
            pltpu.VMEM((C, K), jnp.int32),
            pltpu.VMEM((K,), jnp.float32),
            pltpu.VMEM((128,), jnp.float32),
            pltpu.VMEM_SHARED((NPD,), jnp.float32),
            pltpu.VMEM_SHARED((NPD,), jnp.float32),
            pltpu.SemaphoreType.DMA,
        ],
        compiler_params=pltpu.CompilerParams(use_tc_tiling_on_sc=False),
    )
    def kern(graph_r, out, src_v, dst_v, ones, zb, acc_s, acc_d, sem):
        c = lax.axis_index("c")
        s = lax.axis_index("s")
        wid = s * NC + c
        for i in range(8):
            zb[pl.ds(i * 16, 16)] = jnp.zeros((16,), jnp.float32)
        for i in range(K // 16):
            ones[pl.ds(i * 16, 16)] = jnp.ones((16,), jnp.float32)
        for k in range(ept // 128):
            pltpu.sync_copy(zb, acc_s.at[pl.ds(s * ept + k * 128, 128)])
            pltpu.sync_copy(zb, acc_d.at[pl.ds(s * ept + k * 128, 128)])
        pltpu.sync_copy(graph_r.at[0].at[wid], src_v)
        pltpu.sync_copy(graph_r.at[1].at[wid], dst_v)
        plsc.subcore_barrier()

        def step_s(j, carry):
            pltpu.async_copy(ones, acc_s.at[src_v.at[j]], sem, add=True)

            @pl.when(j >= W)
            def _():
                pltpu.make_async_copy(ones, acc_s.at[src_v.at[j]], sem).wait()

            return carry

        def step_d(j, carry):
            pltpu.async_copy(ones, acc_d.at[dst_v.at[j]], sem, add=True)
            pltpu.make_async_copy(ones, acc_d.at[dst_v.at[j]], sem).wait()
            return carry

        lax.fori_loop(0, C, step_s, 0)
        lax.fori_loop(0, C, step_d, 0)
        for u in range(W):
            pltpu.make_async_copy(ones, acc_d.at[dst_v.at[u]], sem).wait()
        plsc.subcore_barrier()
        pltpu.sync_copy(acc_s.at[pl.ds(s * ept, ept)],
                        out.at[c].at[0].at[pl.ds(s * ept, ept)])
        pltpu.sync_copy(acc_d.at[pl.ds(s * ept, ept)],
                        out.at[c].at[1].at[pl.ds(s * ept, ept)])

    return kern


def _make_edge_pass(NB, D, C, K):
    rpt = NB // NS
    R = 12
    P = 6
    NR = C // R
    TAIL = C - NR * R
    assert 0 < TAIL < R or TAIL == 0

    @functools.partial(
        pl.kernel,
        out_type=jax.ShapeDtypeStruct((NC, NB, D), jnp.bfloat16),
        mesh=_sc_mesh(),
        scratch_types=(
            [pltpu.VMEM((C, K), jnp.int32),
             pltpu.VMEM((C, K), jnp.int32)]
            + [pltpu.VMEM((K, D), jnp.bfloat16)] * R
            + [pltpu.SemaphoreType.DMA] * R
            + [pltpu.VMEM_SHARED((NB, D), jnp.bfloat16)]
        ),
        compiler_params=pltpu.CompilerParams(use_tc_tiling_on_sc=False),
    )
    def kern(table, graph_r, out, src_v, dst_v, *rest):
        bufs = rest[:R]
        sems = rest[R:2 * R]
        acc = rest[2 * R]
        c = lax.axis_index("c")
        s = lax.axis_index("s")
        wid = s * NC + c
        zb = bufs[0]

        def zrow(r, carry):
            for i in range(D // 32):
                zb[r, pl.ds(i * 32, 32)] = jnp.zeros((32,), jnp.bfloat16)
            return carry

        lax.fori_loop(0, K, zrow, 0)
        off = 0
        while off < rpt:
            n = min(K, rpt - off)
            pltpu.sync_copy(zb.at[pl.ds(0, n)],
                            acc.at[pl.ds(s * rpt + off, n)])
            off += n
        pltpu.sync_copy(graph_r.at[0].at[wid], src_v)
        pltpu.sync_copy(graph_r.at[1].at[wid], dst_v)
        plsc.subcore_barrier()

        for r in range(P):
            pltpu.async_copy(table.at[src_v.at[r]], bufs[r], sems[r])

        def slot(j, u, static):
            q = (u + P) % R
            pltpu.make_async_copy(
                table.at[src_v.at[j]], bufs[u], sems[u]).wait()
            pltpu.async_copy(
                bufs[u], acc.at[dst_v.at[j]], sems[u], add=True)

            def retire():
                pltpu.make_async_copy(
                    bufs[q], acc.at[dst_v.at[j]], sems[q]).wait()

            def prefetch():
                pltpu.async_copy(
                    table.at[src_v.at[j + P]], bufs[q], sems[q])

            if static:
                if j + P >= R:
                    retire()
                if j + P < C:
                    prefetch()
            else:
                pl.when(j + P >= R)(retire)
                pl.when(j + P < C)(prefetch)

        def round_(i, carry):
            for u in range(R):
                slot(i * R + u, u, False)
            return carry

        lax.fori_loop(0, NR, round_, 0)
        for u in range(TAIL):
            slot(NR * R + u, u, True)
        for u in range(P):
            q = (C - P + u) % R
            pltpu.make_async_copy(
                bufs[q], acc.at[dst_v.at[C - P + u]], sems[q]).wait()
        plsc.subcore_barrier()
        off = 0
        while off < rpt:
            n = min(K, rpt - off)
            pltpu.sync_copy(acc.at[pl.ds(s * rpt + off, n)],
                            out.at[c].at[pl.ds(s * rpt + off, n)])
            off += n

    return kern


def _tc_matmul(x, W1):
    DH = W1.shape[1]
    N = x.shape[0]

    def body(x_ref, w_ref, o_ref):
        o_ref[...] = jnp.dot(x_ref[...], w_ref[...],
                             preferred_element_type=jnp.float32)

    return pl.pallas_call(
        body, out_shape=jax.ShapeDtypeStruct((N, DH), jnp.float32),
    )(x, W1)


def _tc_scale(y, deg_t, N, NB, NPD):
    DH = y.shape[1]

    def body(y_ref, d_ref, o_ref):
        deg = jnp.sum(d_ref[...], axis=1, keepdims=True)
        nsrc = lax.rsqrt(jnp.maximum(deg[:N], 1.0))
        t = (y_ref[...] * nsrc).astype(jnp.bfloat16)
        o_ref[...] = jnp.concatenate(
            [t, jnp.zeros((NB - N, DH), jnp.bfloat16)], axis=0)

    return pl.pallas_call(
        body, out_shape=jax.ShapeDtypeStruct((NB, DH), jnp.bfloat16),
    )(y, deg_t)


def _tc_norms(deg_t, N, NPD, DH):

    def body(d_ref, o_ref):
        deg = jnp.sum(d_ref[...], axis=1, keepdims=True)
        nsrc = lax.rsqrt(jnp.maximum(deg[:N], 1.0))
        ndst = lax.rsqrt(jnp.maximum(deg[NPD:NPD + N], 1.0))
        o_ref[...] = jnp.concatenate(
            [jnp.broadcast_to(nsrc, (N, DH)),
             jnp.broadcast_to(ndst, (N, DH))], axis=1)

    return pl.pallas_call(
        body, out_shape=jax.ShapeDtypeStruct((N, 2 * DH), jnp.float32),
    )(deg_t)


def _tc_mid(aggp, normb, W2p, b1r, N, NB, NPD):
    D2 = W2p.shape[1]

    def body(a_ref, d_ref, w_ref, b_ref, o_ref):
        nsrc = d_ref[:, 0:1]
        ndst = d_ref[:, D2:D2 + 1]
        a = (a_ref[0].astype(jnp.float32)
             + a_ref[1].astype(jnp.float32))[:N]
        h = jnp.maximum(a * ndst + b_ref[...], 0.0)
        t = (jnp.dot(h, w_ref[...], preferred_element_type=jnp.float32)
             * nsrc).astype(jnp.bfloat16)
        o_ref[...] = jnp.concatenate(
            [t, jnp.zeros((NB - N, D2), jnp.bfloat16)], axis=0)

    return pl.pallas_call(
        body, out_shape=jax.ShapeDtypeStruct((NB, D2), jnp.bfloat16),
    )(aggp, normb, W2p, b1r)


def _tc_post(aggp, normb, b2r, N, NB, NPD, NCLS, DH):
    D2 = b2r.shape[1]

    def body(a_ref, d_ref, b_ref, o_ref):
        ndst = d_ref[:, DH:DH + 1]
        a = (a_ref[0].astype(jnp.float32)
             + a_ref[1].astype(jnp.float32))[:N]
        o_ref[...] = jnp.maximum(a * ndst + b_ref[...], 0.0)[:, :NCLS]

    return pl.pallas_call(
        body, out_shape=jax.ShapeDtypeStruct((N, NCLS), jnp.float32),
    )(aggp, normb, b2r)


def kernel(graph, x, W1, b1, W2, b2):
    N, D_IN = x.shape
    E = graph.shape[1]
    DH = W1.shape[1]
    NCLS = W2.shape[1]
    D2 = DH
    NB = N + 16
    NPD = ((N + 16 * NS - 1) // (16 * NS)) * (16 * NS)

    K = 128
    C = -(-E // (NW * K))
    EP = NW * C * K

    g = graph.astype(jnp.int32)
    pad_idx = (N + (jnp.arange(EP - E, dtype=jnp.int32) % 16))[None, :]
    graph_r = jnp.concatenate(
        [g, jnp.broadcast_to(pad_idx, (2, EP - E))], axis=1,
    ).reshape(2, NW, C, K)

    W2p = jnp.pad(W2, ((0, 0), (0, D2 - NCLS)))
    b1r = b1.reshape(1, DH)
    b2r = jnp.pad(b2, (0, D2 - NCLS)).reshape(1, D2)

    degp = _make_degree(NPD, C, K)(graph_r)
    deg_t = degp.reshape(2, 2 * NPD).T
    y1 = _tc_matmul(x, W1)
    t1 = _tc_scale(y1, deg_t, N, NB, NPD)
    normb = _tc_norms(deg_t, N, NPD, DH)
    agg1p = _make_edge_pass(NB, DH, C, K)(t1, graph_r)
    t2 = _tc_mid(agg1p, normb, W2p, b1r, N, NB, NPD)
    agg2p = _make_edge_pass(NB, D2, C, K)(t2, graph_r)
    return _tc_post(agg2p, normb, b2r, N, NB, NPD, NCLS, DH)

# --- scband reference (transcript-rebuilt; emitter-appended) ---
"""Pipeline reference for scband-node-classifier-59433757442077 (READ-ONLY COPY).

The authoritative reference and input builder live on the scoring server;
editing this copy changes nothing except your own understanding.
"""

import jax, jax.numpy as jnp
import numpy as np

N = 10000
E = 320000
D_IN = 128
D_HID = 64
N_CLASSES = 40


def setup_inputs(seed: int = 0) -> dict:
    key = jax.random.key(seed)
    k1, k2, k3, k4 = jax.random.split(key, 4)
    graph = jax.random.randint(k1, (2, E), 0, N, dtype=jnp.int64) if jax.config.jax_enable_x64 else jax.random.randint(k1, (2, E), 0, N, dtype=jnp.int32)
    x = jax.random.normal(k2, (N, D_IN), dtype=jnp.float32)
    W1 = jax.random.normal(k3, (D_IN, D_HID), dtype=jnp.float32) * (1.0 / np.sqrt(D_IN))
    b1 = jnp.zeros((D_HID,), dtype=jnp.float32)
    W2 = jax.random.normal(k4, (D_HID, N_CLASSES), dtype=jnp.float32) * (1.0 / np.sqrt(D_HID))
    b2 = jnp.zeros((N_CLASSES,), dtype=jnp.float32)
    return {"graph": graph, "x": x, "W1": W1, "b1": b1, "W2": W2, "b2": b2}


def _gcn_layer(edge_index, h, W, b):
    # DGL GraphConv with norm='both': D_dst^{-1/2} * A^T * (D_src^{-1/2} * h) @ W + b
    src = edge_index[0]
    dst = edge_index[1]
    ones = jnp.ones((edge_index.shape[1],), dtype=h.dtype)
    deg_out = jnp.zeros((N,), dtype=h.dtype).at[src].add(ones)
    deg_in = jnp.zeros((N,), dtype=h.dtype).at[dst].add(ones)
    norm_src = jax.lax.rsqrt(jnp.clip(deg_out, 1.0, None))
    norm_dst = jax.lax.rsqrt(jnp.clip(deg_in, 1.0, None))
    h = h * norm_src[:, None]
    # in_feats > out_feats: multiply by W first (DGL optimization; same math)
    h = h @ W
    msgs = jnp.take(h, src, axis=0)
    agg = jnp.zeros((N, h.shape[1]), dtype=h.dtype).at[dst].add(msgs)
    return agg * norm_dst[:, None] + b


def reference(graph, x, W1, b1, W2, b2):
    h = jax.nn.relu(_gcn_layer(graph, x, W1, b1))
    h = jax.nn.relu(_gcn_layer(graph, h, W2, b2))
    return h

if __name__ == "__main__":
    import jax
    _d = setup_inputs()
    print(jax.jit(kernel)(*tuple(_d.values())))

</pallas_src>

<mosaic_0001>
#map = affine_map<(d0, d1) -> (0, 0, 0, 0)>
#map1 = affine_map<(d0, d1) -> (0, 0, 0)>
module attributes {stable_mosaic.version = 14 : i64} {
  func.func @kern(%arg0: i32, %arg1: i32, %arg2: memref<2x32x79x128xi32, #tpu.memory_space<hbm>>, %arg3: memref<2x2x10240xf32, #tpu.memory_space<hbm>>, %arg4: memref<79x128xi32, #tpu.memory_space<vmem>>, %arg5: memref<79x128xi32, #tpu.memory_space<vmem>>, %arg6: memref<128xf32, #tpu.memory_space<vmem>>, %arg7: memref<128xf32, #tpu.memory_space<vmem>>, %arg8: memref<10240xf32, #tpu.memory_space<vmem_shared>>, %arg9: memref<10240xf32, #tpu.memory_space<vmem_shared>>, %arg10: memref<!tpu.dma_semaphore, #tpu.memory_space<semaphore_mem>>) attributes {dimension_semantics = [#tpu.dimension_semantics<core_parallel>, #tpu.dimension_semantics<subcore_parallel>], iteration_bounds = array<i64: 2, 16>, scalar_prefetch = 0 : i64, scratch_operands = 7 : i64, tpu.core_type = #tpu.core_type<sc_vector_subcore>, window_params = [{transform_indices = #map}, {transform_indices = #map1}]} {
    %mul3A = arith.constant 2 : i32
    %mul3A_0 = arith.muli %arg1, %mul3A : i32
    %add3A = arith.addi %mul3A_0, %arg0 : i32
    %broadcast_in_dim3A = arith.constant 0.000000e+00 : f32
    %broadcast_in_dim3A_1 = vector.broadcast %broadcast_in_dim3A : f32 to vector<16xf32>
    %swap3A = arith.constant 0 : index
    %swap3A_2 = tpu.vector_load %arg7[%swap3A] {strides = array<i32>} : memref<128xf32, #tpu.memory_space<vmem>>, vector<16xf32>,
    %swap3A_3 = vector.shape_cast %swap3A_2 : vector<16xf32> to vector<16xf32>
    %swap3A_4 = vector.shape_cast %broadcast_in_dim3A_1 : vector<16xf32> to vector<16xf32>
    tpu.vector_store %arg7[%swap3A], %swap3A_4 {strides = array<i32>} : memref<128xf32, #tpu.memory_space<vmem>>, vector<16xf32>,
    %broadcast_in_dim3A_5 = arith.constant 0.000000e+00 : f32
    %broadcast_in_dim3A_6 = vector.broadcast %broadcast_in_dim3A_5 : f32 to vector<16xf32>
    %swap3A_7 = arith.constant 16 : index
    %swap3A_8 = tpu.vector_load %arg7[%swap3A_7] {strides = array<i32>} : memref<128xf32, #tpu.memory_space<vmem>>, vector<16xf32>,
    %swap3A_9 = vector.shape_cast %swap3A_8 : vector<16xf32> to vector<16xf32>
    %swap3A_10 = vector.shape_cast %broadcast_in_dim3A_6 : vector<16xf32> to vector<16xf32>
    tpu.vector_store %arg7[%swap3A_7], %swap3A_10 {strides = array<i32>} : memref<128xf32, #tpu.memory_space<vmem>>, vector<16xf32>,
    %broadcast_in_dim3A_11 = arith.constant 0.000000e+00 : f32
    %broadcast_in_dim3A_12 = vector.broadcast %broadcast_in_dim3A_11 : f32 to vector<16xf32>
    %swap3A_13 = arith.constant 32 : index
    %swap3A_14 = tpu.vector_load %arg7[%swap3A_13] {strides = array<i32>} : memref<128xf32, #tpu.memory_space<vmem>>, vector<16xf32>,
    %swap3A_15 = vector.shape_cast %swap3A_14 : vector<16xf32> to vector<16xf32>
    %swap3A_16 = vector.shape_cast %broadcast_in_dim3A_12 : vector<16xf32> to vector<16xf32>
    tpu.vector_store %arg7[%swap3A_13], %swap3A_16 {strides = array<i32>} : memref<128xf32, #tpu.memory_space<vmem>>, vector<16xf32>,
    %broadcast_in_dim3A_17 = arith.constant 0.000000e+00 : f32
    %broadcast_in_dim3A_18 = vector.broadcast %broadcast_in_dim3A_17 : f32 to vector<16xf32>
    %swap3A_19 = arith.constant 48 : index
    %swap3A_20 = tpu.vector_load %arg7[%swap3A_19] {strides = array<i32>} : memref<128xf32, #tpu.memory_space<vmem>>, vector<16xf32>,
    %swap3A_21 = vector.shape_cast %swap3A_20 : vector<16xf32> to vector<16xf32>
    %swap3A_22 = vector.shape_cast %broadcast_in_dim3A_18 : vector<16xf32> to vector<16xf32>
    tpu.vector_store %arg7[%swap3A_19], %swap3A_22 {strides = array<i32>} : memref<128xf32, #tpu.memory_space<vmem>>, vector<16xf32>,
    %broadcast_in_dim3A_23 = arith.constant 0.000000e+00 : f32
    %broadcast_in_dim3A_24 = vector.broadcast %broadcast_in_dim3A_23 : f32 to vector<16xf32>
    %swap3A_25 = arith.constant 64 : index
    %swap3A_26 = tpu.vector_load %arg7[%swap3A_25] {strides = array<i32>} : memref<128xf32, #tpu.memory_space<vmem>>, vector<16xf32>,
    %swap3A_27 = vector.shape_cast %swap3A_26 : vector<16xf32> to vector<16xf32>
    %swap3A_28 = vector.shape_cast %broadcast_in_dim3A_24 : vector<16xf32> to vector<16xf32>
    tpu.vector_store %arg7[%swap3A_25], %swap3A_28 {strides = array<i32>} : memref<128xf32, #tpu.memory_space<vmem>>, vector<16xf32>,
    %broadcast_in_dim3A_29 = arith.constant 0.000000e+00 : f32
    %broadcast_in_dim3A_30 = vector.broadcast %broadcast_in_dim3A_29 : f32 to vector<16xf32>
    %swap3A_31 = arith.constant 80 : index
    %swap3A_32 = tpu.vector_load %arg7[%swap3A_31] {strides = array<i32>} : memref<128xf32, #tpu.memory_space<vmem>>, vector<16xf32>,
    %swap3A_33 = vector.shape_cast %swap3A_32 : vector<16xf32> to vector<16xf32>
    %swap3A_34 = vector.shape_cast %broadcast_in_dim3A_30 : vector<16xf32> to vector<16xf32>
    tpu.vector_store %arg7[%swap3A_31], %swap3A_34 {strides = array<i32>} : memref<128xf32, #tpu.memory_space<vmem>>, vector<16xf32>,
    %broadcast_in_dim3A_35 = arith.constant 0.000000e+00 : f32
    %broadcast_in_dim3A_36 = vector.broadcast %broadcast_in_dim3A_35 : f32 to vector<16xf32>
    %swap3A_37 = arith.constant 96 : index
    %swap3A_38 = tpu.vector_load %arg7[%swap3A_37] {strides = array<i32>} : memref<128xf32, #tpu.memory_space<vmem>>, vector<16xf32>,
    %swap3A_39 = vector.shape_cast %swap3A_38 : vector<16xf32> to vector<16xf32>
    %swap3A_40 = vector.shape_cast %broadcast_in_dim3A_36 : vector<16xf32> to vector<16xf32>
    tpu.vector_store %arg7[%swap3A_37], %swap3A_40 {strides = array<i32>} : memref<128xf32, #tpu.memory_space<vmem>>, vector<16xf32>,
    %broadcast_in_dim3A_41 = arith.constant 0.000000e+00 : f32
    %broadcast_in_dim3A_42 = vector.broadcast %broadcast_in_dim3A_41 : f32 to vector<16xf32>
    %swap3A_43 = arith.constant 112 : index
    %swap3A_44 = tpu.vector_load %arg7[%swap3A_43] {strides = array<i32>} : memref<128xf32, #tpu.memory_space<vmem>>, vector<16xf32>,
    %swap3A_45 = vector.shape_cast %swap3A_44 : vector<16xf32> to vector<16xf32>
    %swap3A_46 = vector.shape_cast %broadcast_in_dim3A_42 : vector<16xf32> to vector<16xf32>
    tpu.vector_store %arg7[%swap3A_43], %swap3A_46 {strides = array<i32>} : memref<128xf32, #tpu.memory_space<vmem>>, vector<16xf32>,
    %broadcast_in_dim3A_47 = arith.constant 1.000000e+00 : f32
    %broadcast_in_dim3A_48 = vector.broadcast %broadcast_in_dim3A_47 : f32 to vector<16xf32>
    %swap3A_49 = arith.constant 0 : index
    %swap3A_50 = tpu.vector_load %arg6[%swap3A_49] {strides = array<i32>} : memref<128xf32, #tpu.memory_space<vmem>>, vector<16xf32>,
    %swap3A_51 = vector.shape_cast %swap3A_50 : vector<16xf32> to vector<16xf32>
    %swap3A_52 = vector.shape_cast %broadcast_in_dim3A_48 : vector<16xf32> to vector<16xf32>
    tpu.vector_store %arg6[%swap3A_49], %swap3A_52 {strides = array<i32>} : memref<128xf32, #tpu.memory_space<vmem>>, vector<16xf32>,
    %broadcast_in_dim3A_53 = arith.constant 1.000000e+00 : f32
    %broadcast_in_dim3A_54 = vector.broadcast %broadcast_in_dim3A_53 : f32 to vector<16xf32>
    %swap3A_55 = arith.constant 16 : index
    %swap3A_56 = tpu.vector_load %arg6[%swap3A_55] {strides = array<i32>} : memref<128xf32, #tpu.memory_space<vmem>>, vector<16xf32>,
    %swap3A_57 = vector.shape_cast %swap3A_56 : vector<16xf32> to vector<16xf32>
    %swap3A_58 = vector.shape_cast %broadcast_in_dim3A_54 : vector<16xf32> to vector<16xf32>
    tpu.vector_store %arg6[%swap3A_55], %swap3A_58 {strides = array<i32>} : memref<128xf32, #tpu.memory_space<vmem>>, vector<16xf32>,
    %broadcast_in_dim3A_59 = arith.constant 1.000000e+00 : f32
    %broadcast_in_dim3A_60 = vector.broadcast %broadcast_in_dim3A_59 : f32 to vector<16xf32>
    %swap3A_61 = arith.constant 32 : index
    %swap3A_62 = tpu.vector_load %arg6[%swap3A_61] {strides = array<i32>} : memref<128xf32, #tpu.memory_space<vmem>>, vector<16xf32>,
    %swap3A_63 = vector.shape_cast %swap3A_62 : vector<16xf32> to vector<16xf32>
    %swap3A_64 = vector.shape_cast %broadcast_in_dim3A_60 : vector<16xf32> to vector<16xf32>
    tpu.vector_store %arg6[%swap3A_61], %swap3A_64 {strides = array<i32>} : memref<128xf32, #tpu.memory_space<vmem>>, vector<16xf32>,
    %broadcast_in_dim3A_65 = arith.constant 1.000000e+00 : f32
    %broadcast_in_dim3A_66 = vector.broadcast %broadcast_in_dim3A_65 : f32 to vector<16xf32>
    %swap3A_67 = arith.constant 48 : index
    %swap3A_68 = tpu.vector_load %arg6[%swap3A_67] {strides = array<i32>} : memref<128xf32, #tpu.memory_space<vmem>>, vector<16xf32>,
    %swap3A_69 = vector.shape_cast %swap3A_68 : vector<16xf32> to vector<16xf32>
    %swap3A_70 = vector.shape_cast %broadcast_in_dim3A_66 : vector<16xf32> to vector<16xf32>
    tpu.vector_store %arg6[%swap3A_67], %swap3A_70 {strides = array<i32>} : memref<128xf32, #tpu.memory_space<vmem>>, vector<16xf32>,
    %broadcast_in_dim3A_71 = arith.constant 1.000000e+00 : f32
    %broadcast_in_dim3A_72 = vector.broadcast %broadcast_in_dim3A_71 : f32 to vector<16xf32>
    %swap3A_73 = arith.constant 64 : index
    %swap3A_74 = tpu.vector_load %arg6[%swap3A_73] {strides = array<i32>} : memref<128xf32, #tpu.memory_space<vmem>>, vector<16xf32>,
    %swap3A_75 = vector.shape_cast %swap3A_74 : vector<16xf32> to vector<16xf32>
    %swap3A_76 = vector.shape_cast %broadcast_in_dim3A_72 : vector<16xf32> to vector<16xf32>
    tpu.vector_store %arg6[%swap3A_73], %swap3A_76 {strides = array<i32>} : memref<128xf32, #tpu.memory_space<vmem>>, vector<16xf32>,
    %broadcast_in_dim3A_77 = arith.constant 1.000000e+00 : f32
    %broadcast_in_dim3A_78 = vector.broadcast %broadcast_in_dim3A_77 : f32 to vector<16xf32>
    %swap3A_79 = arith.constant 80 : index
    %swap3A_80 = tpu.vector_load %arg6[%swap3A_79] {strides = array<i32>} : memref<128xf32, #tpu.memory_space<vmem>>, vector<16xf32>,
    %swap3A_81 = vector.shape_cast %swap3A_80 : vector<16xf32> to vector<16xf32>
    %swap3A_82 = vector.shape_cast %broadcast_in_dim3A_78 : vector<16xf32> to vector<16xf32>
    tpu.vector_store %arg6[%swap3A_79], %swap3A_82 {strides = array<i32>} : memref<128xf32, #tpu.memory_space<vmem>>, vector<16xf32>,
    %broadcast_in_dim3A_83 = arith.constant 1.000000e+00 : f32
    %broadcast_in_dim3A_84 = vector.broadcast %broadcast_in_dim3A_83 : f32 to vector<16xf32>
    %swap3A_85 = arith.constant 96 : index
    %swap3A_86 = tpu.vector_load %arg6[%swap3A_85] {strides = array<i32>} : memref<128xf32, #tpu.memory_space<vmem>>, vector<16xf32>,
    %swap3A_87 = vector.shape_cast %swap3A_86 : vector<16xf32> to vector<16xf32>
    %swap3A_88 = vector.shape_cast %broadcast_in_dim3A_84 : vector<16xf32> to vector<16xf32>
    tpu.vector_store %arg6[%swap3A_85], %swap3A_88 {strides = array<i32>} : memref<128xf32, #tpu.memory_space<vmem>>, vector<16xf32>,
    %broadcast_in_dim3A_89 = arith.constant 1.000000e+00 : f32
    %broadcast_in_dim3A_90 = vector.broadcast %broadcast_in_dim3A_89 : f32 to vector<16xf32>
    %swap3A_91 = arith.constant 112 : index
    %swap3A_92 = tpu.vector_load %arg6[%swap3A_91] {strides = array<i32>} : memref<128xf32, #tpu.memory_space<vmem>>, vector<16xf32>,
    %swap3A_93 = vector.shape_cast %swap3A_92 : vector<16xf32> to vector<16xf32>
    %swap3A_94 = vector.shape_cast %broadcast_in_dim3A_90 : vector<16xf32> to vector<16xf32>
    tpu.vector_store %arg6[%swap3A_91], %swap3A_94 {strides = array<i32>} : memref<128xf32, #tpu.memory_space<vmem>>, vector<16xf32>,
    %mul3A_95 = arith.constant 640 : i32
    %mul3A_96 = arith.muli %arg1, %mul3A_95 : i32
    %add3A_97 = arith.constant 0 : i32
    %add3A_98 = arith.addi %mul3A_96, %add3A_97 : i32
    "tpu.region"() ({
      %run_scoped3A_205 = tpu.sem_alloc : memref<!tpu.dma_semaphore, #tpu.memory_space<semaphore_mem>>
      %dma_start3A = tpu.memref_slice %arg8[%add3A_98] : memref<10240xf32, #tpu.memory_space<vmem_shared>> -> memref<128xf32, #tpu.memory_space<vmem_shared>>
      %dma_start3A_206 = tpu.memref_slice %arg8[%add3A_98] : memref<10240xf32, #tpu.memory_space<vmem_shared>> -> memref<128xf32, #tpu.memory_space<vmem_shared>>
      tpu.enqueue_dma source(%arg7 : memref<128xf32, #tpu.memory_space<vmem>>) target(%dma_start3A_206 : memref<128xf32, #tpu.memory_space<vmem_shared>>) target_semaphore(%run_scoped3A_205 : memref<!tpu.dma_semaphore, #tpu.memory_space<semaphore_mem>>)
      %dma_wait3A_207 = tpu.memref_slice %arg8[%add3A_98] : memref<10240xf32, #tpu.memory_space<vmem_shared>> -> memref<128xf32, #tpu.memory_space<vmem_shared>>
      %dma_wait3A_208 = tpu.memref_slice %arg8[%add3A_98] : memref<10240xf32, #tpu.memory_space<vmem_shared>> -> memref<128xf32, #tpu.memory_space<vmem_shared>>
      tpu.wait_dma2 semaphore(%run_scoped3A_205 : memref<!tpu.dma_semaphore, #tpu.memory_space<semaphore_mem>>) src(%arg7 : memref<128xf32, #tpu.memory_space<vmem>>) dst(%dma_wait3A_208 : memref<128xf32, #tpu.memory_space<vmem_shared>>)
      tpu.yield
    }) : () -> ()
    %mul3A_99 = arith.constant 640 : i32
    %mul3A_100 = arith.muli %arg1, %mul3A_99 : i32
    %add3A_101 = arith.constant 0 : i32
    %add3A_102 = arith.addi %mul3A_100, %add3A_101 : i32
    "tpu.region"() ({
      %run_scoped3A_205 = tpu.sem_alloc : memref<!tpu.dma_semaphore, #tpu.memory_space<semaphore_mem>>
      %dma_start3A = tpu.memref_slice %arg9[%add3A_102] : memref<10240xf32, #tpu.memory_space<vmem_shared>> -> memref<128xf32, #tpu.memory_space<vmem_shared>>
      %dma_start3A_206 = tpu.memref_slice %arg9[%add3A_102] : memref<10240xf32, #tpu.memory_space<vmem_shared>> -> memref<128xf32, #tpu.memory_space<vmem_shared>>
      tpu.enqueue_dma source(%arg7 : memref<128xf32, #tpu.memory_space<vmem>>) target(%dma_start3A_206 : memref<128xf32, #tpu.memory_space<vmem_shared>>) target_semaphore(%run_scoped3A_205 : memref<!tpu.dma_semaphore, #tpu.memory_space<semaphore_mem>>)
      %dma_wait3A_207 = tpu.memref_slice %arg9[%add3A_102] : memref<10240xf32, #tpu.memory_space<vmem_shared>> -> memref<128xf32, #tpu.memory_space<vmem_shared>>
      %dma_wait3A_208 = tpu.memref_slice %arg9[%add3A_102] : memref<10240xf32, #tpu.memory_space<vmem_shared>> -> memref<128xf32, #tpu.memory_space<vmem_shared>>
      tpu.wait_dma2 semaphore(%run_scoped3A_205 : memref<!tpu.dma_semaphore, #tpu.memory_space<semaphore_mem>>) src(%arg7 : memref<128xf32, #tpu.memory_space<vmem>>) dst(%dma_wait3A_208 : memref<128xf32, #tpu.memory_space<vmem_shared>>)
      tpu.yield
    }) : () -> ()
    %mul3A_103 = arith.constant 640 : i32
    %mul3A_104 = arith.muli %arg1, %mul3A_103 : i32
    %add3A_105 = arith.constant 128 : i32
    %add3A_106 = arith.addi %mul3A_104, %add3A_105 : i32
    "tpu.region"() ({
      %run_scoped3A_205 = tpu.sem_alloc : memref<!tpu.dma_semaphore, #tpu.memory_space<semaphore_mem>>
      %dma_start3A = tpu.memref_slice %arg8[%add3A_106] : memref<10240xf32, #tpu.memory_space<vmem_shared>> -> memref<128xf32, #tpu.memory_space<vmem_shared>>
      %dma_start3A_206 = tpu.memref_slice %arg8[%add3A_106] : memref<10240xf32, #tpu.memory_space<vmem_shared>> -> memref<128xf32, #tpu.memory_space<vmem_shared>>
      tpu.enqueue_dma source(%arg7 : memref<128xf32, #tpu.memory_space<vmem>>) target(%dma_start3A_206 : memref<128xf32, #tpu.memory_space<vmem_shared>>) target_semaphore(%run_scoped3A_205 : memref<!tpu.dma_semaphore, #tpu.memory_space<semaphore_mem>>)
      %dma_wait3A_207 = tpu.memref_slice %arg8[%add3A_106] : memref<10240xf32, #tpu.memory_space<vmem_shared>> -> memref<128xf32, #tpu.memory_space<vmem_shared>>
      %dma_wait3A_208 = tpu.memref_slice %arg8[%add3A_106] : memref<10240xf32, #tpu.memory_space<vmem_shared>> -> memref<128xf32, #tpu.memory_space<vmem_shared>>
      tpu.wait_dma2 semaphore(%run_scoped3A_205 : memref<!tpu.dma_semaphore, #tpu.memory_space<semaphore_mem>>) src(%arg7 : memref<128xf32, #tpu.memory_space<vmem>>) dst(%dma_wait3A_208 : memref<128xf32, #tpu.memory_space<vmem_shared>>)
      tpu.yield
    }) : () -> ()
    %mul3A_107 = arith.constant 640 : i32
    %mul3A_108 = arith.muli %arg1, %mul3A_107 : i32
    %add3A_109 = arith.constant 128 : i32
    %add3A_110 = arith.addi %mul3A_108, %add3A_109 : i32
    "tpu.region"() ({
      %run_scoped3A_205 = tpu.sem_alloc : memref<!tpu.dma_semaphore, #tpu.memory_space<semaphore_mem>>
      %dma_start3A = tpu.memref_slice %arg9[%add3A_110] : memref<10240xf32, #tpu.memory_space<vmem_shared>> -> memref<128xf32, #tpu.memory_space<vmem_shared>>
      %dma_start3A_206 = tpu.memref_slice %arg9[%add3A_110] : memref<10240xf32, #tpu.memory_space<vmem_shared>> -> memref<128xf32, #tpu.memory_space<vmem_shared>>
      tpu.enqueue_dma source(%arg7 : memref<128xf32, #tpu.memory_space<vmem>>) target(%dma_start3A_206 : memref<128xf32, #tpu.memory_space<vmem_shared>>) target_semaphore(%run_scoped3A_205 : memref<!tpu.dma_semaphore, #tpu.memory_space<semaphore_mem>>)
      %dma_wait3A_207 = tpu.memref_slice %arg9[%add3A_110] : memref<10240xf32, #tpu.memory_space<vmem_shared>> -> memref<128xf32, #tpu.memory_space<vmem_shared>>
      %dma_wait3A_208 = tpu.memref_slice %arg9[%add3A_110] : memref<10240xf32, #tpu.memory_space<vmem_shared>> -> memref<128xf32, #tpu.memory_space<vmem_shared>>
      tpu.wait_dma2 semaphore(%run_scoped3A_205 : memref<!tpu.dma_semaphore, #tpu.memory_space<semaphore_mem>>) src(%arg7 : memref<128xf32, #tpu.memory_space<vmem>>) dst(%dma_wait3A_208 : memref<128xf32, #tpu.memory_space<vmem_shared>>)
      tpu.yield
    }) : () -> ()
    %mul3A_111 = arith.constant 640 : i32
    %mul3A_112 = arith.muli %arg1, %mul3A_111 : i32
    %add3A_113 = arith.constant 256 : i32
    %add3A_114 = arith.addi %mul3A_112, %add3A_113 : i32
    "tpu.region"() ({
      %run_scoped3A_205 = tpu.sem_alloc : memref<!tpu.dma_semaphore, #tpu.memory_space<semaphore_mem>>
      %dma_start3A = tpu.memref_slice %arg8[%add3A_114] : memref<10240xf32, #tpu.memory_space<vmem_shared>> -> memref<128xf32, #tpu.memory_space<vmem_shared>>
      %dma_start3A_206 = tpu.memref_slice %arg8[%add3A_114] : memref<10240xf32, #tpu.memory_space<vmem_shared>> -> memref<128xf32, #tpu.memory_space<vmem_shared>>
      tpu.enqueue_dma source(%arg7 : memref<128xf32, #tpu.memory_space<vmem>>) target(%dma_start3A_206 : memref<128xf32, #tpu.memory_space<vmem_shared>>) target_semaphore(%run_scoped3A_205 : memref<!tpu.dma_semaphore, #tpu.memory_space<semaphore_mem>>)
      %dma_wait3A_207 = tpu.memref_slice %arg8[%add3A_114] : memref<10240xf32, #tpu.memory_space<vmem_shared>> -> memref<128xf32, #tpu.memory_space<vmem_shared>>
      %dma_wait3A_208 = tpu.memref_slice %arg8[%add3A_114] : memref<10240xf32, #tpu.memory_space<vmem_shared>> -> memref<128xf32, #tpu.memory_space<vmem_shared>>
      tpu.wait_dma2 semaphore(%run_scoped3A_205 : memref<!tpu.dma_semaphore, #tpu.memory_space<semaphore_mem>>) src(%arg7 : memref<128xf32, #tpu.memory_space<vmem>>) dst(%dma_wait3A_208 : memref<128xf32, #tpu.memory_space<vmem_shared>>)
      tpu.yield
    }) : () -> ()
    %mul3A_115 = arith.constant 640 : i32
    %mul3A_116 = arith.muli %arg1, %mul3A_115 : i32
    %add3A_117 = arith.constant 256 : i32
    %add3A_118 = arith.addi %mul3A_116, %add3A_117 : i32
    "tpu.region"() ({
      %run_scoped3A_205 = tpu.sem_alloc : memref<!tpu.dma_semaphore, #tpu.memory_space<semaphore_mem>>
      %dma_start3A = tpu.memref_slice %arg9[%add3A_118] : memref<10240xf32, #tpu.memory_space<vmem_shared>> -> memref<128xf32, #tpu.memory_space<vmem_shared>>
      %dma_start3A_206 = tpu.memref_slice %arg9[%add3A_118] : memref<10240xf32, #tpu.memory_space<vmem_shared>> -> memref<128xf32, #tpu.memory_space<vmem_shared>>
      tpu.enqueue_dma source(%arg7 : memref<128xf32, #tpu.memory_space<vmem>>) target(%dma_start3A_206 : memref<128xf32, #tpu.memory_space<vmem_shared>>) target_semaphore(%run_scoped3A_205 : memref<!tpu.dma_semaphore, #tpu.memory_space<semaphore_mem>>)
      %dma_wait3A_207 = tpu.memref_slice %arg9[%add3A_118] : memref<10240xf32, #tpu.memory_space<vmem_shared>> -> memref<128xf32, #tpu.memory_space<vmem_shared>>
      %dma_wait3A_208 = tpu.memref_slice %arg9[%add3A_118] : memref<10240xf32, #tpu.memory_space<vmem_shared>> -> memref<128xf32, #tpu.memory_space<vmem_shared>>
      tpu.wait_dma2 semaphore(%run_scoped3A_205 : memref<!tpu.dma_semaphore, #tpu.memory_space<semaphore_mem>>) src(%arg7 : memref<128xf32, #tpu.memory_space<vmem>>) dst(%dma_wait3A_208 : memref<128xf32, #tpu.memory_space<vmem_shared>>)
      tpu.yield
    }) : () -> ()
    %mul3A_119 = arith.constant 640 : i32
    %mul3A_120 = arith.muli %arg1, %mul3A_119 : i32
    %add3A_121 = arith.constant 384 : i32
    %add3A_122 = arith.addi %mul3A_120, %add3A_121 : i32
    "tpu.region"() ({
      %run_scoped3A_205 = tpu.sem_alloc : memref<!tpu.dma_semaphore, #tpu.memory_space<semaphore_mem>>
      %dma_start3A = tpu.memref_slice %arg8[%add3A_122] : memref<10240xf32, #tpu.memory_space<vmem_shared>> -> memref<128xf32, #tpu.memory_space<vmem_shared>>
      %dma_start3A_206 = tpu.memref_slice %arg8[%add3A_122] : memref<10240xf32, #tpu.memory_space<vmem_shared>> -> memref<128xf32, #tpu.memory_space<vmem_shared>>
      tpu.enqueue_dma source(%arg7 : memref<128xf32, #tpu.memory_space<vmem>>) target(%dma_start3A_206 : memref<128xf32, #tpu.memory_space<vmem_shared>>) target_semaphore(%run_scoped3A_205 : memref<!tpu.dma_semaphore, #tpu.memory_space<semaphore_mem>>)
      %dma_wait3A_207 = tpu.memref_slice %arg8[%add3A_122] : memref<10240xf32, #tpu.memory_space<vmem_shared>> -> memref<128xf32, #tpu.memory_space<vmem_shared>>
      %dma_wait3A_208 = tpu.memref_slice %arg8[%add3A_122] : memref<10240xf32, #tpu.memory_space<vmem_shared>> -> memref<128xf32, #tpu.memory_space<vmem_shared>>
      tpu.wait_dma2 semaphore(%run_scoped3A_205 : memref<!tpu.dma_semaphore, #tpu.memory_space<semaphore_mem>>) src(%arg7 : memref<128xf32, #tpu.memory_space<vmem>>) dst(%dma_wait3A_208 : memref<128xf32, #tpu.memory_space<vmem_shared>>)
      tpu.yield
    }) : () -> ()
    %mul3A_123 = arith.constant 640 : i32
    %mul3A_124 = arith.muli %arg1, %mul3A_123 : i32
    %add3A_125 = arith.constant 384 : i32
    %add3A_126 = arith.addi %mul3A_124, %add3A_125 : i32
    "tpu.region"() ({
      %run_scoped3A_205 = tpu.sem_alloc : memref<!tpu.dma_semaphore, #tpu.memory_space<semaphore_mem>>
      %dma_start3A = tpu.memref_slice %arg9[%add3A_126] : memref<10240xf32, #tpu.memory_space<vmem_shared>> -> memref<128xf32, #tpu.memory_space<vmem_shared>>
      %dma_start3A_206 = tpu.memref_slice %arg9[%add3A_126] : memref<10240xf32, #tpu.memory_space<vmem_shared>> -> memref<128xf32, #tpu.memory_space<vmem_shared>>
      tpu.enqueue_dma source(%arg7 : memref<128xf32, #tpu.memory_space<vmem>>) target(%dma_start3A_206 : memref<128xf32, #tpu.memory_space<vmem_shared>>) target_semaphore(%run_scoped3A_205 : memref<!tpu.dma_semaphore, #tpu.memory_space<semaphore_mem>>)
      %dma_wait3A_207 = tpu.memref_slice %arg9[%add3A_126] : memref<10240xf32, #tpu.memory_space<vmem_shared>> -> memref<128xf32, #tpu.memory_space<vmem_shared>>
      %dma_wait3A_208 = tpu.memref_slice %arg9[%add3A_126] : memref<10240xf32, #tpu.memory_space<vmem_shared>> -> memref<128xf32, #tpu.memory_space<vmem_shared>>
      tpu.wait_dma2 semaphore(%run_scoped3A_205 : memref<!tpu.dma_semaphore, #tpu.memory_space<semaphore_mem>>) src(%arg7 : memref<128xf32, #tpu.memory_space<vmem>>) dst(%dma_wait3A_208 : memref<128xf32, #tpu.memory_space<vmem_shared>>)
      tpu.yield
    }) : () -> ()
    %mul3A_127 = arith.constant 640 : i32
    %mul3A_128 = arith.muli %arg1, %mul3A_127 : i32
    %add3A_129 = arith.constant 512 : i32
    %add3A_130 = arith.addi %mul3A_128, %add3A_129 : i32
    "tpu.region"() ({
      %run_scoped3A_205 = tpu.sem_alloc : memref<!tpu.dma_semaphore, #tpu.memory_space<semaphore_mem>>
      %dma_start3A = tpu.memref_slice %arg8[%add3A_130] : memref<10240xf32, #tpu.memory_space<vmem_shared>> -> memref<128xf32, #tpu.memory_space<vmem_shared>>
      %dma_start3A_206 = tpu.memref_slice %arg8[%add3A_130] : memref<10240xf32, #tpu.memory_space<vmem_shared>> -> memref<128xf32, #tpu.memory_space<vmem_shared>>
      tpu.enqueue_dma source(%arg7 : memref<128xf32, #tpu.memory_space<vmem>>) target(%dma_start3A_206 : memref<128xf32, #tpu.memory_space<vmem_shared>>) target_semaphore(%run_scoped3A_205 : memref<!tpu.dma_semaphore, #tpu.memory_space<semaphore_mem>>)
      %dma_wait3A_207 = tpu.memref_slice %arg8[%add3A_130] : memref<10240xf32, #tpu.memory_space<vmem_shared>> -> memref<128xf32, #tpu.memory_space<vmem_shared>>
      %dma_wait3A_208 = tpu.memref_slice %arg8[%add3A_130] : memref<10240xf32, #tpu.memory_space<vmem_shared>> -> memref<128xf32, #tpu.memory_space<vmem_shared>>
      tpu.wait_dma2 semaphore(%run_scoped3A_205 : memref<!tpu.dma_semaphore, #tpu.memory_space<semaphore_mem>>) src(%arg7 : memref<128xf32, #tpu.memory_space<vmem>>) dst(%dma_wait3A_208 : memref<128xf32, #tpu.memory_space<vmem_shared>>)
      tpu.yield
    }) : () -> ()
    %mul3A_131 = arith.constant 640 : i32
    %mul3A_132 = arith.muli %arg1, %mul3A_131 : i32
    %add3A_133 = arith.constant 512 : i32
    %add3A_134 = arith.addi %mul3A_132, %add3A_133 : i32
    "tpu.region"() ({
      %run_scoped3A_205 = tpu.sem_alloc : memref<!tpu.dma_semaphore, #tpu.memory_space<semaphore_mem>>
      %dma_start3A = tpu.memref_slice %arg9[%add3A_134] : memref<10240xf32, #tpu.memory_space<vmem_shared>> -> memref<128xf32, #tpu.memory_space<vmem_shared>>
      %dma_start3A_206 = tpu.memref_slice %arg9[%add3A_134] : memref<10240xf32, #tpu.memory_space<vmem_shared>> -> memref<128xf32, #tpu.memory_space<vmem_shared>>
      tpu.enqueue_dma source(%arg7 : memref<128xf32, #tpu.memory_space<vmem>>) target(%dma_start3A_206 : memref<128xf32, #tpu.memory_space<vmem_shared>>) target_semaphore(%run_scoped3A_205 : memref<!tpu.dma_semaphore, #tpu.memory_space<semaphore_mem>>)
      %dma_wait3A_207 = tpu.memref_slice %arg9[%add3A_134] : memref<10240xf32, #tpu.memory_space<vmem_shared>> -> memref<128xf32, #tpu.memory_space<vmem_shared>>
      %dma_wait3A_208 = tpu.memref_slice %arg9[%add3A_134] : memref<10240xf32, #tpu.memory_space<vmem_shared>> -> memref<128xf32, #tpu.memory_space<vmem_shared>>
      tpu.wait_dma2 semaphore(%run_scoped3A_205 : memref<!tpu.dma_semaphore, #tpu.memory_space<semaphore_mem>>) src(%arg7 : memref<128xf32, #tpu.memory_space<vmem>>) dst(%dma_wait3A_208 : memref<128xf32, #tpu.memory_space<vmem_shared>>)
      tpu.yield
    }) : () -> ()
    %run_scoped3A = arith.constant 0 : i32
    "tpu.region"() ({
      %run_scoped3A_205 = tpu.sem_alloc : memref<!tpu.dma_semaphore, #tpu.memory_space<semaphore_mem>>
      %dma_start3A = arith.constant 0 : i32
      %dma_start3A_206 = arith.constant 0 : i32
      %dma_start3A_207 = arith.constant 0 : i32
      %dma_start3A_208 = tpu.memref_slice %arg2[%run_scoped3A, %dma_start3A, %dma_start3A_206, %dma_start3A_207] : memref<2x32x79x128xi32, #tpu.memory_space<hbm>> -> memref<1x32x79x128xi32, #tpu.memory_space<hbm>>
      %dma_start3A_209 = tpu.memref_squeeze %dma_start3A_208 : memref<1x32x79x128xi32, #tpu.memory_space<hbm>> -> memref<32x79x128xi32, #tpu.memory_space<hbm>>
      %dma_start3A_210 = arith.constant 0 : i32
      %dma_start3A_211 = arith.constant 0 : i32
      %dma_start3A_212 = tpu.memref_slice %dma_start3A_209[%add3A, %dma_start3A_210, %dma_start3A_211] : memref<32x79x128xi32, #tpu.memory_space<hbm>> -> memref<1x79x128xi32, #tpu.memory_space<hbm>>
      %dma_start3A_213 = tpu.memref_squeeze %dma_start3A_212 : memref<1x79x128xi32, #tpu.memory_space<hbm>> -> memref<79x128xi32, #tpu.memory_space<hbm>>
      %dma_start3A_214 = arith.constant 0 : i32
      %dma_start3A_215 = arith.constant 0 : i32
      %dma_start3A_216 = arith.constant 0 : i32
      %dma_start3A_217 = tpu.memref_slice %arg2[%run_scoped3A, %dma_start3A_214, %dma_start3A_215, %dma_start3A_216] : memref<2x32x79x128xi32, #tpu.memory_space<hbm>> -> memref<1x32x79x128xi32, #tpu.memory_space<hbm>>
      %dma_start3A_218 = tpu.memref_squeeze %dma_start3A_217 : memref<1x32x79x128xi32, #tpu.memory_space<hbm>> -> memref<32x79x128xi32, #tpu.memory_space<hbm>>
      %dma_start3A_219 = arith.constant 0 : i32
      %dma_start3A_220 = arith.constant 0 : i32
      %dma_start3A_221 = tpu.memref_slice %dma_start3A_218[%add3A, %dma_start3A_219, %dma_start3A_220] : memref<32x79x128xi32, #tpu.memory_space<hbm>> -> memref<1x79x128xi32, #tpu.memory_space<hbm>>
      %dma_start3A_222 = tpu.memref_squeeze %dma_start3A_221 : memref<1x79x128xi32, #tpu.memory_space<hbm>> -> memref<79x128xi32, #tpu.memory_space<hbm>>
      tpu.enqueue_dma source(%dma_start3A_222 : memref<79x128xi32, #tpu.memory_space<hbm>>) target(%arg4 : memref<79x128xi32, #tpu.memory_space<vmem>>) target_semaphore(%run_scoped3A_205 : memref<!tpu.dma_semaphore, #tpu.memory_space<semaphore_mem>>)
      %dma_wait3A_223 = arith.constant 0 : i32
      %dma_wait3A_224 = arith.constant 0 : i32
      %dma_wait3A_225 = arith.constant 0 : i32
      %dma_wait3A_226 = tpu.memref_slice %arg2[%run_scoped3A, %dma_wait3A_223, %dma_wait3A_224, %dma_wait3A_225] : memref<2x32x79x128xi32, #tpu.memory_space<hbm>> -> memref<1x32x79x128xi32, #tpu.memory_space<hbm>>
      %dma_wait3A_227 = tpu.memref_squeeze %dma_wait3A_226 : memref<1x32x79x128xi32, #tpu.memory_space<hbm>> -> memref<32x79x128xi32, #tpu.memory_space<hbm>>
      %dma_wait3A_228 = arith.constant 0 : i32
      %dma_wait3A_229 = arith.constant 0 : i32
      %dma_wait3A_230 = tpu.memref_slice %dma_wait3A_227[%add3A, %dma_wait3A_228, %dma_wait3A_229] : memref<32x79x128xi32, #tpu.memory_space<hbm>> -> memref<1x79x128xi32, #tpu.memory_space<hbm>>
      %dma_wait3A_231 = tpu.memref_squeeze %dma_wait3A_230 : memref<1x79x128xi32, #tpu.memory_space<hbm>> -> memref<79x128xi32, #tpu.memory_space<hbm>>
      %dma_wait3A_232 = arith.constant 0 : i32
      %dma_wait3A_233 = arith.constant 0 : i32
      %dma_wait3A_234 = arith.constant 0 : i32
      %dma_wait3A_235 = tpu.memref_slice %arg2[%run_scoped3A, %dma_wait3A_232, %dma_wait3A_233, %dma_wait3A_234] : memref<2x32x79x128xi32, #tpu.memory_space<hbm>> -> memref<1x32x79x128xi32, #tpu.memory_space<hbm>>
      %dma_wait3A_236 = tpu.memref_squeeze %dma_wait3A_235 : memref<1x32x79x128xi32, #tpu.memory_space<hbm>> -> memref<32x79x128xi32, #tpu.memory_space<hbm>>
      %dma_wait3A_237 = arith.constant 0 : i32
      %dma_wait3A_238 = arith.constant 0 : i32
      %dma_wait3A_239 = tpu.memref_slice %dma_wait3A_236[%add3A, %dma_wait3A_237, %dma_wait3A_238] : memref<32x79x128xi32, #tpu.memory_space<hbm>> -> memref<1x79x128xi32, #tpu.memory_space<hbm>>
      %dma_wait3A_240 = tpu.memref_squeeze %dma_wait3A_239 : memref<1x79x128xi32, #tpu.memory_space<hbm>> -> memref<79x128xi32, #tpu.memory_space<hbm>>
      tpu.wait_dma2 semaphore(%run_scoped3A_205 : memref<!tpu.dma_semaphore, #tpu.memory_space<semaphore_mem>>) src(%dma_wait3A_240 : memref<79x128xi32, #tpu.memory_space<hbm>>) dst(%arg4 : memref<79x128xi32, #tpu.memory_space<vmem>>)
      tpu.yield
    }) : () -> ()
    %run_scoped3A_135 = arith.constant 1 : i32
    "tpu.region"() ({
      %run_scoped3A_205 = tpu.sem_alloc : memref<!tpu.dma_semaphore, #tpu.memory_space<semaphore_mem>>
      %dma_start3A = arith.constant 0 : i32
      %dma_start3A_206 = arith.constant 0 : i32
      %dma_start3A_207 = arith.constant 0 : i32
      %dma_start3A_208 = tpu.memref_slice %arg2[%run_scoped3A_135, %dma_start3A, %dma_start3A_206, %dma_start3A_207] : memref<2x32x79x128xi32, #tpu.memory_space<hbm>> -> memref<1x32x79x128xi32, #tpu.memory_space<hbm>>
      %dma_start3A_209 = tpu.memref_squeeze %dma_start3A_208 : memref<1x32x79x128xi32, #tpu.memory_space<hbm>> -> memref<32x79x128xi32, #tpu.memory_space<hbm>>
      %dma_start3A_210 = arith.constant 0 : i32
      %dma_start3A_211 = arith.constant 0 : i32
      %dma_start3A_212 = tpu.memref_slice %dma_start3A_209[%add3A, %dma_start3A_210, %dma_start3A_211] : memref<32x79x128xi32, #tpu.memory_space<hbm>> -> memref<1x79x128xi32, #tpu.memory_space<hbm>>
      %dma_start3A_213 = tpu.memref_squeeze %dma_start3A_212 : memref<1x79x128xi32, #tpu.memory_space<hbm>> -> memref<79x128xi32, #tpu.memory_space<hbm>>
      %dma_start3A_214 = arith.constant 0 : i32
      %dma_start3A_215 = arith.constant 0 : i32
      %dma_start3A_216 = arith.constant 0 : i32
      %dma_start3A_217 = tpu.memref_slice %arg2[%run_scoped3A_135, %dma_start3A_214, %dma_start3A_215, %dma_start3A_216] : memref<2x32x79x128xi32, #tpu.memory_space<hbm>> -> memref<1x32x79x128xi32, #tpu.memory_space<hbm>>
      %dma_start3A_218 = tpu.memref_squeeze %dma_start3A_217 : memref<1x32x79x128xi32, #tpu.memory_space<hbm>> -> memref<32x79x128xi32, #tpu.memory_space<hbm>>
      %dma_start3A_219 = arith.constant 0 : i32
      %dma_start3A_220 = arith.constant 0 : i32
      %dma_start3A_221 = tpu.memref_slice %dma_start3A_218[%add3A, %dma_start3A_219, %dma_start3A_220] : memref<32x79x128xi32, #tpu.memory_space<hbm>> -> memref<1x79x128xi32, #tpu.memory_space<hbm>>
      %dma_start3A_222 = tpu.memref_squeeze %dma_start3A_221 : memref<1x79x128xi32, #tpu.memory_space<hbm>> -> memref<79x128xi32, #tpu.memory_space<hbm>>
      tpu.enqueue_dma source(%dma_start3A_222 : memref<79x128xi32, #tpu.memory_space<hbm>>) target(%arg5 : memref<79x128xi32, #tpu.memory_space<vmem>>) target_semaphore(%run_scoped3A_205 : memref<!tpu.dma_semaphore, #tpu.memory_space<semaphore_mem>>)
      %dma_wait3A_223 = arith.constant 0 : i32
      %dma_wait3A_224 = arith.constant 0 : i32
      %dma_wait3A_225 = arith.constant 0 : i32
      %dma_wait3A_226 = tpu.memref_slice %arg2[%run_scoped3A_135, %dma_wait3A_223, %dma_wait3A_224, %dma_wait3A_225] : memref<2x32x79x128xi32, #tpu.memory_space<hbm>> -> memref<1x32x79x128xi32, #tpu.memory_space<hbm>>
      %dma_wait3A_227 = tpu.memref_squeeze %dma_wait3A_226 : memref<1x32x79x128xi32, #tpu.memory_space<hbm>> -> memref<32x79x128xi32, #tpu.memory_space<hbm>>
      %dma_wait3A_228 = arith.constant 0 : i32
      %dma_wait3A_229 = arith.constant 0 : i32
      %dma_wait3A_230 = tpu.memref_slice %dma_wait3A_227[%add3A, %dma_wait3A_228, %dma_wait3A_229] : memref<32x79x128xi32, #tpu.memory_space<hbm>> -> memref<1x79x128xi32, #tpu.memory_space<hbm>>
      %dma_wait3A_231 = tpu.memref_squeeze %dma_wait3A_230 : memref<1x79x128xi32, #tpu.memory_space<hbm>> -> memref<79x128xi32, #tpu.memory_space<hbm>>
      %dma_wait3A_232 = arith.constant 0 : i32
      %dma_wait3A_233 = arith.constant 0 : i32
      %dma_wait3A_234 = arith.constant 0 : i32
      %dma_wait3A_235 = tpu.memref_slice %arg2[%run_scoped3A_135, %dma_wait3A_232, %dma_wait3A_233, %dma_wait3A_234] : memref<2x32x79x128xi32, #tpu.memory_space<hbm>> -> memref<1x32x79x128xi32, #tpu.memory_space<hbm>>
      %dma_wait3A_236 = tpu.memref_squeeze %dma_wait3A_235 : memref<1x32x79x128xi32, #tpu.memory_space<hbm>> -> memref<32x79x128xi32, #tpu.memory_space<hbm>>
      %dma_wait3A_237 = arith.constant 0 : i32
      %dma_wait3A_238 = arith.constant 0 : i32
      %dma_wait3A_239 = tpu.memref_slice %dma_wait3A_236[%add3A, %dma_wait3A_237, %dma_wait3A_238] : memref<32x79x128xi32, #tpu.memory_space<hbm>> -> memref<1x79x128xi32, #tpu.memory_space<hbm>>
      %dma_wait3A_240 = tpu.memref_squeeze %dma_wait3A_239 : memref<1x79x128xi32, #tpu.memory_space<hbm>> -> memref<79x128xi32, #tpu.memory_space<hbm>>
      tpu.wait_dma2 semaphore(%run_scoped3A_205 : memref<!tpu.dma_semaphore, #tpu.memory_space<semaphore_mem>>) src(%dma_wait3A_240 : memref<79x128xi32, #tpu.memory_space<hbm>>) dst(%arg5 : memref<79x128xi32, #tpu.memory_space<vmem>>)
      tpu.yield
    }) : () -> ()
    %barrier3A = arith.constant 0 : index
    tpu.barrier barrier_id(%barrier3A)
    %scan3A = arith.constant 0 : i32
    %scan3A_136 = arith.constant 0 : i32
    %scan3A_137 = arith.constant 79 : i32
    %scan3A_138 = arith.addi %scan3A_136, %scan3A_137 : i32
    %scan3A_139 = arith.constant 1 : i32
    scf.for %scan3A_205 = %scan3A_136 to %scan3A_138 step %scan3A_139  : i32 {
      %dma_start3A = arith.constant 0 : i32
      %dma_start3A_206 = tpu.memref_slice %arg4[%scan3A_205, %dma_start3A] : memref<79x128xi32, #tpu.memory_space<vmem>> -> memref<1x128xi32, #tpu.memory_space<vmem>>
      %dma_start3A_207 = tpu.memref_squeeze %dma_start3A_206 : memref<1x128xi32, #tpu.memory_space<vmem>> -> memref<128xi32, #tpu.memory_space<vmem>>
      %dma_start3A_208 = arith.constant 0 : i32
      %dma_start3A_209 = tpu.memref_slice %arg8[%dma_start3A_208] : memref<10240xf32, #tpu.memory_space<vmem_shared>> -> memref<10240xf32, #tpu.memory_space<vmem_shared>>
      tpu.enqueue_indirect_dma source(%arg6 : memref<128xf32, #tpu.memory_space<vmem>>) target(%dma_start3A_209 : memref<10240xf32, #tpu.memory_space<vmem_shared>>) offsets(%dma_start3A_207 : memref<128xi32, #tpu.memory_space<vmem>>) semaphore(%arg10 : memref<!tpu.dma_semaphore, #tpu.memory_space<semaphore_mem>>) {add = true}
      %ge3A = arith.constant 8 : i32
      %ge3A_210 = arith.cmpi sge, %scan3A_205, %ge3A : i32
      %convert_element_type3A = arith.extui %ge3A_210 : i1 to i32
      %cond3A = arith.constant 0 : i32
      %cond3A_211 = arith.cmpi ne, %convert_element_type3A, %cond3A : i32
      scf.if %cond3A_211 {
        %dma_wait3A_212 = arith.constant 0 : i32
        %dma_wait3A_213 = tpu.memref_slice %arg4[%scan3A_205, %dma_wait3A_212] : memref<79x128xi32, #tpu.memory_space<vmem>> -> memref<1x128xi32, #tpu.memory_space<vmem>>
        %dma_wait3A_214 = tpu.memref_squeeze %dma_wait3A_213 : memref<1x128xi32, #tpu.memory_space<vmem>> -> memref<128xi32, #tpu.memory_space<vmem>>
        %dma_wait3A_215 = arith.constant 0 : i32
        %dma_wait3A_216 = tpu.memref_slice %arg8[%dma_wait3A_215] : memref<10240xf32, #tpu.memory_space<vmem_shared>> -> memref<10240xf32, #tpu.memory_space<vmem_shared>>
        tpu.wait_indirect_dma semaphore(%arg10 : memref<!tpu.dma_semaphore, #tpu.memory_space<semaphore_mem>>) src(%arg6 : memref<128xf32, #tpu.memory_space<vmem>>) dst(%dma_wait3A_216 : memref<10240xf32, #tpu.memory_space<vmem_shared>>)
      } else {
      }
    }
    %scan3A_140 = arith.constant 79 : i32
    %scan3A_141 = arith.constant 0 : i32
    %scan3A_142 = arith.constant 0 : i32
    %scan3A_143 = arith.constant 79 : i32
    %scan3A_144 = arith.addi %scan3A_142, %scan3A_143 : i32
    %scan3A_145 = arith.constant 1 : i32
    scf.for %scan3A_205 = %scan3A_142 to %scan3A_144 step %scan3A_145  : i32 {
      %dma_start3A = arith.constant 0 : i32
      %dma_start3A_206 = tpu.memref_slice %arg5[%scan3A_205, %dma_start3A] : memref<79x128xi32, #tpu.memory_space<vmem>> -> memref<1x128xi32, #tpu.memory_space<vmem>>
      %dma_start3A_207 = tpu.memref_squeeze %dma_start3A_206 : memref<1x128xi32, #tpu.memory_space<vmem>> -> memref<128xi32, #tpu.memory_space<vmem>>
      %dma_start3A_208 = arith.constant 0 : i32
      %dma_start3A_209 = tpu.memref_slice %arg9[%dma_start3A_208] : memref<10240xf32, #tpu.memory_space<vmem_shared>> -> memref<10240xf32, #tpu.memory_space<vmem_shared>>
      tpu.enqueue_indirect_dma source(%arg6 : memref<128xf32, #tpu.memory_space<vmem>>) target(%dma_start3A_209 : memref<10240xf32, #tpu.memory_space<vmem_shared>>) offsets(%dma_start3A_207 : memref<128xi32, #tpu.memory_space<vmem>>) semaphore(%arg10 : memref<!tpu.dma_semaphore, #tpu.memory_space<semaphore_mem>>) {add = true}
      %dma_wait3A_210 = arith.constant 0 : i32
      %dma_wait3A_211 = tpu.memref_slice %arg5[%scan3A_205, %dma_wait3A_210] : memref<79x128xi32, #tpu.memory_space<vmem>> -> memref<1x128xi32, #tpu.memory_space<vmem>>
      %dma_wait3A_212 = tpu.memref_squeeze %dma_wait3A_211 : memref<1x128xi32, #tpu.memory_space<vmem>> -> memref<128xi32, #tpu.memory_space<vmem>>
      %dma_wait3A_213 = arith.constant 0 : i32
      %dma_wait3A_214 = tpu.memref_slice %arg9[%dma_wait3A_213] : memref<10240xf32, #tpu.memory_space<vmem_shared>> -> memref<10240xf32, #tpu.memory_space<vmem_shared>>
      tpu.wait_indirect_dma semaphore(%arg10 : memref<!tpu.dma_semaphore, #tpu.memory_space<semaphore_mem>>) src(%arg6 : memref<128xf32, #tpu.memory_space<vmem>>) dst(%dma_wait3A_214 : memref<10240xf32, #tpu.memory_space<vmem_shared>>)
    }
    %scan3A_146 = arith.constant 79 : i32
    %dma_wait3A = arith.constant 0 : i32
    %dma_wait3A_147 = arith.constant 0 : i32
    %dma_wait3A_148 = tpu.memref_slice %arg5[%dma_wait3A, %dma_wait3A_147] : memref<79x128xi32, #tpu.memory_space<vmem>> -> memref<1x128xi32, #tpu.memory_space<vmem>>
    %dma_wait3A_149 = tpu.memref_squeeze %dma_wait3A_148 : memref<1x128xi32, #tpu.memory_space<vmem>> -> memref<128xi32, #tpu.memory_space<vmem>>
    %dma_wait3A_150 = arith.constant 0 : i32
    %dma_wait3A_151 = tpu.memref_slice %arg9[%dma_wait3A_150] : memref<10240xf32, #tpu.memory_space<vmem_shared>> -> memref<10240xf32, #tpu.memory_space<vmem_shared>>
    tpu.wait_indirect_dma semaphore(%arg10 : memref<!tpu.dma_semaphore, #tpu.memory_space<semaphore_mem>>) src(%arg6 : memref<128xf32, #tpu.memory_space<vmem>>) dst(%dma_wait3A_151 : memref<10240xf32, #tpu.memory_space<vmem_shared>>)
    %dma_wait3A_152 = arith.constant 1 : i32
    %dma_wait3A_153 = arith.constant 0 : i32
    %dma_wait3A_154 = tpu.memref_slice %arg5[%dma_wait3A_152, %dma_wait3A_153] : memref<79x128xi32, #tpu.memory_space<vmem>> -> memref<1x128xi32, #tpu.memory_space<vmem>>
    %dma_wait3A_155 = tpu.memref_squeeze %dma_wait3A_154 : memref<1x128xi32, #tpu.memory_space<vmem>> -> memref<128xi32, #tpu.memory_space<vmem>>
    %dma_wait3A_156 = arith.constant 0 : i32
    %dma_wait3A_157 = tpu.memref_slice %arg9[%dma_wait3A_156] : memref<10240xf32, #tpu.memory_space<vmem_shared>> -> memref<10240xf32, #tpu.memory_space<vmem_shared>>
    tpu.wait_indirect_dma semaphore(%arg10 : memref<!tpu.dma_semaphore, #tpu.memory_space<semaphore_mem>>) src(%arg6 : memref<128xf32, #tpu.memory_space<vmem>>) dst(%dma_wait3A_157 : memref<10240xf32, #tpu.memory_space<vmem_shared>>)
    %dma_wait3A_158 = arith.constant 2 : i32
    %dma_wait3A_159 = arith.constant 0 : i32
    %dma_wait3A_160 = tpu.memref_slice %arg5[%dma_wait3A_158, %dma_wait3A_159] : memref<79x128xi32, #tpu.memory_space<vmem>> -> memref<1x128xi32, #tpu.memory_space<vmem>>
    %dma_wait3A_161 = tpu.memref_squeeze %dma_wait3A_160 : memref<1x128xi32, #tpu.memory_space<vmem>> -> memref<128xi32, #tpu.memory_space<vmem>>
    %dma_wait3A_162 = arith.constant 0 : i32
    %dma_wait3A_163 = tpu.memref_slice %arg9[%dma_wait3A_162] : memref<10240xf32, #tpu.memory_space<vmem_shared>> -> memref<10240xf32, #tpu.memory_space<vmem_shared>>
    tpu.wait_indirect_dma semaphore(%arg10 : memref<!tpu.dma_semaphore, #tpu.memory_space<semaphore_mem>>) src(%arg6 : memref<128xf32, #tpu.memory_space<vmem>>) dst(%dma_wait3A_163 : memref<10240xf32, #tpu.memory_space<vmem_shared>>)
    %dma_wait3A_164 = arith.constant 3 : i32
    %dma_wait3A_165 = arith.constant 0 : i32
    %dma_wait3A_166 = tpu.memref_slice %arg5[%dma_wait3A_164, %dma_wait3A_165] : memref<79x128xi32, #tpu.memory_space<vmem>> -> memref<1x128xi32, #tpu.memory_space<vmem>>
    %dma_wait3A_167 = tpu.memref_squeeze %dma_wait3A_166 : memref<1x128xi32, #tpu.memory_space<vmem>> -> memref<128xi32, #tpu.memory_space<vmem>>
    %dma_wait3A_168 = arith.constant 0 : i32
    %dma_wait3A_169 = tpu.memref_slice %arg9[%dma_wait3A_168] : memref<10240xf32, #tpu.memory_space<vmem_shared>> -> memref<10240xf32, #tpu.memory_space<vmem_shared>>
    tpu.wait_indirect_dma semaphore(%arg10 : memref<!tpu.dma_semaphore, #tpu.memory_space<semaphore_mem>>) src(%arg6 : memref<128xf32, #tpu.memory_space<vmem>>) dst(%dma_wait3A_169 : memref<10240xf32, #tpu.memory_space<vmem_shared>>)
    %dma_wait3A_170 = arith.constant 4 : i32
    %dma_wait3A_171 = arith.constant 0 : i32
    %dma_wait3A_172 = tpu.memref_slice %arg5[%dma_wait3A_170, %dma_wait3A_171] : memref<79x128xi32, #tpu.memory_space<vmem>> -> memref<1x128xi32, #tpu.memory_space<vmem>>
    %dma_wait3A_173 = tpu.memref_squeeze %dma_wait3A_172 : memref<1x128xi32, #tpu.memory_space<vmem>> -> memref<128xi32, #tpu.memory_space<vmem>>
    %dma_wait3A_174 = arith.constant 0 : i32
    %dma_wait3A_175 = tpu.memref_slice %arg9[%dma_wait3A_174] : memref<10240xf32, #tpu.memory_space<vmem_shared>> -> memref<10240xf32, #tpu.memory_space<vmem_shared>>
    tpu.wait_indirect_dma semaphore(%arg10 : memref<!tpu.dma_semaphore, #tpu.memory_space<semaphore_mem>>) src(%arg6 : memref<128xf32, #tpu.memory_space<vmem>>) dst(%dma_wait3A_175 : memref<10240xf32, #tpu.memory_space<vmem_shared>>)
    %dma_wait3A_176 = arith.constant 5 : i32
    %dma_wait3A_177 = arith.constant 0 : i32
    %dma_wait3A_178 = tpu.memref_slice %arg5[%dma_wait3A_176, %dma_wait3A_177] : memref<79x128xi32, #tpu.memory_space<vmem>> -> memref<1x128xi32, #tpu.memory_space<vmem>>
    %dma_wait3A_179 = tpu.memref_squeeze %dma_wait3A_178 : memref<1x128xi32, #tpu.memory_space<vmem>> -> memref<128xi32, #tpu.memory_space<vmem>>
    %dma_wait3A_180 = arith.constant 0 : i32
    %dma_wait3A_181 = tpu.memref_slice %arg9[%dma_wait3A_180] : memref<10240xf32, #tpu.memory_space<vmem_shared>> -> memref<10240xf32, #tpu.memory_space<vmem_shared>>
    tpu.wait_indirect_dma semaphore(%arg10 : memref<!tpu.dma_semaphore, #tpu.memory_space<semaphore_mem>>) src(%arg6 : memref<128xf32, #tpu.memory_space<vmem>>) dst(%dma_wait3A_181 : memref<10240xf32, #tpu.memory_space<vmem_shared>>)
    %dma_wait3A_182 = arith.constant 6 : i32
    %dma_wait3A_183 = arith.constant 0 : i32
    %dma_wait3A_184 = tpu.memref_slice %arg5[%dma_wait3A_182, %dma_wait3A_183] : memref<79x128xi32, #tpu.memory_space<vmem>> -> memref<1x128xi32, #tpu.memory_space<vmem>>
    %dma_wait3A_185 = tpu.memref_squeeze %dma_wait3A_184 : memref<1x128xi32, #tpu.memory_space<vmem>> -> memref<128xi32, #tpu.memory_space<vmem>>
    %dma_wait3A_186 = arith.constant 0 : i32
    %dma_wait3A_187 = tpu.memref_slice %arg9[%dma_wait3A_186] : memref<10240xf32, #tpu.memory_space<vmem_shared>> -> memref<10240xf32, #tpu.memory_space<vmem_shared>>
    tpu.wait_indirect_dma semaphore(%arg10 : memref<!tpu.dma_semaphore, #tpu.memory_space<semaphore_mem>>) src(%arg6 : memref<128xf32, #tpu.memory_space<vmem>>) dst(%dma_wait3A_187 : memref<10240xf32, #tpu.memory_space<vmem_shared>>)
    %dma_wait3A_188 = arith.constant 7 : i32
    %dma_wait3A_189 = arith.constant 0 : i32
    %dma_wait3A_190 = tpu.memref_slice %arg5[%dma_wait3A_188, %dma_wait3A_189] : memref<79x128xi32, #tpu.memory_space<vmem>> -> memref<1x128xi32, #tpu.memory_space<vmem>>
    %dma_wait3A_191 = tpu.memref_squeeze %dma_wait3A_190 : memref<1x128xi32, #tpu.memory_space<vmem>> -> memref<128xi32, #tpu.memory_space<vmem>>
    %dma_wait3A_192 = arith.constant 0 : i32
    %dma_wait3A_193 = tpu.memref_slice %arg9[%dma_wait3A_192] : memref<10240xf32, #tpu.memory_space<vmem_shared>> -> memref<10240xf32, #tpu.memory_space<vmem_shared>>
    tpu.wait_indirect_dma semaphore(%arg10 : memref<!tpu.dma_semaphore, #tpu.memory_space<semaphore_mem>>) src(%arg6 : memref<128xf32, #tpu.memory_space<vmem>>) dst(%dma_wait3A_193 : memref<10240xf32, #tpu.memory_space<vmem_shared>>)
    %barrier3A_194 = arith.constant 0 : index
    tpu.barrier barrier_id(%barrier3A_194)
    %mul3A_195 = arith.constant 640 : i32
    %mul3A_196 = arith.muli %arg1, %mul3A_195 : i32
    %mul3A_197 = arith.constant 640 : i32
    %mul3A_198 = arith.muli %arg1, %mul3A_197 : i32
    %run_scoped3A_199 = arith.constant 0 : i32
    "tpu.region"() ({
      %run_scoped3A_205 = tpu.sem_alloc : memref<!tpu.dma_semaphore, #tpu.memory_space<semaphore_mem>>
      %dma_start3A = arith.constant 0 : i32
      %dma_start3A_206 = arith.constant 0 : i32
      %dma_start3A_207 = tpu.memref_slice %arg3[%arg0, %dma_start3A, %dma_start3A_206] : memref<2x2x10240xf32, #tpu.memory_space<hbm>> -> memref<1x2x10240xf32, #tpu.memory_space<hbm>>
      %dma_start3A_208 = tpu.memref_squeeze %dma_start3A_207 : memref<1x2x10240xf32, #tpu.memory_space<hbm>> -> memref<2x10240xf32, #tpu.memory_space<hbm>>
      %dma_start3A_209 = arith.constant 0 : i32
      %dma_start3A_210 = tpu.memref_slice %dma_start3A_208[%run_scoped3A_199, %dma_start3A_209] : memref<2x10240xf32, #tpu.memory_space<hbm>> -> memref<1x10240xf32, #tpu.memory_space<hbm>>
      %dma_start3A_211 = tpu.memref_squeeze %dma_start3A_210 : memref<1x10240xf32, #tpu.memory_space<hbm>> -> memref<10240xf32, #tpu.memory_space<hbm>>
      %dma_start3A_212 = tpu.memref_slice %dma_start3A_211[%mul3A_198] : memref<10240xf32, #tpu.memory_space<hbm>> -> memref<640xf32, #tpu.memory_space<hbm>>
      %dma_start3A_213 = tpu.memref_slice %arg8[%mul3A_196] : memref<10240xf32, #tpu.memory_space<vmem_shared>> -> memref<640xf32, #tpu.memory_space<vmem_shared>>
      tpu.enqueue_dma source(%dma_start3A_213 : memref<640xf32, #tpu.memory_space<vmem_shared>>) target(%dma_start3A_212 : memref<640xf32, #tpu.memory_space<hbm>>) target_semaphore(%run_scoped3A_205 : memref<!tpu.dma_semaphore, #tpu.memory_space<semaphore_mem>>)
      %dma_wait3A_214 = arith.constant 0 : i32
      %dma_wait3A_215 = arith.constant 0 : i32
      %dma_wait3A_216 = tpu.memref_slice %arg3[%arg0, %dma_wait3A_214, %dma_wait3A_215] : memref<2x2x10240xf32, #tpu.memory_space<hbm>> -> memref<1x2x10240xf32, #tpu.memory_space<hbm>>
      %dma_wait3A_217 = tpu.memref_squeeze %dma_wait3A_216 : memref<1x2x10240xf32, #tpu.memory_space<hbm>> -> memref<2x10240xf32, #tpu.memory_space<hbm>>
      %dma_wait3A_218 = arith.constant 0 : i32
      %dma_wait3A_219 = tpu.memref_slice %dma_wait3A_217[%run_scoped3A_199, %dma_wait3A_218] : memref<2x10240xf32, #tpu.memory_space<hbm>> -> memref<1x10240xf32, #tpu.memory_space<hbm>>
      %dma_wait3A_220 = tpu.memref_squeeze %dma_wait3A_219 : memref<1x10240xf32, #tpu.memory_space<hbm>> -> memref<10240xf32, #tpu.memory_space<hbm>>
      %dma_wait3A_221 = tpu.memref_slice %dma_wait3A_220[%mul3A_198] : memref<10240xf32, #tpu.memory_space<hbm>> -> memref<640xf32, #tpu.memory_space<hbm>>
      %dma_wait3A_222 = tpu.memref_slice %arg8[%mul3A_196] : memref<10240xf32, #tpu.memory_space<vmem_shared>> -> memref<640xf32, #tpu.memory_space<vmem_shared>>
      tpu.wait_dma2 semaphore(%run_scoped3A_205 : memref<!tpu.dma_semaphore, #tpu.memory_space<semaphore_mem>>) src(%dma_wait3A_222 : memref<640xf32, #tpu.memory_space<vmem_shared>>) dst(%dma_wait3A_221 : memref<640xf32, #tpu.memory_space<hbm>>)
      tpu.yield
    }) : () -> ()
    %mul3A_200 = arith.constant 640 : i32
    %mul3A_201 = arith.muli %arg1, %mul3A_200 : i32
    %mul3A_202 = arith.constant 640 : i32
    %mul3A_203 = arith.muli %arg1, %mul3A_202 : i32
    %run_scoped3A_204 = arith.constant 1 : i32
    "tpu.region"() ({
      %run_scoped3A_205 = tpu.sem_alloc : memref<!tpu.dma_semaphore, #tpu.memory_space<semaphore_mem>>
      %dma_start3A = arith.constant 0 : i32
      %dma_start3A_206 = arith.constant 0 : i32
      %dma_start3A_207 = tpu.memref_slice %arg3[%arg0, %dma_start3A, %dma_start3A_206] : memref<2x2x10240xf32, #tpu.memory_space<hbm>> -> memref<1x2x10240xf32, #tpu.memory_space<hbm>>
      %dma_start3A_208 = tpu.memref_squeeze %dma_start3A_207 : memref<1x2x10240xf32, #tpu.memory_space<hbm>> -> memref<2x10240xf32, #tpu.memory_space<hbm>>
      %dma_start3A_209 = arith.constant 0 : i32
      %dma_start3A_210 = tpu.memref_slice %dma_start3A_208[%run_scoped3A_204, %dma_start3A_209] : memref<2x10240xf32, #tpu.memory_space<hbm>> -> memref<1x10240xf32, #tpu.memory_space<hbm>>
      %dma_start3A_211 = tpu.memref_squeeze %dma_start3A_210 : memref<1x10240xf32, #tpu.memory_space<hbm>> -> memref<10240xf32, #tpu.memory_space<hbm>>
      %dma_start3A_212 = tpu.memref_slice %dma_start3A_211[%mul3A_203] : memref<10240xf32, #tpu.memory_space<hbm>> -> memref<640xf32, #tpu.memory_space<hbm>>
      %dma_start3A_213 = tpu.memref_slice %arg9[%mul3A_201] : memref<10240xf32, #tpu.memory_space<vmem_shared>> -> memref<640xf32, #tpu.memory_space<vmem_shared>>
      tpu.enqueue_dma source(%dma_start3A_213 : memref<640xf32, #tpu.memory_space<vmem_shared>>) target(%dma_start3A_212 : memref<640xf32, #tpu.memory_space<hbm>>) target_semaphore(%run_scoped3A_205 : memref<!tpu.dma_semaphore, #tpu.memory_space<semaphore_mem>>)
      %dma_wait3A_214 = arith.constant 0 : i32
      %dma_wait3A_215 = arith.constant 0 : i32
      %dma_wait3A_216 = tpu.memref_slice %arg3[%arg0, %dma_wait3A_214, %dma_wait3A_215] : memref<2x2x10240xf32, #tpu.memory_space<hbm>> -> memref<1x2x10240xf32, #tpu.memory_space<hbm>>
      %dma_wait3A_217 = tpu.memref_squeeze %dma_wait3A_216 : memref<1x2x10240xf32, #tpu.memory_space<hbm>> -> memref<2x10240xf32, #tpu.memory_space<hbm>>
      %dma_wait3A_218 = arith.constant 0 : i32
      %dma_wait3A_219 = tpu.memref_slice %dma_wait3A_217[%run_scoped3A_204, %dma_wait3A_218] : memref<2x10240xf32, #tpu.memory_space<hbm>> -> memref<1x10240xf32, #tpu.memory_space<hbm>>
      %dma_wait3A_220 = tpu.memref_squeeze %dma_wait3A_219 : memref<1x10240xf32, #tpu.memory_space<hbm>> -> memref<10240xf32, #tpu.memory_space<hbm>>
      %dma_wait3A_221 = tpu.memref_slice %dma_wait3A_220[%mul3A_203] : memref<10240xf32, #tpu.memory_space<hbm>> -> memref<640xf32, #tpu.memory_space<hbm>>
      %dma_wait3A_222 = tpu.memref_slice %arg9[%mul3A_201] : memref<10240xf32, #tpu.memory_space<vmem_shared>> -> memref<640xf32, #tpu.memory_space<vmem_shared>>
      tpu.wait_dma2 semaphore(%run_scoped3A_205 : memref<!tpu.dma_semaphore, #tpu.memory_space<semaphore_mem>>) src(%dma_wait3A_222 : memref<640xf32, #tpu.memory_space<vmem_shared>>) dst(%dma_wait3A_221 : memref<640xf32, #tpu.memory_space<hbm>>)
      tpu.yield
    }) : () -> ()
    return
  }
}

#map = affine_map<(d0, d1) -> (0, 0)>
#map1 = affine_map<(d0, d1) -> (0, 0, 0, 0)>
#map2 = affine_map<(d0, d1) -> (0, 0, 0)>
module attributes {stable_mosaic.version = 14 : i64} {
  func.func @kern(%arg0: i32, %arg1: i32, %arg2: memref<10016x64xbf16, #tpu.memory_space<hbm>>, %arg3: memref<2x32x79x128xi32, #tpu.memory_space<hbm>>, %arg4: memref<2x10016x64xbf16, #tpu.memory_space<hbm>>, %arg5: memref<79x128xi32, #tpu.memory_space<vmem>>, %arg6: memref<79x128xi32, #tpu.memory_space<vmem>>, %arg7: memref<128x64xbf16, #tpu.memory_space<vmem>>, %arg8: memref<128x64xbf16, #tpu.memory_space<vmem>>, %arg9: memref<128x64xbf16, #tpu.memory_space<vmem>>, %arg10: memref<128x64xbf16, #tpu.memory_space<vmem>>, %arg11: memref<128x64xbf16, #tpu.memory_space<vmem>>, %arg12: memref<128x64xbf16, #tpu.memory_space<vmem>>, %arg13: memref<128x64xbf16, #tpu.memory_space<vmem>>, %arg14: memref<128x64xbf16, #tpu.memory_space<vmem>>, %arg15: memref<128x64xbf16, #tpu.memory_space<vmem>>, %arg16: memref<128x64xbf16, #tpu.memory_space<vmem>>, %arg17: memref<128x64xbf16, #tpu.memory_space<vmem>>, %arg18: memref<128x64xbf16, #tpu.memory_space<vmem>>, %arg19: memref<!tpu.dma_semaphore, #tpu.memory_space<semaphore_mem>>, %arg20: memref<!tpu.dma_semaphore, #tpu.memory_space<semaphore_mem>>, %arg21: memref<!tpu.dma_semaphore, #tpu.memory_space<semaphore_mem>>, %arg22: memref<!tpu.dma_semaphore, #tpu.memory_space<semaphore_mem>>, %arg23: memref<!tpu.dma_semaphore, #tpu.memory_space<semaphore_mem>>, %arg24: memref<!tpu.dma_semaphore, #tpu.memory_space<semaphore_mem>>, %arg25: memref<!tpu.dma_semaphore, #tpu.memory_space<semaphore_mem>>, %arg26: memref<!tpu.dma_semaphore, #tpu.memory_space<semaphore_mem>>, %arg27: memref<!tpu.dma_semaphore, #tpu.memory_space<semaphore_mem>>, %arg28: memref<!tpu.dma_semaphore, #tpu.memory_space<semaphore_mem>>, %arg29: memref<!tpu.dma_semaphore, #tpu.memory_space<semaphore_mem>>, %arg30: memref<!tpu.dma_semaphore, #tpu.memory_space<semaphore_mem>>, %arg31: memref<10016x64xbf16, #tpu.memory_space<vmem_shared>>) attributes {dimension_semantics = [#tpu.dimension_semantics<core_parallel>, #tpu.dimension_semantics<subcore_parallel>], iteration_bounds = array<i64: 2, 16>, scalar_prefetch = 0 : i64, scratch_operands = 27 : i64, tpu.core_type = #tpu.core_type<sc_vector_subcore>, window_params = [{transform_indices = #map}, {transform_indices = #map1}, {transform_indices = #map2}]} {
    %mul3A = arith.constant 2 : i32
    %mul3A_0 = arith.muli %arg1, %mul3A : i32
    %add3A = arith.addi %mul3A_0, %arg0 : i32
    %scan3A = arith.constant 0 : i32
    %scan3A_1 = arith.constant 0 : i32
    %scan3A_2 = arith.constant 128 : i32
    %scan3A_3 = arith.addi %scan3A_1, %scan3A_2 : i32
    %scan3A_4 = arith.constant 1 : i32
    scf.for %scan3A_310 = %scan3A_1 to %scan3A_3 step %scan3A_4  : i32 {
      %broadcast_in_dim3A = arith.constant 0.000000e+00 : bf16
      %broadcast_in_dim3A_311 = vector.broadcast %broadcast_in_dim3A : bf16 to vector<32xbf16>
      %swap3A = arith.index_cast %scan3A_310 : i32 to index
      %swap3A_312 = arith.constant 0 : index
      %swap3A_313 = tpu.vector_load %arg7[%swap3A, %swap3A_312] {strides = array<i32>} : memref<128x64xbf16, #tpu.memory_space<vmem>>, vector<1x32xbf16>,
      %swap3A_314 = vector.shape_cast %swap3A_313 : vector<1x32xbf16> to vector<32xbf16>
      %swap3A_315 = vector.shape_cast %broadcast_in_dim3A_311 : vector<32xbf16> to vector<1x32xbf16>
      tpu.vector_store %arg7[%swap3A, %swap3A_312], %swap3A_315 {strides = array<i32>} : memref<128x64xbf16, #tpu.memory_space<vmem>>, vector<1x32xbf16>,
      %broadcast_in_dim3A_316 = arith.constant 0.000000e+00 : bf16
      %broadcast_in_dim3A_317 = vector.broadcast %broadcast_in_dim3A_316 : bf16 to vector<32xbf16>
      %swap3A_318 = arith.index_cast %scan3A_310 : i32 to index
      %swap3A_319 = arith.constant 32 : index
      %swap3A_320 = tpu.vector_load %arg7[%swap3A_318, %swap3A_319] {strides = array<i32>} : memref<128x64xbf16, #tpu.memory_space<vmem>>, vector<1x32xbf16>,
      %swap3A_321 = vector.shape_cast %swap3A_320 : vector<1x32xbf16> to vector<32xbf16>
      %swap3A_322 = vector.shape_cast %broadcast_in_dim3A_317 : vector<32xbf16> to vector<1x32xbf16>
      tpu.vector_store %arg7[%swap3A_318, %swap3A_319], %swap3A_322 {strides = array<i32>} : memref<128x64xbf16, #tpu.memory_space<vmem>>, vector<1x32xbf16>,
    }
    %scan3A_5 = arith.constant 128 : i32
    %mul3A_6 = arith.constant 626 : i32
    %mul3A_7 = arith.muli %arg1, %mul3A_6 : i32
    %add3A_8 = arith.constant 0 : i32
    %add3A_9 = arith.addi %mul3A_7, %add3A_8 : i32
    "tpu.region"() ({
      %run_scoped3A_310 = tpu.sem_alloc : memref<!tpu.dma_semaphore, #tpu.memory_space<semaphore_mem>>
      %dma_start3A_311 = arith.constant 0 : i32
      %dma_start3A_312 = arith.constant 0 : i32
      %dma_start3A_313 = tpu.memref_slice %arg7[%dma_start3A_311, %dma_start3A_312] : memref<128x64xbf16, #tpu.memory_space<vmem>> -> memref<128x64xbf16, #tpu.memory_space<vmem>>
      %dma_start3A_314 = arith.constant 0 : i32
      %dma_start3A_315 = tpu.memref_slice %arg31[%add3A_9, %dma_start3A_314] : memref<10016x64xbf16, #tpu.memory_space<vmem_shared>> -> memref<128x64xbf16, #tpu.memory_space<vmem_shared>>
      %dma_start3A_316 = arith.constant 0 : i32
      %dma_start3A_317 = tpu.memref_slice %arg31[%add3A_9, %dma_start3A_316] : memref<10016x64xbf16, #tpu.memory_space<vmem_shared>> -> memref<128x64xbf16, #tpu.memory_space<vmem_shared>>
      %dma_start3A_318 = arith.constant 0 : i32
      %dma_start3A_319 = arith.constant 0 : i32
      %dma_start3A_320 = tpu.memref_slice %arg7[%dma_start3A_318, %dma_start3A_319] : memref<128x64xbf16, #tpu.memory_space<vmem>> -> memref<128x64xbf16, #tpu.memory_space<vmem>>
      tpu.enqueue_dma source(%dma_start3A_320 : memref<128x64xbf16, #tpu.memory_space<vmem>>) target(%dma_start3A_317 : memref<128x64xbf16, #tpu.memory_space<vmem_shared>>) target_semaphore(%run_scoped3A_310 : memref<!tpu.dma_semaphore, #tpu.memory_space<semaphore_mem>>)
      %dma_wait3A_321 = arith.constant 0 : i32
      %dma_wait3A_322 = arith.constant 0 : i32
      %dma_wait3A_323 = tpu.memref_slice %arg7[%dma_wait3A_321, %dma_wait3A_322] : memref<128x64xbf16, #tpu.memory_space<vmem>> -> memref<128x64xbf16, #tpu.memory_space<vmem>>
      %dma_wait3A_324 = arith.constant 0 : i32
      %dma_wait3A_325 = tpu.memref_slice %arg31[%add3A_9, %dma_wait3A_324] : memref<10016x64xbf16, #tpu.memory_space<vmem_shared>> -> memref<128x64xbf16, #tpu.memory_space<vmem_shared>>
      %dma_wait3A_326 = arith.constant 0 : i32
      %dma_wait3A_327 = tpu.memref_slice %arg31[%add3A_9, %dma_wait3A_326] : memref<10016x64xbf16, #tpu.memory_space<vmem_shared>> -> memref<128x64xbf16, #tpu.memory_space<vmem_shared>>
      %dma_wait3A_328 = arith.constant 0 : i32
      %dma_wait3A_329 = arith.constant 0 : i32
      %dma_wait3A_330 = tpu.memref_slice %arg7[%dma_wait3A_328, %dma_wait3A_329] : memref<128x64xbf16, #tpu.memory_space<vmem>> -> memref<128x64xbf16, #tpu.memory_space<vmem>>
      tpu.wait_dma2 semaphore(%run_scoped3A_310 : memref<!tpu.dma_semaphore, #tpu.memory_space<semaphore_mem>>) src(%dma_wait3A_330 : memref<128x64xbf16, #tpu.memory_space<vmem>>) dst(%dma_wait3A_327 : memref<128x64xbf16, #tpu.memory_space<vmem_shared>>)
      tpu.yield
    }) : () -> ()
    %mul3A_10 = arith.constant 626 : i32
    %mul3A_11 = arith.muli %arg1, %mul3A_10 : i32
    %add3A_12 = arith.constant 128 : i32
    %add3A_13 = arith.addi %mul3A_11, %add3A_12 : i32
    "tpu.region"() ({
      %run_scoped3A_310 = tpu.sem_alloc : memref<!tpu.dma_semaphore, #tpu.memory_space<semaphore_mem>>
      %dma_start3A_311 = arith.constant 0 : i32
      %dma_start3A_312 = arith.constant 0 : i32
      %dma_start3A_313 = tpu.memref_slice %arg7[%dma_start3A_311, %dma_start3A_312] : memref<128x64xbf16, #tpu.memory_space<vmem>> -> memref<128x64xbf16, #tpu.memory_space<vmem>>
      %dma_start3A_314 = arith.constant 0 : i32
      %dma_start3A_315 = tpu.memref_slice %arg31[%add3A_13, %dma_start3A_314] : memref<10016x64xbf16, #tpu.memory_space<vmem_shared>> -> memref<128x64xbf16, #tpu.memory_space<vmem_shared>>
      %dma_start3A_316 = arith.constant 0 : i32
      %dma_start3A_317 = tpu.memref_slice %arg31[%add3A_13, %dma_start3A_316] : memref<10016x64xbf16, #tpu.memory_space<vmem_shared>> -> memref<128x64xbf16, #tpu.memory_space<vmem_shared>>
      %dma_start3A_318 = arith.constant 0 : i32
      %dma_start3A_319 = arith.constant 0 : i32
      %dma_start3A_320 = tpu.memref_slice %arg7[%dma_start3A_318, %dma_start3A_319] : memref<128x64xbf16, #tpu.memory_space<vmem>> -> memref<128x64xbf16, #tpu.memory_space<vmem>>
      tpu.enqueue_dma source(%dma_start3A_320 : memref<128x64xbf16, #tpu.memory_space<vmem>>) target(%dma_start3A_317 : memref<128x64xbf16, #tpu.memory_space<vmem_shared>>) target_semaphore(%run_scoped3A_310 : memref<!tpu.dma_semaphore, #tpu.memory_space<semaphore_mem>>)
      %dma_wait3A_321 = arith.constant 0 : i32
      %dma_wait3A_322 = arith.constant 0 : i32
      %dma_wait3A_323 = tpu.memref_slice %arg7[%dma_wait3A_321, %dma_wait3A_322] : memref<128x64xbf16, #tpu.memory_space<vmem>> -> memref<128x64xbf16, #tpu.memory_space<vmem>>
      %dma_wait3A_324 = arith.constant 0 : i32
      %dma_wait3A_325 = tpu.memref_slice %arg31[%add3A_13, %dma_wait3A_324] : memref<10016x64xbf16, #tpu.memory_space<vmem_shared>> -> memref<128x64xbf16, #tpu.memory_space<vmem_shared>>
      %dma_wait3A_326 = arith.constant 0 : i32
      %dma_wait3A_327 = tpu.memref_slice %arg31[%add3A_13, %dma_wait3A_326] : memref<10016x64xbf16, #tpu.memory_space<vmem_shared>> -> memref<128x64xbf16, #tpu.memory_space<vmem_shared>>
      %dma_wait3A_328 = arith.constant 0 : i32
      %dma_wait3A_329 = arith.constant 0 : i32
      %dma_wait3A_330 = tpu.memref_slice %arg7[%dma_wait3A_328, %dma_wait3A_329] : memref<128x64xbf16, #tpu.memory_space<vmem>> -> memref<128x64xbf16, #tpu.memory_space<vmem>>
      tpu.wait_dma2 semaphore(%run_scoped3A_310 : memref<!tpu.dma_semaphore, #tpu.memory_space<semaphore_mem>>) src(%dma_wait3A_330 : memref<128x64xbf16, #tpu.memory_space<vmem>>) dst(%dma_wait3A_327 : memref<128x64xbf16, #tpu.memory_space<vmem_shared>>)
      tpu.yield
    }) : () -> ()
    %mul3A_14 = arith.constant 626 : i32
    %mul3A_15 = arith.muli %arg1, %mul3A_14 : i32
    %add3A_16 = arith.constant 256 : i32
    %add3A_17 = arith.addi %mul3A_15, %add3A_16 : i32
    "tpu.region"() ({
      %run_scoped3A_310 = tpu.sem_alloc : memref<!tpu.dma_semaphore, #tpu.memory_space<semaphore_mem>>
      %dma_start3A_311 = arith.constant 0 : i32
      %dma_start3A_312 = arith.constant 0 : i32
      %dma_start3A_313 = tpu.memref_slice %arg7[%dma_start3A_311, %dma_start3A_312] : memref<128x64xbf16, #tpu.memory_space<vmem>> -> memref<128x64xbf16, #tpu.memory_space<vmem>>
      %dma_start3A_314 = arith.constant 0 : i32
      %dma_start3A_315 = tpu.memref_slice %arg31[%add3A_17, %dma_start3A_314] : memref<10016x64xbf16, #tpu.memory_space<vmem_shared>> -> memref<128x64xbf16, #tpu.memory_space<vmem_shared>>
      %dma_start3A_316 = arith.constant 0 : i32
      %dma_start3A_317 = tpu.memref_slice %arg31[%add3A_17, %dma_start3A_316] : memref<10016x64xbf16, #tpu.memory_space<vmem_shared>> -> memref<128x64xbf16, #tpu.memory_space<vmem_shared>>
      %dma_start3A_318 = arith.constant 0 : i32
      %dma_start3A_319 = arith.constant 0 : i32
      %dma_start3A_320 = tpu.memref_slice %arg7[%dma_start3A_318, %dma_start3A_319] : memref<128x64xbf16, #tpu.memory_space<vmem>> -> memref<128x64xbf16, #tpu.memory_space<vmem>>
      tpu.enqueue_dma source(%dma_start3A_320 : memref<128x64xbf16, #tpu.memory_space<vmem>>) target(%dma_start3A_317 : memref<128x64xbf16, #tpu.memory_space<vmem_shared>>) target_semaphore(%run_scoped3A_310 : memref<!tpu.dma_semaphore, #tpu.memory_space<semaphore_mem>>)
      %dma_wait3A_321 = arith.constant 0 : i32
      %dma_wait3A_322 = arith.constant 0 : i32
      %dma_wait3A_323 = tpu.memref_slice %arg7[%dma_wait3A_321, %dma_wait3A_322] : memref<128x64xbf16, #tpu.memory_space<vmem>> -> memref<128x64xbf16, #tpu.memory_space<vmem>>
      %dma_wait3A_324 = arith.constant 0 : i32
      %dma_wait3A_325 = tpu.memref_slice %arg31[%add3A_17, %dma_wait3A_324] : memref<10016x64xbf16, #tpu.memory_space<vmem_shared>> -> memref<128x64xbf16, #tpu.memory_space<vmem_shared>>
      %dma_wait3A_326 = arith.constant 0 : i32
      %dma_wait3A_327 = tpu.memref_slice %arg31[%add3A_17, %dma_wait3A_326] : memref<10016x64xbf16, #tpu.memory_space<vmem_shared>> -> memref<128x64xbf16, #tpu.memory_space<vmem_shared>>
      %dma_wait3A_328 = arith.constant 0 : i32
      %dma_wait3A_329 = arith.constant 0 : i32
      %dma_wait3A_330 = tpu.memref_slice %arg7[%dma_wait3A_328, %dma_wait3A_329] : memref<128x64xbf16, #tpu.memory_space<vmem>> -> memref<128x64xbf16, #tpu.memory_space<vmem>>
      tpu.wait_dma2 semaphore(%run_scoped3A_310 : memref<!tpu.dma_semaphore, #tpu.memory_space<semaphore_mem>>) src(%dma_wait3A_330 : memref<128x64xbf16, #tpu.memory_space<vmem>>) dst(%dma_wait3A_327 : memref<128x64xbf16, #tpu.memory_space<vmem_shared>>)
      tpu.yield
    }) : () -> ()
    %mul3A_18 = arith.constant 626 : i32
    %mul3A_19 = arith.muli %arg1, %mul3A_18 : i32
    %add3A_20 = arith.constant 384 : i32
    %add3A_21 = arith.addi %mul3A_19, %add3A_20 : i32
    "tpu.region"() ({
      %run_scoped3A_310 = tpu.sem_alloc : memref<!tpu.dma_semaphore, #tpu.memory_space<semaphore_mem>>
      %dma_start3A_311 = arith.constant 0 : i32
      %dma_start3A_312 = arith.constant 0 : i32
      %dma_start3A_313 = tpu.memref_slice %arg7[%dma_start3A_311, %dma_start3A_312] : memref<128x64xbf16, #tpu.memory_space<vmem>> -> memref<128x64xbf16, #tpu.memory_space<vmem>>
      %dma_start3A_314 = arith.constant 0 : i32
      %dma_start3A_315 = tpu.memref_slice %arg31[%add3A_21, %dma_start3A_314] : memref<10016x64xbf16, #tpu.memory_space<vmem_shared>> -> memref<128x64xbf16, #tpu.memory_space<vmem_shared>>
      %dma_start3A_316 = arith.constant 0 : i32
      %dma_start3A_317 = tpu.memref_slice %arg31[%add3A_21, %dma_start3A_316] : memref<10016x64xbf16, #tpu.memory_space<vmem_shared>> -> memref<128x64xbf16, #tpu.memory_space<vmem_shared>>
      %dma_start3A_318 = arith.constant 0 : i32
      %dma_start3A_319 = arith.constant 0 : i32
      %dma_start3A_320 = tpu.memref_slice %arg7[%dma_start3A_318, %dma_start3A_319] : memref<128x64xbf16, #tpu.memory_space<vmem>> -> memref<128x64xbf16, #tpu.memory_space<vmem>>
      tpu.enqueue_dma source(%dma_start3A_320 : memref<128x64xbf16, #tpu.memory_space<vmem>>) target(%dma_start3A_317 : memref<128x64xbf16, #tpu.memory_space<vmem_shared>>) target_semaphore(%run_scoped3A_310 : memref<!tpu.dma_semaphore, #tpu.memory_space<semaphore_mem>>)
      %dma_wait3A_321 = arith.constant 0 : i32
      %dma_wait3A_322 = arith.constant 0 : i32
      %dma_wait3A_323 = tpu.memref_slice %arg7[%dma_wait3A_321, %dma_wait3A_322] : memref<128x64xbf16, #tpu.memory_space<vmem>> -> memref<128x64xbf16, #tpu.memory_space<vmem>>
      %dma_wait3A_324 = arith.constant 0 : i32
      %dma_wait3A_325 = tpu.memref_slice %arg31[%add3A_21, %dma_wait3A_324] : memref<10016x64xbf16, #tpu.memory_space<vmem_shared>> -> memref<128x64xbf16, #tpu.memory_space<vmem_shared>>
      %dma_wait3A_326 = arith.constant 0 : i32
      %dma_wait3A_327 = tpu.memref_slice %arg31[%add3A_21, %dma_wait3A_326] : memref<10016x64xbf16, #tpu.memory_space<vmem_shared>> -> memref<128x64xbf16, #tpu.memory_space<vmem_shared>>
      %dma_wait3A_328 = arith.constant 0 : i32
      %dma_wait3A_329 = arith.constant 0 : i32
      %dma_wait3A_330 = tpu.memref_slice %arg7[%dma_wait3A_328, %dma_wait3A_329] : memref<128x64xbf16, #tpu.memory_space<vmem>> -> memref<128x64xbf16, #tpu.memory_space<vmem>>
      tpu.wait_dma2 semaphore(%run_scoped3A_310 : memref<!tpu.dma_semaphore, #tpu.memory_space<semaphore_mem>>) src(%dma_wait3A_330 : memref<128x64xbf16, #tpu.memory_space<vmem>>) dst(%dma_wait3A_327 : memref<128x64xbf16, #tpu.memory_space<vmem_shared>>)
      tpu.yield
    }) : () -> ()
    %mul3A_22 = arith.constant 626 : i32
    %mul3A_23 = arith.muli %arg1, %mul3A_22 : i32
    %add3A_24 = arith.constant 512 : i32
    %add3A_25 = arith.addi %mul3A_23, %add3A_24 : i32
    "tpu.region"() ({
      %run_scoped3A_310 = tpu.sem_alloc : memref<!tpu.dma_semaphore, #tpu.memory_space<semaphore_mem>>
      %dma_start3A_311 = arith.constant 0 : i32
      %dma_start3A_312 = arith.constant 0 : i32
      %dma_start3A_313 = tpu.memref_slice %arg7[%dma_start3A_311, %dma_start3A_312] : memref<128x64xbf16, #tpu.memory_space<vmem>> -> memref<114x64xbf16, #tpu.memory_space<vmem>>
      %dma_start3A_314 = arith.constant 0 : i32
      %dma_start3A_315 = tpu.memref_slice %arg31[%add3A_25, %dma_start3A_314] : memref<10016x64xbf16, #tpu.memory_space<vmem_shared>> -> memref<114x64xbf16, #tpu.memory_space<vmem_shared>>
      %dma_start3A_316 = arith.constant 0 : i32
      %dma_start3A_317 = tpu.memref_slice %arg31[%add3A_25, %dma_start3A_316] : memref<10016x64xbf16, #tpu.memory_space<vmem_shared>> -> memref<114x64xbf16, #tpu.memory_space<vmem_shared>>
      %dma_start3A_318 = arith.constant 0 : i32
      %dma_start3A_319 = arith.constant 0 : i32
      %dma_start3A_320 = tpu.memref_slice %arg7[%dma_start3A_318, %dma_start3A_319] : memref<128x64xbf16, #tpu.memory_space<vmem>> -> memref<114x64xbf16, #tpu.memory_space<vmem>>
      tpu.enqueue_dma source(%dma_start3A_320 : memref<114x64xbf16, #tpu.memory_space<vmem>>) target(%dma_start3A_317 : memref<114x64xbf16, #tpu.memory_space<vmem_shared>>) target_semaphore(%run_scoped3A_310 : memref<!tpu.dma_semaphore, #tpu.memory_space<semaphore_mem>>)
      %dma_wait3A_321 = arith.constant 0 : i32
      %dma_wait3A_322 = arith.constant 0 : i32
      %dma_wait3A_323 = tpu.memref_slice %arg7[%dma_wait3A_321, %dma_wait3A_322] : memref<128x64xbf16, #tpu.memory_space<vmem>> -> memref<114x64xbf16, #tpu.memory_space<vmem>>
      %dma_wait3A_324 = arith.constant 0 : i32
      %dma_wait3A_325 = tpu.memref_slice %arg31[%add3A_25, %dma_wait3A_324] : memref<10016x64xbf16, #tpu.memory_space<vmem_shared>> -> memref<114x64xbf16, #tpu.memory_space<vmem_shared>>
      %dma_wait3A_326 = arith.constant 0 : i32
      %dma_wait3A_327 = tpu.memref_slice %arg31[%add3A_25, %dma_wait3A_326] : memref<10016x64xbf16, #tpu.memory_space<vmem_shared>> -> memref<114x64xbf16, #tpu.memory_space<vmem_shared>>
      %dma_wait3A_328 = arith.constant 0 : i32
      %dma_wait3A_329 = arith.constant 0 : i32
      %dma_wait3A_330 = tpu.memref_slice %arg7[%dma_wait3A_328, %dma_wait3A_329] : memref<128x64xbf16, #tpu.memory_space<vmem>> -> memref<114x64xbf16, #tpu.memory_space<vmem>>
      tpu.wait_dma2 semaphore(%run_scoped3A_310 : memref<!tpu.dma_semaphore, #tpu.memory_space<semaphore_mem>>) src(%dma_wait3A_330 : memref<114x64xbf16, #tpu.memory_space<vmem>>) dst(%dma_wait3A_327 : memref<114x64xbf16, #tpu.memory_space<vmem_shared>>)
      tpu.yield
    }) : () -> ()
    %run_scoped3A = arith.constant 0 : i32
    "tpu.region"() ({
      %run_scoped3A_310 = tpu.sem_alloc : memref<!tpu.dma_semaphore, #tpu.memory_space<semaphore_mem>>
      %dma_start3A_311 = arith.constant 0 : i32
      %dma_start3A_312 = arith.constant 0 : i32
      %dma_start3A_313 = arith.constant 0 : i32
      %dma_start3A_314 = tpu.memref_slice %arg3[%run_scoped3A, %dma_start3A_311, %dma_start3A_312, %dma_start3A_313] : memref<2x32x79x128xi32, #tpu.memory_space<hbm>> -> memref<1x32x79x128xi32, #tpu.memory_space<hbm>>
      %dma_start3A_315 = tpu.memref_squeeze %dma_start3A_314 : memref<1x32x79x128xi32, #tpu.memory_space<hbm>> -> memref<32x79x128xi32, #tpu.memory_space<hbm>>
      %dma_start3A_316 = arith.constant 0 : i32
      %dma_start3A_317 = arith.constant 0 : i32
      %dma_start3A_318 = tpu.memref_slice %dma_start3A_315[%add3A, %dma_start3A_316, %dma_start3A_317] : memref<32x79x128xi32, #tpu.memory_space<hbm>> -> memref<1x79x128xi32, #tpu.memory_space<hbm>>
      %dma_start3A_319 = tpu.memref_squeeze %dma_start3A_318 : memref<1x79x128xi32, #tpu.memory_space<hbm>> -> memref<79x128xi32, #tpu.memory_space<hbm>>
      %dma_start3A_320 = arith.constant 0 : i32
      %dma_start3A_321 = arith.constant 0 : i32
      %dma_start3A_322 = arith.constant 0 : i32
      %dma_start3A_323 = tpu.memref_slice %arg3[%run_scoped3A, %dma_start3A_320, %dma_start3A_321, %dma_start3A_322] : memref<2x32x79x128xi32, #tpu.memory_space<hbm>> -> memref<1x32x79x128xi32, #tpu.memory_space<hbm>>
      %dma_start3A_324 = tpu.memref_squeeze %dma_start3A_323 : memref<1x32x79x128xi32, #tpu.memory_space<hbm>> -> memref<32x79x128xi32, #tpu.memory_space<hbm>>
      %dma_start3A_325 = arith.constant 0 : i32
      %dma_start3A_326 = arith.constant 0 : i32
      %dma_start3A_327 = tpu.memref_slice %dma_start3A_324[%add3A, %dma_start3A_325, %dma_start3A_326] : memref<32x79x128xi32, #tpu.memory_space<hbm>> -> memref<1x79x128xi32, #tpu.memory_space<hbm>>
      %dma_start3A_328 = tpu.memref_squeeze %dma_start3A_327 : memref<1x79x128xi32, #tpu.memory_space<hbm>> -> memref<79x128xi32, #tpu.memory_space<hbm>>
      tpu.enqueue_dma source(%dma_start3A_328 : memref<79x128xi32, #tpu.memory_space<hbm>>) target(%arg5 : memref<79x128xi32, #tpu.memory_space<vmem>>) target_semaphore(%run_scoped3A_310 : memref<!tpu.dma_semaphore, #tpu.memory_space<semaphore_mem>>)
      %dma_wait3A_329 = arith.constant 0 : i32
      %dma_wait3A_330 = arith.constant 0 : i32
      %dma_wait3A_331 = arith.constant 0 : i32
      %dma_wait3A_332 = tpu.memref_slice %arg3[%run_scoped3A, %dma_wait3A_329, %dma_wait3A_330, %dma_wait3A_331] : memref<2x32x79x128xi32, #tpu.memory_space<hbm>> -> memref<1x32x79x128xi32, #tpu.memory_space<hbm>>
      %dma_wait3A_333 = tpu.memref_squeeze %dma_wait3A_332 : memref<1x32x79x128xi32, #tpu.memory_space<hbm>> -> memref<32x79x128xi32, #tpu.memory_space<hbm>>
      %dma_wait3A_334 = arith.constant 0 : i32
      %dma_wait3A_335 = arith.constant 0 : i32
      %dma_wait3A_336 = tpu.memref_slice %dma_wait3A_333[%add3A, %dma_wait3A_334, %dma_wait3A_335] : memref<32x79x128xi32, #tpu.memory_space<hbm>> -> memref<1x79x128xi32, #tpu.memory_space<hbm>>
      %dma_wait3A_337 = tpu.memref_squeeze %dma_wait3A_336 : memref<1x79x128xi32, #tpu.memory_space<hbm>> -> memref<79x128xi32, #tpu.memory_space<hbm>>
      %dma_wait3A_338 = arith.constant 0 : i32
      %dma_wait3A_339 = arith.constant 0 : i32
      %dma_wait3A_340 = arith.constant 0 : i32
      %dma_wait3A_341 = tpu.memref_slice %arg3[%run_scoped3A, %dma_wait3A_338, %dma_wait3A_339, %dma_wait3A_340] : memref<2x32x79x128xi32, #tpu.memory_space<hbm>> -> memref<1x32x79x128xi32, #tpu.memory_space<hbm>>
      %dma_wait3A_342 = tpu.memref_squeeze %dma_wait3A_341 : memref<1x32x79x128xi32, #tpu.memory_space<hbm>> -> memref<32x79x128xi32, #tpu.memory_space<hbm>>
      %dma_wait3A_343 = arith.constant 0 : i32
      %dma_wait3A_344 = arith.constant 0 : i32
      %dma_wait3A_345 = tpu.memref_slice %dma_wait3A_342[%add3A, %dma_wait3A_343, %dma_wait3A_344] : memref<32x79x128xi32, #tpu.memory_space<hbm>> -> memref<1x79x128xi32, #tpu.memory_space<hbm>>
      %dma_wait3A_346 = tpu.memref_squeeze %dma_wait3A_345 : memref<1x79x128xi32, #tpu.memory_space<hbm>> -> memref<79x128xi32, #tpu.memory_space<hbm>>
      tpu.wait_dma2 semaphore(%run_scoped3A_310 : memref<!tpu.dma_semaphore, #tpu.memory_space<semaphore_mem>>) src(%dma_wait3A_346 : memref<79x128xi32, #tpu.memory_space<hbm>>) dst(%arg5 : memref<79x128xi32, #tpu.memory_space<vmem>>)
      tpu.yield
    }) : () -> ()
    %run_scoped3A_26 = arith.constant 1 : i32
    "tpu.region"() ({
      %run_scoped3A_310 = tpu.sem_alloc : memref<!tpu.dma_semaphore, #tpu.memory_space<semaphore_mem>>
      %dma_start3A_311 = arith.constant 0 : i32
      %dma_start3A_312 = arith.constant 0 : i32
      %dma_start3A_313 = arith.constant 0 : i32
      %dma_start3A_314 = tpu.memref_slice %arg3[%run_scoped3A_26, %dma_start3A_311, %dma_start3A_312, %dma_start3A_313] : memref<2x32x79x128xi32, #tpu.memory_space<hbm>> -> memref<1x32x79x128xi32, #tpu.memory_space<hbm>>
      %dma_start3A_315 = tpu.memref_squeeze %dma_start3A_314 : memref<1x32x79x128xi32, #tpu.memory_space<hbm>> -> memref<32x79x128xi32, #tpu.memory_space<hbm>>
      %dma_start3A_316 = arith.constant 0 : i32
      %dma_start3A_317 = arith.constant 0 : i32
      %dma_start3A_318 = tpu.memref_slice %dma_start3A_315[%add3A, %dma_start3A_316, %dma_start3A_317] : memref<32x79x128xi32, #tpu.memory_space<hbm>> -> memref<1x79x128xi32, #tpu.memory_space<hbm>>
      %dma_start3A_319 = tpu.memref_squeeze %dma_start3A_318 : memref<1x79x128xi32, #tpu.memory_space<hbm>> -> memref<79x128xi32, #tpu.memory_space<hbm>>
      %dma_start3A_320 = arith.constant 0 : i32
      %dma_start3A_321 = arith.constant 0 : i32
      %dma_start3A_322 = arith.constant 0 : i32
      %dma_start3A_323 = tpu.memref_slice %arg3[%run_scoped3A_26, %dma_start3A_320, %dma_start3A_321, %dma_start3A_322] : memref<2x32x79x128xi32, #tpu.memory_space<hbm>> -> memref<1x32x79x128xi32, #tpu.memory_space<hbm>>
      %dma_start3A_324 = tpu.memref_squeeze %dma_start3A_323 : memref<1x32x79x128xi32, #tpu.memory_space<hbm>> -> memref<32x79x128xi32, #tpu.memory_space<hbm>>
      %dma_start3A_325 = arith.constant 0 : i32
      %dma_start3A_326 = arith.constant 0 : i32
      %dma_start3A_327 = tpu.memref_slice %dma_start3A_324[%add3A, %dma_start3A_325, %dma_start3A_326] : memref<32x79x128xi32, #tpu.memory_space<hbm>> -> memref<1x79x128xi32, #tpu.memory_space<hbm>>
      %dma_start3A_328 = tpu.memref_squeeze %dma_start3A_327 : memref<1x79x128xi32, #tpu.memory_space<hbm>> -> memref<79x128xi32, #tpu.memory_space<hbm>>
      tpu.enqueue_dma source(%dma_start3A_328 : memref<79x128xi32, #tpu.memory_space<hbm>>) target(%arg6 : memref<79x128xi32, #tpu.memory_space<vmem>>) target_semaphore(%run_scoped3A_310 : memref<!tpu.dma_semaphore, #tpu.memory_space<semaphore_mem>>)
      %dma_wait3A_329 = arith.constant 0 : i32
      %dma_wait3A_330 = arith.constant 0 : i32
      %dma_wait3A_331 = arith.constant 0 : i32
      %dma_wait3A_332 = tpu.memref_slice %arg3[%run_scoped3A_26, %dma_wait3A_329, %dma_wait3A_330, %dma_wait3A_331] : memref<2x32x79x128xi32, #tpu.memory_space<hbm>> -> memref<1x32x79x128xi32, #tpu.memory_space<hbm>>
      %dma_wait3A_333 = tpu.memref_squeeze %dma_wait3A_332 : memref<1x32x79x128xi32, #tpu.memory_space<hbm>> -> memref<32x79x128xi32, #tpu.memory_space<hbm>>
      %dma_wait3A_334 = arith.constant 0 : i32
      %dma_wait3A_335 = arith.constant 0 : i32
      %dma_wait3A_336 = tpu.memref_slice %dma_wait3A_333[%add3A, %dma_wait3A_334, %dma_wait3A_335] : memref<32x79x128xi32, #tpu.memory_space<hbm>> -> memref<1x79x128xi32, #tpu.memory_space<hbm>>
      %dma_wait3A_337 = tpu.memref_squeeze %dma_wait3A_336 : memref<1x79x128xi32, #tpu.memory_space<hbm>> -> memref<79x128xi32, #tpu.memory_space<hbm>>
      %dma_wait3A_338 = arith.constant 0 : i32
      %dma_wait3A_339 = arith.constant 0 : i32
      %dma_wait3A_340 = arith.constant 0 : i32
      %dma_wait3A_341 = tpu.memref_slice %arg3[%run_scoped3A_26, %dma_wait3A_338, %dma_wait3A_339, %dma_wait3A_340] : memref<2x32x79x128xi32, #tpu.memory_space<hbm>> -> memref<1x32x79x128xi32, #tpu.memory_space<hbm>>
      %dma_wait3A_342 = tpu.memref_squeeze %dma_wait3A_341 : memref<1x32x79x128xi32, #tpu.memory_space<hbm>> -> memref<32x79x128xi32, #tpu.memory_space<hbm>>
      %dma_wait3A_343 = arith.constant 0 : i32
      %dma_wait3A_344 = arith.constant 0 : i32
      %dma_wait3A_345 = tpu.memref_slice %dma_wait3A_342[%add3A, %dma_wait3A_343, %dma_wait3A_344] : memref<32x79x128xi32, #tpu.memory_space<hbm>> -> memref<1x79x128xi32, #tpu.memory_space<hbm>>
      %dma_wait3A_346 = tpu.memref_squeeze %dma_wait3A_345 : memref<1x79x128xi32, #tpu.memory_space<hbm>> -> memref<79x128xi32, #tpu.memory_space<hbm>>
      tpu.wait_dma2 semaphore(%run_scoped3A_310 : memref<!tpu.dma_semaphore, #tpu.memory_space<semaphore_mem>>) src(%dma_wait3A_346 : memref<79x128xi32, #tpu.memory_space<hbm>>) dst(%arg6 : memref<79x128xi32, #tpu.memory_space<vmem>>)
      tpu.yield
    }) : () -> ()
    %barrier3A = arith.constant 0 : index
    tpu.barrier barrier_id(%barrier3A)
    %dma_start3A = arith.constant 0 : i32
    %dma_start3A_27 = arith.constant 0 : i32
    %dma_start3A_28 = tpu.memref_slice %arg5[%dma_start3A, %dma_start3A_27] : memref<79x128xi32, #tpu.memory_space<vmem>> -> memref<1x128xi32, #tpu.memory_space<vmem>>
    %dma_start3A_29 = tpu.memref_squeeze %dma_start3A_28 : memref<1x128xi32, #tpu.memory_space<vmem>> -> memref<128xi32, #tpu.memory_space<vmem>>
    %dma_start3A_30 = arith.constant 0 : i32
    %dma_start3A_31 = arith.constant 0 : i32
    %dma_start3A_32 = tpu.memref_slice %arg2[%dma_start3A_30, %dma_start3A_31] : memref<10016x64xbf16, #tpu.memory_space<hbm>> -> memref<10016x64xbf16, #tpu.memory_space<hbm>>
    tpu.enqueue_indirect_dma source(%dma_start3A_32 : memref<10016x64xbf16, #tpu.memory_space<hbm>>) target(%arg7 : memref<128x64xbf16, #tpu.memory_space<vmem>>) offsets(%dma_start3A_29 : memref<128xi32, #tpu.memory_space<vmem>>) semaphore(%arg19 : memref<!tpu.dma_semaphore, #tpu.memory_space<semaphore_mem>>)
    %dma_start3A_33 = arith.constant 1 : i32
    %dma_start3A_34 = arith.constant 0 : i32
    %dma_start3A_35 = tpu.memref_slice %arg5[%dma_start3A_33, %dma_start3A_34] : memref<79x128xi32, #tpu.memory_space<vmem>> -> memref<1x128xi32, #tpu.memory_space<vmem>>
    %dma_start3A_36 = tpu.memref_squeeze %dma_start3A_35 : memref<1x128xi32, #tpu.memory_space<vmem>> -> memref<128xi32, #tpu.memory_space<vmem>>
    %dma_start3A_37 = arith.constant 0 : i32
    %dma_start3A_38 = arith.constant 0 : i32
    %dma_start3A_39 = tpu.memref_slice %arg2[%dma_start3A_37, %dma_start3A_38] : memref<10016x64xbf16, #tpu.memory_space<hbm>> -> memref<10016x64xbf16, #tpu.memory_space<hbm>>
    tpu.enqueue_indirect_dma source(%dma_start3A_39 : memref<10016x64xbf16, #tpu.memory_space<hbm>>) target(%arg8 : memref<128x64xbf16, #tpu.memory_space<vmem>>) offsets(%dma_start3A_36 : memref<128xi32, #tpu.memory_space<vmem>>) semaphore(%arg20 : memref<!tpu.dma_semaphore, #tpu.memory_space<semaphore_mem>>)
    %dma_start3A_40 = arith.constant 2 : i32
    %dma_start3A_41 = arith.constant 0 : i32
    %dma_start3A_42 = tpu.memref_slice %arg5[%dma_start3A_40, %dma_start3A_41] : memref<79x128xi32, #tpu.memory_space<vmem>> -> memref<1x128xi32, #tpu.memory_space<vmem>>
    %dma_start3A_43 = tpu.memref_squeeze %dma_start3A_42 : memref<1x128xi32, #tpu.memory_space<vmem>> -> memref<128xi32, #tpu.memory_space<vmem>>
    %dma_start3A_44 = arith.constant 0 : i32
    %dma_start3A_45 = arith.constant 0 : i32
    %dma_start3A_46 = tpu.memref_slice %arg2[%dma_start3A_44, %dma_start3A_45] : memref<10016x64xbf16, #tpu.memory_space<hbm>> -> memref<10016x64xbf16, #tpu.memory_space<hbm>>
    tpu.enqueue_indirect_dma source(%dma_start3A_46 : memref<10016x64xbf16, #tpu.memory_space<hbm>>) target(%arg9 : memref<128x64xbf16, #tpu.memory_space<vmem>>) offsets(%dma_start3A_43 : memref<128xi32, #tpu.memory_space<vmem>>) semaphore(%arg21 : memref<!tpu.dma_semaphore, #tpu.memory_space<semaphore_mem>>)
    %dma_start3A_47 = arith.constant 3 : i32
    %dma_start3A_48 = arith.constant 0 : i32
    %dma_start3A_49 = tpu.memref_slice %arg5[%dma_start3A_47, %dma_start3A_48] : memref<79x128xi32, #tpu.memory_space<vmem>> -> memref<1x128xi32, #tpu.memory_space<vmem>>
    %dma_start3A_50 = tpu.memref_squeeze %dma_start3A_49 : memref<1x128xi32, #tpu.memory_space<vmem>> -> memref<128xi32, #tpu.memory_space<vmem>>
    %dma_start3A_51 = arith.constant 0 : i32
    %dma_start3A_52 = arith.constant 0 : i32
    %dma_start3A_53 = tpu.memref_slice %arg2[%dma_start3A_51, %dma_start3A_52] : memref<10016x64xbf16, #tpu.memory_space<hbm>> -> memref<10016x64xbf16, #tpu.memory_space<hbm>>
    tpu.enqueue_indirect_dma source(%dma_start3A_53 : memref<10016x64xbf16, #tpu.memory_space<hbm>>) target(%arg10 : memref<128x64xbf16, #tpu.memory_space<vmem>>) offsets(%dma_start3A_50 : memref<128xi32, #tpu.memory_space<vmem>>) semaphore(%arg22 : memref<!tpu.dma_semaphore, #tpu.memory_space<semaphore_mem>>)
    %dma_start3A_54 = arith.constant 4 : i32
    %dma_start3A_55 = arith.constant 0 : i32
    %dma_start3A_56 = tpu.memref_slice %arg5[%dma_start3A_54, %dma_start3A_55] : memref<79x128xi32, #tpu.memory_space<vmem>> -> memref<1x128xi32, #tpu.memory_space<vmem>>
    %dma_start3A_57 = tpu.memref_squeeze %dma_start3A_56 : memref<1x128xi32, #tpu.memory_space<vmem>> -> memref<128xi32, #tpu.memory_space<vmem>>
    %dma_start3A_58 = arith.constant 0 : i32
    %dma_start3A_59 = arith.constant 0 : i32
    %dma_start3A_60 = tpu.memref_slice %arg2[%dma_start3A_58, %dma_start3A_59] : memref<10016x64xbf16, #tpu.memory_space<hbm>> -> memref<10016x64xbf16, #tpu.memory_space<hbm>>
    tpu.enqueue_indirect_dma source(%dma_start3A_60 : memref<10016x64xbf16, #tpu.memory_space<hbm>>) target(%arg11 : memref<128x64xbf16, #tpu.memory_space<vmem>>) offsets(%dma_start3A_57 : memref<128xi32, #tpu.memory_space<vmem>>) semaphore(%arg23 : memref<!tpu.dma_semaphore, #tpu.memory_space<semaphore_mem>>)
    %dma_start3A_61 = arith.constant 5 : i32
    %dma_start3A_62 = arith.constant 0 : i32
    %dma_start3A_63 = tpu.memref_slice %arg5[%dma_start3A_61, %dma_start3A_62] : memref<79x128xi32, #tpu.memory_space<vmem>> -> memref<1x128xi32, #tpu.memory_space<vmem>>
    %dma_start3A_64 = tpu.memref_squeeze %dma_start3A_63 : memref<1x128xi32, #tpu.memory_space<vmem>> -> memref<128xi32, #tpu.memory_space<vmem>>
    %dma_start3A_65 = arith.constant 0 : i32
    %dma_start3A_66 = arith.constant 0 : i32
    %dma_start3A_67 = tpu.memref_slice %arg2[%dma_start3A_65, %dma_start3A_66] : memref<10016x64xbf16, #tpu.memory_space<hbm>> -> memref<10016x64xbf16, #tpu.memory_space<hbm>>
    tpu.enqueue_indirect_dma source(%dma_start3A_67 : memref<10016x64xbf16, #tpu.memory_space<hbm>>) target(%arg12 : memref<128x64xbf16, #tpu.memory_space<vmem>>) offsets(%dma_start3A_64 : memref<128xi32, #tpu.memory_space<vmem>>) semaphore(%arg24 : memref<!tpu.dma_semaphore, #tpu.memory_space<semaphore_mem>>)
    %scan3A_68 = arith.constant 0 : i32
    %scan3A_69 = arith.constant 0 : i32
    %scan3A_70 = arith.constant 6 : i32
    %scan3A_71 = arith.addi %scan3A_69, %scan3A_70 : i32
    %scan3A_72 = arith.constant 1 : i32
    scf.for %scan3A_310 = %scan3A_69 to %scan3A_71 step %scan3A_72  : i32 {
      %mul3A_311 = arith.constant 12 : i32
      %mul3A_312 = arith.muli %scan3A_310, %mul3A_311 : i32
      %add3A_313 = arith.constant 0 : i32
      %add3A_314 = arith.addi %mul3A_312, %add3A_313 : i32
      %dma_wait3A_315 = arith.constant 0 : i32
      %dma_wait3A_316 = tpu.memref_slice %arg5[%add3A_314, %dma_wait3A_315] : memref<79x128xi32, #tpu.memory_space<vmem>> -> memref<1x128xi32, #tpu.memory_space<vmem>>
      %dma_wait3A_317 = tpu.memref_squeeze %dma_wait3A_316 : memref<1x128xi32, #tpu.memory_space<vmem>> -> memref<128xi32, #tpu.memory_space<vmem>>
      %dma_wait3A_318 = arith.constant 0 : i32
      %dma_wait3A_319 = arith.constant 0 : i32
      %dma_wait3A_320 = tpu.memref_slice %arg2[%dma_wait3A_318, %dma_wait3A_319] : memref<10016x64xbf16, #tpu.memory_space<hbm>> -> memref<10016x64xbf16, #tpu.memory_space<hbm>>
      tpu.wait_indirect_dma semaphore(%arg19 : memref<!tpu.dma_semaphore, #tpu.memory_space<semaphore_mem>>) src(%dma_wait3A_320 : memref<10016x64xbf16, #tpu.memory_space<hbm>>) dst(%arg7 : memref<128x64xbf16, #tpu.memory_space<vmem>>)
      %dma_start3A_321 = arith.constant 0 : i32
      %dma_start3A_322 = tpu.memref_slice %arg6[%add3A_314, %dma_start3A_321] : memref<79x128xi32, #tpu.memory_space<vmem>> -> memref<1x128xi32, #tpu.memory_space<vmem>>
      %dma_start3A_323 = tpu.memref_squeeze %dma_start3A_322 : memref<1x128xi32, #tpu.memory_space<vmem>> -> memref<128xi32, #tpu.memory_space<vmem>>
      %dma_start3A_324 = arith.constant 0 : i32
      %dma_start3A_325 = arith.constant 0 : i32
      %dma_start3A_326 = tpu.memref_slice %arg31[%dma_start3A_324, %dma_start3A_325] : memref<10016x64xbf16, #tpu.memory_space<vmem_shared>> -> memref<10016x64xbf16, #tpu.memory_space<vmem_shared>>
      tpu.enqueue_indirect_dma source(%arg7 : memref<128x64xbf16, #tpu.memory_space<vmem>>) target(%dma_start3A_326 : memref<10016x64xbf16, #tpu.memory_space<vmem_shared>>) offsets(%dma_start3A_323 : memref<128xi32, #tpu.memory_space<vmem>>) semaphore(%arg19 : memref<!tpu.dma_semaphore, #tpu.memory_space<semaphore_mem>>) {add = true}
      %add3A_327 = arith.constant 6 : i32
      %add3A_328 = arith.addi %add3A_314, %add3A_327 : i32
      %ge3A = arith.constant 12 : i32
      %ge3A_329 = arith.cmpi sge, %add3A_328, %ge3A : i32
      %convert_element_type3A = arith.extui %ge3A_329 : i1 to i32
      %cond3A = arith.constant 0 : i32
      %cond3A_330 = arith.cmpi ne, %convert_element_type3A, %cond3A : i32
      scf.if %cond3A_330 {
        %dma_wait3A_667 = arith.constant 0 : i32
        %dma_wait3A_668 = tpu.memref_slice %arg6[%add3A_314, %dma_wait3A_667] : memref<79x128xi32, #tpu.memory_space<vmem>> -> memref<1x128xi32, #tpu.memory_space<vmem>>
        %dma_wait3A_669 = tpu.memref_squeeze %dma_wait3A_668 : memref<1x128xi32, #tpu.memory_space<vmem>> -> memref<128xi32, #tpu.memory_space<vmem>>
        %dma_wait3A_670 = arith.constant 0 : i32
        %dma_wait3A_671 = arith.constant 0 : i32
        %dma_wait3A_672 = tpu.memref_slice %arg31[%dma_wait3A_670, %dma_wait3A_671] : memref<10016x64xbf16, #tpu.memory_space<vmem_shared>> -> memref<10016x64xbf16, #tpu.memory_space<vmem_shared>>
        tpu.wait_indirect_dma semaphore(%arg25 : memref<!tpu.dma_semaphore, #tpu.memory_space<semaphore_mem>>) src(%arg13 : memref<128x64xbf16, #tpu.memory_space<vmem>>) dst(%dma_wait3A_672 : memref<10016x64xbf16, #tpu.memory_space<vmem_shared>>)
      } else {
      }
      %add3A_331 = arith.constant 6 : i32
      %add3A_332 = arith.addi %add3A_314, %add3A_331 : i32
      %lt3A = arith.constant 79 : i32
      %lt3A_333 = arith.cmpi slt, %add3A_332, %lt3A : i32
      %convert_element_type3A_334 = arith.extui %lt3A_333 : i1 to i32
      %cond3A_335 = arith.constant 0 : i32
      %cond3A_336 = arith.cmpi ne, %convert_element_type3A_334, %cond3A_335 : i32
      scf.if %cond3A_336 {
        %add3A_667 = arith.constant 6 : i32
        %add3A_668 = arith.addi %add3A_314, %add3A_667 : i32
        %dma_start3A_669 = arith.constant 0 : i32
        %dma_start3A_670 = tpu.memref_slice %arg5[%add3A_668, %dma_start3A_669] : memref<79x128xi32, #tpu.memory_space<vmem>> -> memref<1x128xi32, #tpu.memory_space<vmem>>
        %dma_start3A_671 = tpu.memref_squeeze %dma_start3A_670 : memref<1x128xi32, #tpu.memory_space<vmem>> -> memref<128xi32, #tpu.memory_space<vmem>>
        %dma_start3A_672 = arith.constant 0 : i32
        %dma_start3A_673 = arith.constant 0 : i32
        %dma_start3A_674 = tpu.memref_slice %arg2[%dma_start3A_672, %dma_start3A_673] : memref<10016x64xbf16, #tpu.memory_space<hbm>> -> memref<10016x64xbf16, #tpu.memory_space<hbm>>
        tpu.enqueue_indirect_dma source(%dma_start3A_674 : memref<10016x64xbf16, #tpu.memory_space<hbm>>) target(%arg13 : memref<128x64xbf16, #tpu.memory_space<vmem>>) offsets(%dma_start3A_671 : memref<128xi32, #tpu.memory_space<vmem>>) semaphore(%arg25 : memref<!tpu.dma_semaphore, #tpu.memory_space<semaphore_mem>>)
      } else {
      }
      %mul3A_337 = arith.constant 12 : i32
      %mul3A_338 = arith.muli %scan3A_310, %mul3A_337 : i32
      %add3A_339 = arith.constant 1 : i32
      %add3A_340 = arith.addi %mul3A_338, %add3A_339 : i32
      %dma_wait3A_341 = arith.constant 0 : i32
      %dma_wait3A_342 = tpu.memref_slice %arg5[%add3A_340, %dma_wait3A_341] : memref<79x128xi32, #tpu.memory_space<vmem>> -> memref<1x128xi32, #tpu.memory_space<vmem>>
      %dma_wait3A_343 = tpu.memref_squeeze %dma_wait3A_342 : memref<1x128xi32, #tpu.memory_space<vmem>> -> memref<128xi32, #tpu.memory_space<vmem>>
      %dma_wait3A_344 = arith.constant 0 : i32
      %dma_wait3A_345 = arith.constant 0 : i32
      %dma_wait3A_346 = tpu.memref_slice %arg2[%dma_wait3A_344, %dma_wait3A_345] : memref<10016x64xbf16, #tpu.memory_space<hbm>> -> memref<10016x64xbf16, #tpu.memory_space<hbm>>
      tpu.wait_indirect_dma semaphore(%arg20 : memref<!tpu.dma_semaphore, #tpu.memory_space<semaphore_mem>>) src(%dma_wait3A_346 : memref<10016x64xbf16, #tpu.memory_space<hbm>>) dst(%arg8 : memref<128x64xbf16, #tpu.memory_space<vmem>>)
      %dma_start3A_347 = arith.constant 0 : i32
      %dma_start3A_348 = tpu.memref_slice %arg6[%add3A_340, %dma_start3A_347] : memref<79x128xi32, #tpu.memory_space<vmem>> -> memref<1x128xi32, #tpu.memory_space<vmem>>
      %dma_start3A_349 = tpu.memref_squeeze %dma_start3A_348 : memref<1x128xi32, #tpu.memory_space<vmem>> -> memref<128xi32, #tpu.memory_space<vmem>>
      %dma_start3A_350 = arith.constant 0 : i32
      %dma_start3A_351 = arith.constant 0 : i32
      %dma_start3A_352 = tpu.memref_slice %arg31[%dma_start3A_350, %dma_start3A_351] : memref<10016x64xbf16, #tpu.memory_space<vmem_shared>> -> memref<10016x64xbf16, #tpu.memory_space<vmem_shared>>
      tpu.enqueue_indirect_dma source(%arg8 : memref<128x64xbf16, #tpu.memory_space<vmem>>) target(%dma_start3A_352 : memref<10016x64xbf16, #tpu.memory_space<vmem_shared>>) offsets(%dma_start3A_349 : memref<128xi32, #tpu.memory_space<vmem>>) semaphore(%arg20 : memref<!tpu.dma_semaphore, #tpu.memory_space<semaphore_mem>>) {add = true}
      %add3A_353 = arith.constant 6 : i32
      %add3A_354 = arith.addi %add3A_340, %add3A_353 : i32
      %ge3A_355 = arith.constant 12 : i32
      %ge3A_356 = arith.cmpi sge, %add3A_354, %ge3A_355 : i32
      %convert_element_type3A_357 = arith.extui %ge3A_356 : i1 to i32
      %cond3A_358 = arith.constant 0 : i32
      %cond3A_359 = arith.cmpi ne, %convert_element_type3A_357, %cond3A_358 : i32
      scf.if %cond3A_359 {
        %dma_wait3A_667 = arith.constant 0 : i32
        %dma_wait3A_668 = tpu.memref_slice %arg6[%add3A_340, %dma_wait3A_667] : memref<79x128xi32, #tpu.memory_space<vmem>> -> memref<1x128xi32, #tpu.memory_space<vmem>>
        %dma_wait3A_669 = tpu.memref_squeeze %dma_wait3A_668 : memref<1x128xi32, #tpu.memory_space<vmem>> -> memref<128xi32, #tpu.memory_space<vmem>>
        %dma_wait3A_670 = arith.constant 0 : i32
        %dma_wait3A_671 = arith.constant 0 : i32
        %dma_wait3A_672 = tpu.memref_slice %arg31[%dma_wait3A_670, %dma_wait3A_671] : memref<10016x64xbf16, #tpu.memory_space<vmem_shared>> -> memref<10016x64xbf16, #tpu.memory_space<vmem_shared>>
        tpu.wait_indirect_dma semaphore(%arg26 : memref<!tpu.dma_semaphore, #tpu.memory_space<semaphore_mem>>) src(%arg14 : memref<128x64xbf16, #tpu.memory_space<vmem>>) dst(%dma_wait3A_672 : memref<10016x64xbf16, #tpu.memory_space<vmem_shared>>)
      } else {
      }
      %add3A_360 = arith.constant 6 : i32
      %add3A_361 = arith.addi %add3A_340, %add3A_360 : i32
      %lt3A_362 = arith.constant 79 : i32
      %lt3A_363 = arith.cmpi slt, %add3A_361, %lt3A_362 : i32
      %convert_element_type3A_364 = arith.extui %lt3A_363 : i1 to i32
      %cond3A_365 = arith.constant 0 : i32
      %cond3A_366 = arith.cmpi ne, %convert_element_type3A_364, %cond3A_365 : i32
      scf.if %cond3A_366 {
        %add3A_667 = arith.constant 6 : i32
        %add3A_668 = arith.addi %add3A_340, %add3A_667 : i32
        %dma_start3A_669 = arith.constant 0 : i32
        %dma_start3A_670 = tpu.memref_slice %arg5[%add3A_668, %dma_start3A_669] : memref<79x128xi32, #tpu.memory_space<vmem>> -> memref<1x128xi32, #tpu.memory_space<vmem>>
        %dma_start3A_671 = tpu.memref_squeeze %dma_start3A_670 : memref<1x128xi32, #tpu.memory_space<vmem>> -> memref<128xi32, #tpu.memory_space<vmem>>
        %dma_start3A_672 = arith.constant 0 : i32
        %dma_start3A_673 = arith.constant 0 : i32
        %dma_start3A_674 = tpu.memref_slice %arg2[%dma_start3A_672, %dma_start3A_673] : memref<10016x64xbf16, #tpu.memory_space<hbm>> -> memref<10016x64xbf16, #tpu.memory_space<hbm>>
        tpu.enqueue_indirect_dma source(%dma_start3A_674 : memref<10016x64xbf16, #tpu.memory_space<hbm>>) target(%arg14 : memref<128x64xbf16, #tpu.memory_space<vmem>>) offsets(%dma_start3A_671 : memref<128xi32, #tpu.memory_space<vmem>>) semaphore(%arg26 : memref<!tpu.dma_semaphore, #tpu.memory_space<semaphore_mem>>)
      } else {
      }
      %mul3A_367 = arith.constant 12 : i32
      %mul3A_368 = arith.muli %scan3A_310, %mul3A_367 : i32
      %add3A_369 = arith.constant 2 : i32
      %add3A_370 = arith.addi %mul3A_368, %add3A_369 : i32
      %dma_wait3A_371 = arith.constant 0 : i32
      %dma_wait3A_372 = tpu.memref_slice %arg5[%add3A_370, %dma_wait3A_371] : memref<79x128xi32, #tpu.memory_space<vmem>> -> memref<1x128xi32, #tpu.memory_space<vmem>>
      %dma_wait3A_373 = tpu.memref_squeeze %dma_wait3A_372 : memref<1x128xi32, #tpu.memory_space<vmem>> -> memref<128xi32, #tpu.memory_space<vmem>>
      %dma_wait3A_374 = arith.constant 0 : i32
      %dma_wait3A_375 = arith.constant 0 : i32
      %dma_wait3A_376 = tpu.memref_slice %arg2[%dma_wait3A_374, %dma_wait3A_375] : memref<10016x64xbf16, #tpu.memory_space<hbm>> -> memref<10016x64xbf16, #tpu.memory_space<hbm>>
      tpu.wait_indirect_dma semaphore(%arg21 : memref<!tpu.dma_semaphore, #tpu.memory_space<semaphore_mem>>) src(%dma_wait3A_376 : memref<10016x64xbf16, #tpu.memory_space<hbm>>) dst(%arg9 : memref<128x64xbf16, #tpu.memory_space<vmem>>)
      %dma_start3A_377 = arith.constant 0 : i32
      %dma_start3A_378 = tpu.memref_slice %arg6[%add3A_370, %dma_start3A_377] : memref<79x128xi32, #tpu.memory_space<vmem>> -> memref<1x128xi32, #tpu.memory_space<vmem>>
      %dma_start3A_379 = tpu.memref_squeeze %dma_start3A_378 : memref<1x128xi32, #tpu.memory_space<vmem>> -> memref<128xi32, #tpu.memory_space<vmem>>
      %dma_start3A_380 = arith.constant 0 : i32
      %dma_start3A_381 = arith.constant 0 : i32
      %dma_start3A_382 = tpu.memref_slice %arg31[%dma_start3A_380, %dma_start3A_381] : memref<10016x64xbf16, #tpu.memory_space<vmem_shared>> -> memref<10016x64xbf16, #tpu.memory_space<vmem_shared>>
      tpu.enqueue_indirect_dma source(%arg9 : memref<128x64xbf16, #tpu.memory_space<vmem>>) target(%dma_start3A_382 : memref<10016x64xbf16, #tpu.memory_space<vmem_shared>>) offsets(%dma_start3A_379 : memref<128xi32, #tpu.memory_space<vmem>>) semaphore(%arg21 : memref<!tpu.dma_semaphore, #tpu.memory_space<semaphore_mem>>) {add = true}
      %add3A_383 = arith.constant 6 : i32
      %add3A_384 = arith.addi %add3A_370, %add3A_383 : i32
      %ge3A_385 = arith.constant 12 : i32
      %ge3A_386 = arith.cmpi sge, %add3A_384, %ge3A_385 : i32
      %convert_element_type3A_387 = arith.extui %ge3A_386 : i1 to i32
      %cond3A_388 = arith.constant 0 : i32
      %cond3A_389 = arith.cmpi ne, %convert_element_type3A_387, %cond3A_388 : i32
      scf.if %cond3A_389 {
        %dma_wait3A_667 = arith.constant 0 : i32
        %dma_wait3A_668 = tpu.memref_slice %arg6[%add3A_370, %dma_wait3A_667] : memref<79x128xi32, #tpu.memory_space<vmem>> -> memref<1x128xi32, #tpu.memory_space<vmem>>
        %dma_wait3A_669 = tpu.memref_squeeze %dma_wait3A_668 : memref<1x128xi32, #tpu.memory_space<vmem>> -> memref<128xi32, #tpu.memory_space<vmem>>
        %dma_wait3A_670 = arith.constant 0 : i32
        %dma_wait3A_671 = arith.constant 0 : i32
        %dma_wait3A_672 = tpu.memref_slice %arg31[%dma_wait3A_670, %dma_wait3A_671] : memref<10016x64xbf16, #tpu.memory_space<vmem_shared>> -> memref<10016x64xbf16, #tpu.memory_space<vmem_shared>>
        tpu.wait_indirect_dma semaphore(%arg27 : memref<!tpu.dma_semaphore, #tpu.memory_space<semaphore_mem>>) src(%arg15 : memref<128x64xbf16, #tpu.memory_space<vmem>>) dst(%dma_wait3A_672 : memref<10016x64xbf16, #tpu.memory_space<vmem_shared>>)
      } else {
      }
      %add3A_390 = arith.constant 6 : i32
      %add3A_391 = arith.addi %add3A_370, %add3A_390 : i32
      %lt3A_392 = arith.constant 79 : i32
      %lt3A_393 = arith.cmpi slt, %add3A_391, %lt3A_392 : i32
      %convert_element_type3A_394 = arith.extui %lt3A_393 : i1 to i32
      %cond3A_395 = arith.constant 0 : i32
      %cond3A_396 = arith.cmpi ne, %convert_element_type3A_394, %cond3A_395 : i32
      scf.if %cond3A_396 {
        %add3A_667 = arith.constant 6 : i32
        %add3A_668 = arith.addi %add3A_370, %add3A_667 : i32
        %dma_start3A_669 = arith.constant 0 : i32
        %dma_start3A_670 = tpu.memref_slice %arg5[%add3A_668, %dma_start3A_669] : memref<79x128xi32, #tpu.memory_space<vmem>> -> memref<1x128xi32, #tpu.memory_space<vmem>>
        %dma_start3A_671 = tpu.memref_squeeze %dma_start3A_670 : memref<1x128xi32, #tpu.memory_space<vmem>> -> memref<128xi32, #tpu.memory_space<vmem>>
        %dma_start3A_672 = arith.constant 0 : i32
        %dma_start3A_673 = arith.constant 0 : i32
        %dma_start3A_674 = tpu.memref_slice %arg2[%dma_start3A_672, %dma_start3A_673] : memref<10016x64xbf16, #tpu.memory_space<hbm>> -> memref<10016x64xbf16, #tpu.memory_space<hbm>>
        tpu.enqueue_indirect_dma source(%dma_start3A_674 : memref<10016x64xbf16, #tpu.memory_space<hbm>>) target(%arg15 : memref<128x64xbf16, #tpu.memory_space<vmem>>) offsets(%dma_start3A_671 : memref<128xi32, #tpu.memory_space<vmem>>) semaphore(%arg27 : memref<!tpu.dma_semaphore, #tpu.memory_space<semaphore_mem>>)
      } else {
      }
      %mul3A_397 = arith.constant 12 : i32
      %mul3A_398 = arith.muli %scan3A_310, %mul3A_397 : i32
      %add3A_399 = arith.constant 3 : i32
      %add3A_400 = arith.addi %mul3A_398, %add3A_399 : i32
      %dma_wait3A_401 = arith.constant 0 : i32
      %dma_wait3A_402 = tpu.memref_slice %arg5[%add3A_400, %dma_wait3A_401] : memref<79x128xi32, #tpu.memory_space<vmem>> -> memref<1x128xi32, #tpu.memory_space<vmem>>
      %dma_wait3A_403 = tpu.memref_squeeze %dma_wait3A_402 : memref<1x128xi32, #tpu.memory_space<vmem>> -> memref<128xi32, #tpu.memory_space<vmem>>
      %dma_wait3A_404 = arith.constant 0 : i32
      %dma_wait3A_405 = arith.constant 0 : i32
      %dma_wait3A_406 = tpu.memref_slice %arg2[%dma_wait3A_404, %dma_wait3A_405] : memref<10016x64xbf16, #tpu.memory_space<hbm>> -> memref<10016x64xbf16, #tpu.memory_space<hbm>>
      tpu.wait_indirect_dma semaphore(%arg22 : memref<!tpu.dma_semaphore, #tpu.memory_space<semaphore_mem>>) src(%dma_wait3A_406 : memref<10016x64xbf16, #tpu.memory_space<hbm>>) dst(%arg10 : memref<128x64xbf16, #tpu.memory_space<vmem>>)
      %dma_start3A_407 = arith.constant 0 : i32
      %dma_start3A_408 = tpu.memref_slice %arg6[%add3A_400, %dma_start3A_407] : memref<79x128xi32, #tpu.memory_space<vmem>> -> memref<1x128xi32, #tpu.memory_space<vmem>>
      %dma_start3A_409 = tpu.memref_squeeze %dma_start3A_408 : memref<1x128xi32, #tpu.memory_space<vmem>> -> memref<128xi32, #tpu.memory_space<vmem>>
      %dma_start3A_410 = arith.constant 0 : i32
      %dma_start3A_411 = arith.constant 0 : i32
      %dma_start3A_412 = tpu.memref_slice %arg31[%dma_start3A_410, %dma_start3A_411] : memref<10016x64xbf16, #tpu.memory_space<vmem_shared>> -> memref<10016x64xbf16, #tpu.memory_space<vmem_shared>>
      tpu.enqueue_indirect_dma source(%arg10 : memref<128x64xbf16, #tpu.memory_space<vmem>>) target(%dma_start3A_412 : memref<10016x64xbf16, #tpu.memory_space<vmem_shared>>) offsets(%dma_start3A_409 : memref<128xi32, #tpu.memory_space<vmem>>) semaphore(%arg22 : memref<!tpu.dma_semaphore, #tpu.memory_space<semaphore_mem>>) {add = true}
      %add3A_413 = arith.constant 6 : i32
      %add3A_414 = arith.addi %add3A_400, %add3A_413 : i32
      %ge3A_415 = arith.constant 12 : i32
      %ge3A_416 = arith.cmpi sge, %add3A_414, %ge3A_415 : i32
      %convert_element_type3A_417 = arith.extui %ge3A_416 : i1 to i32
      %cond3A_418 = arith.constant 0 : i32
      %cond3A_419 = arith.cmpi ne, %convert_element_type3A_417, %cond3A_418 : i32
      scf.if %cond3A_419 {
        %dma_wait3A_667 = arith.constant 0 : i32
        %dma_wait3A_668 = tpu.memref_slice %arg6[%add3A_400, %dma_wait3A_667] : memref<79x128xi32, #tpu.memory_space<vmem>> -> memref<1x128xi32, #tpu.memory_space<vmem>>
        %dma_wait3A_669 = tpu.memref_squeeze %dma_wait3A_668 : memref<1x128xi32, #tpu.memory_space<vmem>> -> memref<128xi32, #tpu.memory_space<vmem>>
        %dma_wait3A_670 = arith.constant 0 : i32
        %dma_wait3A_671 = arith.constant 0 : i32
        %dma_wait3A_672 = tpu.memref_slice %arg31[%dma_wait3A_670, %dma_wait3A_671] : memref<10016x64xbf16, #tpu.memory_space<vmem_shared>> -> memref<10016x64xbf16, #tpu.memory_space<vmem_shared>>
        tpu.wait_indirect_dma semaphore(%arg28 : memref<!tpu.dma_semaphore, #tpu.memory_space<semaphore_mem>>) src(%arg16 : memref<128x64xbf16, #tpu.memory_space<vmem>>) dst(%dma_wait3A_672 : memref<10016x64xbf16, #tpu.memory_space<vmem_shared>>)
      } else {
      }
      %add3A_420 = arith.constant 6 : i32
      %add3A_421 = arith.addi %add3A_400, %add3A_420 : i32
      %lt3A_422 = arith.constant 79 : i32
      %lt3A_423 = arith.cmpi slt, %add3A_421, %lt3A_422 : i32
      %convert_element_type3A_424 = arith.extui %lt3A_423 : i1 to i32
      %cond3A_425 = arith.constant 0 : i32
      %cond3A_426 = arith.cmpi ne, %convert_element_type3A_424, %cond3A_425 : i32
      scf.if %cond3A_426 {
        %add3A_667 = arith.constant 6 : i32
        %add3A_668 = arith.addi %add3A_400, %add3A_667 : i32
        %dma_start3A_669 = arith.constant 0 : i32
        %dma_start3A_670 = tpu.memref_slice %arg5[%add3A_668, %dma_start3A_669] : memref<79x128xi32, #tpu.memory_space<vmem>> -> memref<1x128xi32, #tpu.memory_space<vmem>>
        %dma_start3A_671 = tpu.memref_squeeze %dma_start3A_670 : memref<1x128xi32, #tpu.memory_space<vmem>> -> memref<128xi32, #tpu.memory_space<vmem>>
        %dma_start3A_672 = arith.constant 0 : i32
        %dma_start3A_673 = arith.constant 0 : i32
        %dma_start3A_674 = tpu.memref_slice %arg2[%dma_start3A_672, %dma_start3A_673] : memref<10016x64xbf16, #tpu.memory_space<hbm>> -> memref<10016x64xbf16, #tpu.memory_space<hbm>>
        tpu.enqueue_indirect_dma source(%dma_start3A_674 : memref<10016x64xbf16, #tpu.memory_space<hbm>>) target(%arg16 : memref<128x64xbf16, #tpu.memory_space<vmem>>) offsets(%dma_start3A_671 : memref<128xi32, #tpu.memory_space<vmem>>) semaphore(%arg28 : memref<!tpu.dma_semaphore, #tpu.memory_space<semaphore_mem>>)
      } else {
      }
      %mul3A_427 = arith.constant 12 : i32
      %mul3A_428 = arith.muli %scan3A_310, %mul3A_427 : i32
      %add3A_429 = arith.constant 4 : i32
      %add3A_430 = arith.addi %mul3A_428, %add3A_429 : i32
      %dma_wait3A_431 = arith.constant 0 : i32
      %dma_wait3A_432 = tpu.memref_slice %arg5[%add3A_430, %dma_wait3A_431] : memref<79x128xi32, #tpu.memory_space<vmem>> -> memref<1x128xi32, #tpu.memory_space<vmem>>
      %dma_wait3A_433 = tpu.memref_squeeze %dma_wait3A_432 : memref<1x128xi32, #tpu.memory_space<vmem>> -> memref<128xi32, #tpu.memory_space<vmem>>
      %dma_wait3A_434 = arith.constant 0 : i32
      %dma_wait3A_435 = arith.constant 0 : i32
      %dma_wait3A_436 = tpu.memref_slice %arg2[%dma_wait3A_434, %dma_wait3A_435] : memref<10016x64xbf16, #tpu.memory_space<hbm>> -> memref<10016x64xbf16, #tpu.memory_space<hbm>>
      tpu.wait_indirect_dma semaphore(%arg23 : memref<!tpu.dma_semaphore, #tpu.memory_space<semaphore_mem>>) src(%dma_wait3A_436 : memref<10016x64xbf16, #tpu.memory_space<hbm>>) dst(%arg11 : memref<128x64xbf16, #tpu.memory_space<vmem>>)
      %dma_start3A_437 = arith.constant 0 : i32
      %dma_start3A_438 = tpu.memref_slice %arg6[%add3A_430, %dma_start3A_437] : memref<79x128xi32, #tpu.memory_space<vmem>> -> memref<1x128xi32, #tpu.memory_space<vmem>>
      %dma_start3A_439 = tpu.memref_squeeze %dma_start3A_438 : memref<1x128xi32, #tpu.memory_space<vmem>> -> memref<128xi32, #tpu.memory_space<vmem>>
      %dma_start3A_440 = arith.constant 0 : i32
      %dma_start3A_441 = arith.constant 0 : i32
      %dma_start3A_442 = tpu.memref_slice %arg31[%dma_start3A_440, %dma_start3A_441] : memref<10016x64xbf16, #tpu.memory_space<vmem_shared>> -> memref<10016x64xbf16, #tpu.memory_space<vmem_shared>>
      tpu.enqueue_indirect_dma source(%arg11 : memref<128x64xbf16, #tpu.memory_space<vmem>>) target(%dma_start3A_442 : memref<10016x64xbf16, #tpu.memory_space<vmem_shared>>) offsets(%dma_start3A_439 : memref<128xi32, #tpu.memory_space<vmem>>) semaphore(%arg23 : memref<!tpu.dma_semaphore, #tpu.memory_space<semaphore_mem>>) {add = true}
      %add3A_443 = arith.constant 6 : i32
      %add3A_444 = arith.addi %add3A_430, %add3A_443 : i32
      %ge3A_445 = arith.constant 12 : i32
      %ge3A_446 = arith.cmpi sge, %add3A_444, %ge3A_445 : i32
      %convert_element_type3A_447 = arith.extui %ge3A_446 : i1 to i32
      %cond3A_448 = arith.constant 0 : i32
      %cond3A_449 = arith.cmpi ne, %convert_element_type3A_447, %cond3A_448 : i32
      scf.if %cond3A_449 {
        %dma_wait3A_667 = arith.constant 0 : i32
        %dma_wait3A_668 = tpu.memref_slice %arg6[%add3A_430, %dma_wait3A_667] : memref<79x128xi32, #tpu.memory_space<vmem>> -> memref<1x128xi32, #tpu.memory_space<vmem>>
        %dma_wait3A_669 = tpu.memref_squeeze %dma_wait3A_668 : memref<1x128xi32, #tpu.memory_space<vmem>> -> memref<128xi32, #tpu.memory_space<vmem>>
        %dma_wait3A_670 = arith.constant 0 : i32
        %dma_wait3A_671 = arith.constant 0 : i32
        %dma_wait3A_672 = tpu.memref_slice %arg31[%dma_wait3A_670, %dma_wait3A_671] : memref<10016x64xbf16, #tpu.memory_space<vmem_shared>> -> memref<10016x64xbf16, #tpu.memory_space<vmem_shared>>
        tpu.wait_indirect_dma semaphore(%arg29 : memref<!tpu.dma_semaphore, #tpu.memory_space<semaphore_mem>>) src(%arg17 : memref<128x64xbf16, #tpu.memory_space<vmem>>) dst(%dma_wait3A_672 : memref<10016x64xbf16, #tpu.memory_space<vmem_shared>>)
      } else {
      }
      %add3A_450 = arith.constant 6 : i32
      %add3A_451 = arith.addi %add3A_430, %add3A_450 : i32
      %lt3A_452 = arith.constant 79 : i32
      %lt3A_453 = arith.cmpi slt, %add3A_451, %lt3A_452 : i32
      %convert_element_type3A_454 = arith.extui %lt3A_453 : i1 to i32
      %cond3A_455 = arith.constant 0 : i32
      %cond3A_456 = arith.cmpi ne, %convert_element_type3A_454, %cond3A_455 : i32
      scf.if %cond3A_456 {
        %add3A_667 = arith.constant 6 : i32
        %add3A_668 = arith.addi %add3A_430, %add3A_667 : i32
        %dma_start3A_669 = arith.constant 0 : i32
        %dma_start3A_670 = tpu.memref_slice %arg5[%add3A_668, %dma_start3A_669] : memref<79x128xi32, #tpu.memory_space<vmem>> -> memref<1x128xi32, #tpu.memory_space<vmem>>
        %dma_start3A_671 = tpu.memref_squeeze %dma_start3A_670 : memref<1x128xi32, #tpu.memory_space<vmem>> -> memref<128xi32, #tpu.memory_space<vmem>>
        %dma_start3A_672 = arith.constant 0 : i32
        %dma_start3A_673 = arith.constant 0 : i32
        %dma_start3A_674 = tpu.memref_slice %arg2[%dma_start3A_672, %dma_start3A_673] : memref<10016x64xbf16, #tpu.memory_space<hbm>> -> memref<10016x64xbf16, #tpu.memory_space<hbm>>
        tpu.enqueue_indirect_dma source(%dma_start3A_674 : memref<10016x64xbf16, #tpu.memory_space<hbm>>) target(%arg17 : memref<128x64xbf16, #tpu.memory_space<vmem>>) offsets(%dma_start3A_671 : memref<128xi32, #tpu.memory_space<vmem>>) semaphore(%arg29 : memref<!tpu.dma_semaphore, #tpu.memory_space<semaphore_mem>>)
      } else {
      }
      %mul3A_457 = arith.constant 12 : i32
      %mul3A_458 = arith.muli %scan3A_310, %mul3A_457 : i32
      %add3A_459 = arith.constant 5 : i32
      %add3A_460 = arith.addi %mul3A_458, %add3A_459 : i32
      %dma_wait3A_461 = arith.constant 0 : i32
      %dma_wait3A_462 = tpu.memref_slice %arg5[%add3A_460, %dma_wait3A_461] : memref<79x128xi32, #tpu.memory_space<vmem>> -> memref<1x128xi32, #tpu.memory_space<vmem>>
      %dma_wait3A_463 = tpu.memref_squeeze %dma_wait3A_462 : memref<1x128xi32, #tpu.memory_space<vmem>> -> memref<128xi32, #tpu.memory_space<vmem>>
      %dma_wait3A_464 = arith.constant 0 : i32
      %dma_wait3A_465 = arith.constant 0 : i32
      %dma_wait3A_466 = tpu.memref_slice %arg2[%dma_wait3A_464, %dma_wait3A_465] : memref<10016x64xbf16, #tpu.memory_space<hbm>> -> memref<10016x64xbf16, #tpu.memory_space<hbm>>
      tpu.wait_indirect_dma semaphore(%arg24 : memref<!tpu.dma_semaphore, #tpu.memory_space<semaphore_mem>>) src(%dma_wait3A_466 : memref<10016x64xbf16, #tpu.memory_space<hbm>>) dst(%arg12 : memref<128x64xbf16, #tpu.memory_space<vmem>>)
      %dma_start3A_467 = arith.constant 0 : i32
      %dma_start3A_468 = tpu.memref_slice %arg6[%add3A_460, %dma_start3A_467] : memref<79x128xi32, #tpu.memory_space<vmem>> -> memref<1x128xi32, #tpu.memory_space<vmem>>
      %dma_start3A_469 = tpu.memref_squeeze %dma_start3A_468 : memref<1x128xi32, #tpu.memory_space<vmem>> -> memref<128xi32, #tpu.memory_space<vmem>>
      %dma_start3A_470 = arith.constant 0 : i32
      %dma_start3A_471 = arith.constant 0 : i32
      %dma_start3A_472 = tpu.memref_slice %arg31[%dma_start3A_470, %dma_start3A_471] : memref<10016x64xbf16, #tpu.memory_space<vmem_shared>> -> memref<10016x64xbf16, #tpu.memory_space<vmem_shared>>
      tpu.enqueue_indirect_dma source(%arg12 : memref<128x64xbf16, #tpu.memory_space<vmem>>) target(%dma_start3A_472 : memref<10016x64xbf16, #tpu.memory_space<vmem_shared>>) offsets(%dma_start3A_469 : memref<128xi32, #tpu.memory_space<vmem>>) semaphore(%arg24 : memref<!tpu.dma_semaphore, #tpu.memory_space<semaphore_mem>>) {add = true}
      %add3A_473 = arith.constant 6 : i32
      %add3A_474 = arith.addi %add3A_460, %add3A_473 : i32
      %ge3A_475 = arith.constant 12 : i32
      %ge3A_476 = arith.cmpi sge, %add3A_474, %ge3A_475 : i32
      %convert_element_type3A_477 = arith.extui %ge3A_476 : i1 to i32
      %cond3A_478 = arith.constant 0 : i32
      %cond3A_479 = arith.cmpi ne, %convert_element_type3A_477, %cond3A_478 : i32
      scf.if %cond3A_479 {
        %dma_wait3A_667 = arith.constant 0 : i32
        %dma_wait3A_668 = tpu.memref_slice %arg6[%add3A_460, %dma_wait3A_667] : memref<79x128xi32, #tpu.memory_space<vmem>> -> memref<1x128xi32, #tpu.memory_space<vmem>>
        %dma_wait3A_669 = tpu.memref_squeeze %dma_wait3A_668 : memref<1x128xi32, #tpu.memory_space<vmem>> -> memref<128xi32, #tpu.memory_space<vmem>>
        %dma_wait3A_670 = arith.constant 0 : i32
        %dma_wait3A_671 = arith.constant 0 : i32
        %dma_wait3A_672 = tpu.memref_slice %arg31[%dma_wait3A_670, %dma_wait3A_671] : memref<10016x64xbf16, #tpu.memory_space<vmem_shared>> -> memref<10016x64xbf16, #tpu.memory_space<vmem_shared>>
        tpu.wait_indirect_dma semaphore(%arg30 : memref<!tpu.dma_semaphore, #tpu.memory_space<semaphore_mem>>) src(%arg18 : memref<128x64xbf16, #tpu.memory_space<vmem>>) dst(%dma_wait3A_672 : memref<10016x64xbf16, #tpu.memory_space<vmem_shared>>)
      } else {
      }
      %add3A_480 = arith.constant 6 : i32
      %add3A_481 = arith.addi %add3A_460, %add3A_480 : i32
      %lt3A_482 = arith.constant 79 : i32
      %lt3A_483 = arith.cmpi slt, %add3A_481, %lt3A_482 : i32
      %convert_element_type3A_484 = arith.extui %lt3A_483 : i1 to i32
      %cond3A_485 = arith.constant 0 : i32
      %cond3A_486 = arith.cmpi ne, %convert_element_type3A_484, %cond3A_485 : i32
      scf.if %cond3A_486 {
        %add3A_667 = arith.constant 6 : i32
        %add3A_668 = arith.addi %add3A_460, %add3A_667 : i32
        %dma_start3A_669 = arith.constant 0 : i32
        %dma_start3A_670 = tpu.memref_slice %arg5[%add3A_668, %dma_start3A_669] : memref<79x128xi32, #tpu.memory_space<vmem>> -> memref<1x128xi32, #tpu.memory_space<vmem>>
        %dma_start3A_671 = tpu.memref_squeeze %dma_start3A_670 : memref<1x128xi32, #tpu.memory_space<vmem>> -> memref<128xi32, #tpu.memory_space<vmem>>
        %dma_start3A_672 = arith.constant 0 : i32
        %dma_start3A_673 = arith.constant 0 : i32
        %dma_start3A_674 = tpu.memref_slice %arg2[%dma_start3A_672, %dma_start3A_673] : memref<10016x64xbf16, #tpu.memory_space<hbm>> -> memref<10016x64xbf16, #tpu.memory_space<hbm>>
        tpu.enqueue_indirect_dma source(%dma_start3A_674 : memref<10016x64xbf16, #tpu.memory_space<hbm>>) target(%arg18 : memref<128x64xbf16, #tpu.memory_space<vmem>>) offsets(%dma_start3A_671 : memref<128xi32, #tpu.memory_space<vmem>>) semaphore(%arg30 : memref<!tpu.dma_semaphore, #tpu.memory_space<semaphore_mem>>)
      } else {
      }
      %mul3A_487 = arith.constant 12 : i32
      %mul3A_488 = arith.muli %scan3A_310, %mul3A_487 : i32
      %add3A_489 = arith.constant 6 : i32
      %add3A_490 = arith.addi %mul3A_488, %add3A_489 : i32
      %dma_wait3A_491 = arith.constant 0 : i32
      %dma_wait3A_492 = tpu.memref_slice %arg5[%add3A_490, %dma_wait3A_491] : memref<79x128xi32, #tpu.memory_space<vmem>> -> memref<1x128xi32, #tpu.memory_space<vmem>>
      %dma_wait3A_493 = tpu.memref_squeeze %dma_wait3A_492 : memref<1x128xi32, #tpu.memory_space<vmem>> -> memref<128xi32, #tpu.memory_space<vmem>>
      %dma_wait3A_494 = arith.constant 0 : i32
      %dma_wait3A_495 = arith.constant 0 : i32
      %dma_wait3A_496 = tpu.memref_slice %arg2[%dma_wait3A_494, %dma_wait3A_495] : memref<10016x64xbf16, #tpu.memory_space<hbm>> -> memref<10016x64xbf16, #tpu.memory_space<hbm>>
      tpu.wait_indirect_dma semaphore(%arg25 : memref<!tpu.dma_semaphore, #tpu.memory_space<semaphore_mem>>) src(%dma_wait3A_496 : memref<10016x64xbf16, #tpu.memory_space<hbm>>) dst(%arg13 : memref<128x64xbf16, #tpu.memory_space<vmem>>)
      %dma_start3A_497 = arith.constant 0 : i32
      %dma_start3A_498 = tpu.memref_slice %arg6[%add3A_490, %dma_start3A_497] : memref<79x128xi32, #tpu.memory_space<vmem>> -> memref<1x128xi32, #tpu.memory_space<vmem>>
      %dma_start3A_499 = tpu.memref_squeeze %dma_start3A_498 : memref<1x128xi32, #tpu.memory_space<vmem>> -> memref<128xi32, #tpu.memory_space<vmem>>
      %dma_start3A_500 = arith.constant 0 : i32
      %dma_start3A_501 = arith.constant 0 : i32
      %dma_start3A_502 = tpu.memref_slice %arg31[%dma_start3A_500, %dma_start3A_501] : memref<10016x64xbf16, #tpu.memory_space<vmem_shared>> -> memref<10016x64xbf16, #tpu.memory_space<vmem_shared>>
      tpu.enqueue_indirect_dma source(%arg13 : memref<128x64xbf16, #tpu.memory_space<vmem>>) target(%dma_start3A_502 : memref<10016x64xbf16, #tpu.memory_space<vmem_shared>>) offsets(%dma_start3A_499 : memref<128xi32, #tpu.memory_space<vmem>>) semaphore(%arg25 : memref<!tpu.dma_semaphore, #tpu.memory_space<semaphore_mem>>) {add = true}
      %add3A_503 = arith.constant 6 : i32
      %add3A_504 = arith.addi %add3A_490, %add3A_503 : i32
      %ge3A_505 = arith.constant 12 : i32
      %ge3A_506 = arith.cmpi sge, %add3A_504, %ge3A_505 : i32
      %convert_element_type3A_507 = arith.extui %ge3A_506 : i1 to i32
      %cond3A_508 = arith.constant 0 : i32
      %cond3A_509 = arith.cmpi ne, %convert_element_type3A_507, %cond3A_508 : i32
      scf.if %cond3A_509 {
        %dma_wait3A_667 = arith.constant 0 : i32
        %dma_wait3A_668 = tpu.memref_slice %arg6[%add3A_490, %dma_wait3A_667] : memref<79x128xi32, #tpu.memory_space<vmem>> -> memref<1x128xi32, #tpu.memory_space<vmem>>
        %dma_wait3A_669 = tpu.memref_squeeze %dma_wait3A_668 : memref<1x128xi32, #tpu.memory_space<vmem>> -> memref<128xi32, #tpu.memory_space<vmem>>
        %dma_wait3A_670 = arith.constant 0 : i32
        %dma_wait3A_671 = arith.constant 0 : i32
        %dma_wait3A_672 = tpu.memref_slice %arg31[%dma_wait3A_670, %dma_wait3A_671] : memref<10016x64xbf16, #tpu.memory_space<vmem_shared>> -> memref<10016x64xbf16, #tpu.memory_space<vmem_shared>>
        tpu.wait_indirect_dma semaphore(%arg19 : memref<!tpu.dma_semaphore, #tpu.memory_space<semaphore_mem>>) src(%arg7 : memref<128x64xbf16, #tpu.memory_space<vmem>>) dst(%dma_wait3A_672 : memref<10016x64xbf16, #tpu.memory_space<vmem_shared>>)
      } else {
      }
      %add3A_510 = arith.constant 6 : i32
      %add3A_511 = arith.addi %add3A_490, %add3A_510 : i32
      %lt3A_512 = arith.constant 79 : i32
      %lt3A_513 = arith.cmpi slt, %add3A_511, %lt3A_512 : i32
      %convert_element_type3A_514 = arith.extui %lt3A_513 : i1 to i32
      %cond3A_515 = arith.constant 0 : i32
      %cond3A_516 = arith.cmpi ne, %convert_element_type3A_514, %cond3A_515 : i32
      scf.if %cond3A_516 {
        %add3A_667 = arith.constant 6 : i32
        %add3A_668 = arith.addi %add3A_490, %add3A_667 : i32
        %dma_start3A_669 = arith.constant 0 : i32
        %dma_start3A_670 = tpu.memref_slice %arg5[%add3A_668, %dma_start3A_669] : memref<79x128xi32, #tpu.memory_space<vmem>> -> memref<1x128xi32, #tpu.memory_space<vmem>>
        %dma_start3A_671 = tpu.memref_squeeze %dma_start3A_670 : memref<1x128xi32, #tpu.memory_space<vmem>> -> memref<128xi32, #tpu.memory_space<vmem>>
        %dma_start3A_672 = arith.constant 0 : i32
        %dma_start3A_673 = arith.constant 0 : i32
        %dma_start3A_674 = tpu.memref_slice %arg2[%dma_start3A_672, %dma_start3A_673] : memref<10016x64xbf16, #tpu.memory_space<hbm>> -> memref<10016x64xbf16, #tpu.memory_space<hbm>>
        tpu.enqueue_indirect_dma source(%dma_start3A_674 : memref<10016x64xbf16, #tpu.memory_space<hbm>>) target(%arg7 : memref<128x64xbf16, #tpu.memory_space<vmem>>) offsets(%dma_start3A_671 : memref<128xi32, #tpu.memory_space<vmem>>) semaphore(%arg19 : memref<!tpu.dma_semaphore, #tpu.memory_space<semaphore_mem>>)
      } else {
      }
      %mul3A_517 = arith.constant 12 : i32
      %mul3A_518 = arith.muli %scan3A_310, %mul3A_517 : i32
      %add3A_519 = arith.constant 7 : i32
      %add3A_520 = arith.addi %mul3A_518, %add3A_519 : i32
      %dma_wait3A_521 = arith.constant 0 : i32
      %dma_wait3A_522 = tpu.memref_slice %arg5[%add3A_520, %dma_wait3A_521] : memref<79x128xi32, #tpu.memory_space<vmem>> -> memref<1x128xi32, #tpu.memory_space<vmem>>
      %dma_wait3A_523 = tpu.memref_squeeze %dma_wait3A_522 : memref<1x128xi32, #tpu.memory_space<vmem>> -> memref<128xi32, #tpu.memory_space<vmem>>
      %dma_wait3A_524 = arith.constant 0 : i32
      %dma_wait3A_525 = arith.constant 0 : i32
      %dma_wait3A_526 = tpu.memref_slice %arg2[%dma_wait3A_524, %dma_wait3A_525] : memref<10016x64xbf16, #tpu.memory_space<hbm>> -> memref<10016x64xbf16, #tpu.memory_space<hbm>>
      tpu.wait_indirect_dma semaphore(%arg26 : memref<!tpu.dma_semaphore, #tpu.memory_space<semaphore_mem>>) src(%dma_wait3A_526 : memref<10016x64xbf16, #tpu.memory_space<hbm>>) dst(%arg14 : memref<128x64xbf16, #tpu.memory_space<vmem>>)
      %dma_start3A_527 = arith.constant 0 : i32
      %dma_start3A_528 = tpu.memref_slice %arg6[%add3A_520, %dma_start3A_527] : memref<79x128xi32, #tpu.memory_space<vmem>> -> memref<1x128xi32, #tpu.memory_space<vmem>>
      %dma_start3A_529 = tpu.memref_squeeze %dma_start3A_528 : memref<1x128xi32, #tpu.memory_space<vmem>> -> memref<128xi32, #tpu.memory_space<vmem>>
      %dma_start3A_530 = arith.constant 0 : i32
      %dma_start3A_531 = arith.constant 0 : i32
      %dma_start3A_532 = tpu.memref_slice %arg31[%dma_start3A_530, %dma_start3A_531] : memref<10016x64xbf16, #tpu.memory_space<vmem_shared>> -> memref<10016x64xbf16, #tpu.memory_space<vmem_shared>>
      tpu.enqueue_indirect_dma source(%arg14 : memref<128x64xbf16, #tpu.memory_space<vmem>>) target(%dma_start3A_532 : memref<10016x64xbf16, #tpu.memory_space<vmem_shared>>) offsets(%dma_start3A_529 : memref<128xi32, #tpu.memory_space<vmem>>) semaphore(%arg26 : memref<!tpu.dma_semaphore, #tpu.memory_space<semaphore_mem>>) {add = true}
      %add3A_533 = arith.constant 6 : i32
      %add3A_534 = arith.addi %add3A_520, %add3A_533 : i32
      %ge3A_535 = arith.constant 12 : i32
      %ge3A_536 = arith.cmpi sge, %add3A_534, %ge3A_535 : i32
      %convert_element_type3A_537 = arith.extui %ge3A_536 : i1 to i32
      %cond3A_538 = arith.constant 0 : i32
      %cond3A_539 = arith.cmpi ne, %convert_element_type3A_537, %cond3A_538 : i32
      scf.if %cond3A_539 {
        %dma_wait3A_667 = arith.constant 0 : i32
        %dma_wait3A_668 = tpu.memref_slice %arg6[%add3A_520, %dma_wait3A_667] : memref<79x128xi32, #tpu.memory_space<vmem>> -> memref<1x128xi32, #tpu.memory_space<vmem>>
        %dma_wait3A_669 = tpu.memref_squeeze %dma_wait3A_668 : memref<1x128xi32, #tpu.memory_space<vmem>> -> memref<128xi32, #tpu.memory_space<vmem>>
        %dma_wait3A_670 = arith.constant 0 : i32
        %dma_wait3A_671 = arith.constant 0 : i32
        %dma_wait3A_672 = tpu.memref_slice %arg31[%dma_wait3A_670, %dma_wait3A_671] : memref<10016x64xbf16, #tpu.memory_space<vmem_shared>> -> memref<10016x64xbf16, #tpu.memory_space<vmem_shared>>
        tpu.wait_indirect_dma semaphore(%arg20 : memref<!tpu.dma_semaphore, #tpu.memory_space<semaphore_mem>>) src(%arg8 : memref<128x64xbf16, #tpu.memory_space<vmem>>) dst(%dma_wait3A_672 : memref<10016x64xbf16, #tpu.memory_space<vmem_shared>>)
      } else {
      }
      %add3A_540 = arith.constant 6 : i32
      %add3A_541 = arith.addi %add3A_520, %add3A_540 : i32
      %lt3A_542 = arith.constant 79 : i32
      %lt3A_543 = arith.cmpi slt, %add3A_541, %lt3A_542 : i32
      %convert_element_type3A_544 = arith.extui %lt3A_543 : i1 to i32
      %cond3A_545 = arith.constant 0 : i32
      %cond3A_546 = arith.cmpi ne, %convert_element_type3A_544, %cond3A_545 : i32
      scf.if %cond3A_546 {
        %add3A_667 = arith.constant 6 : i32
        %add3A_668 = arith.addi %add3A_520, %add3A_667 : i32
        %dma_start3A_669 = arith.constant 0 : i32
        %dma_start3A_670 = tpu.memref_slice %arg5[%add3A_668, %dma_start3A_669] : memref<79x128xi32, #tpu.memory_space<vmem>> -> memref<1x128xi32, #tpu.memory_space<vmem>>
        %dma_start3A_671 = tpu.memref_squeeze %dma_start3A_670 : memref<1x128xi32, #tpu.memory_space<vmem>> -> memref<128xi32, #tpu.memory_space<vmem>>
        %dma_start3A_672 = arith.constant 0 : i32
        %dma_start3A_673 = arith.constant 0 : i32
        %dma_start3A_674 = tpu.memref_slice %arg2[%dma_start3A_672, %dma_start3A_673] : memref<10016x64xbf16, #tpu.memory_space<hbm>> -> memref<10016x64xbf16, #tpu.memory_space<hbm>>
        tpu.enqueue_indirect_dma source(%dma_start3A_674 : memref<10016x64xbf16, #tpu.memory_space<hbm>>) target(%arg8 : memref<128x64xbf16, #tpu.memory_space<vmem>>) offsets(%dma_start3A_671 : memref<128xi32, #tpu.memory_space<vmem>>) semaphore(%arg20 : memref<!tpu.dma_semaphore, #tpu.memory_space<semaphore_mem>>)
      } else {
      }
      %mul3A_547 = arith.constant 12 : i32
      %mul3A_548 = arith.muli %scan3A_310, %mul3A_547 : i32
      %add3A_549 = arith.constant 8 : i32
      %add3A_550 = arith.addi %mul3A_548, %add3A_549 : i32
      %dma_wait3A_551 = arith.constant 0 : i32
      %dma_wait3A_552 = tpu.memref_slice %arg5[%add3A_550, %dma_wait3A_551] : memref<79x128xi32, #tpu.memory_space<vmem>> -> memref<1x128xi32, #tpu.memory_space<vmem>>
      %dma_wait3A_553 = tpu.memref_squeeze %dma_wait3A_552 : memref<1x128xi32, #tpu.memory_space<vmem>> -> memref<128xi32, #tpu.memory_space<vmem>>
      %dma_wait3A_554 = arith.constant 0 : i32
      %dma_wait3A_555 = arith.constant 0 : i32
      %dma_wait3A_556 = tpu.memref_slice %arg2[%dma_wait3A_554, %dma_wait3A_555] : memref<10016x64xbf16, #tpu.memory_space<hbm>> -> memref<10016x64xbf16, #tpu.memory_space<hbm>>
      tpu.wait_indirect_dma semaphore(%arg27 : memref<!tpu.dma_semaphore, #tpu.memory_space<semaphore_mem>>) src(%dma_wait3A_556 : memref<10016x64xbf16, #tpu.memory_space<hbm>>) dst(%arg15 : memref<128x64xbf16, #tpu.memory_space<vmem>>)
      %dma_start3A_557 = arith.constant 0 : i32
      %dma_start3A_558 = tpu.memref_slice %arg6[%add3A_550, %dma_start3A_557] : memref<79x128xi32, #tpu.memory_space<vmem>> -> memref<1x128xi32, #tpu.memory_space<vmem>>
      %dma_start3A_559 = tpu.memref_squeeze %dma_start3A_558 : memref<1x128xi32, #tpu.memory_space<vmem>> -> memref<128xi32, #tpu.memory_space<vmem>>
      %dma_start3A_560 = arith.constant 0 : i32
      %dma_start3A_561 = arith.constant 0 : i32
      %dma_start3A_562 = tpu.memref_slice %arg31[%dma_start3A_560, %dma_start3A_561] : memref<10016x64xbf16, #tpu.memory_space<vmem_shared>> -> memref<10016x64xbf16, #tpu.memory_space<vmem_shared>>
      tpu.enqueue_indirect_dma source(%arg15 : memref<128x64xbf16, #tpu.memory_space<vmem>>) target(%dma_start3A_562 : memref<10016x64xbf16, #tpu.memory_space<vmem_shared>>) offsets(%dma_start3A_559 : memref<128xi32, #tpu.memory_space<vmem>>) semaphore(%arg27 : memref<!tpu.dma_semaphore, #tpu.memory_space<semaphore_mem>>) {add = true}
      %add3A_563 = arith.constant 6 : i32
      %add3A_564 = arith.addi %add3A_550, %add3A_563 : i32
      %ge3A_565 = arith.constant 12 : i32
      %ge3A_566 = arith.cmpi sge, %add3A_564, %ge3A_565 : i32
      %convert_element_type3A_567 = arith.extui %ge3A_566 : i1 to i32
      %cond3A_568 = arith.constant 0 : i32
      %cond3A_569 = arith.cmpi ne, %convert_element_type3A_567, %cond3A_568 : i32
      scf.if %cond3A_569 {
        %dma_wait3A_667 = arith.constant 0 : i32
        %dma_wait3A_668 = tpu.memref_slice %arg6[%add3A_550, %dma_wait3A_667] : memref<79x128xi32, #tpu.memory_space<vmem>> -> memref<1x128xi32, #tpu.memory_space<vmem>>
        %dma_wait3A_669 = tpu.memref_squeeze %dma_wait3A_668 : memref<1x128xi32, #tpu.memory_space<vmem>> -> memref<128xi32, #tpu.memory_space<vmem>>
        %dma_wait3A_670 = arith.constant 0 : i32
        %dma_wait3A_671 = arith.constant 0 : i32
        %dma_wait3A_672 = tpu.memref_slice %arg31[%dma_wait3A_670, %dma_wait3A_671] : memref<10016x64xbf16, #tpu.memory_space<vmem_shared>> -> memref<10016x64xbf16, #tpu.memory_space<vmem_shared>>
        tpu.wait_indirect_dma semaphore(%arg21 : memref<!tpu.dma_semaphore, #tpu.memory_space<semaphore_mem>>) src(%arg9 : memref<128x64xbf16, #tpu.memory_space<vmem>>) dst(%dma_wait3A_672 : memref<10016x64xbf16, #tpu.memory_space<vmem_shared>>)
      } else {
      }
      %add3A_570 = arith.constant 6 : i32
      %add3A_571 = arith.addi %add3A_550, %add3A_570 : i32
      %lt3A_572 = arith.constant 79 : i32
      %lt3A_573 = arith.cmpi slt, %add3A_571, %lt3A_572 : i32
      %convert_element_type3A_574 = arith.extui %lt3A_573 : i1 to i32
      %cond3A_575 = arith.constant 0 : i32
      %cond3A_576 = arith.cmpi ne, %convert_element_type3A_574, %cond3A_575 : i32
      scf.if %cond3A_576 {
        %add3A_667 = arith.constant 6 : i32
        %add3A_668 = arith.addi %add3A_550, %add3A_667 : i32
        %dma_start3A_669 = arith.constant 0 : i32
        %dma_start3A_670 = tpu.memref_slice %arg5[%add3A_668, %dma_start3A_669] : memref<79x128xi32, #tpu.memory_space<vmem>> -> memref<1x128xi32, #tpu.memory_space<vmem>>
        %dma_start3A_671 = tpu.memref_squeeze %dma_start3A_670 : memref<1x128xi32, #tpu.memory_space<vmem>> -> memref<128xi32, #tpu.memory_space<vmem>>
        %dma_start3A_672 = arith.constant 0 : i32
        %dma_start3A_673 = arith.constant 0 : i32
        %dma_start3A_674 = tpu.memref_slice %arg2[%dma_start3A_672, %dma_start3A_673] : memref<10016x64xbf16, #tpu.memory_space<hbm>> -> memref<10016x64xbf16, #tpu.memory_space<hbm>>
        tpu.enqueue_indirect_dma source(%dma_start3A_674 : memref<10016x64xbf16, #tpu.memory_space<hbm>>) target(%arg9 : memref<128x64xbf16, #tpu.memory_space<vmem>>) offsets(%dma_start3A_671 : memref<128xi32, #tpu.memory_space<vmem>>) semaphore(%arg21 : memref<!tpu.dma_semaphore, #tpu.memory_space<semaphore_mem>>)
      } else {
      }
      %mul3A_577 = arith.constant 12 : i32
      %mul3A_578 = arith.muli %scan3A_310, %mul3A_577 : i32
      %add3A_579 = arith.constant 9 : i32
      %add3A_580 = arith.addi %mul3A_578, %add3A_579 : i32
      %dma_wait3A_581 = arith.constant 0 : i32
      %dma_wait3A_582 = tpu.memref_slice %arg5[%add3A_580, %dma_wait3A_581] : memref<79x128xi32, #tpu.memory_space<vmem>> -> memref<1x128xi32, #tpu.memory_space<vmem>>
      %dma_wait3A_583 = tpu.memref_squeeze %dma_wait3A_582 : memref<1x128xi32, #tpu.memory_space<vmem>> -> memref<128xi32, #tpu.memory_space<vmem>>
      %dma_wait3A_584 = arith.constant 0 : i32
      %dma_wait3A_585 = arith.constant 0 : i32
      %dma_wait3A_586 = tpu.memref_slice %arg2[%dma_wait3A_584, %dma_wait3A_585] : memref<10016x64xbf16, #tpu.memory_space<hbm>> -> memref<10016x64xbf16, #tpu.memory_space<hbm>>
      tpu.wait_indirect_dma semaphore(%arg28 : memref<!tpu.dma_semaphore, #tpu.memory_space<semaphore_mem>>) src(%dma_wait3A_586 : memref<10016x64xbf16, #tpu.memory_space<hbm>>) dst(%arg16 : memref<128x64xbf16, #tpu.memory_space<vmem>>)
      %dma_start3A_587 = arith.constant 0 : i32
      %dma_start3A_588 = tpu.memref_slice %arg6[%add3A_580, %dma_start3A_587] : memref<79x128xi32, #tpu.memory_space<vmem>> -> memref<1x128xi32, #tpu.memory_space<vmem>>
      %dma_start3A_589 = tpu.memref_squeeze %dma_start3A_588 : memref<1x128xi32, #tpu.memory_space<vmem>> -> memref<128xi32, #tpu.memory_space<vmem>>
      %dma_start3A_590 = arith.constant 0 : i32
      %dma_start3A_591 = arith.constant 0 : i32
      %dma_start3A_592 = tpu.memref_slice %arg31[%dma_start3A_590, %dma_start3A_591] : memref<10016x64xbf16, #tpu.memory_space<vmem_shared>> -> memref<10016x64xbf16, #tpu.memory_space<vmem_shared>>
      tpu.enqueue_indirect_dma source(%arg16 : memref<128x64xbf16, #tpu.memory_space<vmem>>) target(%dma_start3A_592 : memref<10016x64xbf16, #tpu.memory_space<vmem_shared>>) offsets(%dma_start3A_589 : memref<128xi32, #tpu.memory_space<vmem>>) semaphore(%arg28 : memref<!tpu.dma_semaphore, #tpu.memory_space<semaphore_mem>>) {add = true}
      %add3A_593 = arith.constant 6 : i32
      %add3A_594 = arith.addi %add3A_580, %add3A_593 : i32
      %ge3A_595 = arith.constant 12 : i32
      %ge3A_596 = arith.cmpi sge, %add3A_594, %ge3A_595 : i32
      %convert_element_type3A_597 = arith.extui %ge3A_596 : i1 to i32
      %cond3A_598 = arith.constant 0 : i32
      %cond3A_599 = arith.cmpi ne, %convert_element_type3A_597, %cond3A_598 : i32
      scf.if %cond3A_599 {
        %dma_wait3A_667 = arith.constant 0 : i32
        %dma_wait3A_668 = tpu.memref_slice %arg6[%add3A_580, %dma_wait3A_667] : memref<79x128xi32, #tpu.memory_space<vmem>> -> memref<1x128xi32, #tpu.memory_space<vmem>>
        %dma_wait3A_669 = tpu.memref_squeeze %dma_wait3A_668 : memref<1x128xi32, #tpu.memory_space<vmem>> -> memref<128xi32, #tpu.memory_space<vmem>>
        %dma_wait3A_670 = arith.constant 0 : i32
        %dma_wait3A_671 = arith.constant 0 : i32
        %dma_wait3A_672 = tpu.memref_slice %arg31[%dma_wait3A_670, %dma_wait3A_671] : memref<10016x64xbf16, #tpu.memory_space<vmem_shared>> -> memref<10016x64xbf16, #tpu.memory_space<vmem_shared>>
        tpu.wait_indirect_dma semaphore(%arg22 : memref<!tpu.dma_semaphore, #tpu.memory_space<semaphore_mem>>) src(%arg10 : memref<128x64xbf16, #tpu.memory_space<vmem>>) dst(%dma_wait3A_672 : memref<10016x64xbf16, #tpu.memory_space<vmem_shared>>)
      } else {
      }
      %add3A_600 = arith.constant 6 : i32
      %add3A_601 = arith.addi %add3A_580, %add3A_600 : i32
      %lt3A_602 = arith.constant 79 : i32
      %lt3A_603 = arith.cmpi slt, %add3A_601, %lt3A_602 : i32
      %convert_element_type3A_604 = arith.extui %lt3A_603 : i1 to i32
      %cond3A_605 = arith.constant 0 : i32
      %cond3A_606 = arith.cmpi ne, %convert_element_type3A_604, %cond3A_605 : i32
      scf.if %cond3A_606 {
        %add3A_667 = arith.constant 6 : i32
        %add3A_668 = arith.addi %add3A_580, %add3A_667 : i32
        %dma_start3A_669 = arith.constant 0 : i32
        %dma_start3A_670 = tpu.memref_slice %arg5[%add3A_668, %dma_start3A_669] : memref<79x128xi32, #tpu.memory_space<vmem>> -> memref<1x128xi32, #tpu.memory_space<vmem>>
        %dma_start3A_671 = tpu.memref_squeeze %dma_start3A_670 : memref<1x128xi32, #tpu.memory_space<vmem>> -> memref<128xi32, #tpu.memory_space<vmem>>
        %dma_start3A_672 = arith.constant 0 : i32
        %dma_start3A_673 = arith.constant 0 : i32
        %dma_start3A_674 = tpu.memref_slice %arg2[%dma_start3A_672, %dma_start3A_673] : memref<10016x64xbf16, #tpu.memory_space<hbm>> -> memref<10016x64xbf16, #tpu.memory_space<hbm>>
        tpu.enqueue_indirect_dma source(%dma_start3A_674 : memref<10016x64xbf16, #tpu.memory_space<hbm>>) target(%arg10 : memref<128x64xbf16, #tpu.memory_space<vmem>>) offsets(%dma_start3A_671 : memref<128xi32, #tpu.memory_space<vmem>>) semaphore(%arg22 : memref<!tpu.dma_semaphore, #tpu.memory_space<semaphore_mem>>)
      } else {
      }
      %mul3A_607 = arith.constant 12 : i32
      %mul3A_608 = arith.muli %scan3A_310, %mul3A_607 : i32
      %add3A_609 = arith.constant 10 : i32
      %add3A_610 = arith.addi %mul3A_608, %add3A_609 : i32
      %dma_wait3A_611 = arith.constant 0 : i32
      %dma_wait3A_612 = tpu.memref_slice %arg5[%add3A_610, %dma_wait3A_611] : memref<79x128xi32, #tpu.memory_space<vmem>> -> memref<1x128xi32, #tpu.memory_space<vmem>>
      %dma_wait3A_613 = tpu.memref_squeeze %dma_wait3A_612 : memref<1x128xi32, #tpu.memory_space<vmem>> -> memref<128xi32, #tpu.memory_space<vmem>>
      %dma_wait3A_614 = arith.constant 0 : i32
      %dma_wait3A_615 = arith.constant 0 : i32
      %dma_wait3A_616 = tpu.memref_slice %arg2[%dma_wait3A_614, %dma_wait3A_615] : memref<10016x64xbf16, #tpu.memory_space<hbm>> -> memref<10016x64xbf16, #tpu.memory_space<hbm>>
      tpu.wait_indirect_dma semaphore(%arg29 : memref<!tpu.dma_semaphore, #tpu.memory_space<semaphore_mem>>) src(%dma_wait3A_616 : memref<10016x64xbf16, #tpu.memory_space<hbm>>) dst(%arg17 : memref<128x64xbf16, #tpu.memory_space<vmem>>)
      %dma_start3A_617 = arith.constant 0 : i32
      %dma_start3A_618 = tpu.memref_slice %arg6[%add3A_610, %dma_start3A_617] : memref<79x128xi32, #tpu.memory_space<vmem>> -> memref<1x128xi32, #tpu.memory_space<vmem>>
      %dma_start3A_619 = tpu.memref_squeeze %dma_start3A_618 : memref<1x128xi32, #tpu.memory_space<vmem>> -> memref<128xi32, #tpu.memory_space<vmem>>
      %dma_start3A_620 = arith.constant 0 : i32
      %dma_start3A_621 = arith.constant 0 : i32
      %dma_start3A_622 = tpu.memref_slice %arg31[%dma_start3A_620, %dma_start3A_621] : memref<10016x64xbf16, #tpu.memory_space<vmem_shared>> -> memref<10016x64xbf16, #tpu.memory_space<vmem_shared>>
      tpu.enqueue_indirect_dma source(%arg17 : memref<128x64xbf16, #tpu.memory_space<vmem>>) target(%dma_start3A_622 : memref<10016x64xbf16, #tpu.memory_space<vmem_shared>>) offsets(%dma_start3A_619 : memref<128xi32, #tpu.memory_space<vmem>>) semaphore(%arg29 : memref<!tpu.dma_semaphore, #tpu.memory_space<semaphore_mem>>) {add = true}
      %add3A_623 = arith.constant 6 : i32
      %add3A_624 = arith.addi %add3A_610, %add3A_623 : i32
      %ge3A_625 = arith.constant 12 : i32
      %ge3A_626 = arith.cmpi sge, %add3A_624, %ge3A_625 : i32
      %convert_element_type3A_627 = arith.extui %ge3A_626 : i1 to i32
      %cond3A_628 = arith.constant 0 : i32
      %cond3A_629 = arith.cmpi ne, %convert_element_type3A_627, %cond3A_628 : i32
      scf.if %cond3A_629 {
        %dma_wait3A_667 = arith.constant 0 : i32
        %dma_wait3A_668 = tpu.memref_slice %arg6[%add3A_610, %dma_wait3A_667] : memref<79x128xi32, #tpu.memory_space<vmem>> -> memref<1x128xi32, #tpu.memory_space<vmem>>
        %dma_wait3A_669 = tpu.memref_squeeze %dma_wait3A_668 : memref<1x128xi32, #tpu.memory_space<vmem>> -> memref<128xi32, #tpu.memory_space<vmem>>
        %dma_wait3A_670 = arith.constant 0 : i32
        %dma_wait3A_671 = arith.constant 0 : i32
        %dma_wait3A_672 = tpu.memref_slice %arg31[%dma_wait3A_670, %dma_wait3A_671] : memref<10016x64xbf16, #tpu.memory_space<vmem_shared>> -> memref<10016x64xbf16, #tpu.memory_space<vmem_shared>>
        tpu.wait_indirect_dma semaphore(%arg23 : memref<!tpu.dma_semaphore, #tpu.memory_space<semaphore_mem>>) src(%arg11 : memref<128x64xbf16, #tpu.memory_space<vmem>>) dst(%dma_wait3A_672 : memref<10016x64xbf16, #tpu.memory_space<vmem_shared>>)
      } else {
      }
      %add3A_630 = arith.constant 6 : i32
      %add3A_631 = arith.addi %add3A_610, %add3A_630 : i32
      %lt3A_632 = arith.constant 79 : i32
      %lt3A_633 = arith.cmpi slt, %add3A_631, %lt3A_632 : i32
      %convert_element_type3A_634 = arith.extui %lt3A_633 : i1 to i32
      %cond3A_635 = arith.constant 0 : i32
      %cond3A_636 = arith.cmpi ne, %convert_element_type3A_634, %cond3A_635 : i32
      scf.if %cond3A_636 {
        %add3A_667 = arith.constant 6 : i32
        %add3A_668 = arith.addi %add3A_610, %add3A_667 : i32
        %dma_start3A_669 = arith.constant 0 : i32
        %dma_start3A_670 = tpu.memref_slice %arg5[%add3A_668, %dma_start3A_669] : memref<79x128xi32, #tpu.memory_space<vmem>> -> memref<1x128xi32, #tpu.memory_space<vmem>>
        %dma_start3A_671 = tpu.memref_squeeze %dma_start3A_670 : memref<1x128xi32, #tpu.memory_space<vmem>> -> memref<128xi32, #tpu.memory_space<vmem>>
        %dma_start3A_672 = arith.constant 0 : i32
        %dma_start3A_673 = arith.constant 0 : i32
        %dma_start3A_674 = tpu.memref_slice %arg2[%dma_start3A_672, %dma_start3A_673] : memref<10016x64xbf16, #tpu.memory_space<hbm>> -> memref<10016x64xbf16, #tpu.memory_space<hbm>>
        tpu.enqueue_indirect_dma source(%dma_start3A_674 : memref<10016x64xbf16, #tpu.memory_space<hbm>>) target(%arg11 : memref<128x64xbf16, #tpu.memory_space<vmem>>) offsets(%dma_start3A_671 : memref<128xi32, #tpu.memory_space<vmem>>) semaphore(%arg23 : memref<!tpu.dma_semaphore, #tpu.memory_space<semaphore_mem>>)
      } else {
      }
      %mul3A_637 = arith.constant 12 : i32
      %mul3A_638 = arith.muli %scan3A_310, %mul3A_637 : i32
      %add3A_639 = arith.constant 11 : i32
      %add3A_640 = arith.addi %mul3A_638, %add3A_639 : i32
      %dma_wait3A_641 = arith.constant 0 : i32
      %dma_wait3A_642 = tpu.memref_slice %arg5[%add3A_640, %dma_wait3A_641] : memref<79x128xi32, #tpu.memory_space<vmem>> -> memref<1x128xi32, #tpu.memory_space<vmem>>
      %dma_wait3A_643 = tpu.memref_squeeze %dma_wait3A_642 : memref<1x128xi32, #tpu.memory_space<vmem>> -> memref<128xi32, #tpu.memory_space<vmem>>
      %dma_wait3A_644 = arith.constant 0 : i32
      %dma_wait3A_645 = arith.constant 0 : i32
      %dma_wait3A_646 = tpu.memref_slice %arg2[%dma_wait3A_644, %dma_wait3A_645] : memref<10016x64xbf16, #tpu.memory_space<hbm>> -> memref<10016x64xbf16, #tpu.memory_space<hbm>>
      tpu.wait_indirect_dma semaphore(%arg30 : memref<!tpu.dma_semaphore, #tpu.memory_space<semaphore_mem>>) src(%dma_wait3A_646 : memref<10016x64xbf16, #tpu.memory_space<hbm>>) dst(%arg18 : memref<128x64xbf16, #tpu.memory_space<vmem>>)
      %dma_start3A_647 = arith.constant 0 : i32
      %dma_start3A_648 = tpu.memref_slice %arg6[%add3A_640, %dma_start3A_647] : memref<79x128xi32, #tpu.memory_space<vmem>> -> memref<1x128xi32, #tpu.memory_space<vmem>>
      %dma_start3A_649 = tpu.memref_squeeze %dma_start3A_648 : memref<1x128xi32, #tpu.memory_space<vmem>> -> memref<128xi32, #tpu.memory_space<vmem>>
      %dma_start3A_650 = arith.constant 0 : i32
      %dma_start3A_651 = arith.constant 0 : i32
      %dma_start3A_652 = tpu.memref_slice %arg31[%dma_start3A_650, %dma_start3A_651] : memref<10016x64xbf16, #tpu.memory_space<vmem_shared>> -> memref<10016x64xbf16, #tpu.memory_space<vmem_shared>>
      tpu.enqueue_indirect_dma source(%arg18 : memref<128x64xbf16, #tpu.memory_space<vmem>>) target(%dma_start3A_652 : memref<10016x64xbf16, #tpu.memory_space<vmem_shared>>) offsets(%dma_start3A_649 : memref<128xi32, #tpu.memory_space<vmem>>) semaphore(%arg30 : memref<!tpu.dma_semaphore, #tpu.memory_space<semaphore_mem>>) {add = true}
      %add3A_653 = arith.constant 6 : i32
      %add3A_654 = arith.addi %add3A_640, %add3A_653 : i32
      %ge3A_655 = arith.constant 12 : i32
      %ge3A_656 = arith.cmpi sge, %add3A_654, %ge3A_655 : i32
      %convert_element_type3A_657 = arith.extui %ge3A_656 : i1 to i32
      %cond3A_658 = arith.constant 0 : i32
      %cond3A_659 = arith.cmpi ne, %convert_element_type3A_657, %cond3A_658 : i32
      scf.if %cond3A_659 {
        %dma_wait3A_667 = arith.constant 0 : i32
        %dma_wait3A_668 = tpu.memref_slice %arg6[%add3A_640, %dma_wait3A_667] : memref<79x128xi32, #tpu.memory_space<vmem>> -> memref<1x128xi32, #tpu.memory_space<vmem>>
        %dma_wait3A_669 = tpu.memref_squeeze %dma_wait3A_668 : memref<1x128xi32, #tpu.memory_space<vmem>> -> memref<128xi32, #tpu.memory_space<vmem>>
        %dma_wait3A_670 = arith.constant 0 : i32
        %dma_wait3A_671 = arith.constant 0 : i32
        %dma_wait3A_672 = tpu.memref_slice %arg31[%dma_wait3A_670, %dma_wait3A_671] : memref<10016x64xbf16, #tpu.memory_space<vmem_shared>> -> memref<10016x64xbf16, #tpu.memory_space<vmem_shared>>
        tpu.wait_indirect_dma semaphore(%arg24 : memref<!tpu.dma_semaphore, #tpu.memory_space<semaphore_mem>>) src(%arg12 : memref<128x64xbf16, #tpu.memory_space<vmem>>) dst(%dma_wait3A_672 : memref<10016x64xbf16, #tpu.memory_space<vmem_shared>>)
      } else {
      }
      %add3A_660 = arith.constant 6 : i32
      %add3A_661 = arith.addi %add3A_640, %add3A_660 : i32
      %lt3A_662 = arith.constant 79 : i32
      %lt3A_663 = arith.cmpi slt, %add3A_661, %lt3A_662 : i32
      %convert_element_type3A_664 = arith.extui %lt3A_663 : i1 to i32
      %cond3A_665 = arith.constant 0 : i32
      %cond3A_666 = arith.cmpi ne, %convert_element_type3A_664, %cond3A_665 : i32
      scf.if %cond3A_666 {
        %add3A_667 = arith.constant 6 : i32
        %add3A_668 = arith.addi %add3A_640, %add3A_667 : i32
        %dma_start3A_669 = arith.constant 0 : i32
        %dma_start3A_670 = tpu.memref_slice %arg5[%add3A_668, %dma_start3A_669] : memref<79x128xi32, #tpu.memory_space<vmem>> -> memref<1x128xi32, #tpu.memory_space<vmem>>
        %dma_start3A_671 = tpu.memref_squeeze %dma_start3A_670 : memref<1x128xi32, #tpu.memory_space<vmem>> -> memref<128xi32, #tpu.memory_space<vmem>>
        %dma_start3A_672 = arith.constant 0 : i32
        %dma_start3A_673 = arith.constant 0 : i32
        %dma_start3A_674 = tpu.memref_slice %arg2[%dma_start3A_672, %dma_start3A_673] : memref<10016x64xbf16, #tpu.memory_space<hbm>> -> memref<10016x64xbf16, #tpu.memory_space<hbm>>
        tpu.enqueue_indirect_dma source(%dma_start3A_674 : memref<10016x64xbf16, #tpu.memory_space<hbm>>) target(%arg12 : memref<128x64xbf16, #tpu.memory_space<vmem>>) offsets(%dma_start3A_671 : memref<128xi32, #tpu.memory_space<vmem>>) semaphore(%arg24 : memref<!tpu.dma_semaphore, #tpu.memory_space<semaphore_mem>>)
      } else {
      }
    }
    %scan3A_73 = arith.constant 6 : i32
    %dma_wait3A = arith.constant 72 : i32
    %dma_wait3A_74 = arith.constant 0 : i32
    %dma_wait3A_75 = tpu.memref_slice %arg5[%dma_wait3A, %dma_wait3A_74] : memref<79x128xi32, #tpu.memory_space<vmem>> -> memref<1x128xi32, #tpu.memory_space<vmem>>
    %dma_wait3A_76 = tpu.memref_squeeze %dma_wait3A_75 : memref<1x128xi32, #tpu.memory_space<vmem>> -> memref<128xi32, #tpu.memory_space<vmem>>
    %dma_wait3A_77 = arith.constant 0 : i32
    %dma_wait3A_78 = arith.constant 0 : i32
    %dma_wait3A_79 = tpu.memref_slice %arg2[%dma_wait3A_77, %dma_wait3A_78] : memref<10016x64xbf16, #tpu.memory_space<hbm>> -> memref<10016x64xbf16, #tpu.memory_space<hbm>>
    tpu.wait_indirect_dma semaphore(%arg19 : memref<!tpu.dma_semaphore, #tpu.memory_space<semaphore_mem>>) src(%dma_wait3A_79 : memref<10016x64xbf16, #tpu.memory_space<hbm>>) dst(%arg7 : memref<128x64xbf16, #tpu.memory_space<vmem>>)
    %dma_start3A_80 = arith.constant 72 : i32
    %dma_start3A_81 = arith.constant 0 : i32
    %dma_start3A_82 = tpu.memref_slice %arg6[%dma_start3A_80, %dma_start3A_81] : memref<79x128xi32, #tpu.memory_space<vmem>> -> memref<1x128xi32, #tpu.memory_space<vmem>>
    %dma_start3A_83 = tpu.memref_squeeze %dma_start3A_82 : memref<1x128xi32, #tpu.memory_space<vmem>> -> memref<128xi32, #tpu.memory_space<vmem>>
    %dma_start3A_84 = arith.constant 0 : i32
    %dma_start3A_85 = arith.constant 0 : i32
    %dma_start3A_86 = tpu.memref_slice %arg31[%dma_start3A_84, %dma_start3A_85] : memref<10016x64xbf16, #tpu.memory_space<vmem_shared>> -> memref<10016x64xbf16, #tpu.memory_space<vmem_shared>>
    tpu.enqueue_indirect_dma source(%arg7 : memref<128x64xbf16, #tpu.memory_space<vmem>>) target(%dma_start3A_86 : memref<10016x64xbf16, #tpu.memory_space<vmem_shared>>) offsets(%dma_start3A_83 : memref<128xi32, #tpu.memory_space<vmem>>) semaphore(%arg19 : memref<!tpu.dma_semaphore, #tpu.memory_space<semaphore_mem>>) {add = true}
    %dma_wait3A_87 = arith.constant 72 : i32
    %dma_wait3A_88 = arith.constant 0 : i32
    %dma_wait3A_89 = tpu.memref_slice %arg6[%dma_wait3A_87, %dma_wait3A_88] : memref<79x128xi32, #tpu.memory_space<vmem>> -> memref<1x128xi32, #tpu.memory_space<vmem>>
    %dma_wait3A_90 = tpu.memref_squeeze %dma_wait3A_89 : memref<1x128xi32, #tpu.memory_space<vmem>> -> memref<128xi32, #tpu.memory_space<vmem>>
    %dma_wait3A_91 = arith.constant 0 : i32
    %dma_wait3A_92 = arith.constant 0 : i32
    %dma_wait3A_93 = tpu.memref_slice %arg31[%dma_wait3A_91, %dma_wait3A_92] : memref<10016x64xbf16, #tpu.memory_space<vmem_shared>> -> memref<10016x64xbf16, #tpu.memory_space<vmem_shared>>
    tpu.wait_indirect_dma semaphore(%arg25 : memref<!tpu.dma_semaphore, #tpu.memory_space<semaphore_mem>>) src(%arg13 : memref<128x64xbf16, #tpu.memory_space<vmem>>) dst(%dma_wait3A_93 : memref<10016x64xbf16, #tpu.memory_space<vmem_shared>>)
    %dma_start3A_94 = arith.constant 78 : i32
    %dma_start3A_95 = arith.constant 0 : i32
    %dma_start3A_96 = tpu.memref_slice %arg5[%dma_start3A_94, %dma_start3A_95] : memref<79x128xi32, #tpu.memory_space<vmem>> -> memref<1x128xi32, #tpu.memory_space<vmem>>
    %dma_start3A_97 = tpu.memref_squeeze %dma_start3A_96 : memref<1x128xi32, #tpu.memory_space<vmem>> -> memref<128xi32, #tpu.memory_space<vmem>>
    %dma_start3A_98 = arith.constant 0 : i32
    %dma_start3A_99 = arith.constant 0 : i32
    %dma_start3A_100 = tpu.memref_slice %arg2[%dma_start3A_98, %dma_start3A_99] : memref<10016x64xbf16, #tpu.memory_space<hbm>> -> memref<10016x64xbf16, #tpu.memory_space<hbm>>
    tpu.enqueue_indirect_dma source(%dma_start3A_100 : memref<10016x64xbf16, #tpu.memory_space<hbm>>) target(%arg13 : memref<128x64xbf16, #tpu.memory_space<vmem>>) offsets(%dma_start3A_97 : memref<128xi32, #tpu.memory_space<vmem>>) semaphore(%arg25 : memref<!tpu.dma_semaphore, #tpu.memory_space<semaphore_mem>>)
    %dma_wait3A_101 = arith.constant 73 : i32
    %dma_wait3A_102 = arith.constant 0 : i32
    %dma_wait3A_103 = tpu.memref_slice %arg5[%dma_wait3A_101, %dma_wait3A_102] : memref<79x128xi32, #tpu.memory_space<vmem>> -> memref<1x128xi32, #tpu.memory_space<vmem>>
    %dma_wait3A_104 = tpu.memref_squeeze %dma_wait3A_103 : memref<1x128xi32, #tpu.memory_space<vmem>> -> memref<128xi32, #tpu.memory_space<vmem>>
    %dma_wait3A_105 = arith.constant 0 : i32
    %dma_wait3A_106 = arith.constant 0 : i32
    %dma_wait3A_107 = tpu.memref_slice %arg2[%dma_wait3A_105, %dma_wait3A_106] : memref<10016x64xbf16, #tpu.memory_space<hbm>> -> memref<10016x64xbf16, #tpu.memory_space<hbm>>
    tpu.wait_indirect_dma semaphore(%arg20 : memref<!tpu.dma_semaphore, #tpu.memory_space<semaphore_mem>>) src(%dma_wait3A_107 : memref<10016x64xbf16, #tpu.memory_space<hbm>>) dst(%arg8 : memref<128x64xbf16, #tpu.memory_space<vmem>>)
    %dma_start3A_108 = arith.constant 73 : i32
    %dma_start3A_109 = arith.constant 0 : i32
    %dma_start3A_110 = tpu.memref_slice %arg6[%dma_start3A_108, %dma_start3A_109] : memref<79x128xi32, #tpu.memory_space<vmem>> -> memref<1x128xi32, #tpu.memory_space<vmem>>
    %dma_start3A_111 = tpu.memref_squeeze %dma_start3A_110 : memref<1x128xi32, #tpu.memory_space<vmem>> -> memref<128xi32, #tpu.memory_space<vmem>>
    %dma_start3A_112 = arith.constant 0 : i32
    %dma_start3A_113 = arith.constant 0 : i32
    %dma_start3A_114 = tpu.memref_slice %arg31[%dma_start3A_112, %dma_start3A_113] : memref<10016x64xbf16, #tpu.memory_space<vmem_shared>> -> memref<10016x64xbf16, #tpu.memory_space<vmem_shared>>
    tpu.enqueue_indirect_dma source(%arg8 : memref<128x64xbf16, #tpu.memory_space<vmem>>) target(%dma_start3A_114 : memref<10016x64xbf16, #tpu.memory_space<vmem_shared>>) offsets(%dma_start3A_111 : memref<128xi32, #tpu.memory_space<vmem>>) semaphore(%arg20 : memref<!tpu.dma_semaphore, #tpu.memory_space<semaphore_mem>>) {add = true}
    %dma_wait3A_115 = arith.constant 73 : i32
    %dma_wait3A_116 = arith.constant 0 : i32
    %dma_wait3A_117 = tpu.memref_slice %arg6[%dma_wait3A_115, %dma_wait3A_116] : memref<79x128xi32, #tpu.memory_space<vmem>> -> memref<1x128xi32, #tpu.memory_space<vmem>>
    %dma_wait3A_118 = tpu.memref_squeeze %dma_wait3A_117 : memref<1x128xi32, #tpu.memory_space<vmem>> -> memref<128xi32, #tpu.memory_space<vmem>>
    %dma_wait3A_119 = arith.constant 0 : i32
    %dma_wait3A_120 = arith.constant 0 : i32
    %dma_wait3A_121 = tpu.memref_slice %arg31[%dma_wait3A_119, %dma_wait3A_120] : memref<10016x64xbf16, #tpu.memory_space<vmem_shared>> -> memref<10016x64xbf16, #tpu.memory_space<vmem_shared>>
    tpu.wait_indirect_dma semaphore(%arg26 : memref<!tpu.dma_semaphore, #tpu.memory_space<semaphore_mem>>) src(%arg14 : memref<128x64xbf16, #tpu.memory_space<vmem>>) dst(%dma_wait3A_121 : memref<10016x64xbf16, #tpu.memory_space<vmem_shared>>)
    %dma_wait3A_122 = arith.constant 74 : i32
    %dma_wait3A_123 = arith.constant 0 : i32
    %dma_wait3A_124 = tpu.memref_slice %arg5[%dma_wait3A_122, %dma_wait3A_123] : memref<79x128xi32, #tpu.memory_space<vmem>> -> memref<1x128xi32, #tpu.memory_space<vmem>>
    %dma_wait3A_125 = tpu.memref_squeeze %dma_wait3A_124 : memref<1x128xi32, #tpu.memory_space<vmem>> -> memref<128xi32, #tpu.memory_space<vmem>>
    %dma_wait3A_126 = arith.constant 0 : i32
    %dma_wait3A_127 = arith.constant 0 : i32
    %dma_wait3A_128 = tpu.memref_slice %arg2[%dma_wait3A_126, %dma_wait3A_127] : memref<10016x64xbf16, #tpu.memory_space<hbm>> -> memref<10016x64xbf16, #tpu.memory_space<hbm>>
    tpu.wait_indirect_dma semaphore(%arg21 : memref<!tpu.dma_semaphore, #tpu.memory_space<semaphore_mem>>) src(%dma_wait3A_128 : memref<10016x64xbf16, #tpu.memory_space<hbm>>) dst(%arg9 : memref<128x64xbf16, #tpu.memory_space<vmem>>)
    %dma_start3A_129 = arith.constant 74 : i32
    %dma_start3A_130 = arith.constant 0 : i32
    %dma_start3A_131 = tpu.memref_slice %arg6[%dma_start3A_129, %dma_start3A_130] : memref<79x128xi32, #tpu.memory_space<vmem>> -> memref<1x128xi32, #tpu.memory_space<vmem>>
    %dma_start3A_132 = tpu.memref_squeeze %dma_start3A_131 : memref<1x128xi32, #tpu.memory_space<vmem>> -> memref<128xi32, #tpu.memory_space<vmem>>
    %dma_start3A_133 = arith.constant 0 : i32
    %dma_start3A_134 = arith.constant 0 : i32
    %dma_start3A_135 = tpu.memref_slice %arg31[%dma_start3A_133, %dma_start3A_134] : memref<10016x64xbf16, #tpu.memory_space<vmem_shared>> -> memref<10016x64xbf16, #tpu.memory_space<vmem_shared>>
    tpu.enqueue_indirect_dma source(%arg9 : memref<128x64xbf16, #tpu.memory_space<vmem>>) target(%dma_start3A_135 : memref<10016x64xbf16, #tpu.memory_space<vmem_shared>>) offsets(%dma_start3A_132 : memref<128xi32, #tpu.memory_space<vmem>>) semaphore(%arg21 : memref<!tpu.dma_semaphore, #tpu.memory_space<semaphore_mem>>) {add = true}
    %dma_wait3A_136 = arith.constant 74 : i32
    %dma_wait3A_137 = arith.constant 0 : i32
    %dma_wait3A_138 = tpu.memref_slice %arg6[%dma_wait3A_136, %dma_wait3A_137] : memref<79x128xi32, #tpu.memory_space<vmem>> -> memref<1x128xi32, #tpu.memory_space<vmem>>
    %dma_wait3A_139 = tpu.memref_squeeze %dma_wait3A_138 : memref<1x128xi32, #tpu.memory_space<vmem>> -> memref<128xi32, #tpu.memory_space<vmem>>
    %dma_wait3A_140 = arith.constant 0 : i32
    %dma_wait3A_141 = arith.constant 0 : i32
    %dma_wait3A_142 = tpu.memref_slice %arg31[%dma_wait3A_140, %dma_wait3A_141] : memref<10016x64xbf16, #tpu.memory_space<vmem_shared>> -> memref<10016x64xbf16, #tpu.memory_space<vmem_shared>>
    tpu.wait_indirect_dma semaphore(%arg27 : memref<!tpu.dma_semaphore, #tpu.memory_space<semaphore_mem>>) src(%arg15 : memref<128x64xbf16, #tpu.memory_space<vmem>>) dst(%dma_wait3A_142 : memref<10016x64xbf16, #tpu.memory_space<vmem_shared>>)
    %dma_wait3A_143 = arith.constant 75 : i32
    %dma_wait3A_144 = arith.constant 0 : i32
    %dma_wait3A_145 = tpu.memref_slice %arg5[%dma_wait3A_143, %dma_wait3A_144] : memref<79x128xi32, #tpu.memory_space<vmem>> -> memref<1x128xi32, #tpu.memory_space<vmem>>
    %dma_wait3A_146 = tpu.memref_squeeze %dma_wait3A_145 : memref<1x128xi32, #tpu.memory_space<vmem>> -> memref<128xi32, #tpu.memory_space<vmem>>
    %dma_wait3A_147 = arith.constant 0 : i32
    %dma_wait3A_148 = arith.constant 0 : i32
    %dma_wait3A_149 = tpu.memref_slice %arg2[%dma_wait3A_147, %dma_wait3A_148] : memref<10016x64xbf16, #tpu.memory_space<hbm>> -> memref<10016x64xbf16, #tpu.memory_space<hbm>>
    tpu.wait_indirect_dma semaphore(%arg22 : memref<!tpu.dma_semaphore, #tpu.memory_space<semaphore_mem>>) src(%dma_wait3A_149 : memref<10016x64xbf16, #tpu.memory_space<hbm>>) dst(%arg10 : memref<128x64xbf16, #tpu.memory_space<vmem>>)
    %dma_start3A_150 = arith.constant 75 : i32
    %dma_start3A_151 = arith.constant 0 : i32
    %dma_start3A_152 = tpu.memref_slice %arg6[%dma_start3A_150, %dma_start3A_151] : memref<79x128xi32, #tpu.memory_space<vmem>> -> memref<1x128xi32, #tpu.memory_space<vmem>>
    %dma_start3A_153 = tpu.memref_squeeze %dma_start3A_152 : memref<1x128xi32, #tpu.memory_space<vmem>> -> memref<128xi32, #tpu.memory_space<vmem>>
    %dma_start3A_154 = arith.constant 0 : i32
    %dma_start3A_155 = arith.constant 0 : i32
    %dma_start3A_156 = tpu.memref_slice %arg31[%dma_start3A_154, %dma_start3A_155] : memref<10016x64xbf16, #tpu.memory_space<vmem_shared>> -> memref<10016x64xbf16, #tpu.memory_space<vmem_shared>>
    tpu.enqueue_indirect_dma source(%arg10 : memref<128x64xbf16, #tpu.memory_space<vmem>>) target(%dma_start3A_156 : memref<10016x64xbf16, #tpu.memory_space<vmem_shared>>) offsets(%dma_start3A_153 : memref<128xi32, #tpu.memory_space<vmem>>) semaphore(%arg22 : memref<!tpu.dma_semaphore, #tpu.memory_space<semaphore_mem>>) {add = true}
    %dma_wait3A_157 = arith.constant 75 : i32
    %dma_wait3A_158 = arith.constant 0 : i32
    %dma_wait3A_159 = tpu.memref_slice %arg6[%dma_wait3A_157, %dma_wait3A_158] : memref<79x128xi32, #tpu.memory_space<vmem>> -> memref<1x128xi32, #tpu.memory_space<vmem>>
    %dma_wait3A_160 = tpu.memref_squeeze %dma_wait3A_159 : memref<1x128xi32, #tpu.memory_space<vmem>> -> memref<128xi32, #tpu.memory_space<vmem>>
    %dma_wait3A_161 = arith.constant 0 : i32
    %dma_wait3A_162 = arith.constant 0 : i32
    %dma_wait3A_163 = tpu.memref_slice %arg31[%dma_wait3A_161, %dma_wait3A_162] : memref<10016x64xbf16, #tpu.memory_space<vmem_shared>> -> memref<10016x64xbf16, #tpu.memory_space<vmem_shared>>
    tpu.wait_indirect_dma semaphore(%arg28 : memref<!tpu.dma_semaphore, #tpu.memory_space<semaphore_mem>>) src(%arg16 : memref<128x64xbf16, #tpu.memory_space<vmem>>) dst(%dma_wait3A_163 : memref<10016x64xbf16, #tpu.memory_space<vmem_shared>>)
    %dma_wait3A_164 = arith.constant 76 : i32
    %dma_wait3A_165 = arith.constant 0 : i32
    %dma_wait3A_166 = tpu.memref_slice %arg5[%dma_wait3A_164, %dma_wait3A_165] : memref<79x128xi32, #tpu.memory_space<vmem>> -> memref<1x128xi32, #tpu.memory_space<vmem>>
    %dma_wait3A_167 = tpu.memref_squeeze %dma_wait3A_166 : memref<1x128xi32, #tpu.memory_space<vmem>> -> memref<128xi32, #tpu.memory_space<vmem>>
    %dma_wait3A_168 = arith.constant 0 : i32
    %dma_wait3A_169 = arith.constant 0 : i32
    %dma_wait3A_170 = tpu.memref_slice %arg2[%dma_wait3A_168, %dma_wait3A_169] : memref<10016x64xbf16, #tpu.memory_space<hbm>> -> memref<10016x64xbf16, #tpu.memory_space<hbm>>
    tpu.wait_indirect_dma semaphore(%arg23 : memref<!tpu.dma_semaphore, #tpu.memory_space<semaphore_mem>>) src(%dma_wait3A_170 : memref<10016x64xbf16, #tpu.memory_space<hbm>>) dst(%arg11 : memref<128x64xbf16, #tpu.memory_space<vmem>>)
    %dma_start3A_171 = arith.constant 76 : i32
    %dma_start3A_172 = arith.constant 0 : i32
    %dma_start3A_173 = tpu.memref_slice %arg6[%dma_start3A_171, %dma_start3A_172] : memref<79x128xi32, #tpu.memory_space<vmem>> -> memref<1x128xi32, #tpu.memory_space<vmem>>
    %dma_start3A_174 = tpu.memref_squeeze %dma_start3A_173 : memref<1x128xi32, #tpu.memory_space<vmem>> -> memref<128xi32, #tpu.memory_space<vmem>>
    %dma_start3A_175 = arith.constant 0 : i32
    %dma_start3A_176 = arith.constant 0 : i32
    %dma_start3A_177 = tpu.memref_slice %arg31[%dma_start3A_175, %dma_start3A_176] : memref<10016x64xbf16, #tpu.memory_space<vmem_shared>> -> memref<10016x64xbf16, #tpu.memory_space<vmem_shared>>
    tpu.enqueue_indirect_dma source(%arg11 : memref<128x64xbf16, #tpu.memory_space<vmem>>) target(%dma_start3A_177 : memref<10016x64xbf16, #tpu.memory_space<vmem_shared>>) offsets(%dma_start3A_174 : memref<128xi32, #tpu.memory_space<vmem>>) semaphore(%arg23 : memref<!tpu.dma_semaphore, #tpu.memory_space<semaphore_mem>>) {add = true}
    %dma_wait3A_178 = arith.constant 76 : i32
    %dma_wait3A_179 = arith.constant 0 : i32
    %dma_wait3A_180 = tpu.memref_slice %arg6[%dma_wait3A_178, %dma_wait3A_179] : memref<79x128xi32, #tpu.memory_space<vmem>> -> memref<1x128xi32, #tpu.memory_space<vmem>>
    %dma_wait3A_181 = tpu.memref_squeeze %dma_wait3A_180 : memref<1x128xi32, #tpu.memory_space<vmem>> -> memref<128xi32, #tpu.memory_space<vmem>>
    %dma_wait3A_182 = arith.constant 0 : i32
    %dma_wait3A_183 = arith.constant 0 : i32
    %dma_wait3A_184 = tpu.memref_slice %arg31[%dma_wait3A_182, %dma_wait3A_183] : memref<10016x64xbf16, #tpu.memory_space<vmem_shared>> -> memref<10016x64xbf16, #tpu.memory_space<vmem_shared>>
    tpu.wait_indirect_dma semaphore(%arg29 : memref<!tpu.dma_semaphore, #tpu.memory_space<semaphore_mem>>) src(%arg17 : memref<128x64xbf16, #tpu.memory_space<vmem>>) dst(%dma_wait3A_184 : memref<10016x64xbf16, #tpu.memory_space<vmem_shared>>)
    %dma_wait3A_185 = arith.constant 77 : i32
    %dma_wait3A_186 = arith.constant 0 : i32
    %dma_wait3A_187 = tpu.memref_slice %arg5[%dma_wait3A_185, %dma_wait3A_186] : memref<79x128xi32, #tpu.memory_space<vmem>> -> memref<1x128xi32, #tpu.memory_space<vmem>>
    %dma_wait3A_188 = tpu.memref_squeeze %dma_wait3A_187 : memref<1x128xi32, #tpu.memory_space<vmem>> -> memref<128xi32, #tpu.memory_space<vmem>>
    %dma_wait3A_189 = arith.constant 0 : i32
    %dma_wait3A_190 = arith.constant 0 : i32
    %dma_wait3A_191 = tpu.memref_slice %arg2[%dma_wait3A_189, %dma_wait3A_190] : memref<10016x64xbf16, #tpu.memory_space<hbm>> -> memref<10016x64xbf16, #tpu.memory_space<hbm>>
    tpu.wait_indirect_dma semaphore(%arg24 : memref<!tpu.dma_semaphore, #tpu.memory_space<semaphore_mem>>) src(%dma_wait3A_191 : memref<10016x64xbf16, #tpu.memory_space<hbm>>) dst(%arg12 : memref<128x64xbf16, #tpu.memory_space<vmem>>)
    %dma_start3A_192 = arith.constant 77 : i32
    %dma_start3A_193 = arith.constant 0 : i32
    %dma_start3A_194 = tpu.memref_slice %arg6[%dma_start3A_192, %dma_start3A_193] : memref<79x128xi32, #tpu.memory_space<vmem>> -> memref<1x128xi32, #tpu.memory_space<vmem>>
    %dma_start3A_195 = tpu.memref_squeeze %dma_start3A_194 : memref<1x128xi32, #tpu.memory_space<vmem>> -> memref<128xi32, #tpu.memory_space<vmem>>
    %dma_start3A_196 = arith.constant 0 : i32
    %dma_start3A_197 = arith.constant 0 : i32
    %dma_start3A_198 = tpu.memref_slice %arg31[%dma_start3A_196, %dma_start3A_197] : memref<10016x64xbf16, #tpu.memory_space<vmem_shared>> -> memref<10016x64xbf16, #tpu.memory_space<vmem_shared>>
    tpu.enqueue_indirect_dma source(%arg12 : memref<128x64xbf16, #tpu.memory_space<vmem>>) target(%dma_start3A_198 : memref<10016x64xbf16, #tpu.memory_space<vmem_shared>>) offsets(%dma_start3A_195 : memref<128xi32, #tpu.memory_space<vmem>>) semaphore(%arg24 : memref<!tpu.dma_semaphore, #tpu.memory_space<semaphore_mem>>) {add = true}
    %dma_wait3A_199 = arith.constant 77 : i32
    %dma_wait3A_200 = arith.constant 0 : i32
    %dma_wait3A_201 = tpu.memref_slice %arg6[%dma_wait3A_199, %dma_wait3A_200] : memref<79x128xi32, #tpu.memory_space<vmem>> -> memref<1x128xi32, #tpu.memory_space<vmem>>
    %dma_wait3A_202 = tpu.memref_squeeze %dma_wait3A_201 : memref<1x128xi32, #tpu.memory_space<vmem>> -> memref<128xi32, #tpu.memory_space<vmem>>
    %dma_wait3A_203 = arith.constant 0 : i32
    %dma_wait3A_204 = arith.constant 0 : i32
    %dma_wait3A_205 = tpu.memref_slice %arg31[%dma_wait3A_203, %dma_wait3A_204] : memref<10016x64xbf16, #tpu.memory_space<vmem_shared>> -> memref<10016x64xbf16, #tpu.memory_space<vmem_shared>>
    tpu.wait_indirect_dma semaphore(%arg30 : memref<!tpu.dma_semaphore, #tpu.memory_space<semaphore_mem>>) src(%arg18 : memref<128x64xbf16, #tpu.memory_space<vmem>>) dst(%dma_wait3A_205 : memref<10016x64xbf16, #tpu.memory_space<vmem_shared>>)
    %dma_wait3A_206 = arith.constant 78 : i32
    %dma_wait3A_207 = arith.constant 0 : i32
    %dma_wait3A_208 = tpu.memref_slice %arg5[%dma_wait3A_206, %dma_wait3A_207] : memref<79x128xi32, #tpu.memory_space<vmem>> -> memref<1x128xi32, #tpu.memory_space<vmem>>
    %dma_wait3A_209 = tpu.memref_squeeze %dma_wait3A_208 : memref<1x128xi32, #tpu.memory_space<vmem>> -> memref<128xi32, #tpu.memory_space<vmem>>
    %dma_wait3A_210 = arith.constant 0 : i32
    %dma_wait3A_211 = arith.constant 0 : i32
    %dma_wait3A_212 = tpu.memref_slice %arg2[%dma_wait3A_210, %dma_wait3A_211] : memref<10016x64xbf16, #tpu.memory_space<hbm>> -> memref<10016x64xbf16, #tpu.memory_space<hbm>>
    tpu.wait_indirect_dma semaphore(%arg25 : memref<!tpu.dma_semaphore, #tpu.memory_space<semaphore_mem>>) src(%dma_wait3A_212 : memref<10016x64xbf16, #tpu.memory_space<hbm>>) dst(%arg13 : memref<128x64xbf16, #tpu.memory_space<vmem>>)
    %dma_start3A_213 = arith.constant 78 : i32
    %dma_start3A_214 = arith.constant 0 : i32
    %dma_start3A_215 = tpu.memref_slice %arg6[%dma_start3A_213, %dma_start3A_214] : memref<79x128xi32, #tpu.memory_space<vmem>> -> memref<1x128xi32, #tpu.memory_space<vmem>>
    %dma_start3A_216 = tpu.memref_squeeze %dma_start3A_215 : memref<1x128xi32, #tpu.memory_space<vmem>> -> memref<128xi32, #tpu.memory_space<vmem>>
    %dma_start3A_217 = arith.constant 0 : i32
    %dma_start3A_218 = arith.constant 0 : i32
    %dma_start3A_219 = tpu.memref_slice %arg31[%dma_start3A_217, %dma_start3A_218] : memref<10016x64xbf16, #tpu.memory_space<vmem_shared>> -> memref<10016x64xbf16, #tpu.memory_space<vmem_shared>>
    tpu.enqueue_indirect_dma source(%arg13 : memref<128x64xbf16, #tpu.memory_space<vmem>>) target(%dma_start3A_219 : memref<10016x64xbf16, #tpu.memory_space<vmem_shared>>) offsets(%dma_start3A_216 : memref<128xi32, #tpu.memory_space<vmem>>) semaphore(%arg25 : memref<!tpu.dma_semaphore, #tpu.memory_space<semaphore_mem>>) {add = true}
    %dma_wait3A_220 = arith.constant 78 : i32
    %dma_wait3A_221 = arith.constant 0 : i32
    %dma_wait3A_222 = tpu.memref_slice %arg6[%dma_wait3A_220, %dma_wait3A_221] : memref<79x128xi32, #tpu.memory_space<vmem>> -> memref<1x128xi32, #tpu.memory_space<vmem>>
    %dma_wait3A_223 = tpu.memref_squeeze %dma_wait3A_222 : memref<1x128xi32, #tpu.memory_space<vmem>> -> memref<128xi32, #tpu.memory_space<vmem>>
    %dma_wait3A_224 = arith.constant 0 : i32
    %dma_wait3A_225 = arith.constant 0 : i32
    %dma_wait3A_226 = tpu.memref_slice %arg31[%dma_wait3A_224, %dma_wait3A_225] : memref<10016x64xbf16, #tpu.memory_space<vmem_shared>> -> memref<10016x64xbf16, #tpu.memory_space<vmem_shared>>
    tpu.wait_indirect_dma semaphore(%arg19 : memref<!tpu.dma_semaphore, #tpu.memory_space<semaphore_mem>>) src(%arg7 : memref<128x64xbf16, #tpu.memory_space<vmem>>) dst(%dma_wait3A_226 : memref<10016x64xbf16, #tpu.memory_space<vmem_shared>>)
    %dma_wait3A_227 = arith.constant 73 : i32
    %dma_wait3A_228 = arith.constant 0 : i32
    %dma_wait3A_229 = tpu.memref_slice %arg6[%dma_wait3A_227, %dma_wait3A_228] : memref<79x128xi32, #tpu.memory_space<vmem>> -> memref<1x128xi32, #tpu.memory_space<vmem>>
    %dma_wait3A_230 = tpu.memref_squeeze %dma_wait3A_229 : memref<1x128xi32, #tpu.memory_space<vmem>> -> memref<128xi32, #tpu.memory_space<vmem>>
    %dma_wait3A_231 = arith.constant 0 : i32
    %dma_wait3A_232 = arith.constant 0 : i32
    %dma_wait3A_233 = tpu.memref_slice %arg31[%dma_wait3A_231, %dma_wait3A_232] : memref<10016x64xbf16, #tpu.memory_space<vmem_shared>> -> memref<10016x64xbf16, #tpu.memory_space<vmem_shared>>
    tpu.wait_indirect_dma semaphore(%arg20 : memref<!tpu.dma_semaphore, #tpu.memory_space<semaphore_mem>>) src(%arg8 : memref<128x64xbf16, #tpu.memory_space<vmem>>) dst(%dma_wait3A_233 : memref<10016x64xbf16, #tpu.memory_space<vmem_shared>>)
    %dma_wait3A_234 = arith.constant 74 : i32
    %dma_wait3A_235 = arith.constant 0 : i32
    %dma_wait3A_236 = tpu.memref_slice %arg6[%dma_wait3A_234, %dma_wait3A_235] : memref<79x128xi32, #tpu.memory_space<vmem>> -> memref<1x128xi32, #tpu.memory_space<vmem>>
    %dma_wait3A_237 = tpu.memref_squeeze %dma_wait3A_236 : memref<1x128xi32, #tpu.memory_space<vmem>> -> memref<128xi32, #tpu.memory_space<vmem>>
    %dma_wait3A_238 = arith.constant 0 : i32
    %dma_wait3A_239 = arith.constant 0 : i32
    %dma_wait3A_240 = tpu.memref_slice %arg31[%dma_wait3A_238, %dma_wait3A_239] : memref<10016x64xbf16, #tpu.memory_space<vmem_shared>> -> memref<10016x64xbf16, #tpu.memory_space<vmem_shared>>
    tpu.wait_indirect_dma semaphore(%arg21 : memref<!tpu.dma_semaphore, #tpu.memory_space<semaphore_mem>>) src(%arg9 : memref<128x64xbf16, #tpu.memory_space<vmem>>) dst(%dma_wait3A_240 : memref<10016x64xbf16, #tpu.memory_space<vmem_shared>>)
    %dma_wait3A_241 = arith.constant 75 : i32
    %dma_wait3A_242 = arith.constant 0 : i32
    %dma_wait3A_243 = tpu.memref_slice %arg6[%dma_wait3A_241, %dma_wait3A_242] : memref<79x128xi32, #tpu.memory_space<vmem>> -> memref<1x128xi32, #tpu.memory_space<vmem>>
    %dma_wait3A_244 = tpu.memref_squeeze %dma_wait3A_243 : memref<1x128xi32, #tpu.memory_space<vmem>> -> memref<128xi32, #tpu.memory_space<vmem>>
    %dma_wait3A_245 = arith.constant 0 : i32
    %dma_wait3A_246 = arith.constant 0 : i32
    %dma_wait3A_247 = tpu.memref_slice %arg31[%dma_wait3A_245, %dma_wait3A_246] : memref<10016x64xbf16, #tpu.memory_space<vmem_shared>> -> memref<10016x64xbf16, #tpu.memory_space<vmem_shared>>
    tpu.wait_indirect_dma semaphore(%arg22 : memref<!tpu.dma_semaphore, #tpu.memory_space<semaphore_mem>>) src(%arg10 : memref<128x64xbf16, #tpu.memory_space<vmem>>) dst(%dma_wait3A_247 : memref<10016x64xbf16, #tpu.memory_space<vmem_shared>>)
    %dma_wait3A_248 = arith.constant 76 : i32
    %dma_wait3A_249 = arith.constant 0 : i32
    %dma_wait3A_250 = tpu.memref_slice %arg6[%dma_wait3A_248, %dma_wait3A_249] : memref<79x128xi32, #tpu.memory_space<vmem>> -> memref<1x128xi32, #tpu.memory_space<vmem>>
    %dma_wait3A_251 = tpu.memref_squeeze %dma_wait3A_250 : memref<1x128xi32, #tpu.memory_space<vmem>> -> memref<128xi32, #tpu.memory_space<vmem>>
    %dma_wait3A_252 = arith.constant 0 : i32
    %dma_wait3A_253 = arith.constant 0 : i32
    %dma_wait3A_254 = tpu.memref_slice %arg31[%dma_wait3A_252, %dma_wait3A_253] : memref<10016x64xbf16, #tpu.memory_space<vmem_shared>> -> memref<10016x64xbf16, #tpu.memory_space<vmem_shared>>
    tpu.wait_indirect_dma semaphore(%arg23 : memref<!tpu.dma_semaphore, #tpu.memory_space<semaphore_mem>>) src(%arg11 : memref<128x64xbf16, #tpu.memory_space<vmem>>) dst(%dma_wait3A_254 : memref<10016x64xbf16, #tpu.memory_space<vmem_shared>>)
    %dma_wait3A_255 = arith.constant 77 : i32
    %dma_wait3A_256 = arith.constant 0 : i32
    %dma_wait3A_257 = tpu.memref_slice %arg6[%dma_wait3A_255, %dma_wait3A_256] : memref<79x128xi32, #tpu.memory_space<vmem>> -> memref<1x128xi32, #tpu.memory_space<vmem>>
    %dma_wait3A_258 = tpu.memref_squeeze %dma_wait3A_257 : memref<1x128xi32, #tpu.memory_space<vmem>> -> memref<128xi32, #tpu.memory_space<vmem>>
    %dma_wait3A_259 = arith.constant 0 : i32
    %dma_wait3A_260 = arith.constant 0 : i32
    %dma_wait3A_261 = tpu.memref_slice %arg31[%dma_wait3A_259, %dma_wait3A_260] : memref<10016x64xbf16, #tpu.memory_space<vmem_shared>> -> memref<10016x64xbf16, #tpu.memory_space<vmem_shared>>
    tpu.wait_indirect_dma semaphore(%arg24 : memref<!tpu.dma_semaphore, #tpu.memory_space<semaphore_mem>>) src(%arg12 : memref<128x64xbf16, #tpu.memory_space<vmem>>) dst(%dma_wait3A_261 : memref<10016x64xbf16, #tpu.memory_space<vmem_shared>>)
    %dma_wait3A_262 = arith.constant 78 : i32
    %dma_wait3A_263 = arith.constant 0 : i32
    %dma_wait3A_264 = tpu.memref_slice %arg6[%dma_wait3A_262, %dma_wait3A_263] : memref<79x128xi32, #tpu.memory_space<vmem>> -> memref<1x128xi32, #tpu.memory_space<vmem>>
    %dma_wait3A_265 = tpu.memref_squeeze %dma_wait3A_264 : memref<1x128xi32, #tpu.memory_space<vmem>> -> memref<128xi32, #tpu.memory_space<vmem>>
    %dma_wait3A_266 = arith.constant 0 : i32
    %dma_wait3A_267 = arith.constant 0 : i32
    %dma_wait3A_268 = tpu.memref_slice %arg31[%dma_wait3A_266, %dma_wait3A_267] : memref<10016x64xbf16, #tpu.memory_space<vmem_shared>> -> memref<10016x64xbf16, #tpu.memory_space<vmem_shared>>
    tpu.wait_indirect_dma semaphore(%arg25 : memref<!tpu.dma_semaphore, #tpu.memory_space<semaphore_mem>>) src(%arg13 : memref<128x64xbf16, #tpu.memory_space<vmem>>) dst(%dma_wait3A_268 : memref<10016x64xbf16, #tpu.memory_space<vmem_shared>>)
    %barrier3A_269 = arith.constant 0 : index
    tpu.barrier barrier_id(%barrier3A_269)
    %mul3A_270 = arith.constant 626 : i32
    %mul3A_271 = arith.muli %arg1, %mul3A_270 : i32
    %add3A_272 = arith.constant 0 : i32
    %add3A_273 = arith.addi %mul3A_271, %add3A_272 : i32
    %mul3A_274 = arith.constant 626 : i32
    %mul3A_275 = arith.muli %arg1, %mul3A_274 : i32
    %add3A_276 = arith.constant 0 : i32
    %add3A_277 = arith.addi %mul3A_275, %add3A_276 : i32
    "tpu.region"() ({
      %run_scoped3A_310 = tpu.sem_alloc : memref<!tpu.dma_semaphore, #tpu.memory_space<semaphore_mem>>
      %dma_start3A_311 = arith.constant 0 : i32
      %dma_start3A_312 = arith.constant 0 : i32
      %dma_start3A_313 = tpu.memref_slice %arg4[%arg0, %dma_start3A_311, %dma_start3A_312] : memref<2x10016x64xbf16, #tpu.memory_space<hbm>> -> memref<1x10016x64xbf16, #tpu.memory_space<hbm>>
      %dma_start3A_314 = tpu.memref_squeeze %dma_start3A_313 : memref<1x10016x64xbf16, #tpu.memory_space<hbm>> -> memref<10016x64xbf16, #tpu.memory_space<hbm>>
      %dma_start3A_315 = arith.constant 0 : i32
      %dma_start3A_316 = tpu.memref_slice %dma_start3A_314[%add3A_277, %dma_start3A_315] : memref<10016x64xbf16, #tpu.memory_space<hbm>> -> memref<128x64xbf16, #tpu.memory_space<hbm>>
      %dma_start3A_317 = arith.constant 0 : i32
      %dma_start3A_318 = tpu.memref_slice %arg31[%add3A_273, %dma_start3A_317] : memref<10016x64xbf16, #tpu.memory_space<vmem_shared>> -> memref<128x64xbf16, #tpu.memory_space<vmem_shared>>
      tpu.enqueue_dma source(%dma_start3A_318 : memref<128x64xbf16, #tpu.memory_space<vmem_shared>>) target(%dma_start3A_316 : memref<128x64xbf16, #tpu.memory_space<hbm>>) target_semaphore(%run_scoped3A_310 : memref<!tpu.dma_semaphore, #tpu.memory_space<semaphore_mem>>)
      %dma_wait3A_319 = arith.constant 0 : i32
      %dma_wait3A_320 = arith.constant 0 : i32
      %dma_wait3A_321 = tpu.memref_slice %arg4[%arg0, %dma_wait3A_319, %dma_wait3A_320] : memref<2x10016x64xbf16, #tpu.memory_space<hbm>> -> memref<1x10016x64xbf16, #tpu.memory_space<hbm>>
      %dma_wait3A_322 = tpu.memref_squeeze %dma_wait3A_321 : memref<1x10016x64xbf16, #tpu.memory_space<hbm>> -> memref<10016x64xbf16, #tpu.memory_space<hbm>>
      %dma_wait3A_323 = arith.constant 0 : i32
      %dma_wait3A_324 = tpu.memref_slice %dma_wait3A_322[%add3A_277, %dma_wait3A_323] : memref<10016x64xbf16, #tpu.memory_space<hbm>> -> memref<128x64xbf16, #tpu.memory_space<hbm>>
      %dma_wait3A_325 = arith.constant 0 : i32
      %dma_wait3A_326 = tpu.memref_slice %arg31[%add3A_273, %dma_wait3A_325] : memref<10016x64xbf16, #tpu.memory_space<vmem_shared>> -> memref<128x64xbf16, #tpu.memory_space<vmem_shared>>
      tpu.wait_dma2 semaphore(%run_scoped3A_310 : memref<!tpu.dma_semaphore, #tpu.memory_space<semaphore_mem>>) src(%dma_wait3A_326 : memref<128x64xbf16, #tpu.memory_space<vmem_shared>>) dst(%dma_wait3A_324 : memref<128x64xbf16, #tpu.memory_space<hbm>>)
      tpu.yield
    }) : () -> ()
    %mul3A_278 = arith.constant 626 : i32
    %mul3A_279 = arith.muli %arg1, %mul3A_278 : i32
    %add3A_280 = arith.constant 128 : i32
    %add3A_281 = arith.addi %mul3A_279, %add3A_280 : i32
    %mul3A_282 = arith.constant 626 : i32
    %mul3A_283 = arith.muli %arg1, %mul3A_282 : i32
    %add3A_284 = arith.constant 128 : i32
    %add3A_285 = arith.addi %mul3A_283, %add3A_284 : i32
    "tpu.region"() ({
      %run_scoped3A_310 = tpu.sem_alloc : memref<!tpu.dma_semaphore, #tpu.memory_space<semaphore_mem>>
      %dma_start3A_311 = arith.constant 0 : i32
      %dma_start3A_312 = arith.constant 0 : i32
      %dma_start3A_313 = tpu.memref_slice %arg4[%arg0, %dma_start3A_311, %dma_start3A_312] : memref<2x10016x64xbf16, #tpu.memory_space<hbm>> -> memref<1x10016x64xbf16, #tpu.memory_space<hbm>>
      %dma_start3A_314 = tpu.memref_squeeze %dma_start3A_313 : memref<1x10016x64xbf16, #tpu.memory_space<hbm>> -> memref<10016x64xbf16, #tpu.memory_space<hbm>>
      %dma_start3A_315 = arith.constant 0 : i32
      %dma_start3A_316 = tpu.memref_slice %dma_start3A_314[%add3A_285, %dma_start3A_315] : memref<10016x64xbf16, #tpu.memory_space<hbm>> -> memref<128x64xbf16, #tpu.memory_space<hbm>>
      %dma_start3A_317 = arith.constant 0 : i32
      %dma_start3A_318 = tpu.memref_slice %arg31[%add3A_281, %dma_start3A_317] : memref<10016x64xbf16, #tpu.memory_space<vmem_shared>> -> memref<128x64xbf16, #tpu.memory_space<vmem_shared>>
      tpu.enqueue_dma source(%dma_start3A_318 : memref<128x64xbf16, #tpu.memory_space<vmem_shared>>) target(%dma_start3A_316 : memref<128x64xbf16, #tpu.memory_space<hbm>>) target_semaphore(%run_scoped3A_310 : memref<!tpu.dma_semaphore, #tpu.memory_space<semaphore_mem>>)
      %dma_wait3A_319 = arith.constant 0 : i32
      %dma_wait3A_320 = arith.constant 0 : i32
      %dma_wait3A_321 = tpu.memref_slice %arg4[%arg0, %dma_wait3A_319, %dma_wait3A_320] : memref<2x10016x64xbf16, #tpu.memory_space<hbm>> -> memref<1x10016x64xbf16, #tpu.memory_space<hbm>>
      %dma_wait3A_322 = tpu.memref_squeeze %dma_wait3A_321 : memref<1x10016x64xbf16, #tpu.memory_space<hbm>> -> memref<10016x64xbf16, #tpu.memory_space<hbm>>
      %dma_wait3A_323 = arith.constant 0 : i32
      %dma_wait3A_324 = tpu.memref_slice %dma_wait3A_322[%add3A_285, %dma_wait3A_323] : memref<10016x64xbf16, #tpu.memory_space<hbm>> -> memref<128x64xbf16, #tpu.memory_space<hbm>>
      %dma_wait3A_325 = arith.constant 0 : i32
      %dma_wait3A_326 = tpu.memref_slice %arg31[%add3A_281, %dma_wait3A_325] : memref<10016x64xbf16, #tpu.memory_space<vmem_shared>> -> memref<128x64xbf16, #tpu.memory_space<vmem_shared>>
      tpu.wait_dma2 semaphore(%run_scoped3A_310 : memref<!tpu.dma_semaphore, #tpu.memory_space<semaphore_mem>>) src(%dma_wait3A_326 : memref<128x64xbf16, #tpu.memory_space<vmem_shared>>) dst(%dma_wait3A_324 : memref<128x64xbf16, #tpu.memory_space<hbm>>)
      tpu.yield
    }) : () -> ()
    %mul3A_286 = arith.constant 626 : i32
    %mul3A_287 = arith.muli %arg1, %mul3A_286 : i32
    %add3A_288 = arith.constant 256 : i32
    %add3A_289 = arith.addi %mul3A_287, %add3A_288 : i32
    %mul3A_290 = arith.constant 626 : i32
    %mul3A_291 = arith.muli %arg1, %mul3A_290 : i32
    %add3A_292 = arith.constant 256 : i32
    %add3A_293 = arith.addi %mul3A_291, %add3A_292 : i32
    "tpu.region"() ({
      %run_scoped3A_310 = tpu.sem_alloc : memref<!tpu.dma_semaphore, #tpu.memory_space<semaphore_mem>>
      %dma_start3A_311 = arith.constant 0 : i32
      %dma_start3A_312 = arith.constant 0 : i32
      %dma_start3A_313 = tpu.memref_slice %arg4[%arg0, %dma_start3A_311, %dma_start3A_312] : memref<2x10016x64xbf16, #tpu.memory_space<hbm>> -> memref<1x10016x64xbf16, #tpu.memory_space<hbm>>
      %dma_start3A_314 = tpu.memref_squeeze %dma_start3A_313 : memref<1x10016x64xbf16, #tpu.memory_space<hbm>> -> memref<10016x64xbf16, #tpu.memory_space<hbm>>
      %dma_start3A_315 = arith.constant 0 : i32
      %dma_start3A_316 = tpu.memref_slice %dma_start3A_314[%add3A_293, %dma_start3A_315] : memref<10016x64xbf16, #tpu.memory_space<hbm>> -> memref<128x64xbf16, #tpu.memory_space<hbm>>
      %dma_start3A_317 = arith.constant 0 : i32
      %dma_start3A_318 = tpu.memref_slice %arg31[%add3A_289, %dma_start3A_317] : memref<10016x64xbf16, #tpu.memory_space<vmem_shared>> -> memref<128x64xbf16, #tpu.memory_space<vmem_shared>>
      tpu.enqueue_dma source(%dma_start3A_318 : memref<128x64xbf16, #tpu.memory_space<vmem_shared>>) target(%dma_start3A_316 : memref<128x64xbf16, #tpu.memory_space<hbm>>) target_semaphore(%run_scoped3A_310 : memref<!tpu.dma_semaphore, #tpu.memory_space<semaphore_mem>>)
      %dma_wait3A_319 = arith.constant 0 : i32
      %dma_wait3A_320 = arith.constant 0 : i32
      %dma_wait3A_321 = tpu.memref_slice %arg4[%arg0, %dma_wait3A_319, %dma_wait3A_320] : memref<2x10016x64xbf16, #tpu.memory_space<hbm>> -> memref<1x10016x64xbf16, #tpu.memory_space<hbm>>
      %dma_wait3A_322 = tpu.memref_squeeze %dma_wait3A_321 : memref<1x10016x64xbf16, #tpu.memory_space<hbm>> -> memref<10016x64xbf16, #tpu.memory_space<hbm>>
      %dma_wait3A_323 = arith.constant 0 : i32
      %dma_wait3A_324 = tpu.memref_slice %dma_wait3A_322[%add3A_293, %dma_wait3A_323] : memref<10016x64xbf16, #tpu.memory_space<hbm>> -> memref<128x64xbf16, #tpu.memory_space<hbm>>
      %dma_wait3A_325 = arith.constant 0 : i32
      %dma_wait3A_326 = tpu.memref_slice %arg31[%add3A_289, %dma_wait3A_325] : memref<10016x64xbf16, #tpu.memory_space<vmem_shared>> -> memref<128x64xbf16, #tpu.memory_space<vmem_shared>>
      tpu.wait_dma2 semaphore(%run_scoped3A_310 : memref<!tpu.dma_semaphore, #tpu.memory_space<semaphore_mem>>) src(%dma_wait3A_326 : memref<128x64xbf16, #tpu.memory_space<vmem_shared>>) dst(%dma_wait3A_324 : memref<128x64xbf16, #tpu.memory_space<hbm>>)
      tpu.yield
    }) : () -> ()
    %mul3A_294 = arith.constant 626 : i32
    %mul3A_295 = arith.muli %arg1, %mul3A_294 : i32
    %add3A_296 = arith.constant 384 : i32
    %add3A_297 = arith.addi %mul3A_295, %add3A_296 : i32
    %mul3A_298 = arith.constant 626 : i32
    %mul3A_299 = arith.muli %arg1, %mul3A_298 : i32
    %add3A_300 = arith.constant 384 : i32
    %add3A_301 = arith.addi %mul3A_299, %add3A_300 : i32
    "tpu.region"() ({
      %run_scoped3A_310 = tpu.sem_alloc : memref<!tpu.dma_semaphore, #tpu.memory_space<semaphore_mem>>
      %dma_start3A_311 = arith.constant 0 : i32
      %dma_start3A_312 = arith.constant 0 : i32
      %dma_start3A_313 = tpu.memref_slice %arg4[%arg0, %dma_start3A_311, %dma_start3A_312] : memref<2x10016x64xbf16, #tpu.memory_space<hbm>> -> memref<1x10016x64xbf16, #tpu.memory_space<hbm>>
      %dma_start3A_314 = tpu.memref_squeeze %dma_start3A_313 : memref<1x10016x64xbf16, #tpu.memory_space<hbm>> -> memref<10016x64xbf16, #tpu.memory_space<hbm>>
      %dma_start3A_315 = arith.constant 0 : i32
      %dma_start3A_316 = tpu.memref_slice %dma_start3A_314[%add3A_301, %dma_start3A_315] : memref<10016x64xbf16, #tpu.memory_space<hbm>> -> memref<128x64xbf16, #tpu.memory_space<hbm>>
      %dma_start3A_317 = arith.constant 0 : i32
      %dma_start3A_318 = tpu.memref_slice %arg31[%add3A_297, %dma_start3A_317] : memref<10016x64xbf16, #tpu.memory_space<vmem_shared>> -> memref<128x64xbf16, #tpu.memory_space<vmem_shared>>
      tpu.enqueue_dma source(%dma_start3A_318 : memref<128x64xbf16, #tpu.memory_space<vmem_shared>>) target(%dma_start3A_316 : memref<128x64xbf16, #tpu.memory_space<hbm>>) target_semaphore(%run_scoped3A_310 : memref<!tpu.dma_semaphore, #tpu.memory_space<semaphore_mem>>)
      %dma_wait3A_319 = arith.constant 0 : i32
      %dma_wait3A_320 = arith.constant 0 : i32
      %dma_wait3A_321 = tpu.memref_slice %arg4[%arg0, %dma_wait3A_319, %dma_wait3A_320] : memref<2x10016x64xbf16, #tpu.memory_space<hbm>> -> memref<1x10016x64xbf16, #tpu.memory_space<hbm>>
      %dma_wait3A_322 = tpu.memref_squeeze %dma_wait3A_321 : memref<1x10016x64xbf16, #tpu.memory_space<hbm>> -> memref<10016x64xbf16, #tpu.memory_space<hbm>>
      %dma_wait3A_323 = arith.constant 0 : i32
      %dma_wait3A_324 = tpu.memref_slice %dma_wait3A_322[%add3A_301, %dma_wait3A_323] : memref<10016x64xbf16, #tpu.memory_space<hbm>> -> memref<128x64xbf16, #tpu.memory_space<hbm>>
      %dma_wait3A_325 = arith.constant 0 : i32
      %dma_wait3A_326 = tpu.memref_slice %arg31[%add3A_297, %dma_wait3A_325] : memref<10016x64xbf16, #tpu.memory_space<vmem_shared>> -> memref<128x64xbf16, #tpu.memory_space<vmem_shared>>
      tpu.wait_dma2 semaphore(%run_scoped3A_310 : memref<!tpu.dma_semaphore, #tpu.memory_space<semaphore_mem>>) src(%dma_wait3A_326 : memref<128x64xbf16, #tpu.memory_space<vmem_shared>>) dst(%dma_wait3A_324 : memref<128x64xbf16, #tpu.memory_space<hbm>>)
      tpu.yield
    }) : () -> ()
    %mul3A_302 = arith.constant 626 : i32
    %mul3A_303 = arith.muli %arg1, %mul3A_302 : i32
    %add3A_304 = arith.constant 512 : i32
    %add3A_305 = arith.addi %mul3A_303, %add3A_304 : i32
    %mul3A_306 = arith.constant 626 : i32
    %mul3A_307 = arith.muli %arg1, %mul3A_306 : i32
    %add3A_308 = arith.constant 512 : i32
    %add3A_309 = arith.addi %mul3A_307, %add3A_308 : i32
    "tpu.region"() ({
      %run_scoped3A_310 = tpu.sem_alloc : memref<!tpu.dma_semaphore, #tpu.memory_space<semaphore_mem>>
      %dma_start3A_311 = arith.constant 0 : i32
      %dma_start3A_312 = arith.constant 0 : i32
      %dma_start3A_313 = tpu.memref_slice %arg4[%arg0, %dma_start3A_311, %dma_start3A_312] : memref<2x10016x64xbf16, #tpu.memory_space<hbm>> -> memref<1x10016x64xbf16, #tpu.memory_space<hbm>>
      %dma_start3A_314 = tpu.memref_squeeze %dma_start3A_313 : memref<1x10016x64xbf16, #tpu.memory_space<hbm>> -> memref<10016x64xbf16, #tpu.memory_space<hbm>>
      %dma_start3A_315 = arith.constant 0 : i32
      %dma_start3A_316 = tpu.memref_slice %dma_start3A_314[%add3A_309, %dma_start3A_315] : memref<10016x64xbf16, #tpu.memory_space<hbm>> -> memref<114x64xbf16, #tpu.memory_space<hbm>>
      %dma_start3A_317 = arith.constant 0 : i32
      %dma_start3A_318 = tpu.memref_slice %arg31[%add3A_305, %dma_start3A_317] : memref<10016x64xbf16, #tpu.memory_space<vmem_shared>> -> memref<114x64xbf16, #tpu.memory_space<vmem_shared>>
      tpu.enqueue_dma source(%dma_start3A_318 : memref<114x64xbf16, #tpu.memory_space<vmem_shared>>) target(%dma_start3A_316 : memref<114x64xbf16, #tpu.memory_space<hbm>>) target_semaphore(%run_scoped3A_310 : memref<!tpu.dma_semaphore, #tpu.memory_space<semaphore_mem>>)
      %dma_wait3A_319 = arith.constant 0 : i32
      %dma_wait3A_320 = arith.constant 0 : i32
      %dma_wait3A_321 = tpu.memref_slice %arg4[%arg0, %dma_wait3A_319, %dma_wait3A_320] : memref<2x10016x64xbf16, #tpu.memory_space<hbm>> -> memref<1x10016x64xbf16, #tpu.memory_space<hbm>>
      %dma_wait3A_322 = tpu.memref_squeeze %dma_wait3A_321 : memref<1x10016x64xbf16, #tpu.memory_space<hbm>> -> memref<10016x64xbf16, #tpu.memory_space<hbm>>
      %dma_wait3A_323 = arith.constant 0 : i32
      %dma_wait3A_324 = tpu.memref_slice %dma_wait3A_322[%add3A_309, %dma_wait3A_323] : memref<10016x64xbf16, #tpu.memory_space<hbm>> -> memref<114x64xbf16, #tpu.memory_space<hbm>>
      %dma_wait3A_325 = arith.constant 0 : i32
      %dma_wait3A_326 = tpu.memref_slice %arg31[%add3A_305, %dma_wait3A_325] : memref<10016x64xbf16, #tpu.memory_space<vmem_shared>> -> memref<114x64xbf16, #tpu.memory_space<vmem_shared>>
      tpu.wait_dma2 semaphore(%run_scoped3A_310 : memref<!tpu.dma_semaphore, #tpu.memory_space<semaphore_mem>>) src(%dma_wait3A_326 : memref<114x64xbf16, #tpu.memory_space<vmem_shared>>) dst(%dma_wait3A_324 : memref<114x64xbf16, #tpu.memory_space<hbm>>)
      tpu.yield
    }) : () -> ()
    return
  }
}

#map = affine_map<(d0, d1) -> (0, 0)>
#map1 = affine_map<(d0, d1) -> (0, 0, 0, 0)>
#map2 = affine_map<(d0, d1) -> (0, 0, 0)>
module attributes {stable_mosaic.version = 14 : i64} {
  func.func @kern(%arg0: i32, %arg1: i32, %arg2: memref<10016x64xbf16, #tpu.memory_space<hbm>>, %arg3: memref<2x32x79x128xi32, #tpu.memory_space<hbm>>, %arg4: memref<2x10016x64xbf16, #tpu.memory_space<hbm>>, %arg5: memref<79x128xi32, #tpu.memory_space<vmem>>, %arg6: memref<79x128xi32, #tpu.memory_space<vmem>>, %arg7: memref<128x64xbf16, #tpu.memory_space<vmem>>, %arg8: memref<128x64xbf16, #tpu.memory_space<vmem>>, %arg9: memref<128x64xbf16, #tpu.memory_space<vmem>>, %arg10: memref<128x64xbf16, #tpu.memory_space<vmem>>, %arg11: memref<128x64xbf16, #tpu.memory_space<vmem>>, %arg12: memref<128x64xbf16, #tpu.memory_space<vmem>>, %arg13: memref<128x64xbf16, #tpu.memory_space<vmem>>, %arg14: memref<128x64xbf16, #tpu.memory_space<vmem>>, %arg15: memref<128x64xbf16, #tpu.memory_space<vmem>>, %arg16: memref<128x64xbf16, #tpu.memory_space<vmem>>, %arg17: memref<128x64xbf16, #tpu.memory_space<vmem>>, %arg18: memref<128x64xbf16, #tpu.memory_space<vmem>>, %arg19: memref<!tpu.dma_semaphore, #tpu.memory_space<semaphore_mem>>, %arg20: memref<!tpu.dma_semaphore, #tpu.memory_space<semaphore_mem>>, %arg21: memref<!tpu.dma_semaphore, #tpu.memory_space<semaphore_mem>>, %arg22: memref<!tpu.dma_semaphore, #tpu.memory_space<semaphore_mem>>, %arg23: memref<!tpu.dma_semaphore, #tpu.memory_space<semaphore_mem>>, %arg24: memref<!tpu.dma_semaphore, #tpu.memory_space<semaphore_mem>>, %arg25: memref<!tpu.dma_semaphore, #tpu.memory_space<semaphore_mem>>, %arg26: memref<!tpu.dma_semaphore, #tpu.memory_space<semaphore_mem>>, %arg27: memref<!tpu.dma_semaphore, #tpu.memory_space<semaphore_mem>>, %arg28: memref<!tpu.dma_semaphore, #tpu.memory_space<semaphore_mem>>, %arg29: memref<!tpu.dma_semaphore, #tpu.memory_space<semaphore_mem>>, %arg30: memref<!tpu.dma_semaphore, #tpu.memory_space<semaphore_mem>>, %arg31: memref<10016x64xbf16, #tpu.memory_space<vmem_shared>>) attributes {dimension_semantics = [#tpu.dimension_semantics<core_parallel>, #tpu.dimension_semantics<subcore_parallel>], iteration_bounds = array<i64: 2, 16>, scalar_prefetch = 0 : i64, scratch_operands = 27 : i64, tpu.core_type = #tpu.core_type<sc_vector_subcore>, window_params = [{transform_indices = #map}, {transform_indices = #map1}, {transform_indices = #map2}]} {
    %mul3A = arith.constant 2 : i32
    %mul3A_0 = arith.muli %arg1, %mul3A : i32
    %add3A = arith.addi %mul3A_0, %arg0 : i32
    %scan3A = arith.constant 0 : i32
    %scan3A_1 = arith.constant 0 : i32
    %scan3A_2 = arith.constant 128 : i32
    %scan3A_3 = arith.addi %scan3A_1, %scan3A_2 : i32
    %scan3A_4 = arith.constant 1 : i32
    scf.for %scan3A_310 = %scan3A_1 to %scan3A_3 step %scan3A_4  : i32 {
      %broadcast_in_dim3A = arith.constant 0.000000e+00 : bf16
      %broadcast_in_dim3A_311 = vector.broadcast %broadcast_in_dim3A : bf16 to vector<32xbf16>
      %swap3A = arith.index_cast %scan3A_310 : i32 to index
      %swap3A_312 = arith.constant 0 : index
      %swap3A_313 = tpu.vector_load %arg7[%swap3A, %swap3A_312] {strides = array<i32>} : memref<128x64xbf16, #tpu.memory_space<vmem>>, vector<1x32xbf16>,
      %swap3A_314 = vector.shape_cast %swap3A_313 : vector<1x32xbf16> to vector<32xbf16>
      %swap3A_315 = vector.shape_cast %broadcast_in_dim3A_311 : vector<32xbf16> to vector<1x32xbf16>
      tpu.vector_store %arg7[%swap3A, %swap3A_312], %swap3A_315 {strides = array<i32>} : memref<128x64xbf16, #tpu.memory_space<vmem>>, vector<1x32xbf16>,
      %broadcast_in_dim3A_316 = arith.constant 0.000000e+00 : bf16
      %broadcast_in_dim3A_317 = vector.broadcast %broadcast_in_dim3A_316 : bf16 to vector<32xbf16>
      %swap3A_318 = arith.index_cast %scan3A_310 : i32 to index
      %swap3A_319 = arith.constant 32 : index
      %swap3A_320 = tpu.vector_load %arg7[%swap3A_318, %swap3A_319] {strides = array<i32>} : memref<128x64xbf16, #tpu.memory_space<vmem>>, vector<1x32xbf16>,
      %swap3A_321 = vector.shape_cast %swap3A_320 : vector<1x32xbf16> to vector<32xbf16>
      %swap3A_322 = vector.shape_cast %broadcast_in_dim3A_317 : vector<32xbf16> to vector<1x32xbf16>
      tpu.vector_store %arg7[%swap3A_318, %swap3A_319], %swap3A_322 {strides = array<i32>} : memref<128x64xbf16, #tpu.memory_space<vmem>>, vector<1x32xbf16>,
    }
    %scan3A_5 = arith.constant 128 : i32
    %mul3A_6 = arith.constant 626 : i32
    %mul3A_7 = arith.muli %arg1, %mul3A_6 : i32
    %add3A_8 = arith.constant 0 : i32
    %add3A_9 = arith.addi %mul3A_7, %add3A_8 : i32
    "tpu.region"() ({
      %run_scoped3A_310 = tpu.sem_alloc : memref<!tpu.dma_semaphore, #tpu.memory_space<semaphore_mem>>
      %dma_start3A_311 = arith.constant 0 : i32
      %dma_start3A_312 = arith.constant 0 : i32
      %dma_start3A_313 = tpu.memref_slice %arg7[%dma_start3A_311, %dma_start3A_312] : memref<128x64xbf16, #tpu.memory_space<vmem>> -> memref<128x64xbf16, #tpu.memory_space<vmem>>
      %dma_start3A_314 = arith.constant 0 : i32
      %dma_start3A_315 = tpu.memref_slice %arg31[%add3A_9, %dma_start3A_314] : memref<10016x64xbf16, #tpu.memory_space<vmem_shared>> -> memref<128x64xbf16, #tpu.memory_space<vmem_shared>>
      %dma_start3A_316 = arith.constant 0 : i32
      %dma_start3A_317 = tpu.memref_slice %arg31[%add3A_9, %dma_start3A_316] : memref<10016x64xbf16, #tpu.memory_space<vmem_shared>> -> memref<128x64xbf16, #tpu.memory_space<vmem_shared>>
      %dma_start3A_318 = arith.constant 0 : i32
      %dma_start3A_319 = arith.constant 0 : i32
      %dma_start3A_320 = tpu.memref_slice %arg7[%dma_start3A_318, %dma_start3A_319] : memref<128x64xbf16, #tpu.memory_space<vmem>> -> memref<128x64xbf16, #tpu.memory_space<vmem>>
      tpu.enqueue_dma source(%dma_start3A_320 : memref<128x64xbf16, #tpu.memory_space<vmem>>) target(%dma_start3A_317 : memref<128x64xbf16, #tpu.memory_space<vmem_shared>>) target_semaphore(%run_scoped3A_310 : memref<!tpu.dma_semaphore, #tpu.memory_space<semaphore_mem>>)
      %dma_wait3A_321 = arith.constant 0 : i32
      %dma_wait3A_322 = arith.constant 0 : i32
      %dma_wait3A_323 = tpu.memref_slice %arg7[%dma_wait3A_321, %dma_wait3A_322] : memref<128x64xbf16, #tpu.memory_space<vmem>> -> memref<128x64xbf16, #tpu.memory_space<vmem>>
      %dma_wait3A_324 = arith.constant 0 : i32
      %dma_wait3A_325 = tpu.memref_slice %arg31[%add3A_9, %dma_wait3A_324] : memref<10016x64xbf16, #tpu.memory_space<vmem_shared>> -> memref<128x64xbf16, #tpu.memory_space<vmem_shared>>
      %dma_wait3A_326 = arith.constant 0 : i32
      %dma_wait3A_327 = tpu.memref_slice %arg31[%add3A_9, %dma_wait3A_326] : memref<10016x64xbf16, #tpu.memory_space<vmem_shared>> -> memref<128x64xbf16, #tpu.memory_space<vmem_shared>>
      %dma_wait3A_328 = arith.constant 0 : i32
      %dma_wait3A_329 = arith.constant 0 : i32
      %dma_wait3A_330 = tpu.memref_slice %arg7[%dma_wait3A_328, %dma_wait3A_329] : memref<128x64xbf16, #tpu.memory_space<vmem>> -> memref<128x64xbf16, #tpu.memory_space<vmem>>
      tpu.wait_dma2 semaphore(%run_scoped3A_310 : memref<!tpu.dma_semaphore, #tpu.memory_space<semaphore_mem>>) src(%dma_wait3A_330 : memref<128x64xbf16, #tpu.memory_space<vmem>>) dst(%dma_wait3A_327 : memref<128x64xbf16, #tpu.memory_space<vmem_shared>>)
      tpu.yield
    }) : () -> ()
    %mul3A_10 = arith.constant 626 : i32
    %mul3A_11 = arith.muli %arg1, %mul3A_10 : i32
    %add3A_12 = arith.constant 128 : i32
    %add3A_13 = arith.addi %mul3A_11, %add3A_12 : i32
    "tpu.region"() ({
      %run_scoped3A_310 = tpu.sem_alloc : memref<!tpu.dma_semaphore, #tpu.memory_space<semaphore_mem>>
      %dma_start3A_311 = arith.constant 0 : i32
      %dma_start3A_312 = arith.constant 0 : i32
      %dma_start3A_313 = tpu.memref_slice %arg7[%dma_start3A_311, %dma_start3A_312] : memref<128x64xbf16, #tpu.memory_space<vmem>> -> memref<128x64xbf16, #tpu.memory_space<vmem>>
      %dma_start3A_314 = arith.constant 0 : i32
      %dma_start3A_315 = tpu.memref_slice %arg31[%add3A_13, %dma_start3A_314] : memref<10016x64xbf16, #tpu.memory_space<vmem_shared>> -> memref<128x64xbf16, #tpu.memory_space<vmem_shared>>
      %dma_start3A_316 = arith.constant 0 : i32
      %dma_start3A_317 = tpu.memref_slice %arg31[%add3A_13, %dma_start3A_316] : memref<10016x64xbf16, #tpu.memory_space<vmem_shared>> -> memref<128x64xbf16, #tpu.memory_space<vmem_shared>>
      %dma_start3A_318 = arith.constant 0 : i32
      %dma_start3A_319 = arith.constant 0 : i32
      %dma_start3A_320 = tpu.memref_slice %arg7[%dma_start3A_318, %dma_start3A_319] : memref<128x64xbf16, #tpu.memory_space<vmem>> -> memref<128x64xbf16, #tpu.memory_space<vmem>>
      tpu.enqueue_dma source(%dma_start3A_320 : memref<128x64xbf16, #tpu.memory_space<vmem>>) target(%dma_start3A_317 : memref<128x64xbf16, #tpu.memory_space<vmem_shared>>) target_semaphore(%run_scoped3A_310 : memref<!tpu.dma_semaphore, #tpu.memory_space<semaphore_mem>>)
      %dma_wait3A_321 = arith.constant 0 : i32
      %dma_wait3A_322 = arith.constant 0 : i32
      %dma_wait3A_323 = tpu.memref_slice %arg7[%dma_wait3A_321, %dma_wait3A_322] : memref<128x64xbf16, #tpu.memory_space<vmem>> -> memref<128x64xbf16, #tpu.memory_space<vmem>>
      %dma_wait3A_324 = arith.constant 0 : i32
      %dma_wait3A_325 = tpu.memref_slice %arg31[%add3A_13, %dma_wait3A_324] : memref<10016x64xbf16, #tpu.memory_space<vmem_shared>> -> memref<128x64xbf16, #tpu.memory_space<vmem_shared>>
      %dma_wait3A_326 = arith.constant 0 : i32
      %dma_wait3A_327 = tpu.memref_slice %arg31[%add3A_13, %dma_wait3A_326] : memref<10016x64xbf16, #tpu.memory_space<vmem_shared>> -> memref<128x64xbf16, #tpu.memory_space<vmem_shared>>
      %dma_wait3A_328 = arith.constant 0 : i32
      %dma_wait3A_329 = arith.constant 0 : i32
      %dma_wait3A_330 = tpu.memref_slice %arg7[%dma_wait3A_328, %dma_wait3A_329] : memref<128x64xbf16, #tpu.memory_space<vmem>> -> memref<128x64xbf16, #tpu.memory_space<vmem>>
      tpu.wait_dma2 semaphore(%run_scoped3A_310 : memref<!tpu.dma_semaphore, #tpu.memory_space<semaphore_mem>>) src(%dma_wait3A_330 : memref<128x64xbf16, #tpu.memory_space<vmem>>) dst(%dma_wait3A_327 : memref<128x64xbf16, #tpu.memory_space<vmem_shared>>)
      tpu.yield
    }) : () -> ()
    %mul3A_14 = arith.constant 626 : i32
    %mul3A_15 = arith.muli %arg1, %mul3A_14 : i32
    %add3A_16 = arith.constant 256 : i32
    %add3A_17 = arith.addi %mul3A_15, %add3A_16 : i32
    "tpu.region"() ({
      %run_scoped3A_310 = tpu.sem_alloc : memref<!tpu.dma_semaphore, #tpu.memory_space<semaphore_mem>>
      %dma_start3A_311 = arith.constant 0 : i32
      %dma_start3A_312 = arith.constant 0 : i32
      %dma_start3A_313 = tpu.memref_slice %arg7[%dma_start3A_311, %dma_start3A_312] : memref<128x64xbf16, #tpu.memory_space<vmem>> -> memref<128x64xbf16, #tpu.memory_space<vmem>>
      %dma_start3A_314 = arith.constant 0 : i32
      %dma_start3A_315 = tpu.memref_slice %arg31[%add3A_17, %dma_start3A_314] : memref<10016x64xbf16, #tpu.memory_space<vmem_shared>> -> memref<128x64xbf16, #tpu.memory_space<vmem_shared>>
      %dma_start3A_316 = arith.constant 0 : i32
      %dma_start3A_317 = tpu.memref_slice %arg31[%add3A_17, %dma_start3A_316] : memref<10016x64xbf16, #tpu.memory_space<vmem_shared>> -> memref<128x64xbf16, #tpu.memory_space<vmem_shared>>
      %dma_start3A_318 = arith.constant 0 : i32
      %dma_start3A_319 = arith.constant 0 : i32
      %dma_start3A_320 = tpu.memref_slice %arg7[%dma_start3A_318, %dma_start3A_319] : memref<128x64xbf16, #tpu.memory_space<vmem>> -> memref<128x64xbf16, #tpu.memory_space<vmem>>
      tpu.enqueue_dma source(%dma_start3A_320 : memref<128x64xbf16, #tpu.memory_space<vmem>>) target(%dma_start3A_317 : memref<128x64xbf16, #tpu.memory_space<vmem_shared>>) target_semaphore(%run_scoped3A_310 : memref<!tpu.dma_semaphore, #tpu.memory_space<semaphore_mem>>)
      %dma_wait3A_321 = arith.constant 0 : i32
      %dma_wait3A_322 = arith.constant 0 : i32
      %dma_wait3A_323 = tpu.memref_slice %arg7[%dma_wait3A_321, %dma_wait3A_322] : memref<128x64xbf16, #tpu.memory_space<vmem>> -> memref<128x64xbf16, #tpu.memory_space<vmem>>
      %dma_wait3A_324 = arith.constant 0 : i32
      %dma_wait3A_325 = tpu.memref_slice %arg31[%add3A_17, %dma_wait3A_324] : memref<10016x64xbf16, #tpu.memory_space<vmem_shared>> -> memref<128x64xbf16, #tpu.memory_space<vmem_shared>>
      %dma_wait3A_326 = arith.constant 0 : i32
      %dma_wait3A_327 = tpu.memref_slice %arg31[%add3A_17, %dma_wait3A_326] : memref<10016x64xbf16, #tpu.memory_space<vmem_shared>> -> memref<128x64xbf16, #tpu.memory_space<vmem_shared>>
      %dma_wait3A_328 = arith.constant 0 : i32
      %dma_wait3A_329 = arith.constant 0 : i32
      %dma_wait3A_330 = tpu.memref_slice %arg7[%dma_wait3A_328, %dma_wait3A_329] : memref<128x64xbf16, #tpu.memory_space<vmem>> -> memref<128x64xbf16, #tpu.memory_space<vmem>>
      tpu.wait_dma2 semaphore(%run_scoped3A_310 : memref<!tpu.dma_semaphore, #tpu.memory_space<semaphore_mem>>) src(%dma_wait3A_330 : memref<128x64xbf16, #tpu.memory_space<vmem>>) dst(%dma_wait3A_327 : memref<128x64xbf16, #tpu.memory_space<vmem_shared>>)
      tpu.yield
    }) : () -> ()
    %mul3A_18 = arith.constant 626 : i32
    %mul3A_19 = arith.muli %arg1, %mul3A_18 : i32
    %add3A_20 = arith.constant 384 : i32
    %add3A_21 = arith.addi %mul3A_19, %add3A_20 : i32
    "tpu.region"() ({
      %run_scoped3A_310 = tpu.sem_alloc : memref<!tpu.dma_semaphore, #tpu.memory_space<semaphore_mem>>
      %dma_start3A_311 = arith.constant 0 : i32
      %dma_start3A_312 = arith.constant 0 : i32
      %dma_start3A_313 = tpu.memref_slice %arg7[%dma_start3A_311, %dma_start3A_312] : memref<128x64xbf16, #tpu.memory_space<vmem>> -> memref<128x64xbf16, #tpu.memory_space<vmem>>
      %dma_start3A_314 = arith.constant 0 : i32
      %dma_start3A_315 = tpu.memref_slice %arg31[%add3A_21, %dma_start3A_314] : memref<10016x64xbf16, #tpu.memory_space<vmem_shared>> -> memref<128x64xbf16, #tpu.memory_space<vmem_shared>>
      %dma_start3A_316 = arith.constant 0 : i32
      %dma_start3A_317 = tpu.memref_slice %arg31[%add3A_21, %dma_start3A_316] : memref<10016x64xbf16, #tpu.memory_space<vmem_shared>> -> memref<128x64xbf16, #tpu.memory_space<vmem_shared>>
      %dma_start3A_318 = arith.constant 0 : i32
      %dma_start3A_319 = arith.constant 0 : i32
      %dma_start3A_320 = tpu.memref_slice %arg7[%dma_start3A_318, %dma_start3A_319] : memref<128x64xbf16, #tpu.memory_space<vmem>> -> memref<128x64xbf16, #tpu.memory_space<vmem>>
      tpu.enqueue_dma source(%dma_start3A_320 : memref<128x64xbf16, #tpu.memory_space<vmem>>) target(%dma_start3A_317 : memref<128x64xbf16, #tpu.memory_space<vmem_shared>>) target_semaphore(%run_scoped3A_310 : memref<!tpu.dma_semaphore, #tpu.memory_space<semaphore_mem>>)
      %dma_wait3A_321 = arith.constant 0 : i32
      %dma_wait3A_322 = arith.constant 0 : i32
      %dma_wait3A_323 = tpu.memref_slice %arg7[%dma_wait3A_321, %dma_wait3A_322] : memref<128x64xbf16, #tpu.memory_space<vmem>> -> memref<128x64xbf16, #tpu.memory_space<vmem>>
      %dma_wait3A_324 = arith.constant 0 : i32
      %dma_wait3A_325 = tpu.memref_slice %arg31[%add3A_21, %dma_wait3A_324] : memref<10016x64xbf16, #tpu.memory_space<vmem_shared>> -> memref<128x64xbf16, #tpu.memory_space<vmem_shared>>
      %dma_wait3A_326 = arith.constant 0 : i32
      %dma_wait3A_327 = tpu.memref_slice %arg31[%add3A_21, %dma_wait3A_326] : memref<10016x64xbf16, #tpu.memory_space<vmem_shared>> -> memref<128x64xbf16, #tpu.memory_space<vmem_shared>>
      %dma_wait3A_328 = arith.constant 0 : i32
      %dma_wait3A_329 = arith.constant 0 : i32
      %dma_wait3A_330 = tpu.memref_slice %arg7[%dma_wait3A_328, %dma_wait3A_329] : memref<128x64xbf16, #tpu.memory_space<vmem>> -> memref<128x64xbf16, #tpu.memory_space<vmem>>
      tpu.wait_dma2 semaphore(%run_scoped3A_310 : memref<!tpu.dma_semaphore, #tpu.memory_space<semaphore_mem>>) src(%dma_wait3A_330 : memref<128x64xbf16, #tpu.memory_space<vmem>>) dst(%dma_wait3A_327 : memref<128x64xbf16, #tpu.memory_space<vmem_shared>>)
      tpu.yield
    }) : () -> ()
    %mul3A_22 = arith.constant 626 : i32
    %mul3A_23 = arith.muli %arg1, %mul3A_22 : i32
    %add3A_24 = arith.constant 512 : i32
    %add3A_25 = arith.addi %mul3A_23, %add3A_24 : i32
    "tpu.region"() ({
      %run_scoped3A_310 = tpu.sem_alloc : memref<!tpu.dma_semaphore, #tpu.memory_space<semaphore_mem>>
      %dma_start3A_311 = arith.constant 0 : i32
      %dma_start3A_312 = arith.constant 0 : i32
      %dma_start3A_313 = tpu.memref_slice %arg7[%dma_start3A_311, %dma_start3A_312] : memref<128x64xbf16, #tpu.memory_space<vmem>> -> memref<114x64xbf16, #tpu.memory_space<vmem>>
      %dma_start3A_314 = arith.constant 0 : i32
      %dma_start3A_315 = tpu.memref_slice %arg31[%add3A_25, %dma_start3A_314] : memref<10016x64xbf16, #tpu.memory_space<vmem_shared>> -> memref<114x64xbf16, #tpu.memory_space<vmem_shared>>
      %dma_start3A_316 = arith.constant 0 : i32
      %dma_start3A_317 = tpu.memref_slice %arg31[%add3A_25, %dma_start3A_316] : memref<10016x64xbf16, #tpu.memory_space<vmem_shared>> -> memref<114x64xbf16, #tpu.memory_space<vmem_shared>>
      %dma_start3A_318 = arith.constant 0 : i32
      %dma_start3A_319 = arith.constant 0 : i32
      %dma_start3A_320 = tpu.memref_slice %arg7[%dma_start3A_318, %dma_start3A_319] : memref<128x64xbf16, #tpu.memory_space<vmem>> -> memref<114x64xbf16, #tpu.memory_space<vmem>>
      tpu.enqueue_dma source(%dma_start3A_320 : memref<114x64xbf16, #tpu.memory_space<vmem>>) target(%dma_start3A_317 : memref<114x64xbf16, #tpu.memory_space<vmem_shared>>) target_semaphore(%run_scoped3A_310 : memref<!tpu.dma_semaphore, #tpu.memory_space<semaphore_mem>>)
      %dma_wait3A_321 = arith.constant 0 : i32
      %dma_wait3A_322 = arith.constant 0 : i32
      %dma_wait3A_323 = tpu.memref_slice %arg7[%dma_wait3A_321, %dma_wait3A_322] : memref<128x64xbf16, #tpu.memory_space<vmem>> -> memref<114x64xbf16, #tpu.memory_space<vmem>>
      %dma_wait3A_324 = arith.constant 0 : i32
      %dma_wait3A_325 = tpu.memref_slice %arg31[%add3A_25, %dma_wait3A_324] : memref<10016x64xbf16, #tpu.memory_space<vmem_shared>> -> memref<114x64xbf16, #tpu.memory_space<vmem_shared>>
      %dma_wait3A_326 = arith.constant 0 : i32
      %dma_wait3A_327 = tpu.memref_slice %arg31[%add3A_25, %dma_wait3A_326] : memref<10016x64xbf16, #tpu.memory_space<vmem_shared>> -> memref<114x64xbf16, #tpu.memory_space<vmem_shared>>
      %dma_wait3A_328 = arith.constant 0 : i32
      %dma_wait3A_329 = arith.constant 0 : i32
      %dma_wait3A_330 = tpu.memref_slice %arg7[%dma_wait3A_328, %dma_wait3A_329] : memref<128x64xbf16, #tpu.memory_space<vmem>> -> memref<114x64xbf16, #tpu.memory_space<vmem>>
      tpu.wait_dma2 semaphore(%run_scoped3A_310 : memref<!tpu.dma_semaphore, #tpu.memory_space<semaphore_mem>>) src(%dma_wait3A_330 : memref<114x64xbf16, #tpu.memory_space<vmem>>) dst(%dma_wait3A_327 : memref<114x64xbf16, #tpu.memory_space<vmem_shared>>)
      tpu.yield
    }) : () -> ()
    %run_scoped3A = arith.constant 0 : i32
    "tpu.region"() ({
      %run_scoped3A_310 = tpu.sem_alloc : memref<!tpu.dma_semaphore, #tpu.memory_space<semaphore_mem>>
      %dma_start3A_311 = arith.constant 0 : i32
      %dma_start3A_312 = arith.constant 0 : i32
      %dma_start3A_313 = arith.constant 0 : i32
      %dma_start3A_314 = tpu.memref_slice %arg3[%run_scoped3A, %dma_start3A_311, %dma_start3A_312, %dma_start3A_313] : memref<2x32x79x128xi32, #tpu.memory_space<hbm>> -> memref<1x32x79x128xi32, #tpu.memory_space<hbm>>
      %dma_start3A_315 = tpu.memref_squeeze %dma_start3A_314 : memref<1x32x79x128xi32, #tpu.memory_space<hbm>> -> memref<32x79x128xi32, #tpu.memory_space<hbm>>
      %dma_start3A_316 = arith.constant 0 : i32
      %dma_start3A_317 = arith.constant 0 : i32
      %dma_start3A_318 = tpu.memref_slice %dma_start3A_315[%add3A, %dma_start3A_316, %dma_start3A_317] : memref<32x79x128xi32, #tpu.memory_space<hbm>> -> memref<1x79x128xi32, #tpu.memory_space<hbm>>
      %dma_start3A_319 = tpu.memref_squeeze %dma_start3A_318 : memref<1x79x128xi32, #tpu.memory_space<hbm>> -> memref<79x128xi32, #tpu.memory_space<hbm>>
      %dma_start3A_320 = arith.constant 0 : i32
      %dma_start3A_321 = arith.constant 0 : i32
      %dma_start3A_322 = arith.constant 0 : i32
      %dma_start3A_323 = tpu.memref_slice %arg3[%run_scoped3A, %dma_start3A_320, %dma_start3A_321, %dma_start3A_322] : memref<2x32x79x128xi32, #tpu.memory_space<hbm>> -> memref<1x32x79x128xi32, #tpu.memory_space<hbm>>
      %dma_start3A_324 = tpu.memref_squeeze %dma_start3A_323 : memref<1x32x79x128xi32, #tpu.memory_space<hbm>> -> memref<32x79x128xi32, #tpu.memory_space<hbm>>
      %dma_start3A_325 = arith.constant 0 : i32
      %dma_start3A_326 = arith.constant 0 : i32
      %dma_start3A_327 = tpu.memref_slice %dma_start3A_324[%add3A, %dma_start3A_325, %dma_start3A_326] : memref<32x79x128xi32, #tpu.memory_space<hbm>> -> memref<1x79x128xi32, #tpu.memory_space<hbm>>
      %dma_start3A_328 = tpu.memref_squeeze %dma_start3A_327 : memref<1x79x128xi32, #tpu.memory_space<hbm>> -> memref<79x128xi32, #tpu.memory_space<hbm>>
      tpu.enqueue_dma source(%dma_start3A_328 : memref<79x128xi32, #tpu.memory_space<hbm>>) target(%arg5 : memref<79x128xi32, #tpu.memory_space<vmem>>) target_semaphore(%run_scoped3A_310 : memref<!tpu.dma_semaphore, #tpu.memory_space<semaphore_mem>>)
      %dma_wait3A_329 = arith.constant 0 : i32
      %dma_wait3A_330 = arith.constant 0 : i32
      %dma_wait3A_331 = arith.constant 0 : i32
      %dma_wait3A_332 = tpu.memref_slice %arg3[%run_scoped3A, %dma_wait3A_329, %dma_wait3A_330, %dma_wait3A_331] : memref<2x32x79x128xi32, #tpu.memory_space<hbm>> -> memref<1x32x79x128xi32, #tpu.memory_space<hbm>>
      %dma_wait3A_333 = tpu.memref_squeeze %dma_wait3A_332 : memref<1x32x79x128xi32, #tpu.memory_space<hbm>> -> memref<32x79x128xi32, #tpu.memory_space<hbm>>
      %dma_wait3A_334 = arith.constant 0 : i32
      %dma_wait3A_335 = arith.constant 0 : i32
      %dma_wait3A_336 = tpu.memref_slice %dma_wait3A_333[%add3A, %dma_wait3A_334, %dma_wait3A_335] : memref<32x79x128xi32, #tpu.memory_space<hbm>> -> memref<1x79x128xi32, #tpu.memory_space<hbm>>
      %dma_wait3A_337 = tpu.memref_squeeze %dma_wait3A_336 : memref<1x79x128xi32, #tpu.memory_space<hbm>> -> memref<79x128xi32, #tpu.memory_space<hbm>>
      %dma_wait3A_338 = arith.constant 0 : i32
      %dma_wait3A_339 = arith.constant 0 : i32
      %dma_wait3A_340 = arith.constant 0 : i32
      %dma_wait3A_341 = tpu.memref_slice %arg3[%run_scoped3A, %dma_wait3A_338, %dma_wait3A_339, %dma_wait3A_340] : memref<2x32x79x128xi32, #tpu.memory_space<hbm>> -> memref<1x32x79x128xi32, #tpu.memory_space<hbm>>
      %dma_wait3A_342 = tpu.memref_squeeze %dma_wait3A_341 : memref<1x32x79x128xi32, #tpu.memory_space<hbm>> -> memref<32x79x128xi32, #tpu.memory_space<hbm>>
      %dma_wait3A_343 = arith.constant 0 : i32
      %dma_wait3A_344 = arith.constant 0 : i32
      %dma_wait3A_345 = tpu.memref_slice %dma_wait3A_342[%add3A, %dma_wait3A_343, %dma_wait3A_344] : memref<32x79x128xi32, #tpu.memory_space<hbm>> -> memref<1x79x128xi32, #tpu.memory_space<hbm>>
      %dma_wait3A_346 = tpu.memref_squeeze %dma_wait3A_345 : memref<1x79x128xi32, #tpu.memory_space<hbm>> -> memref<79x128xi32, #tpu.memory_space<hbm>>
      tpu.wait_dma2 semaphore(%run_scoped3A_310 : memref<!tpu.dma_semaphore, #tpu.memory_space<semaphore_mem>>) src(%dma_wait3A_346 : memref<79x128xi32, #tpu.memory_space<hbm>>) dst(%arg5 : memref<79x128xi32, #tpu.memory_space<vmem>>)
      tpu.yield
    }) : () -> ()
    %run_scoped3A_26 = arith.constant 1 : i32
    "tpu.region"() ({
      %run_scoped3A_310 = tpu.sem_alloc : memref<!tpu.dma_semaphore, #tpu.memory_space<semaphore_mem>>
      %dma_start3A_311 = arith.constant 0 : i32
      %dma_start3A_312 = arith.constant 0 : i32
      %dma_start3A_313 = arith.constant 0 : i32
      %dma_start3A_314 = tpu.memref_slice %arg3[%run_scoped3A_26, %dma_start3A_311, %dma_start3A_312, %dma_start3A_313] : memref<2x32x79x128xi32, #tpu.memory_space<hbm>> -> memref<1x32x79x128xi32, #tpu.memory_space<hbm>>
      %dma_start3A_315 = tpu.memref_squeeze %dma_start3A_314 : memref<1x32x79x128xi32, #tpu.memory_space<hbm>> -> memref<32x79x128xi32, #tpu.memory_space<hbm>>
      %dma_start3A_316 = arith.constant 0 : i32
      %dma_start3A_317 = arith.constant 0 : i32
      %dma_start3A_318 = tpu.memref_slice %dma_start3A_315[%add3A, %dma_start3A_316, %dma_start3A_317] : memref<32x79x128xi32, #tpu.memory_space<hbm>> -> memref<1x79x128xi32, #tpu.memory_space<hbm>>
      %dma_start3A_319 = tpu.memref_squeeze %dma_start3A_318 : memref<1x79x128xi32, #tpu.memory_space<hbm>> -> memref<79x128xi32, #tpu.memory_space<hbm>>
      %dma_start3A_320 = arith.constant 0 : i32
      %dma_start3A_321 = arith.constant 0 : i32
      %dma_start3A_322 = arith.constant 0 : i32
      %dma_start3A_323 = tpu.memref_slice %arg3[%run_scoped3A_26, %dma_start3A_320, %dma_start3A_321, %dma_start3A_322] : memref<2x32x79x128xi32, #tpu.memory_space<hbm>> -> memref<1x32x79x128xi32, #tpu.memory_space<hbm>>
      %dma_start3A_324 = tpu.memref_squeeze %dma_start3A_323 : memref<1x32x79x128xi32, #tpu.memory_space<hbm>> -> memref<32x79x128xi32, #tpu.memory_space<hbm>>
      %dma_start3A_325 = arith.constant 0 : i32
      %dma_start3A_326 = arith.constant 0 : i32
      %dma_start3A_327 = tpu.memref_slice %dma_start3A_324[%add3A, %dma_start3A_325, %dma_start3A_326] : memref<32x79x128xi32, #tpu.memory_space<hbm>> -> memref<1x79x128xi32, #tpu.memory_space<hbm>>
      %dma_start3A_328 = tpu.memref_squeeze %dma_start3A_327 : memref<1x79x128xi32, #tpu.memory_space<hbm>> -> memref<79x128xi32, #tpu.memory_space<hbm>>
      tpu.enqueue_dma source(%dma_start3A_328 : memref<79x128xi32, #tpu.memory_space<hbm>>) target(%arg6 : memref<79x128xi32, #tpu.memory_space<vmem>>) target_semaphore(%run_scoped3A_310 : memref<!tpu.dma_semaphore, #tpu.memory_space<semaphore_mem>>)
      %dma_wait3A_329 = arith.constant 0 : i32
      %dma_wait3A_330 = arith.constant 0 : i32
      %dma_wait3A_331 = arith.constant 0 : i32
      %dma_wait3A_332 = tpu.memref_slice %arg3[%run_scoped3A_26, %dma_wait3A_329, %dma_wait3A_330, %dma_wait3A_331] : memref<2x32x79x128xi32, #tpu.memory_space<hbm>> -> memref<1x32x79x128xi32, #tpu.memory_space<hbm>>
      %dma_wait3A_333 = tpu.memref_squeeze %dma_wait3A_332 : memref<1x32x79x128xi32, #tpu.memory_space<hbm>> -> memref<32x79x128xi32, #tpu.memory_space<hbm>>
      %dma_wait3A_334 = arith.constant 0 : i32
      %dma_wait3A_335 = arith.constant 0 : i32
      %dma_wait3A_336 = tpu.memref_slice %dma_wait3A_333[%add3A, %dma_wait3A_334, %dma_wait3A_335] : memref<32x79x128xi32, #tpu.memory_space<hbm>> -> memref<1x79x128xi32, #tpu.memory_space<hbm>>
      %dma_wait3A_337 = tpu.memref_squeeze %dma_wait3A_336 : memref<1x79x128xi32, #tpu.memory_space<hbm>> -> memref<79x128xi32, #tpu.memory_space<hbm>>
      %dma_wait3A_338 = arith.constant 0 : i32
      %dma_wait3A_339 = arith.constant 0 : i32
      %dma_wait3A_340 = arith.constant 0 : i32
      %dma_wait3A_341 = tpu.memref_slice %arg3[%run_scoped3A_26, %dma_wait3A_338, %dma_wait3A_339, %dma_wait3A_340] : memref<2x32x79x128xi32, #tpu.memory_space<hbm>> -> memref<1x32x79x128xi32, #tpu.memory_space<hbm>>
      %dma_wait3A_342 = tpu.memref_squeeze %dma_wait3A_341 : memref<1x32x79x128xi32, #tpu.memory_space<hbm>> -> memref<32x79x128xi32, #tpu.memory_space<hbm>>
      %dma_wait3A_343 = arith.constant 0 : i32
      %dma_wait3A_344 = arith.constant 0 : i32
      %dma_wait3A_345 = tpu.memref_slice %dma_wait3A_342[%add3A, %dma_wait3A_343, %dma_wait3A_344] : memref<32x79x128xi32, #tpu.memory_space<hbm>> -> memref<1x79x128xi32, #tpu.memory_space<hbm>>
      %dma_wait3A_346 = tpu.memref_squeeze %dma_wait3A_345 : memref<1x79x128xi32, #tpu.memory_space<hbm>> -> memref<79x128xi32, #tpu.memory_space<hbm>>
      tpu.wait_dma2 semaphore(%run_scoped3A_310 : memref<!tpu.dma_semaphore, #tpu.memory_space<semaphore_mem>>) src(%dma_wait3A_346 : memref<79x128xi32, #tpu.memory_space<hbm>>) dst(%arg6 : memref<79x128xi32, #tpu.memory_space<vmem>>)
      tpu.yield
    }) : () -> ()
    %barrier3A = arith.constant 0 : index
    tpu.barrier barrier_id(%barrier3A)
    %dma_start3A = arith.constant 0 : i32
    %dma_start3A_27 = arith.constant 0 : i32
    %dma_start3A_28 = tpu.memref_slice %arg5[%dma_start3A, %dma_start3A_27] : memref<79x128xi32, #tpu.memory_space<vmem>> -> memref<1x128xi32, #tpu.memory_space<vmem>>
    %dma_start3A_29 = tpu.memref_squeeze %dma_start3A_28 : memref<1x128xi32, #tpu.memory_space<vmem>> -> memref<128xi32, #tpu.memory_space<vmem>>
    %dma_start3A_30 = arith.constant 0 : i32
    %dma_start3A_31 = arith.constant 0 : i32
    %dma_start3A_32 = tpu.memref_slice %arg2[%dma_start3A_30, %dma_start3A_31] : memref<10016x64xbf16, #tpu.memory_space<hbm>> -> memref<10016x64xbf16, #tpu.memory_space<hbm>>
    tpu.enqueue_indirect_dma source(%dma_start3A_32 : memref<10016x64xbf16, #tpu.memory_space<hbm>>) target(%arg7 : memref<128x64xbf16, #tpu.memory_space<vmem>>) offsets(%dma_start3A_29 : memref<128xi32, #tpu.memory_space<vmem>>) semaphore(%arg19 : memref<!tpu.dma_semaphore, #tpu.memory_space<semaphore_mem>>)
    %dma_start3A_33 = arith.constant 1 : i32
    %dma_start3A_34 = arith.constant 0 : i32
    %dma_start3A_35 = tpu.memref_slice %arg5[%dma_start3A_33, %dma_start3A_34] : memref<79x128xi32, #tpu.memory_space<vmem>> -> memref<1x128xi32, #tpu.memory_space<vmem>>
    %dma_start3A_36 = tpu.memref_squeeze %dma_start3A_35 : memref<1x128xi32, #tpu.memory_space<vmem>> -> memref<128xi32, #tpu.memory_space<vmem>>
    %dma_start3A_37 = arith.constant 0 : i32
    %dma_start3A_38 = arith.constant 0 : i32
    %dma_start3A_39 = tpu.memref_slice %arg2[%dma_start3A_37, %dma_start3A_38] : memref<10016x64xbf16, #tpu.memory_space<hbm>> -> memref<10016x64xbf16, #tpu.memory_space<hbm>>
    tpu.enqueue_indirect_dma source(%dma_start3A_39 : memref<10016x64xbf16, #tpu.memory_space<hbm>>) target(%arg8 : memref<128x64xbf16, #tpu.memory_space<vmem>>) offsets(%dma_start3A_36 : memref<128xi32, #tpu.memory_space<vmem>>) semaphore(%arg20 : memref<!tpu.dma_semaphore, #tpu.memory_space<semaphore_mem>>)
    %dma_start3A_40 = arith.constant 2 : i32
    %dma_start3A_41 = arith.constant 0 : i32
    %dma_start3A_42 = tpu.memref_slice %arg5[%dma_start3A_40, %dma_start3A_41] : memref<79x128xi32, #tpu.memory_space<vmem>> -> memref<1x128xi32, #tpu.memory_space<vmem>>
    %dma_start3A_43 = tpu.memref_squeeze %dma_start3A_42 : memref<1x128xi32, #tpu.memory_space<vmem>> -> memref<128xi32, #tpu.memory_space<vmem>>
    %dma_start3A_44 = arith.constant 0 : i32
    %dma_start3A_45 = arith.constant 0 : i32
    %dma_start3A_46 = tpu.memref_slice %arg2[%dma_start3A_44, %dma_start3A_45] : memref<10016x64xbf16, #tpu.memory_space<hbm>> -> memref<10016x64xbf16, #tpu.memory_space<hbm>>
    tpu.enqueue_indirect_dma source(%dma_start3A_46 : memref<10016x64xbf16, #tpu.memory_space<hbm>>) target(%arg9 : memref<128x64xbf16, #tpu.memory_space<vmem>>) offsets(%dma_start3A_43 : memref<128xi32, #tpu.memory_space<vmem>>) semaphore(%arg21 : memref<!tpu.dma_semaphore, #tpu.memory_space<semaphore_mem>>)
    %dma_start3A_47 = arith.constant 3 : i32
    %dma_start3A_48 = arith.constant 0 : i32
    %dma_start3A_49 = tpu.memref_slice %arg5[%dma_start3A_47, %dma_start3A_48] : memref<79x128xi32, #tpu.memory_space<vmem>> -> memref<1x128xi32, #tpu.memory_space<vmem>>
    %dma_start3A_50 = tpu.memref_squeeze %dma_start3A_49 : memref<1x128xi32, #tpu.memory_space<vmem>> -> memref<128xi32, #tpu.memory_space<vmem>>
    %dma_start3A_51 = arith.constant 0 : i32
    %dma_start3A_52 = arith.constant 0 : i32
    %dma_start3A_53 = tpu.memref_slice %arg2[%dma_start3A_51, %dma_start3A_52] : memref<10016x64xbf16, #tpu.memory_space<hbm>> -> memref<10016x64xbf16, #tpu.memory_space<hbm>>
    tpu.enqueue_indirect_dma source(%dma_start3A_53 : memref<10016x64xbf16, #tpu.memory_space<hbm>>) target(%arg10 : memref<128x64xbf16, #tpu.memory_space<vmem>>) offsets(%dma_start3A_50 : memref<128xi32, #tpu.memory_space<vmem>>) semaphore(%arg22 : memref<!tpu.dma_semaphore, #tpu.memory_space<semaphore_mem>>)
    %dma_start3A_54 = arith.constant 4 : i32
    %dma_start3A_55 = arith.constant 0 : i32
    %dma_start3A_56 = tpu.memref_slice %arg5[%dma_start3A_54, %dma_start3A_55] : memref<79x128xi32, #tpu.memory_space<vmem>> -> memref<1x128xi32, #tpu.memory_space<vmem>>
    %dma_start3A_57 = tpu.memref_squeeze %dma_start3A_56 : memref<1x128xi32, #tpu.memory_space<vmem>> -> memref<128xi32, #tpu.memory_space<vmem>>
    %dma_start3A_58 = arith.constant 0 : i32
    %dma_start3A_59 = arith.constant 0 : i32
    %dma_start3A_60 = tpu.memref_slice %arg2[%dma_start3A_58, %dma_start3A_59] : memref<10016x64xbf16, #tpu.memory_space<hbm>> -> memref<10016x64xbf16, #tpu.memory_space<hbm>>
    tpu.enqueue_indirect_dma source(%dma_start3A_60 : memref<10016x64xbf16, #tpu.memory_space<hbm>>) target(%arg11 : memref<128x64xbf16, #tpu.memory_space<vmem>>) offsets(%dma_start3A_57 : memref<128xi32, #tpu.memory_space<vmem>>) semaphore(%arg23 : memref<!tpu.dma_semaphore, #tpu.memory_space<semaphore_mem>>)
    %dma_start3A_61 = arith.constant 5 : i32
    %dma_start3A_62 = arith.constant 0 : i32
    %dma_start3A_63 = tpu.memref_slice %arg5[%dma_start3A_61, %dma_start3A_62] : memref<79x128xi32, #tpu.memory_space<vmem>> -> memref<1x128xi32, #tpu.memory_space<vmem>>
    %dma_start3A_64 = tpu.memref_squeeze %dma_start3A_63 : memref<1x128xi32, #tpu.memory_space<vmem>> -> memref<128xi32, #tpu.memory_space<vmem>>
    %dma_start3A_65 = arith.constant 0 : i32
    %dma_start3A_66 = arith.constant 0 : i32
    %dma_start3A_67 = tpu.memref_slice %arg2[%dma_start3A_65, %dma_start3A_66] : memref<10016x64xbf16, #tpu.memory_space<hbm>> -> memref<10016x64xbf16, #tpu.memory_space<hbm>>
    tpu.enqueue_indirect_dma source(%dma_start3A_67 : memref<10016x64xbf16, #tpu.memory_space<hbm>>) target(%arg12 : memref<128x64xbf16, #tpu.memory_space<vmem>>) offsets(%dma_start3A_64 : memref<128xi32, #tpu.memory_space<vmem>>) semaphore(%arg24 : memref<!tpu.dma_semaphore, #tpu.memory_space<semaphore_mem>>)
    %scan3A_68 = arith.constant 0 : i32
    %scan3A_69 = arith.constant 0 : i32
    %scan3A_70 = arith.constant 6 : i32
    %scan3A_71 = arith.addi %scan3A_69, %scan3A_70 : i32
    %scan3A_72 = arith.constant 1 : i32
    scf.for %scan3A_310 = %scan3A_69 to %scan3A_71 step %scan3A_72  : i32 {
      %mul3A_311 = arith.constant 12 : i32
      %mul3A_312 = arith.muli %scan3A_310, %mul3A_311 : i32
      %add3A_313 = arith.constant 0 : i32
      %add3A_314 = arith.addi %mul3A_312, %add3A_313 : i32
      %dma_wait3A_315 = arith.constant 0 : i32
      %dma_wait3A_316 = tpu.memref_slice %arg5[%add3A_314, %dma_wait3A_315] : memref<79x128xi32, #tpu.memory_space<vmem>> -> memref<1x128xi32, #tpu.memory_space<vmem>>
      %dma_wait3A_317 = tpu.memref_squeeze %dma_wait3A_316 : memref<1x128xi32, #tpu.memory_space<vmem>> -> memref<128xi32, #tpu.memory_space<vmem>>
      %dma_wait3A_318 = arith.constant 0 : i32
      %dma_wait3A_319 = arith.constant 0 : i32
      %dma_wait3A_320 = tpu.memref_slice %arg2[%dma_wait3A_318, %dma_wait3A_319] : memref<10016x64xbf16, #tpu.memory_space<hbm>> -> memref<10016x64xbf16, #tpu.memory_space<hbm>>
      tpu.wait_indirect_dma semaphore(%arg19 : memref<!tpu.dma_semaphore, #tpu.memory_space<semaphore_mem>>) src(%dma_wait3A_320 : memref<10016x64xbf16, #tpu.memory_space<hbm>>) dst(%arg7 : memref<128x64xbf16, #tpu.memory_space<vmem>>)
      %dma_start3A_321 = arith.constant 0 : i32
      %dma_start3A_322 = tpu.memref_slice %arg6[%add3A_314, %dma_start3A_321] : memref<79x128xi32, #tpu.memory_space<vmem>> -> memref<1x128xi32, #tpu.memory_space<vmem>>
      %dma_start3A_323 = tpu.memref_squeeze %dma_start3A_322 : memref<1x128xi32, #tpu.memory_space<vmem>> -> memref<128xi32, #tpu.memory_space<vmem>>
      %dma_start3A_324 = arith.constant 0 : i32
      %dma_start3A_325 = arith.constant 0 : i32
      %dma_start3A_326 = tpu.memref_slice %arg31[%dma_start3A_324, %dma_start3A_325] : memref<10016x64xbf16, #tpu.memory_space<vmem_shared>> -> memref<10016x64xbf16, #tpu.memory_space<vmem_shared>>
      tpu.enqueue_indirect_dma source(%arg7 : memref<128x64xbf16, #tpu.memory_space<vmem>>) target(%dma_start3A_326 : memref<10016x64xbf16, #tpu.memory_space<vmem_shared>>) offsets(%dma_start3A_323 : memref<128xi32, #tpu.memory_space<vmem>>) semaphore(%arg19 : memref<!tpu.dma_semaphore, #tpu.memory_space<semaphore_mem>>) {add = true}
      %add3A_327 = arith.constant 6 : i32
      %add3A_328 = arith.addi %add3A_314, %add3A_327 : i32
      %ge3A = arith.constant 12 : i32
      %ge3A_329 = arith.cmpi sge, %add3A_328, %ge3A : i32
      %convert_element_type3A = arith.extui %ge3A_329 : i1 to i32
      %cond3A = arith.constant 0 : i32
      %cond3A_330 = arith.cmpi ne, %convert_element_type3A, %cond3A : i32
      scf.if %cond3A_330 {
        %dma_wait3A_667 = arith.constant 0 : i32
        %dma_wait3A_668 = tpu.memref_slice %arg6[%add3A_314, %dma_wait3A_667] : memref<79x128xi32, #tpu.memory_space<vmem>> -> memref<1x128xi32, #tpu.memory_space<vmem>>
        %dma_wait3A_669 = tpu.memref_squeeze %dma_wait3A_668 : memref<1x128xi32, #tpu.memory_space<vmem>> -> memref<128xi32, #tpu.memory_space<vmem>>
        %dma_wait3A_670 = arith.constant 0 : i32
        %dma_wait3A_671 = arith.constant 0 : i32
        %dma_wait3A_672 = tpu.memref_slice %arg31[%dma_wait3A_670, %dma_wait3A_671] : memref<10016x64xbf16, #tpu.memory_space<vmem_shared>> -> memref<10016x64xbf16, #tpu.memory_space<vmem_shared>>
        tpu.wait_indirect_dma semaphore(%arg25 : memref<!tpu.dma_semaphore, #tpu.memory_space<semaphore_mem>>) src(%arg13 : memref<128x64xbf16, #tpu.memory_space<vmem>>) dst(%dma_wait3A_672 : memref<10016x64xbf16, #tpu.memory_space<vmem_shared>>)
      } else {
      }
      %add3A_331 = arith.constant 6 : i32
      %add3A_332 = arith.addi %add3A_314, %add3A_331 : i32
      %lt3A = arith.constant 79 : i32
      %lt3A_333 = arith.cmpi slt, %add3A_332, %lt3A : i32
      %convert_element_type3A_334 = arith.extui %lt3A_333 : i1 to i32
      %cond3A_335 = arith.constant 0 : i32
      %cond3A_336 = arith.cmpi ne, %convert_element_type3A_334, %cond3A_335 : i32
      scf.if %cond3A_336 {
        %add3A_667 = arith.constant 6 : i32
        %add3A_668 = arith.addi %add3A_314, %add3A_667 : i32
        %dma_start3A_669 = arith.constant 0 : i32
        %dma_start3A_670 = tpu.memref_slice %arg5[%add3A_668, %dma_start3A_669] : memref<79x128xi32, #tpu.memory_space<vmem>> -> memref<1x128xi32, #tpu.memory_space<vmem>>
        %dma_start3A_671 = tpu.memref_squeeze %dma_start3A_670 : memref<1x128xi32, #tpu.memory_space<vmem>> -> memref<128xi32, #tpu.memory_space<vmem>>
        %dma_start3A_672 = arith.constant 0 : i32
        %dma_start3A_673 = arith.constant 0 : i32
        %dma_start3A_674 = tpu.memref_slice %arg2[%dma_start3A_672, %dma_start3A_673] : memref<10016x64xbf16, #tpu.memory_space<hbm>> -> memref<10016x64xbf16, #tpu.memory_space<hbm>>
        tpu.enqueue_indirect_dma source(%dma_start3A_674 : memref<10016x64xbf16, #tpu.memory_space<hbm>>) target(%arg13 : memref<128x64xbf16, #tpu.memory_space<vmem>>) offsets(%dma_start3A_671 : memref<128xi32, #tpu.memory_space<vmem>>) semaphore(%arg25 : memref<!tpu.dma_semaphore, #tpu.memory_space<semaphore_mem>>)
      } else {
      }
      %mul3A_337 = arith.constant 12 : i32
      %mul3A_338 = arith.muli %scan3A_310, %mul3A_337 : i32
      %add3A_339 = arith.constant 1 : i32
      %add3A_340 = arith.addi %mul3A_338, %add3A_339 : i32
      %dma_wait3A_341 = arith.constant 0 : i32
      %dma_wait3A_342 = tpu.memref_slice %arg5[%add3A_340, %dma_wait3A_341] : memref<79x128xi32, #tpu.memory_space<vmem>> -> memref<1x128xi32, #tpu.memory_space<vmem>>
      %dma_wait3A_343 = tpu.memref_squeeze %dma_wait3A_342 : memref<1x128xi32, #tpu.memory_space<vmem>> -> memref<128xi32, #tpu.memory_space<vmem>>
      %dma_wait3A_344 = arith.constant 0 : i32
      %dma_wait3A_345 = arith.constant 0 : i32
      %dma_wait3A_346 = tpu.memref_slice %arg2[%dma_wait3A_344, %dma_wait3A_345] : memref<10016x64xbf16, #tpu.memory_space<hbm>> -> memref<10016x64xbf16, #tpu.memory_space<hbm>>
      tpu.wait_indirect_dma semaphore(%arg20 : memref<!tpu.dma_semaphore, #tpu.memory_space<semaphore_mem>>) src(%dma_wait3A_346 : memref<10016x64xbf16, #tpu.memory_space<hbm>>) dst(%arg8 : memref<128x64xbf16, #tpu.memory_space<vmem>>)
      %dma_start3A_347 = arith.constant 0 : i32
      %dma_start3A_348 = tpu.memref_slice %arg6[%add3A_340, %dma_start3A_347] : memref<79x128xi32, #tpu.memory_space<vmem>> -> memref<1x128xi32, #tpu.memory_space<vmem>>
      %dma_start3A_349 = tpu.memref_squeeze %dma_start3A_348 : memref<1x128xi32, #tpu.memory_space<vmem>> -> memref<128xi32, #tpu.memory_space<vmem>>
      %dma_start3A_350 = arith.constant 0 : i32
      %dma_start3A_351 = arith.constant 0 : i32
      %dma_start3A_352 = tpu.memref_slice %arg31[%dma_start3A_350, %dma_start3A_351] : memref<10016x64xbf16, #tpu.memory_space<vmem_shared>> -> memref<10016x64xbf16, #tpu.memory_space<vmem_shared>>
      tpu.enqueue_indirect_dma source(%arg8 : memref<128x64xbf16, #tpu.memory_space<vmem>>) target(%dma_start3A_352 : memref<10016x64xbf16, #tpu.memory_space<vmem_shared>>) offsets(%dma_start3A_349 : memref<128xi32, #tpu.memory_space<vmem>>) semaphore(%arg20 : memref<!tpu.dma_semaphore, #tpu.memory_space<semaphore_mem>>) {add = true}
      %add3A_353 = arith.constant 6 : i32
      %add3A_354 = arith.addi %add3A_340, %add3A_353 : i32
      %ge3A_355 = arith.constant 12 : i32
      %ge3A_356 = arith.cmpi sge, %add3A_354, %ge3A_355 : i32
      %convert_element_type3A_357 = arith.extui %ge3A_356 : i1 to i32
      %cond3A_358 = arith.constant 0 : i32
      %cond3A_359 = arith.cmpi ne, %convert_element_type3A_357, %cond3A_358 : i32
      scf.if %cond3A_359 {
        %dma_wait3A_667 = arith.constant 0 : i32
        %dma_wait3A_668 = tpu.memref_slice %arg6[%add3A_340, %dma_wait3A_667] : memref<79x128xi32, #tpu.memory_space<vmem>> -> memref<1x128xi32, #tpu.memory_space<vmem>>
        %dma_wait3A_669 = tpu.memref_squeeze %dma_wait3A_668 : memref<1x128xi32, #tpu.memory_space<vmem>> -> memref<128xi32, #tpu.memory_space<vmem>>
        %dma_wait3A_670 = arith.constant 0 : i32
        %dma_wait3A_671 = arith.constant 0 : i32
        %dma_wait3A_672 = tpu.memref_slice %arg31[%dma_wait3A_670, %dma_wait3A_671] : memref<10016x64xbf16, #tpu.memory_space<vmem_shared>> -> memref<10016x64xbf16, #tpu.memory_space<vmem_shared>>
        tpu.wait_indirect_dma semaphore(%arg26 : memref<!tpu.dma_semaphore, #tpu.memory_space<semaphore_mem>>) src(%arg14 : memref<128x64xbf16, #tpu.memory_space<vmem>>) dst(%dma_wait3A_672 : memref<10016x64xbf16, #tpu.memory_space<vmem_shared>>)
      } else {
      }
      %add3A_360 = arith.constant 6 : i32
      %add3A_361 = arith.addi %add3A_340, %add3A_360 : i32
      %lt3A_362 = arith.constant 79 : i32
      %lt3A_363 = arith.cmpi slt, %add3A_361, %lt3A_362 : i32
      %convert_element_type3A_364 = arith.extui %lt3A_363 : i1 to i32
      %cond3A_365 = arith.constant 0 : i32
      %cond3A_366 = arith.cmpi ne, %convert_element_type3A_364, %cond3A_365 : i32
      scf.if %cond3A_366 {
        %add3A_667 = arith.constant 6 : i32
        %add3A_668 = arith.addi %add3A_340, %add3A_667 : i32
        %dma_start3A_669 = arith.constant 0 : i32
        %dma_start3A_670 = tpu.memref_slice %arg5[%add3A_668, %dma_start3A_669] : memref<79x128xi32, #tpu.memory_space<vmem>> -> memref<1x128xi32, #tpu.memory_space<vmem>>
        %dma_start3A_671 = tpu.memref_squeeze %dma_start3A_670 : memref<1x128xi32, #tpu.memory_space<vmem>> -> memref<128xi32, #tpu.memory_space<vmem>>
        %dma_start3A_672 = arith.constant 0 : i32
        %dma_start3A_673 = arith.constant 0 : i32
        %dma_start3A_674 = tpu.memref_slice %arg2[%dma_start3A_672, %dma_start3A_673] : memref<10016x64xbf16, #tpu.memory_space<hbm>> -> memref<10016x64xbf16, #tpu.memory_space<hbm>>
        tpu.enqueue_indirect_dma source(%dma_start3A_674 : memref<10016x64xbf16, #tpu.memory_space<hbm>>) target(%arg14 : memref<128x64xbf16, #tpu.memory_space<vmem>>) offsets(%dma_start3A_671 : memref<128xi32, #tpu.memory_space<vmem>>) semaphore(%arg26 : memref<!tpu.dma_semaphore, #tpu.memory_space<semaphore_mem>>)
      } else {
      }
      %mul3A_367 = arith.constant 12 : i32
      %mul3A_368 = arith.muli %scan3A_310, %mul3A_367 : i32
      %add3A_369 = arith.constant 2 : i32
      %add3A_370 = arith.addi %mul3A_368, %add3A_369 : i32
      %dma_wait3A_371 = arith.constant 0 : i32
      %dma_wait3A_372 = tpu.memref_slice %arg5[%add3A_370, %dma_wait3A_371] : memref<79x128xi32, #tpu.memory_space<vmem>> -> memref<1x128xi32, #tpu.memory_space<vmem>>
      %dma_wait3A_373 = tpu.memref_squeeze %dma_wait3A_372 : memref<1x128xi32, #tpu.memory_space<vmem>> -> memref<128xi32, #tpu.memory_space<vmem>>
      %dma_wait3A_374 = arith.constant 0 : i32
      %dma_wait3A_375 = arith.constant 0 : i32
      %dma_wait3A_376 = tpu.memref_slice %arg2[%dma_wait3A_374, %dma_wait3A_375] : memref<10016x64xbf16, #tpu.memory_space<hbm>> -> memref<10016x64xbf16, #tpu.memory_space<hbm>>
      tpu.wait_indirect_dma semaphore(%arg21 : memref<!tpu.dma_semaphore, #tpu.memory_space<semaphore_mem>>) src(%dma_wait3A_376 : memref<10016x64xbf16, #tpu.memory_space<hbm>>) dst(%arg9 : memref<128x64xbf16, #tpu.memory_space<vmem>>)
      %dma_start3A_377 = arith.constant 0 : i32
      %dma_start3A_378 = tpu.memref_slice %arg6[%add3A_370, %dma_start3A_377] : memref<79x128xi32, #tpu.memory_space<vmem>> -> memref<1x128xi32, #tpu.memory_space<vmem>>
      %dma_start3A_379 = tpu.memref_squeeze %dma_start3A_378 : memref<1x128xi32, #tpu.memory_space<vmem>> -> memref<128xi32, #tpu.memory_space<vmem>>
      %dma_start3A_380 = arith.constant 0 : i32
      %dma_start3A_381 = arith.constant 0 : i32
      %dma_start3A_382 = tpu.memref_slice %arg31[%dma_start3A_380, %dma_start3A_381] : memref<10016x64xbf16, #tpu.memory_space<vmem_shared>> -> memref<10016x64xbf16, #tpu.memory_space<vmem_shared>>
      tpu.enqueue_indirect_dma source(%arg9 : memref<128x64xbf16, #tpu.memory_space<vmem>>) target(%dma_start3A_382 : memref<10016x64xbf16, #tpu.memory_space<vmem_shared>>) offsets(%dma_start3A_379 : memref<128xi32, #tpu.memory_space<vmem>>) semaphore(%arg21 : memref<!tpu.dma_semaphore, #tpu.memory_space<semaphore_mem>>) {add = true}
      %add3A_383 = arith.constant 6 : i32
      %add3A_384 = arith.addi %add3A_370, %add3A_383 : i32
      %ge3A_385 = arith.constant 12 : i32
      %ge3A_386 = arith.cmpi sge, %add3A_384, %ge3A_385 : i32
      %convert_element_type3A_387 = arith.extui %ge3A_386 : i1 to i32
      %cond3A_388 = arith.constant 0 : i32
      %cond3A_389 = arith.cmpi ne, %convert_element_type3A_387, %cond3A_388 : i32
      scf.if %cond3A_389 {
        %dma_wait3A_667 = arith.constant 0 : i32
        %dma_wait3A_668 = tpu.memref_slice %arg6[%add3A_370, %dma_wait3A_667] : memref<79x128xi32, #tpu.memory_space<vmem>> -> memref<1x128xi32, #tpu.memory_space<vmem>>
        %dma_wait3A_669 = tpu.memref_squeeze %dma_wait3A_668 : memref<1x128xi32, #tpu.memory_space<vmem>> -> memref<128xi32, #tpu.memory_space<vmem>>
        %dma_wait3A_670 = arith.constant 0 : i32
        %dma_wait3A_671 = arith.constant 0 : i32
        %dma_wait3A_672 = tpu.memref_slice %arg31[%dma_wait3A_670, %dma_wait3A_671] : memref<10016x64xbf16, #tpu.memory_space<vmem_shared>> -> memref<10016x64xbf16, #tpu.memory_space<vmem_shared>>
        tpu.wait_indirect_dma semaphore(%arg27 : memref<!tpu.dma_semaphore, #tpu.memory_space<semaphore_mem>>) src(%arg15 : memref<128x64xbf16, #tpu.memory_space<vmem>>) dst(%dma_wait3A_672 : memref<10016x64xbf16, #tpu.memory_space<vmem_shared>>)
      } else {
      }
      %add3A_390 = arith.constant 6 : i32
      %add3A_391 = arith.addi %add3A_370, %add3A_390 : i32
      %lt3A_392 = arith.constant 79 : i32
      %lt3A_393 = arith.cmpi slt, %add3A_391, %lt3A_392 : i32
      %convert_element_type3A_394 = arith.extui %lt3A_393 : i1 to i32
      %cond3A_395 = arith.constant 0 : i32
      %cond3A_396 = arith.cmpi ne, %convert_element_type3A_394, %cond3A_395 : i32
      scf.if %cond3A_396 {
        %add3A_667 = arith.constant 6 : i32
        %add3A_668 = arith.addi %add3A_370, %add3A_667 : i32
        %dma_start3A_669 = arith.constant 0 : i32
        %dma_start3A_670 = tpu.memref_slice %arg5[%add3A_668, %dma_start3A_669] : memref<79x128xi32, #tpu.memory_space<vmem>> -> memref<1x128xi32, #tpu.memory_space<vmem>>
        %dma_start3A_671 = tpu.memref_squeeze %dma_start3A_670 : memref<1x128xi32, #tpu.memory_space<vmem>> -> memref<128xi32, #tpu.memory_space<vmem>>
        %dma_start3A_672 = arith.constant 0 : i32
        %dma_start3A_673 = arith.constant 0 : i32
        %dma_start3A_674 = tpu.memref_slice %arg2[%dma_start3A_672, %dma_start3A_673] : memref<10016x64xbf16, #tpu.memory_space<hbm>> -> memref<10016x64xbf16, #tpu.memory_space<hbm>>
        tpu.enqueue_indirect_dma source(%dma_start3A_674 : memref<10016x64xbf16, #tpu.memory_space<hbm>>) target(%arg15 : memref<128x64xbf16, #tpu.memory_space<vmem>>) offsets(%dma_start3A_671 : memref<128xi32, #tpu.memory_space<vmem>>) semaphore(%arg27 : memref<!tpu.dma_semaphore, #tpu.memory_space<semaphore_mem>>)
      } else {
      }
      %mul3A_397 = arith.constant 12 : i32
      %mul3A_398 = arith.muli %scan3A_310, %mul3A_397 : i32
      %add3A_399 = arith.constant 3 : i32
      %add3A_400 = arith.addi %mul3A_398, %add3A_399 : i32
      %dma_wait3A_401 = arith.constant 0 : i32
      %dma_wait3A_402 = tpu.memref_slice %arg5[%add3A_400, %dma_wait3A_401] : memref<79x128xi32, #tpu.memory_space<vmem>> -> memref<1x128xi32, #tpu.memory_space<vmem>>
      %dma_wait3A_403 = tpu.memref_squeeze %dma_wait3A_402 : memref<1x128xi32, #tpu.memory_space<vmem>> -> memref<128xi32, #tpu.memory_space<vmem>>
      %dma_wait3A_404 = arith.constant 0 : i32
      %dma_wait3A_405 = arith.constant 0 : i32
      %dma_wait3A_406 = tpu.memref_slice %arg2[%dma_wait3A_404, %dma_wait3A_405] : memref<10016x64xbf16, #tpu.memory_space<hbm>> -> memref<10016x64xbf16, #tpu.memory_space<hbm>>
      tpu.wait_indirect_dma semaphore(%arg22 : memref<!tpu.dma_semaphore, #tpu.memory_space<semaphore_mem>>) src(%dma_wait3A_406 : memref<10016x64xbf16, #tpu.memory_space<hbm>>) dst(%arg10 : memref<128x64xbf16, #tpu.memory_space<vmem>>)
      %dma_start3A_407 = arith.constant 0 : i32
      %dma_start3A_408 = tpu.memref_slice %arg6[%add3A_400, %dma_start3A_407] : memref<79x128xi32, #tpu.memory_space<vmem>> -> memref<1x128xi32, #tpu.memory_space<vmem>>
      %dma_start3A_409 = tpu.memref_squeeze %dma_start3A_408 : memref<1x128xi32, #tpu.memory_space<vmem>> -> memref<128xi32, #tpu.memory_space<vmem>>
      %dma_start3A_410 = arith.constant 0 : i32
      %dma_start3A_411 = arith.constant 0 : i32
      %dma_start3A_412 = tpu.memref_slice %arg31[%dma_start3A_410, %dma_start3A_411] : memref<10016x64xbf16, #tpu.memory_space<vmem_shared>> -> memref<10016x64xbf16, #tpu.memory_space<vmem_shared>>
      tpu.enqueue_indirect_dma source(%arg10 : memref<128x64xbf16, #tpu.memory_space<vmem>>) target(%dma_start3A_412 : memref<10016x64xbf16, #tpu.memory_space<vmem_shared>>) offsets(%dma_start3A_409 : memref<128xi32, #tpu.memory_space<vmem>>) semaphore(%arg22 : memref<!tpu.dma_semaphore, #tpu.memory_space<semaphore_mem>>) {add = true}
      %add3A_413 = arith.constant 6 : i32
      %add3A_414 = arith.addi %add3A_400, %add3A_413 : i32
      %ge3A_415 = arith.constant 12 : i32
      %ge3A_416 = arith.cmpi sge, %add3A_414, %ge3A_415 : i32
      %convert_element_type3A_417 = arith.extui %ge3A_416 : i1 to i32
      %cond3A_418 = arith.constant 0 : i32
      %cond3A_419 = arith.cmpi ne, %convert_element_type3A_417, %cond3A_418 : i32
      scf.if %cond3A_419 {
        %dma_wait3A_667 = arith.constant 0 : i32
        %dma_wait3A_668 = tpu.memref_slice %arg6[%add3A_400, %dma_wait3A_667] : memref<79x128xi32, #tpu.memory_space<vmem>> -> memref<1x128xi32, #tpu.memory_space<vmem>>
        %dma_wait3A_669 = tpu.memref_squeeze %dma_wait3A_668 : memref<1x128xi32, #tpu.memory_space<vmem>> -> memref<128xi32, #tpu.memory_space<vmem>>
        %dma_wait3A_670 = arith.constant 0 : i32
        %dma_wait3A_671 = arith.constant 0 : i32
        %dma_wait3A_672 = tpu.memref_slice %arg31[%dma_wait3A_670, %dma_wait3A_671] : memref<10016x64xbf16, #tpu.memory_space<vmem_shared>> -> memref<10016x64xbf16, #tpu.memory_space<vmem_shared>>
        tpu.wait_indirect_dma semaphore(%arg28 : memref<!tpu.dma_semaphore, #tpu.memory_space<semaphore_mem>>) src(%arg16 : memref<128x64xbf16, #tpu.memory_space<vmem>>) dst(%dma_wait3A_672 : memref<10016x64xbf16, #tpu.memory_space<vmem_shared>>)
      } else {
      }
      %add3A_420 = arith.constant 6 : i32
      %add3A_421 = arith.addi %add3A_400, %add3A_420 : i32
      %lt3A_422 = arith.constant 79 : i32
      %lt3A_423 = arith.cmpi slt, %add3A_421, %lt3A_422 : i32
      %convert_element_type3A_424 = arith.extui %lt3A_423 : i1 to i32
      %cond3A_425 = arith.constant 0 : i32
      %cond3A_426 = arith.cmpi ne, %convert_element_type3A_424, %cond3A_425 : i32
      scf.if %cond3A_426 {
        %add3A_667 = arith.constant 6 : i32
        %add3A_668 = arith.addi %add3A_400, %add3A_667 : i32
        %dma_start3A_669 = arith.constant 0 : i32
        %dma_start3A_670 = tpu.memref_slice %arg5[%add3A_668, %dma_start3A_669] : memref<79x128xi32, #tpu.memory_space<vmem>> -> memref<1x128xi32, #tpu.memory_space<vmem>>
        %dma_start3A_671 = tpu.memref_squeeze %dma_start3A_670 : memref<1x128xi32, #tpu.memory_space<vmem>> -> memref<128xi32, #tpu.memory_space<vmem>>
        %dma_start3A_672 = arith.constant 0 : i32
        %dma_start3A_673 = arith.constant 0 : i32
        %dma_start3A_674 = tpu.memref_slice %arg2[%dma_start3A_672, %dma_start3A_673] : memref<10016x64xbf16, #tpu.memory_space<hbm>> -> memref<10016x64xbf16, #tpu.memory_space<hbm>>
        tpu.enqueue_indirect_dma source(%dma_start3A_674 : memref<10016x64xbf16, #tpu.memory_space<hbm>>) target(%arg16 : memref<128x64xbf16, #tpu.memory_space<vmem>>) offsets(%dma_start3A_671 : memref<128xi32, #tpu.memory_space<vmem>>) semaphore(%arg28 : memref<!tpu.dma_semaphore, #tpu.memory_space<semaphore_mem>>)
      } else {
      }
      %mul3A_427 = arith.constant 12 : i32
      %mul3A_428 = arith.muli %scan3A_310, %mul3A_427 : i32
      %add3A_429 = arith.constant 4 : i32
      %add3A_430 = arith.addi %mul3A_428, %add3A_429 : i32
      %dma_wait3A_431 = arith.constant 0 : i32
      %dma_wait3A_432 = tpu.memref_slice %arg5[%add3A_430, %dma_wait3A_431] : memref<79x128xi32, #tpu.memory_space<vmem>> -> memref<1x128xi32, #tpu.memory_space<vmem>>
      %dma_wait3A_433 = tpu.memref_squeeze %dma_wait3A_432 : memref<1x128xi32, #tpu.memory_space<vmem>> -> memref<128xi32, #tpu.memory_space<vmem>>
      %dma_wait3A_434 = arith.constant 0 : i32
      %dma_wait3A_435 = arith.constant 0 : i32
      %dma_wait3A_436 = tpu.memref_slice %arg2[%dma_wait3A_434, %dma_wait3A_435] : memref<10016x64xbf16, #tpu.memory_space<hbm>> -> memref<10016x64xbf16, #tpu.memory_space<hbm>>
      tpu.wait_indirect_dma semaphore(%arg23 : memref<!tpu.dma_semaphore, #tpu.memory_space<semaphore_mem>>) src(%dma_wait3A_436 : memref<10016x64xbf16, #tpu.memory_space<hbm>>) dst(%arg11 : memref<128x64xbf16, #tpu.memory_space<vmem>>)
      %dma_start3A_437 = arith.constant 0 : i32
      %dma_start3A_438 = tpu.memref_slice %arg6[%add3A_430, %dma_start3A_437] : memref<79x128xi32, #tpu.memory_space<vmem>> -> memref<1x128xi32, #tpu.memory_space<vmem>>
      %dma_start3A_439 = tpu.memref_squeeze %dma_start3A_438 : memref<1x128xi32, #tpu.memory_space<vmem>> -> memref<128xi32, #tpu.memory_space<vmem>>
      %dma_start3A_440 = arith.constant 0 : i32
      %dma_start3A_441 = arith.constant 0 : i32
      %dma_start3A_442 = tpu.memref_slice %arg31[%dma_start3A_440, %dma_start3A_441] : memref<10016x64xbf16, #tpu.memory_space<vmem_shared>> -> memref<10016x64xbf16, #tpu.memory_space<vmem_shared>>
      tpu.enqueue_indirect_dma source(%arg11 : memref<128x64xbf16, #tpu.memory_space<vmem>>) target(%dma_start3A_442 : memref<10016x64xbf16, #tpu.memory_space<vmem_shared>>) offsets(%dma_start3A_439 : memref<128xi32, #tpu.memory_space<vmem>>) semaphore(%arg23 : memref<!tpu.dma_semaphore, #tpu.memory_space<semaphore_mem>>) {add = true}
      %add3A_443 = arith.constant 6 : i32
      %add3A_444 = arith.addi %add3A_430, %add3A_443 : i32
      %ge3A_445 = arith.constant 12 : i32
      %ge3A_446 = arith.cmpi sge, %add3A_444, %ge3A_445 : i32
      %convert_element_type3A_447 = arith.extui %ge3A_446 : i1 to i32
      %cond3A_448 = arith.constant 0 : i32
      %cond3A_449 = arith.cmpi ne, %convert_element_type3A_447, %cond3A_448 : i32
      scf.if %cond3A_449 {
        %dma_wait3A_667 = arith.constant 0 : i32
        %dma_wait3A_668 = tpu.memref_slice %arg6[%add3A_430, %dma_wait3A_667] : memref<79x128xi32, #tpu.memory_space<vmem>> -> memref<1x128xi32, #tpu.memory_space<vmem>>
        %dma_wait3A_669 = tpu.memref_squeeze %dma_wait3A_668 : memref<1x128xi32, #tpu.memory_space<vmem>> -> memref<128xi32, #tpu.memory_space<vmem>>
        %dma_wait3A_670 = arith.constant 0 : i32
        %dma_wait3A_671 = arith.constant 0 : i32
        %dma_wait3A_672 = tpu.memref_slice %arg31[%dma_wait3A_670, %dma_wait3A_671] : memref<10016x64xbf16, #tpu.memory_space<vmem_shared>> -> memref<10016x64xbf16, #tpu.memory_space<vmem_shared>>
        tpu.wait_indirect_dma semaphore(%arg29 : memref<!tpu.dma_semaphore, #tpu.memory_space<semaphore_mem>>) src(%arg17 : memref<128x64xbf16, #tpu.memory_space<vmem>>) dst(%dma_wait3A_672 : memref<10016x64xbf16, #tpu.memory_space<vmem_shared>>)
      } else {
      }
      %add3A_450 = arith.constant 6 : i32
      %add3A_451 = arith.addi %add3A_430, %add3A_450 : i32
      %lt3A_452 = arith.constant 79 : i32
      %lt3A_453 = arith.cmpi slt, %add3A_451, %lt3A_452 : i32
      %convert_element_type3A_454 = arith.extui %lt3A_453 : i1 to i32
      %cond3A_455 = arith.constant 0 : i32
      %cond3A_456 = arith.cmpi ne, %convert_element_type3A_454, %cond3A_455 : i32
      scf.if %cond3A_456 {
        %add3A_667 = arith.constant 6 : i32
        %add3A_668 = arith.addi %add3A_430, %add3A_667 : i32
        %dma_start3A_669 = arith.constant 0 : i32
        %dma_start3A_670 = tpu.memref_slice %arg5[%add3A_668, %dma_start3A_669] : memref<79x128xi32, #tpu.memory_space<vmem>> -> memref<1x128xi32, #tpu.memory_space<vmem>>
        %dma_start3A_671 = tpu.memref_squeeze %dma_start3A_670 : memref<1x128xi32, #tpu.memory_space<vmem>> -> memref<128xi32, #tpu.memory_space<vmem>>
        %dma_start3A_672 = arith.constant 0 : i32
        %dma_start3A_673 = arith.constant 0 : i32
        %dma_start3A_674 = tpu.memref_slice %arg2[%dma_start3A_672, %dma_start3A_673] : memref<10016x64xbf16, #tpu.memory_space<hbm>> -> memref<10016x64xbf16, #tpu.memory_space<hbm>>
        tpu.enqueue_indirect_dma source(%dma_start3A_674 : memref<10016x64xbf16, #tpu.memory_space<hbm>>) target(%arg17 : memref<128x64xbf16, #tpu.memory_space<vmem>>) offsets(%dma_start3A_671 : memref<128xi32, #tpu.memory_space<vmem>>) semaphore(%arg29 : memref<!tpu.dma_semaphore, #tpu.memory_space<semaphore_mem>>)
      } else {
      }
      %mul3A_457 = arith.constant 12 : i32
      %mul3A_458 = arith.muli %scan3A_310, %mul3A_457 : i32
      %add3A_459 = arith.constant 5 : i32
      %add3A_460 = arith.addi %mul3A_458, %add3A_459 : i32
      %dma_wait3A_461 = arith.constant 0 : i32
      %dma_wait3A_462 = tpu.memref_slice %arg5[%add3A_460, %dma_wait3A_461] : memref<79x128xi32, #tpu.memory_space<vmem>> -> memref<1x128xi32, #tpu.memory_space<vmem>>
      %dma_wait3A_463 = tpu.memref_squeeze %dma_wait3A_462 : memref<1x128xi32, #tpu.memory_space<vmem>> -> memref<128xi32, #tpu.memory_space<vmem>>
      %dma_wait3A_464 = arith.constant 0 : i32
      %dma_wait3A_465 = arith.constant 0 : i32
      %dma_wait3A_466 = tpu.memref_slice %arg2[%dma_wait3A_464, %dma_wait3A_465] : memref<10016x64xbf16, #tpu.memory_space<hbm>> -> memref<10016x64xbf16, #tpu.memory_space<hbm>>
      tpu.wait_indirect_dma semaphore(%arg24 : memref<!tpu.dma_semaphore, #tpu.memory_space<semaphore_mem>>) src(%dma_wait3A_466 : memref<10016x64xbf16, #tpu.memory_space<hbm>>) dst(%arg12 : memref<128x64xbf16, #tpu.memory_space<vmem>>)
      %dma_start3A_467 = arith.constant 0 : i32
      %dma_start3A_468 = tpu.memref_slice %arg6[%add3A_460, %dma_start3A_467] : memref<79x128xi32, #tpu.memory_space<vmem>> -> memref<1x128xi32, #tpu.memory_space<vmem>>
      %dma_start3A_469 = tpu.memref_squeeze %dma_start3A_468 : memref<1x128xi32, #tpu.memory_space<vmem>> -> memref<128xi32, #tpu.memory_space<vmem>>
      %dma_start3A_470 = arith.constant 0 : i32
      %dma_start3A_471 = arith.constant 0 : i32
      %dma_start3A_472 = tpu.memref_slice %arg31[%dma_start3A_470, %dma_start3A_471] : memref<10016x64xbf16, #tpu.memory_space<vmem_shared>> -> memref<10016x64xbf16, #tpu.memory_space<vmem_shared>>
      tpu.enqueue_indirect_dma source(%arg12 : memref<128x64xbf16, #tpu.memory_space<vmem>>) target(%dma_start3A_472 : memref<10016x64xbf16, #tpu.memory_space<vmem_shared>>) offsets(%dma_start3A_469 : memref<128xi32, #tpu.memory_space<vmem>>) semaphore(%arg24 : memref<!tpu.dma_semaphore, #tpu.memory_space<semaphore_mem>>) {add = true}
      %add3A_473 = arith.constant 6 : i32
      %add3A_474 = arith.addi %add3A_460, %add3A_473 : i32
      %ge3A_475 = arith.constant 12 : i32
      %ge3A_476 = arith.cmpi sge, %add3A_474, %ge3A_475 : i32
      %convert_element_type3A_477 = arith.extui %ge3A_476 : i1 to i32
      %cond3A_478 = arith.constant 0 : i32
      %cond3A_479 = arith.cmpi ne, %convert_element_type3A_477, %cond3A_478 : i32
      scf.if %cond3A_479 {
        %dma_wait3A_667 = arith.constant 0 : i32
        %dma_wait3A_668 = tpu.memref_slice %arg6[%add3A_460, %dma_wait3A_667] : memref<79x128xi32, #tpu.memory_space<vmem>> -> memref<1x128xi32, #tpu.memory_space<vmem>>
        %dma_wait3A_669 = tpu.memref_squeeze %dma_wait3A_668 : memref<1x128xi32, #tpu.memory_space<vmem>> -> memref<128xi32, #tpu.memory_space<vmem>>
        %dma_wait3A_670 = arith.constant 0 : i32
        %dma_wait3A_671 = arith.constant 0 : i32
        %dma_wait3A_672 = tpu.memref_slice %arg31[%dma_wait3A_670, %dma_wait3A_671] : memref<10016x64xbf16, #tpu.memory_space<vmem_shared>> -> memref<10016x64xbf16, #tpu.memory_space<vmem_shared>>
        tpu.wait_indirect_dma semaphore(%arg30 : memref<!tpu.dma_semaphore, #tpu.memory_space<semaphore_mem>>) src(%arg18 : memref<128x64xbf16, #tpu.memory_space<vmem>>) dst(%dma_wait3A_672 : memref<10016x64xbf16, #tpu.memory_space<vmem_shared>>)
      } else {
      }
      %add3A_480 = arith.constant 6 : i32
      %add3A_481 = arith.addi %add3A_460, %add3A_480 : i32
      %lt3A_482 = arith.constant 79 : i32
      %lt3A_483 = arith.cmpi slt, %add3A_481, %lt3A_482 : i32
      %convert_element_type3A_484 = arith.extui %lt3A_483 : i1 to i32
      %cond3A_485 = arith.constant 0 : i32
      %cond3A_486 = arith.cmpi ne, %convert_element_type3A_484, %cond3A_485 : i32
      scf.if %cond3A_486 {
        %add3A_667 = arith.constant 6 : i32
        %add3A_668 = arith.addi %add3A_460, %add3A_667 : i32
        %dma_start3A_669 = arith.constant 0 : i32
        %dma_start3A_670 = tpu.memref_slice %arg5[%add3A_668, %dma_start3A_669] : memref<79x128xi32, #tpu.memory_space<vmem>> -> memref<1x128xi32, #tpu.memory_space<vmem>>
        %dma_start3A_671 = tpu.memref_squeeze %dma_start3A_670 : memref<1x128xi32, #tpu.memory_space<vmem>> -> memref<128xi32, #tpu.memory_space<vmem>>
        %dma_start3A_672 = arith.constant 0 : i32
        %dma_start3A_673 = arith.constant 0 : i32
        %dma_start3A_674 = tpu.memref_slice %arg2[%dma_start3A_672, %dma_start3A_673] : memref<10016x64xbf16, #tpu.memory_space<hbm>> -> memref<10016x64xbf16, #tpu.memory_space<hbm>>
        tpu.enqueue_indirect_dma source(%dma_start3A_674 : memref<10016x64xbf16, #tpu.memory_space<hbm>>) target(%arg18 : memref<128x64xbf16, #tpu.memory_space<vmem>>) offsets(%dma_start3A_671 : memref<128xi32, #tpu.memory_space<vmem>>) semaphore(%arg30 : memref<!tpu.dma_semaphore, #tpu.memory_space<semaphore_mem>>)
      } else {
      }
      %mul3A_487 = arith.constant 12 : i32
      %mul3A_488 = arith.muli %scan3A_310, %mul3A_487 : i32
      %add3A_489 = arith.constant 6 : i32
      %add3A_490 = arith.addi %mul3A_488, %add3A_489 : i32
      %dma_wait3A_491 = arith.constant 0 : i32
      %dma_wait3A_492 = tpu.memref_slice %arg5[%add3A_490, %dma_wait3A_491] : memref<79x128xi32, #tpu.memory_space<vmem>> -> memref<1x128xi32, #tpu.memory_space<vmem>>
      %dma_wait3A_493 = tpu.memref_squeeze %dma_wait3A_492 : memref<1x128xi32, #tpu.memory_space<vmem>> -> memref<128xi32, #tpu.memory_space<vmem>>
      %dma_wait3A_494 = arith.constant 0 : i32
      %dma_wait3A_495 = arith.constant 0 : i32
      %dma_wait3A_496 = tpu.memref_slice %arg2[%dma_wait3A_494, %dma_wait3A_495] : memref<10016x64xbf16, #tpu.memory_space<hbm>> -> memref<10016x64xbf16, #tpu.memory_space<hbm>>
      tpu.wait_indirect_dma semaphore(%arg25 : memref<!tpu.dma_semaphore, #tpu.memory_space<semaphore_mem>>) src(%dma_wait3A_496 : memref<10016x64xbf16, #tpu.memory_space<hbm>>) dst(%arg13 : memref<128x64xbf16, #tpu.memory_space<vmem>>)
      %dma_start3A_497 = arith.constant 0 : i32
      %dma_start3A_498 = tpu.memref_slice %arg6[%add3A_490, %dma_start3A_497] : memref<79x128xi32, #tpu.memory_space<vmem>> -> memref<1x128xi32, #tpu.memory_space<vmem>>
      %dma_start3A_499 = tpu.memref_squeeze %dma_start3A_498 : memref<1x128xi32, #tpu.memory_space<vmem>> -> memref<128xi32, #tpu.memory_space<vmem>>
      %dma_start3A_500 = arith.constant 0 : i32
      %dma_start3A_501 = arith.constant 0 : i32
      %dma_start3A_502 = tpu.memref_slice %arg31[%dma_start3A_500, %dma_start3A_501] : memref<10016x64xbf16, #tpu.memory_space<vmem_shared>> -> memref<10016x64xbf16, #tpu.memory_space<vmem_shared>>
      tpu.enqueue_indirect_dma source(%arg13 : memref<128x64xbf16, #tpu.memory_space<vmem>>) target(%dma_start3A_502 : memref<10016x64xbf16, #tpu.memory_space<vmem_shared>>) offsets(%dma_start3A_499 : memref<128xi32, #tpu.memory_space<vmem>>) semaphore(%arg25 : memref<!tpu.dma_semaphore, #tpu.memory_space<semaphore_mem>>) {add = true}
      %add3A_503 = arith.constant 6 : i32
      %add3A_504 = arith.addi %add3A_490, %add3A_503 : i32
      %ge3A_505 = arith.constant 12 : i32
      %ge3A_506 = arith.cmpi sge, %add3A_504, %ge3A_505 : i32
      %convert_element_type3A_507 = arith.extui %ge3A_506 : i1 to i32
      %cond3A_508 = arith.constant 0 : i32
      %cond3A_509 = arith.cmpi ne, %convert_element_type3A_507, %cond3A_508 : i32
      scf.if %cond3A_509 {
        %dma_wait3A_667 = arith.constant 0 : i32
        %dma_wait3A_668 = tpu.memref_slice %arg6[%add3A_490, %dma_wait3A_667] : memref<79x128xi32, #tpu.memory_space<vmem>> -> memref<1x128xi32, #tpu.memory_space<vmem>>
        %dma_wait3A_669 = tpu.memref_squeeze %dma_wait3A_668 : memref<1x128xi32, #tpu.memory_space<vmem>> -> memref<128xi32, #tpu.memory_space<vmem>>
        %dma_wait3A_670 = arith.constant 0 : i32
        %dma_wait3A_671 = arith.constant 0 : i32
        %dma_wait3A_672 = tpu.memref_slice %arg31[%dma_wait3A_670, %dma_wait3A_671] : memref<10016x64xbf16, #tpu.memory_space<vmem_shared>> -> memref<10016x64xbf16, #tpu.memory_space<vmem_shared>>
        tpu.wait_indirect_dma semaphore(%arg19 : memref<!tpu.dma_semaphore, #tpu.memory_space<semaphore_mem>>) src(%arg7 : memref<128x64xbf16, #tpu.memory_space<vmem>>) dst(%dma_wait3A_672 : memref<10016x64xbf16, #tpu.memory_space<vmem_shared>>)
      } else {
      }
      %add3A_510 = arith.constant 6 : i32
      %add3A_511 = arith.addi %add3A_490, %add3A_510 : i32
      %lt3A_512 = arith.constant 79 : i32
      %lt3A_513 = arith.cmpi slt, %add3A_511, %lt3A_512 : i32
      %convert_element_type3A_514 = arith.extui %lt3A_513 : i1 to i32
      %cond3A_515 = arith.constant 0 : i32
      %cond3A_516 = arith.cmpi ne, %convert_element_type3A_514, %cond3A_515 : i32
      scf.if %cond3A_516 {
        %add3A_667 = arith.constant 6 : i32
        %add3A_668 = arith.addi %add3A_490, %add3A_667 : i32
        %dma_start3A_669 = arith.constant 0 : i32
        %dma_start3A_670 = tpu.memref_slice %arg5[%add3A_668, %dma_start3A_669] : memref<79x128xi32, #tpu.memory_space<vmem>> -> memref<1x128xi32, #tpu.memory_space<vmem>>
        %dma_start3A_671 = tpu.memref_squeeze %dma_start3A_670 : memref<1x128xi32, #tpu.memory_space<vmem>> -> memref<128xi32, #tpu.memory_space<vmem>>
        %dma_start3A_672 = arith.constant 0 : i32
        %dma_start3A_673 = arith.constant 0 : i32
        %dma_start3A_674 = tpu.memref_slice %arg2[%dma_start3A_672, %dma_start3A_673] : memref<10016x64xbf16, #tpu.memory_space<hbm>> -> memref<10016x64xbf16, #tpu.memory_space<hbm>>
        tpu.enqueue_indirect_dma source(%dma_start3A_674 : memref<10016x64xbf16, #tpu.memory_space<hbm>>) target(%arg7 : memref<128x64xbf16, #tpu.memory_space<vmem>>) offsets(%dma_start3A_671 : memref<128xi32, #tpu.memory_space<vmem>>) semaphore(%arg19 : memref<!tpu.dma_semaphore, #tpu.memory_space<semaphore_mem>>)
      } else {
      }
      %mul3A_517 = arith.constant 12 : i32
      %mul3A_518 = arith.muli %scan3A_310, %mul3A_517 : i32
      %add3A_519 = arith.constant 7 : i32
      %add3A_520 = arith.addi %mul3A_518, %add3A_519 : i32
      %dma_wait3A_521 = arith.constant 0 : i32
      %dma_wait3A_522 = tpu.memref_slice %arg5[%add3A_520, %dma_wait3A_521] : memref<79x128xi32, #tpu.memory_space<vmem>> -> memref<1x128xi32, #tpu.memory_space<vmem>>
      %dma_wait3A_523 = tpu.memref_squeeze %dma_wait3A_522 : memref<1x128xi32, #tpu.memory_space<vmem>> -> memref<128xi32, #tpu.memory_space<vmem>>
      %dma_wait3A_524 = arith.constant 0 : i32
      %dma_wait3A_525 = arith.constant 0 : i32
      %dma_wait3A_526 = tpu.memref_slice %arg2[%dma_wait3A_524, %dma_wait3A_525] : memref<10016x64xbf16, #tpu.memory_space<hbm>> -> memref<10016x64xbf16, #tpu.memory_space<hbm>>
      tpu.wait_indirect_dma semaphore(%arg26 : memref<!tpu.dma_semaphore, #tpu.memory_space<semaphore_mem>>) src(%dma_wait3A_526 : memref<10016x64xbf16, #tpu.memory_space<hbm>>) dst(%arg14 : memref<128x64xbf16, #tpu.memory_space<vmem>>)
      %dma_start3A_527 = arith.constant 0 : i32
      %dma_start3A_528 = tpu.memref_slice %arg6[%add3A_520, %dma_start3A_527] : memref<79x128xi32, #tpu.memory_space<vmem>> -> memref<1x128xi32, #tpu.memory_space<vmem>>
      %dma_start3A_529 = tpu.memref_squeeze %dma_start3A_528 : memref<1x128xi32, #tpu.memory_space<vmem>> -> memref<128xi32, #tpu.memory_space<vmem>>
      %dma_start3A_530 = arith.constant 0 : i32
      %dma_start3A_531 = arith.constant 0 : i32
      %dma_start3A_532 = tpu.memref_slice %arg31[%dma_start3A_530, %dma_start3A_531] : memref<10016x64xbf16, #tpu.memory_space<vmem_shared>> -> memref<10016x64xbf16, #tpu.memory_space<vmem_shared>>
      tpu.enqueue_indirect_dma source(%arg14 : memref<128x64xbf16, #tpu.memory_space<vmem>>) target(%dma_start3A_532 : memref<10016x64xbf16, #tpu.memory_space<vmem_shared>>) offsets(%dma_start3A_529 : memref<128xi32, #tpu.memory_space<vmem>>) semaphore(%arg26 : memref<!tpu.dma_semaphore, #tpu.memory_space<semaphore_mem>>) {add = true}
      %add3A_533 = arith.constant 6 : i32
      %add3A_534 = arith.addi %add3A_520, %add3A_533 : i32
      %ge3A_535 = arith.constant 12 : i32
      %ge3A_536 = arith.cmpi sge, %add3A_534, %ge3A_535 : i32
      %convert_element_type3A_537 = arith.extui %ge3A_536 : i1 to i32
      %cond3A_538 = arith.constant 0 : i32
      %cond3A_539 = arith.cmpi ne, %convert_element_type3A_537, %cond3A_538 : i32
      scf.if %cond3A_539 {
        %dma_wait3A_667 = arith.constant 0 : i32
        %dma_wait3A_668 = tpu.memref_slice %arg6[%add3A_520, %dma_wait3A_667] : memref<79x128xi32, #tpu.memory_space<vmem>> -> memref<1x128xi32, #tpu.memory_space<vmem>>
        %dma_wait3A_669 = tpu.memref_squeeze %dma_wait3A_668 : memref<1x128xi32, #tpu.memory_space<vmem>> -> memref<128xi32, #tpu.memory_space<vmem>>
        %dma_wait3A_670 = arith.constant 0 : i32
        %dma_wait3A_671 = arith.constant 0 : i32
        %dma_wait3A_672 = tpu.memref_slice %arg31[%dma_wait3A_670, %dma_wait3A_671] : memref<10016x64xbf16, #tpu.memory_space<vmem_shared>> -> memref<10016x64xbf16, #tpu.memory_space<vmem_shared>>
        tpu.wait_indirect_dma semaphore(%arg20 : memref<!tpu.dma_semaphore, #tpu.memory_space<semaphore_mem>>) src(%arg8 : memref<128x64xbf16, #tpu.memory_space<vmem>>) dst(%dma_wait3A_672 : memref<10016x64xbf16, #tpu.memory_space<vmem_shared>>)
      } else {
      }
      %add3A_540 = arith.constant 6 : i32
      %add3A_541 = arith.addi %add3A_520, %add3A_540 : i32
      %lt3A_542 = arith.constant 79 : i32
      %lt3A_543 = arith.cmpi slt, %add3A_541, %lt3A_542 : i32
      %convert_element_type3A_544 = arith.extui %lt3A_543 : i1 to i32
      %cond3A_545 = arith.constant 0 : i32
      %cond3A_546 = arith.cmpi ne, %convert_element_type3A_544, %cond3A_545 : i32
      scf.if %cond3A_546 {
        %add3A_667 = arith.constant 6 : i32
        %add3A_668 = arith.addi %add3A_520, %add3A_667 : i32
        %dma_start3A_669 = arith.constant 0 : i32
        %dma_start3A_670 = tpu.memref_slice %arg5[%add3A_668, %dma_start3A_669] : memref<79x128xi32, #tpu.memory_space<vmem>> -> memref<1x128xi32, #tpu.memory_space<vmem>>
        %dma_start3A_671 = tpu.memref_squeeze %dma_start3A_670 : memref<1x128xi32, #tpu.memory_space<vmem>> -> memref<128xi32, #tpu.memory_space<vmem>>
        %dma_start3A_672 = arith.constant 0 : i32
        %dma_start3A_673 = arith.constant 0 : i32
        %dma_start3A_674 = tpu.memref_slice %arg2[%dma_start3A_672, %dma_start3A_673] : memref<10016x64xbf16, #tpu.memory_space<hbm>> -> memref<10016x64xbf16, #tpu.memory_space<hbm>>
        tpu.enqueue_indirect_dma source(%dma_start3A_674 : memref<10016x64xbf16, #tpu.memory_space<hbm>>) target(%arg8 : memref<128x64xbf16, #tpu.memory_space<vmem>>) offsets(%dma_start3A_671 : memref<128xi32, #tpu.memory_space<vmem>>) semaphore(%arg20 : memref<!tpu.dma_semaphore, #tpu.memory_space<semaphore_mem>>)
      } else {
      }
      %mul3A_547 = arith.constant 12 : i32
      %mul3A_548 = arith.muli %scan3A_310, %mul3A_547 : i32
      %add3A_549 = arith.constant 8 : i32
      %add3A_550 = arith.addi %mul3A_548, %add3A_549 : i32
      %dma_wait3A_551 = arith.constant 0 : i32
      %dma_wait3A_552 = tpu.memref_slice %arg5[%add3A_550, %dma_wait3A_551] : memref<79x128xi32, #tpu.memory_space<vmem>> -> memref<1x128xi32, #tpu.memory_space<vmem>>
      %dma_wait3A_553 = tpu.memref_squeeze %dma_wait3A_552 : memref<1x128xi32, #tpu.memory_space<vmem>> -> memref<128xi32, #tpu.memory_space<vmem>>
      %dma_wait3A_554 = arith.constant 0 : i32
      %dma_wait3A_555 = arith.constant 0 : i32
      %dma_wait3A_556 = tpu.memref_slice %arg2[%dma_wait3A_554, %dma_wait3A_555] : memref<10016x64xbf16, #tpu.memory_space<hbm>> -> memref<10016x64xbf16, #tpu.memory_space<hbm>>
      tpu.wait_indirect_dma semaphore(%arg27 : memref<!tpu.dma_semaphore, #tpu.memory_space<semaphore_mem>>) src(%dma_wait3A_556 : memref<10016x64xbf16, #tpu.memory_space<hbm>>) dst(%arg15 : memref<128x64xbf16, #tpu.memory_space<vmem>>)
      %dma_start3A_557 = arith.constant 0 : i32
      %dma_start3A_558 = tpu.memref_slice %arg6[%add3A_550, %dma_start3A_557] : memref<79x128xi32, #tpu.memory_space<vmem>> -> memref<1x128xi32, #tpu.memory_space<vmem>>
      %dma_start3A_559 = tpu.memref_squeeze %dma_start3A_558 : memref<1x128xi32, #tpu.memory_space<vmem>> -> memref<128xi32, #tpu.memory_space<vmem>>
      %dma_start3A_560 = arith.constant 0 : i32
      %dma_start3A_561 = arith.constant 0 : i32
      %dma_start3A_562 = tpu.memref_slice %arg31[%dma_start3A_560, %dma_start3A_561] : memref<10016x64xbf16, #tpu.memory_space<vmem_shared>> -> memref<10016x64xbf16, #tpu.memory_space<vmem_shared>>
      tpu.enqueue_indirect_dma source(%arg15 : memref<128x64xbf16, #tpu.memory_space<vmem>>) target(%dma_start3A_562 : memref<10016x64xbf16, #tpu.memory_space<vmem_shared>>) offsets(%dma_start3A_559 : memref<128xi32, #tpu.memory_space<vmem>>) semaphore(%arg27 : memref<!tpu.dma_semaphore, #tpu.memory_space<semaphore_mem>>) {add = true}
      %add3A_563 = arith.constant 6 : i32
      %add3A_564 = arith.addi %add3A_550, %add3A_563 : i32
      %ge3A_565 = arith.constant 12 : i32
      %ge3A_566 = arith.cmpi sge, %add3A_564, %ge3A_565 : i32
      %convert_element_type3A_567 = arith.extui %ge3A_566 : i1 to i32
      %cond3A_568 = arith.constant 0 : i32
      %cond3A_569 = arith.cmpi ne, %convert_element_type3A_567, %cond3A_568 : i32
      scf.if %cond3A_569 {
        %dma_wait3A_667 = arith.constant 0 : i32
        %dma_wait3A_668 = tpu.memref_slice %arg6[%add3A_550, %dma_wait3A_667] : memref<79x128xi32, #tpu.memory_space<vmem>> -> memref<1x128xi32, #tpu.memory_space<vmem>>
        %dma_wait3A_669 = tpu.memref_squeeze %dma_wait3A_668 : memref<1x128xi32, #tpu.memory_space<vmem>> -> memref<128xi32, #tpu.memory_space<vmem>>
        %dma_wait3A_670 = arith.constant 0 : i32
        %dma_wait3A_671 = arith.constant 0 : i32
        %dma_wait3A_672 = tpu.memref_slice %arg31[%dma_wait3A_670, %dma_wait3A_671] : memref<10016x64xbf16, #tpu.memory_space<vmem_shared>> -> memref<10016x64xbf16, #tpu.memory_space<vmem_shared>>
        tpu.wait_indirect_dma semaphore(%arg21 : memref<!tpu.dma_semaphore, #tpu.memory_space<semaphore_mem>>) src(%arg9 : memref<128x64xbf16, #tpu.memory_space<vmem>>) dst(%dma_wait3A_672 : memref<10016x64xbf16, #tpu.memory_space<vmem_shared>>)
      } else {
      }
      %add3A_570 = arith.constant 6 : i32
      %add3A_571 = arith.addi %add3A_550, %add3A_570 : i32
      %lt3A_572 = arith.constant 79 : i32
      %lt3A_573 = arith.cmpi slt, %add3A_571, %lt3A_572 : i32
      %convert_element_type3A_574 = arith.extui %lt3A_573 : i1 to i32
      %cond3A_575 = arith.constant 0 : i32
      %cond3A_576 = arith.cmpi ne, %convert_element_type3A_574, %cond3A_575 : i32
      scf.if %cond3A_576 {
        %add3A_667 = arith.constant 6 : i32
        %add3A_668 = arith.addi %add3A_550, %add3A_667 : i32
        %dma_start3A_669 = arith.constant 0 : i32
        %dma_start3A_670 = tpu.memref_slice %arg5[%add3A_668, %dma_start3A_669] : memref<79x128xi32, #tpu.memory_space<vmem>> -> memref<1x128xi32, #tpu.memory_space<vmem>>
        %dma_start3A_671 = tpu.memref_squeeze %dma_start3A_670 : memref<1x128xi32, #tpu.memory_space<vmem>> -> memref<128xi32, #tpu.memory_space<vmem>>
        %dma_start3A_672 = arith.constant 0 : i32
        %dma_start3A_673 = arith.constant 0 : i32
        %dma_start3A_674 = tpu.memref_slice %arg2[%dma_start3A_672, %dma_start3A_673] : memref<10016x64xbf16, #tpu.memory_space<hbm>> -> memref<10016x64xbf16, #tpu.memory_space<hbm>>
        tpu.enqueue_indirect_dma source(%dma_start3A_674 : memref<10016x64xbf16, #tpu.memory_space<hbm>>) target(%arg9 : memref<128x64xbf16, #tpu.memory_space<vmem>>) offsets(%dma_start3A_671 : memref<128xi32, #tpu.memory_space<vmem>>) semaphore(%arg21 : memref<!tpu.dma_semaphore, #tpu.memory_space<semaphore_mem>>)
      } else {
      }
      %mul3A_577 = arith.constant 12 : i32
      %mul3A_578 = arith.muli %scan3A_310, %mul3A_577 : i32
      %add3A_579 = arith.constant 9 : i32
      %add3A_580 = arith.addi %mul3A_578, %add3A_579 : i32
      %dma_wait3A_581 = arith.constant 0 : i32
      %dma_wait3A_582 = tpu.memref_slice %arg5[%add3A_580, %dma_wait3A_581] : memref<79x128xi32, #tpu.memory_space<vmem>> -> memref<1x128xi32, #tpu.memory_space<vmem>>
      %dma_wait3A_583 = tpu.memref_squeeze %dma_wait3A_582 : memref<1x128xi32, #tpu.memory_space<vmem>> -> memref<128xi32, #tpu.memory_space<vmem>>
      %dma_wait3A_584 = arith.constant 0 : i32
      %dma_wait3A_585 = arith.constant 0 : i32
      %dma_wait3A_586 = tpu.memref_slice %arg2[%dma_wait3A_584, %dma_wait3A_585] : memref<10016x64xbf16, #tpu.memory_space<hbm>> -> memref<10016x64xbf16, #tpu.memory_space<hbm>>
      tpu.wait_indirect_dma semaphore(%arg28 : memref<!tpu.dma_semaphore, #tpu.memory_space<semaphore_mem>>) src(%dma_wait3A_586 : memref<10016x64xbf16, #tpu.memory_space<hbm>>) dst(%arg16 : memref<128x64xbf16, #tpu.memory_space<vmem>>)
      %dma_start3A_587 = arith.constant 0 : i32
      %dma_start3A_588 = tpu.memref_slice %arg6[%add3A_580, %dma_start3A_587] : memref<79x128xi32, #tpu.memory_space<vmem>> -> memref<1x128xi32, #tpu.memory_space<vmem>>
      %dma_start3A_589 = tpu.memref_squeeze %dma_start3A_588 : memref<1x128xi32, #tpu.memory_space<vmem>> -> memref<128xi32, #tpu.memory_space<vmem>>
      %dma_start3A_590 = arith.constant 0 : i32
      %dma_start3A_591 = arith.constant 0 : i32
      %dma_start3A_592 = tpu.memref_slice %arg31[%dma_start3A_590, %dma_start3A_591] : memref<10016x64xbf16, #tpu.memory_space<vmem_shared>> -> memref<10016x64xbf16, #tpu.memory_space<vmem_shared>>
      tpu.enqueue_indirect_dma source(%arg16 : memref<128x64xbf16, #tpu.memory_space<vmem>>) target(%dma_start3A_592 : memref<10016x64xbf16, #tpu.memory_space<vmem_shared>>) offsets(%dma_start3A_589 : memref<128xi32, #tpu.memory_space<vmem>>) semaphore(%arg28 : memref<!tpu.dma_semaphore, #tpu.memory_space<semaphore_mem>>) {add = true}
      %add3A_593 = arith.constant 6 : i32
      %add3A_594 = arith.addi %add3A_580, %add3A_593 : i32
      %ge3A_595 = arith.constant 12 : i32
      %ge3A_596 = arith.cmpi sge, %add3A_594, %ge3A_595 : i32
      %convert_element_type3A_597 = arith.extui %ge3A_596 : i1 to i32
      %cond3A_598 = arith.constant 0 : i32
      %cond3A_599 = arith.cmpi ne, %convert_element_type3A_597, %cond3A_598 : i32
      scf.if %cond3A_599 {
        %dma_wait3A_667 = arith.constant 0 : i32
        %dma_wait3A_668 = tpu.memref_slice %arg6[%add3A_580, %dma_wait3A_667] : memref<79x128xi32, #tpu.memory_space<vmem>> -> memref<1x128xi32, #tpu.memory_space<vmem>>
        %dma_wait3A_669 = tpu.memref_squeeze %dma_wait3A_668 : memref<1x128xi32, #tpu.memory_space<vmem>> -> memref<128xi32, #tpu.memory_space<vmem>>
        %dma_wait3A_670 = arith.constant 0 : i32
        %dma_wait3A_671 = arith.constant 0 : i32
        %dma_wait3A_672 = tpu.memref_slice %arg31[%dma_wait3A_670, %dma_wait3A_671] : memref<10016x64xbf16, #tpu.memory_space<vmem_shared>> -> memref<10016x64xbf16, #tpu.memory_space<vmem_shared>>
        tpu.wait_indirect_dma semaphore(%arg22 : memref<!tpu.dma_semaphore, #tpu.memory_space<semaphore_mem>>) src(%arg10 : memref<128x64xbf16, #tpu.memory_space<vmem>>) dst(%dma_wait3A_672 : memref<10016x64xbf16, #tpu.memory_space<vmem_shared>>)
      } else {
      }
      %add3A_600 = arith.constant 6 : i32
      %add3A_601 = arith.addi %add3A_580, %add3A_600 : i32
      %lt3A_602 = arith.constant 79 : i32
      %lt3A_603 = arith.cmpi slt, %add3A_601, %lt3A_602 : i32
      %convert_element_type3A_604 = arith.extui %lt3A_603 : i1 to i32
      %cond3A_605 = arith.constant 0 : i32
      %cond3A_606 = arith.cmpi ne, %convert_element_type3A_604, %cond3A_605 : i32
      scf.if %cond3A_606 {
        %add3A_667 = arith.constant 6 : i32
        %add3A_668 = arith.addi %add3A_580, %add3A_667 : i32
        %dma_start3A_669 = arith.constant 0 : i32
        %dma_start3A_670 = tpu.memref_slice %arg5[%add3A_668, %dma_start3A_669] : memref<79x128xi32, #tpu.memory_space<vmem>> -> memref<1x128xi32, #tpu.memory_space<vmem>>
        %dma_start3A_671 = tpu.memref_squeeze %dma_start3A_670 : memref<1x128xi32, #tpu.memory_space<vmem>> -> memref<128xi32, #tpu.memory_space<vmem>>
        %dma_start3A_672 = arith.constant 0 : i32
        %dma_start3A_673 = arith.constant 0 : i32
        %dma_start3A_674 = tpu.memref_slice %arg2[%dma_start3A_672, %dma_start3A_673] : memref<10016x64xbf16, #tpu.memory_space<hbm>> -> memref<10016x64xbf16, #tpu.memory_space<hbm>>
        tpu.enqueue_indirect_dma source(%dma_start3A_674 : memref<10016x64xbf16, #tpu.memory_space<hbm>>) target(%arg10 : memref<128x64xbf16, #tpu.memory_space<vmem>>) offsets(%dma_start3A_671 : memref<128xi32, #tpu.memory_space<vmem>>) semaphore(%arg22 : memref<!tpu.dma_semaphore, #tpu.memory_space<semaphore_mem>>)
      } else {
      }
      %mul3A_607 = arith.constant 12 : i32
      %mul3A_608 = arith.muli %scan3A_310, %mul3A_607 : i32
      %add3A_609 = arith.constant 10 : i32
      %add3A_610 = arith.addi %mul3A_608, %add3A_609 : i32
      %dma_wait3A_611 = arith.constant 0 : i32
      %dma_wait3A_612 = tpu.memref_slice %arg5[%add3A_610, %dma_wait3A_611] : memref<79x128xi32, #tpu.memory_space<vmem>> -> memref<1x128xi32, #tpu.memory_space<vmem>>
      %dma_wait3A_613 = tpu.memref_squeeze %dma_wait3A_612 : memref<1x128xi32, #tpu.memory_space<vmem>> -> memref<128xi32, #tpu.memory_space<vmem>>
      %dma_wait3A_614 = arith.constant 0 : i32
      %dma_wait3A_615 = arith.constant 0 : i32
      %dma_wait3A_616 = tpu.memref_slice %arg2[%dma_wait3A_614, %dma_wait3A_615] : memref<10016x64xbf16, #tpu.memory_space<hbm>> -> memref<10016x64xbf16, #tpu.memory_space<hbm>>
      tpu.wait_indirect_dma semaphore(%arg29 : memref<!tpu.dma_semaphore, #tpu.memory_space<semaphore_mem>>) src(%dma_wait3A_616 : memref<10016x64xbf16, #tpu.memory_space<hbm>>) dst(%arg17 : memref<128x64xbf16, #tpu.memory_space<vmem>>)
      %dma_start3A_617 = arith.constant 0 : i32
      %dma_start3A_618 = tpu.memref_slice %arg6[%add3A_610, %dma_start3A_617] : memref<79x128xi32, #tpu.memory_space<vmem>> -> memref<1x128xi32, #tpu.memory_space<vmem>>
      %dma_start3A_619 = tpu.memref_squeeze %dma_start3A_618 : memref<1x128xi32, #tpu.memory_space<vmem>> -> memref<128xi32, #tpu.memory_space<vmem>>
      %dma_start3A_620 = arith.constant 0 : i32
      %dma_start3A_621 = arith.constant 0 : i32
      %dma_start3A_622 = tpu.memref_slice %arg31[%dma_start3A_620, %dma_start3A_621] : memref<10016x64xbf16, #tpu.memory_space<vmem_shared>> -> memref<10016x64xbf16, #tpu.memory_space<vmem_shared>>
      tpu.enqueue_indirect_dma source(%arg17 : memref<128x64xbf16, #tpu.memory_space<vmem>>) target(%dma_start3A_622 : memref<10016x64xbf16, #tpu.memory_space<vmem_shared>>) offsets(%dma_start3A_619 : memref<128xi32, #tpu.memory_space<vmem>>) semaphore(%arg29 : memref<!tpu.dma_semaphore, #tpu.memory_space<semaphore_mem>>) {add = true}
      %add3A_623 = arith.constant 6 : i32
      %add3A_624 = arith.addi %add3A_610, %add3A_623 : i32
      %ge3A_625 = arith.constant 12 : i32
      %ge3A_626 = arith.cmpi sge, %add3A_624, %ge3A_625 : i32
      %convert_element_type3A_627 = arith.extui %ge3A_626 : i1 to i32
      %cond3A_628 = arith.constant 0 : i32
      %cond3A_629 = arith.cmpi ne, %convert_element_type3A_627, %cond3A_628 : i32
      scf.if %cond3A_629 {
        %dma_wait3A_667 = arith.constant 0 : i32
        %dma_wait3A_668 = tpu.memref_slice %arg6[%add3A_610, %dma_wait3A_667] : memref<79x128xi32, #tpu.memory_space<vmem>> -> memref<1x128xi32, #tpu.memory_space<vmem>>
        %dma_wait3A_669 = tpu.memref_squeeze %dma_wait3A_668 : memref<1x128xi32, #tpu.memory_space<vmem>> -> memref<128xi32, #tpu.memory_space<vmem>>
        %dma_wait3A_670 = arith.constant 0 : i32
        %dma_wait3A_671 = arith.constant 0 : i32
        %dma_wait3A_672 = tpu.memref_slice %arg31[%dma_wait3A_670, %dma_wait3A_671] : memref<10016x64xbf16, #tpu.memory_space<vmem_shared>> -> memref<10016x64xbf16, #tpu.memory_space<vmem_shared>>
        tpu.wait_indirect_dma semaphore(%arg23 : memref<!tpu.dma_semaphore, #tpu.memory_space<semaphore_mem>>) src(%arg11 : memref<128x64xbf16, #tpu.memory_space<vmem>>) dst(%dma_wait3A_672 : memref<10016x64xbf16, #tpu.memory_space<vmem_shared>>)
      } else {
      }
      %add3A_630 = arith.constant 6 : i32
      %add3A_631 = arith.addi %add3A_610, %add3A_630 : i32
      %lt3A_632 = arith.constant 79 : i32
      %lt3A_633 = arith.cmpi slt, %add3A_631, %lt3A_632 : i32
      %convert_element_type3A_634 = arith.extui %lt3A_633 : i1 to i32
      %cond3A_635 = arith.constant 0 : i32
      %cond3A_636 = arith.cmpi ne, %convert_element_type3A_634, %cond3A_635 : i32
      scf.if %cond3A_636 {
        %add3A_667 = arith.constant 6 : i32
        %add3A_668 = arith.addi %add3A_610, %add3A_667 : i32
        %dma_start3A_669 = arith.constant 0 : i32
        %dma_start3A_670 = tpu.memref_slice %arg5[%add3A_668, %dma_start3A_669] : memref<79x128xi32, #tpu.memory_space<vmem>> -> memref<1x128xi32, #tpu.memory_space<vmem>>
        %dma_start3A_671 = tpu.memref_squeeze %dma_start3A_670 : memref<1x128xi32, #tpu.memory_space<vmem>> -> memref<128xi32, #tpu.memory_space<vmem>>
        %dma_start3A_672 = arith.constant 0 : i32
        %dma_start3A_673 = arith.constant 0 : i32
        %dma_start3A_674 = tpu.memref_slice %arg2[%dma_start3A_672, %dma_start3A_673] : memref<10016x64xbf16, #tpu.memory_space<hbm>> -> memref<10016x64xbf16, #tpu.memory_space<hbm>>
        tpu.enqueue_indirect_dma source(%dma_start3A_674 : memref<10016x64xbf16, #tpu.memory_space<hbm>>) target(%arg11 : memref<128x64xbf16, #tpu.memory_space<vmem>>) offsets(%dma_start3A_671 : memref<128xi32, #tpu.memory_space<vmem>>) semaphore(%arg23 : memref<!tpu.dma_semaphore, #tpu.memory_space<semaphore_mem>>)
      } else {
      }
      %mul3A_637 = arith.constant 12 : i32
      %mul3A_638 = arith.muli %scan3A_310, %mul3A_637 : i32
      %add3A_639 = arith.constant 11 : i32
      %add3A_640 = arith.addi %mul3A_638, %add3A_639 : i32
      %dma_wait3A_641 = arith.constant 0 : i32
      %dma_wait3A_642 = tpu.memref_slice %arg5[%add3A_640, %dma_wait3A_641] : memref<79x128xi32, #tpu.memory_space<vmem>> -> memref<1x128xi32, #tpu.memory_space<vmem>>
      %dma_wait3A_643 = tpu.memref_squeeze %dma_wait3A_642 : memref<1x128xi32, #tpu.memory_space<vmem>> -> memref<128xi32, #tpu.memory_space<vmem>>
      %dma_wait3A_644 = arith.constant 0 : i32
      %dma_wait3A_645 = arith.constant 0 : i32
      %dma_wait3A_646 = tpu.memref_slice %arg2[%dma_wait3A_644, %dma_wait3A_645] : memref<10016x64xbf16, #tpu.memory_space<hbm>> -> memref<10016x64xbf16, #tpu.memory_space<hbm>>
      tpu.wait_indirect_dma semaphore(%arg30 : memref<!tpu.dma_semaphore, #tpu.memory_space<semaphore_mem>>) src(%dma_wait3A_646 : memref<10016x64xbf16, #tpu.memory_space<hbm>>) dst(%arg18 : memref<128x64xbf16, #tpu.memory_space<vmem>>)
      %dma_start3A_647 = arith.constant 0 : i32
      %dma_start3A_648 = tpu.memref_slice %arg6[%add3A_640, %dma_start3A_647] : memref<79x128xi32, #tpu.memory_space<vmem>> -> memref<1x128xi32, #tpu.memory_space<vmem>>
      %dma_start3A_649 = tpu.memref_squeeze %dma_start3A_648 : memref<1x128xi32, #tpu.memory_space<vmem>> -> memref<128xi32, #tpu.memory_space<vmem>>
      %dma_start3A_650 = arith.constant 0 : i32
      %dma_start3A_651 = arith.constant 0 : i32
      %dma_start3A_652 = tpu.memref_slice %arg31[%dma_start3A_650, %dma_start3A_651] : memref<10016x64xbf16, #tpu.memory_space<vmem_shared>> -> memref<10016x64xbf16, #tpu.memory_space<vmem_shared>>
      tpu.enqueue_indirect_dma source(%arg18 : memref<128x64xbf16, #tpu.memory_space<vmem>>) target(%dma_start3A_652 : memref<10016x64xbf16, #tpu.memory_space<vmem_shared>>) offsets(%dma_start3A_649 : memref<128xi32, #tpu.memory_space<vmem>>) semaphore(%arg30 : memref<!tpu.dma_semaphore, #tpu.memory_space<semaphore_mem>>) {add = true}
      %add3A_653 = arith.constant 6 : i32
      %add3A_654 = arith.addi %add3A_640, %add3A_653 : i32
      %ge3A_655 = arith.constant 12 : i32
      %ge3A_656 = arith.cmpi sge, %add3A_654, %ge3A_655 : i32
      %convert_element_type3A_657 = arith.extui %ge3A_656 : i1 to i32
      %cond3A_658 = arith.constant 0 : i32
      %cond3A_659 = arith.cmpi ne, %convert_element_type3A_657, %cond3A_658 : i32
      scf.if %cond3A_659 {
        %dma_wait3A_667 = arith.constant 0 : i32
        %dma_wait3A_668 = tpu.memref_slice %arg6[%add3A_640, %dma_wait3A_667] : memref<79x128xi32, #tpu.memory_space<vmem>> -> memref<1x128xi32, #tpu.memory_space<vmem>>
        %dma_wait3A_669 = tpu.memref_squeeze %dma_wait3A_668 : memref<1x128xi32, #tpu.memory_space<vmem>> -> memref<128xi32, #tpu.memory_space<vmem>>
        %dma_wait3A_670 = arith.constant 0 : i32
        %dma_wait3A_671 = arith.constant 0 : i32
        %dma_wait3A_672 = tpu.memref_slice %arg31[%dma_wait3A_670, %dma_wait3A_671] : memref<10016x64xbf16, #tpu.memory_space<vmem_shared>> -> memref<10016x64xbf16, #tpu.memory_space<vmem_shared>>
        tpu.wait_indirect_dma semaphore(%arg24 : memref<!tpu.dma_semaphore, #tpu.memory_space<semaphore_mem>>) src(%arg12 : memref<128x64xbf16, #tpu.memory_space<vmem>>) dst(%dma_wait3A_672 : memref<10016x64xbf16, #tpu.memory_space<vmem_shared>>)
      } else {
      }
      %add3A_660 = arith.constant 6 : i32
      %add3A_661 = arith.addi %add3A_640, %add3A_660 : i32
      %lt3A_662 = arith.constant 79 : i32
      %lt3A_663 = arith.cmpi slt, %add3A_661, %lt3A_662 : i32
      %convert_element_type3A_664 = arith.extui %lt3A_663 : i1 to i32
      %cond3A_665 = arith.constant 0 : i32
      %cond3A_666 = arith.cmpi ne, %convert_element_type3A_664, %cond3A_665 : i32
      scf.if %cond3A_666 {
        %add3A_667 = arith.constant 6 : i32
        %add3A_668 = arith.addi %add3A_640, %add3A_667 : i32
        %dma_start3A_669 = arith.constant 0 : i32
        %dma_start3A_670 = tpu.memref_slice %arg5[%add3A_668, %dma_start3A_669] : memref<79x128xi32, #tpu.memory_space<vmem>> -> memref<1x128xi32, #tpu.memory_space<vmem>>
        %dma_start3A_671 = tpu.memref_squeeze %dma_start3A_670 : memref<1x128xi32, #tpu.memory_space<vmem>> -> memref<128xi32, #tpu.memory_space<vmem>>
        %dma_start3A_672 = arith.constant 0 : i32
        %dma_start3A_673 = arith.constant 0 : i32
        %dma_start3A_674 = tpu.memref_slice %arg2[%dma_start3A_672, %dma_start3A_673] : memref<10016x64xbf16, #tpu.memory_space<hbm>> -> memref<10016x64xbf16, #tpu.memory_space<hbm>>
        tpu.enqueue_indirect_dma source(%dma_start3A_674 : memref<10016x64xbf16, #tpu.memory_space<hbm>>) target(%arg12 : memref<128x64xbf16, #tpu.memory_space<vmem>>) offsets(%dma_start3A_671 : memref<128xi32, #tpu.memory_space<vmem>>) semaphore(%arg24 : memref<!tpu.dma_semaphore, #tpu.memory_space<semaphore_mem>>)
      } else {
      }
    }
    %scan3A_73 = arith.constant 6 : i32
    %dma_wait3A = arith.constant 72 : i32
    %dma_wait3A_74 = arith.constant 0 : i32
    %dma_wait3A_75 = tpu.memref_slice %arg5[%dma_wait3A, %dma_wait3A_74] : memref<79x128xi32, #tpu.memory_space<vmem>> -> memref<1x128xi32, #tpu.memory_space<vmem>>
    %dma_wait3A_76 = tpu.memref_squeeze %dma_wait3A_75 : memref<1x128xi32, #tpu.memory_space<vmem>> -> memref<128xi32, #tpu.memory_space<vmem>>
    %dma_wait3A_77 = arith.constant 0 : i32
    %dma_wait3A_78 = arith.constant 0 : i32
    %dma_wait3A_79 = tpu.memref_slice %arg2[%dma_wait3A_77, %dma_wait3A_78] : memref<10016x64xbf16, #tpu.memory_space<hbm>> -> memref<10016x64xbf16, #tpu.memory_space<hbm>>
    tpu.wait_indirect_dma semaphore(%arg19 : memref<!tpu.dma_semaphore, #tpu.memory_space<semaphore_mem>>) src(%dma_wait3A_79 : memref<10016x64xbf16, #tpu.memory_space<hbm>>) dst(%arg7 : memref<128x64xbf16, #tpu.memory_space<vmem>>)
    %dma_start3A_80 = arith.constant 72 : i32
    %dma_start3A_81 = arith.constant 0 : i32
    %dma_start3A_82 = tpu.memref_slice %arg6[%dma_start3A_80, %dma_start3A_81] : memref<79x128xi32, #tpu.memory_space<vmem>> -> memref<1x128xi32, #tpu.memory_space<vmem>>
    %dma_start3A_83 = tpu.memref_squeeze %dma_start3A_82 : memref<1x128xi32, #tpu.memory_space<vmem>> -> memref<128xi32, #tpu.memory_space<vmem>>
    %dma_start3A_84 = arith.constant 0 : i32
    %dma_start3A_85 = arith.constant 0 : i32
    %dma_start3A_86 = tpu.memref_slice %arg31[%dma_start3A_84, %dma_start3A_85] : memref<10016x64xbf16, #tpu.memory_space<vmem_shared>> -> memref<10016x64xbf16, #tpu.memory_space<vmem_shared>>
    tpu.enqueue_indirect_dma source(%arg7 : memref<128x64xbf16, #tpu.memory_space<vmem>>) target(%dma_start3A_86 : memref<10016x64xbf16, #tpu.memory_space<vmem_shared>>) offsets(%dma_start3A_83 : memref<128xi32, #tpu.memory_space<vmem>>) semaphore(%arg19 : memref<!tpu.dma_semaphore, #tpu.memory_space<semaphore_mem>>) {add = true}
    %dma_wait3A_87 = arith.constant 72 : i32
    %dma_wait3A_88 = arith.constant 0 : i32
    %dma_wait3A_89 = tpu.memref_slice %arg6[%dma_wait3A_87, %dma_wait3A_88] : memref<79x128xi32, #tpu.memory_space<vmem>> -> memref<1x128xi32, #tpu.memory_space<vmem>>
    %dma_wait3A_90 = tpu.memref_squeeze %dma_wait3A_89 : memref<1x128xi32, #tpu.memory_space<vmem>> -> memref<128xi32, #tpu.memory_space<vmem>>
    %dma_wait3A_91 = arith.constant 0 : i32
    %dma_wait3A_92 = arith.constant 0 : i32
    %dma_wait3A_93 = tpu.memref_slice %arg31[%dma_wait3A_91, %dma_wait3A_92] : memref<10016x64xbf16, #tpu.memory_space<vmem_shared>> -> memref<10016x64xbf16, #tpu.memory_space<vmem_shared>>
    tpu.wait_indirect_dma semaphore(%arg25 : memref<!tpu.dma_semaphore, #tpu.memory_space<semaphore_mem>>) src(%arg13 : memref<128x64xbf16, #tpu.memory_space<vmem>>) dst(%dma_wait3A_93 : memref<10016x64xbf16, #tpu.memory_space<vmem_shared>>)
    %dma_start3A_94 = arith.constant 78 : i32
    %dma_start3A_95 = arith.constant 0 : i32
    %dma_start3A_96 = tpu.memref_slice %arg5[%dma_start3A_94, %dma_start3A_95] : memref<79x128xi32, #tpu.memory_space<vmem>> -> memref<1x128xi32, #tpu.memory_space<vmem>>
    %dma_start3A_97 = tpu.memref_squeeze %dma_start3A_96 : memref<1x128xi32, #tpu.memory_space<vmem>> -> memref<128xi32, #tpu.memory_space<vmem>>
    %dma_start3A_98 = arith.constant 0 : i32
    %dma_start3A_99 = arith.constant 0 : i32
    %dma_start3A_100 = tpu.memref_slice %arg2[%dma_start3A_98, %dma_start3A_99] : memref<10016x64xbf16, #tpu.memory_space<hbm>> -> memref<10016x64xbf16, #tpu.memory_space<hbm>>
    tpu.enqueue_indirect_dma source(%dma_start3A_100 : memref<10016x64xbf16, #tpu.memory_space<hbm>>) target(%arg13 : memref<128x64xbf16, #tpu.memory_space<vmem>>) offsets(%dma_start3A_97 : memref<128xi32, #tpu.memory_space<vmem>>) semaphore(%arg25 : memref<!tpu.dma_semaphore, #tpu.memory_space<semaphore_mem>>)
    %dma_wait3A_101 = arith.constant 73 : i32
    %dma_wait3A_102 = arith.constant 0 : i32
    %dma_wait3A_103 = tpu.memref_slice %arg5[%dma_wait3A_101, %dma_wait3A_102] : memref<79x128xi32, #tpu.memory_space<vmem>> -> memref<1x128xi32, #tpu.memory_space<vmem>>
    %dma_wait3A_104 = tpu.memref_squeeze %dma_wait3A_103 : memref<1x128xi32, #tpu.memory_space<vmem>> -> memref<128xi32, #tpu.memory_space<vmem>>
    %dma_wait3A_105 = arith.constant 0 : i32
    %dma_wait3A_106 = arith.constant 0 : i32
    %dma_wait3A_107 = tpu.memref_slice %arg2[%dma_wait3A_105, %dma_wait3A_106] : memref<10016x64xbf16, #tpu.memory_space<hbm>> -> memref<10016x64xbf16, #tpu.memory_space<hbm>>
    tpu.wait_indirect_dma semaphore(%arg20 : memref<!tpu.dma_semaphore, #tpu.memory_space<semaphore_mem>>) src(%dma_wait3A_107 : memref<10016x64xbf16, #tpu.memory_space<hbm>>) dst(%arg8 : memref<128x64xbf16, #tpu.memory_space<vmem>>)
    %dma_start3A_108 = arith.constant 73 : i32
    %dma_start3A_109 = arith.constant 0 : i32
    %dma_start3A_110 = tpu.memref_slice %arg6[%dma_start3A_108, %dma_start3A_109] : memref<79x128xi32, #tpu.memory_space<vmem>> -> memref<1x128xi32, #tpu.memory_space<vmem>>
    %dma_start3A_111 = tpu.memref_squeeze %dma_start3A_110 : memref<1x128xi32, #tpu.memory_space<vmem>> -> memref<128xi32, #tpu.memory_space<vmem>>
    %dma_start3A_112 = arith.constant 0 : i32
    %dma_start3A_113 = arith.constant 0 : i32
    %dma_start3A_114 = tpu.memref_slice %arg31[%dma_start3A_112, %dma_start3A_113] : memref<10016x64xbf16, #tpu.memory_space<vmem_shared>> -> memref<10016x64xbf16, #tpu.memory_space<vmem_shared>>
    tpu.enqueue_indirect_dma source(%arg8 : memref<128x64xbf16, #tpu.memory_space<vmem>>) target(%dma_start3A_114 : memref<10016x64xbf16, #tpu.memory_space<vmem_shared>>) offsets(%dma_start3A_111 : memref<128xi32, #tpu.memory_space<vmem>>) semaphore(%arg20 : memref<!tpu.dma_semaphore, #tpu.memory_space<semaphore_mem>>) {add = true}
    %dma_wait3A_115 = arith.constant 73 : i32
    %dma_wait3A_116 = arith.constant 0 : i32
    %dma_wait3A_117 = tpu.memref_slice %arg6[%dma_wait3A_115, %dma_wait3A_116] : memref<79x128xi32, #tpu.memory_space<vmem>> -> memref<1x128xi32, #tpu.memory_space<vmem>>
    %dma_wait3A_118 = tpu.memref_squeeze %dma_wait3A_117 : memref<1x128xi32, #tpu.memory_space<vmem>> -> memref<128xi32, #tpu.memory_space<vmem>>
    %dma_wait3A_119 = arith.constant 0 : i32
    %dma_wait3A_120 = arith.constant 0 : i32
    %dma_wait3A_121 = tpu.memref_slice %arg31[%dma_wait3A_119, %dma_wait3A_120] : memref<10016x64xbf16, #tpu.memory_space<vmem_shared>> -> memref<10016x64xbf16, #tpu.memory_space<vmem_shared>>
    tpu.wait_indirect_dma semaphore(%arg26 : memref<!tpu.dma_semaphore, #tpu.memory_space<semaphore_mem>>) src(%arg14 : memref<128x64xbf16, #tpu.memory_space<vmem>>) dst(%dma_wait3A_121 : memref<10016x64xbf16, #tpu.memory_space<vmem_shared>>)
    %dma_wait3A_122 = arith.constant 74 : i32
    %dma_wait3A_123 = arith.constant 0 : i32
    %dma_wait3A_124 = tpu.memref_slice %arg5[%dma_wait3A_122, %dma_wait3A_123] : memref<79x128xi32, #tpu.memory_space<vmem>> -> memref<1x128xi32, #tpu.memory_space<vmem>>
    %dma_wait3A_125 = tpu.memref_squeeze %dma_wait3A_124 : memref<1x128xi32, #tpu.memory_space<vmem>> -> memref<128xi32, #tpu.memory_space<vmem>>
    %dma_wait3A_126 = arith.constant 0 : i32
    %dma_wait3A_127 = arith.constant 0 : i32
    %dma_wait3A_128 = tpu.memref_slice %arg2[%dma_wait3A_126, %dma_wait3A_127] : memref<10016x64xbf16, #tpu.memory_space<hbm>> -> memref<10016x64xbf16, #tpu.memory_space<hbm>>
    tpu.wait_indirect_dma semaphore(%arg21 : memref<!tpu.dma_semaphore, #tpu.memory_space<semaphore_mem>>) src(%dma_wait3A_128 : memref<10016x64xbf16, #tpu.memory_space<hbm>>) dst(%arg9 : memref<128x64xbf16, #tpu.memory_space<vmem>>)
    %dma_start3A_129 = arith.constant 74 : i32
    %dma_start3A_130 = arith.constant 0 : i32
    %dma_start3A_131 = tpu.memref_slice %arg6[%dma_start3A_129, %dma_start3A_130] : memref<79x128xi32, #tpu.memory_space<vmem>> -> memref<1x128xi32, #tpu.memory_space<vmem>>
    %dma_start3A_132 = tpu.memref_squeeze %dma_start3A_131 : memref<1x128xi32, #tpu.memory_space<vmem>> -> memref<128xi32, #tpu.memory_space<vmem>>
    %dma_start3A_133 = arith.constant 0 : i32
    %dma_start3A_134 = arith.constant 0 : i32
    %dma_start3A_135 = tpu.memref_slice %arg31[%dma_start3A_133, %dma_start3A_134] : memref<10016x64xbf16, #tpu.memory_space<vmem_shared>> -> memref<10016x64xbf16, #tpu.memory_space<vmem_shared>>
    tpu.enqueue_indirect_dma source(%arg9 : memref<128x64xbf16, #tpu.memory_space<vmem>>) target(%dma_start3A_135 : memref<10016x64xbf16, #tpu.memory_space<vmem_shared>>) offsets(%dma_start3A_132 : memref<128xi32, #tpu.memory_space<vmem>>) semaphore(%arg21 : memref<!tpu.dma_semaphore, #tpu.memory_space<semaphore_mem>>) {add = true}
    %dma_wait3A_136 = arith.constant 74 : i32
    %dma_wait3A_137 = arith.constant 0 : i32
    %dma_wait3A_138 = tpu.memref_slice %arg6[%dma_wait3A_136, %dma_wait3A_137] : memref<79x128xi32, #tpu.memory_space<vmem>> -> memref<1x128xi32, #tpu.memory_space<vmem>>
    %dma_wait3A_139 = tpu.memref_squeeze %dma_wait3A_138 : memref<1x128xi32, #tpu.memory_space<vmem>> -> memref<128xi32, #tpu.memory_space<vmem>>
    %dma_wait3A_140 = arith.constant 0 : i32
    %dma_wait3A_141 = arith.constant 0 : i32
    %dma_wait3A_142 = tpu.memref_slice %arg31[%dma_wait3A_140, %dma_wait3A_141] : memref<10016x64xbf16, #tpu.memory_space<vmem_shared>> -> memref<10016x64xbf16, #tpu.memory_space<vmem_shared>>
    tpu.wait_indirect_dma semaphore(%arg27 : memref<!tpu.dma_semaphore, #tpu.memory_space<semaphore_mem>>) src(%arg15 : memref<128x64xbf16, #tpu.memory_space<vmem>>) dst(%dma_wait3A_142 : memref<10016x64xbf16, #tpu.memory_space<vmem_shared>>)
    %dma_wait3A_143 = arith.constant 75 : i32
    %dma_wait3A_144 = arith.constant 0 : i32
    %dma_wait3A_145 = tpu.memref_slice %arg5[%dma_wait3A_143, %dma_wait3A_144] : memref<79x128xi32, #tpu.memory_space<vmem>> -> memref<1x128xi32, #tpu.memory_space<vmem>>
    %dma_wait3A_146 = tpu.memref_squeeze %dma_wait3A_145 : memref<1x128xi32, #tpu.memory_space<vmem>> -> memref<128xi32, #tpu.memory_space<vmem>>
    %dma_wait3A_147 = arith.constant 0 : i32
    %dma_wait3A_148 = arith.constant 0 : i32
    %dma_wait3A_149 = tpu.memref_slice %arg2[%dma_wait3A_147, %dma_wait3A_148] : memref<10016x64xbf16, #tpu.memory_space<hbm>> -> memref<10016x64xbf16, #tpu.memory_space<hbm>>
    tpu.wait_indirect_dma semaphore(%arg22 : memref<!tpu.dma_semaphore, #tpu.memory_space<semaphore_mem>>) src(%dma_wait3A_149 : memref<10016x64xbf16, #tpu.memory_space<hbm>>) dst(%arg10 : memref<128x64xbf16, #tpu.memory_space<vmem>>)
    %dma_start3A_150 = arith.constant 75 : i32
    %dma_start3A_151 = arith.constant 0 : i32
    %dma_start3A_152 = tpu.memref_slice %arg6[%dma_start3A_150, %dma_start3A_151] : memref<79x128xi32, #tpu.memory_space<vmem>> -> memref<1x128xi32, #tpu.memory_space<vmem>>
    %dma_start3A_153 = tpu.memref_squeeze %dma_start3A_152 : memref<1x128xi32, #tpu.memory_space<vmem>> -> memref<128xi32, #tpu.memory_space<vmem>>
    %dma_start3A_154 = arith.constant 0 : i32
    %dma_start3A_155 = arith.constant 0 : i32
    %dma_start3A_156 = tpu.memref_slice %arg31[%dma_start3A_154, %dma_start3A_155] : memref<10016x64xbf16, #tpu.memory_space<vmem_shared>> -> memref<10016x64xbf16, #tpu.memory_space<vmem_shared>>
    tpu.enqueue_indirect_dma source(%arg10 : memref<128x64xbf16, #tpu.memory_space<vmem>>) target(%dma_start3A_156 : memref<10016x64xbf16, #tpu.memory_space<vmem_shared>>) offsets(%dma_start3A_153 : memref<128xi32, #tpu.memory_space<vmem>>) semaphore(%arg22 : memref<!tpu.dma_semaphore, #tpu.memory_space<semaphore_mem>>) {add = true}
    %dma_wait3A_157 = arith.constant 75 : i32
    %dma_wait3A_158 = arith.constant 0 : i32
    %dma_wait3A_159 = tpu.memref_slice %arg6[%dma_wait3A_157, %dma_wait3A_158] : memref<79x128xi32, #tpu.memory_space<vmem>> -> memref<1x128xi32, #tpu.memory_space<vmem>>
    %dma_wait3A_160 = tpu.memref_squeeze %dma_wait3A_159 : memref<1x128xi32, #tpu.memory_space<vmem>> -> memref<128xi32, #tpu.memory_space<vmem>>
    %dma_wait3A_161 = arith.constant 0 : i32
    %dma_wait3A_162 = arith.constant 0 : i32
    %dma_wait3A_163 = tpu.memref_slice %arg31[%dma_wait3A_161, %dma_wait3A_162] : memref<10016x64xbf16, #tpu.memory_space<vmem_shared>> -> memref<10016x64xbf16, #tpu.memory_space<vmem_shared>>
    tpu.wait_indirect_dma semaphore(%arg28 : memref<!tpu.dma_semaphore, #tpu.memory_space<semaphore_mem>>) src(%arg16 : memref<128x64xbf16, #tpu.memory_space<vmem>>) dst(%dma_wait3A_163 : memref<10016x64xbf16, #tpu.memory_space<vmem_shared>>)
    %dma_wait3A_164 = arith.constant 76 : i32
    %dma_wait3A_165 = arith.constant 0 : i32
    %dma_wait3A_166 = tpu.memref_slice %arg5[%dma_wait3A_164, %dma_wait3A_165] : memref<79x128xi32, #tpu.memory_space<vmem>> -> memref<1x128xi32, #tpu.memory_space<vmem>>
    %dma_wait3A_167 = tpu.memref_squeeze %dma_wait3A_166 : memref<1x128xi32, #tpu.memory_space<vmem>> -> memref<128xi32, #tpu.memory_space<vmem>>
    %dma_wait3A_168 = arith.constant 0 : i32
    %dma_wait3A_169 = arith.constant 0 : i32
    %dma_wait3A_170 = tpu.memref_slice %arg2[%dma_wait3A_168, %dma_wait3A_169] : memref<10016x64xbf16, #tpu.memory_space<hbm>> -> memref<10016x64xbf16, #tpu.memory_space<hbm>>
    tpu.wait_indirect_dma semaphore(%arg23 : memref<!tpu.dma_semaphore, #tpu.memory_space<semaphore_mem>>) src(%dma_wait3A_170 : memref<10016x64xbf16, #tpu.memory_space<hbm>>) dst(%arg11 : memref<128x64xbf16, #tpu.memory_space<vmem>>)
    %dma_start3A_171 = arith.constant 76 : i32
    %dma_start3A_172 = arith.constant 0 : i32
    %dma_start3A_173 = tpu.memref_slice %arg6[%dma_start3A_171, %dma_start3A_172] : memref<79x128xi32, #tpu.memory_space<vmem>> -> memref<1x128xi32, #tpu.memory_space<vmem>>
    %dma_start3A_174 = tpu.memref_squeeze %dma_start3A_173 : memref<1x128xi32, #tpu.memory_space<vmem>> -> memref<128xi32, #tpu.memory_space<vmem>>
    %dma_start3A_175 = arith.constant 0 : i32
    %dma_start3A_176 = arith.constant 0 : i32
    %dma_start3A_177 = tpu.memref_slice %arg31[%dma_start3A_175, %dma_start3A_176] : memref<10016x64xbf16, #tpu.memory_space<vmem_shared>> -> memref<10016x64xbf16, #tpu.memory_space<vmem_shared>>
    tpu.enqueue_indirect_dma source(%arg11 : memref<128x64xbf16, #tpu.memory_space<vmem>>) target(%dma_start3A_177 : memref<10016x64xbf16, #tpu.memory_space<vmem_shared>>) offsets(%dma_start3A_174 : memref<128xi32, #tpu.memory_space<vmem>>) semaphore(%arg23 : memref<!tpu.dma_semaphore, #tpu.memory_space<semaphore_mem>>) {add = true}
    %dma_wait3A_178 = arith.constant 76 : i32
    %dma_wait3A_179 = arith.constant 0 : i32
    %dma_wait3A_180 = tpu.memref_slice %arg6[%dma_wait3A_178, %dma_wait3A_179] : memref<79x128xi32, #tpu.memory_space<vmem>> -> memref<1x128xi32, #tpu.memory_space<vmem>>
    %dma_wait3A_181 = tpu.memref_squeeze %dma_wait3A_180 : memref<1x128xi32, #tpu.memory_space<vmem>> -> memref<128xi32, #tpu.memory_space<vmem>>
    %dma_wait3A_182 = arith.constant 0 : i32
    %dma_wait3A_183 = arith.constant 0 : i32
    %dma_wait3A_184 = tpu.memref_slice %arg31[%dma_wait3A_182, %dma_wait3A_183] : memref<10016x64xbf16, #tpu.memory_space<vmem_shared>> -> memref<10016x64xbf16, #tpu.memory_space<vmem_shared>>
    tpu.wait_indirect_dma semaphore(%arg29 : memref<!tpu.dma_semaphore, #tpu.memory_space<semaphore_mem>>) src(%arg17 : memref<128x64xbf16, #tpu.memory_space<vmem>>) dst(%dma_wait3A_184 : memref<10016x64xbf16, #tpu.memory_space<vmem_shared>>)
    %dma_wait3A_185 = arith.constant 77 : i32
    %dma_wait3A_186 = arith.constant 0 : i32
    %dma_wait3A_187 = tpu.memref_slice %arg5[%dma_wait3A_185, %dma_wait3A_186] : memref<79x128xi32, #tpu.memory_space<vmem>> -> memref<1x128xi32, #tpu.memory_space<vmem>>
    %dma_wait3A_188 = tpu.memref_squeeze %dma_wait3A_187 : memref<1x128xi32, #tpu.memory_space<vmem>> -> memref<128xi32, #tpu.memory_space<vmem>>
    %dma_wait3A_189 = arith.constant 0 : i32
    %dma_wait3A_190 = arith.constant 0 : i32
    %dma_wait3A_191 = tpu.memref_slice %arg2[%dma_wait3A_189, %dma_wait3A_190] : memref<10016x64xbf16, #tpu.memory_space<hbm>> -> memref<10016x64xbf16, #tpu.memory_space<hbm>>
    tpu.wait_indirect_dma semaphore(%arg24 : memref<!tpu.dma_semaphore, #tpu.memory_space<semaphore_mem>>) src(%dma_wait3A_191 : memref<10016x64xbf16, #tpu.memory_space<hbm>>) dst(%arg12 : memref<128x64xbf16, #tpu.memory_space<vmem>>)
    %dma_start3A_192 = arith.constant 77 : i32
    %dma_start3A_193 = arith.constant 0 : i32
    %dma_start3A_194 = tpu.memref_slice %arg6[%dma_start3A_192, %dma_start3A_193] : memref<79x128xi32, #tpu.memory_space<vmem>> -> memref<1x128xi32, #tpu.memory_space<vmem>>
    %dma_start3A_195 = tpu.memref_squeeze %dma_start3A_194 : memref<1x128xi32, #tpu.memory_space<vmem>> -> memref<128xi32, #tpu.memory_space<vmem>>
    %dma_start3A_196 = arith.constant 0 : i32
    %dma_start3A_197 = arith.constant 0 : i32
    %dma_start3A_198 = tpu.memref_slice %arg31[%dma_start3A_196, %dma_start3A_197] : memref<10016x64xbf16, #tpu.memory_space<vmem_shared>> -> memref<10016x64xbf16, #tpu.memory_space<vmem_shared>>
    tpu.enqueue_indirect_dma source(%arg12 : memref<128x64xbf16, #tpu.memory_space<vmem>>) target(%dma_start3A_198 : memref<10016x64xbf16, #tpu.memory_space<vmem_shared>>) offsets(%dma_start3A_195 : memref<128xi32, #tpu.memory_space<vmem>>) semaphore(%arg24 : memref<!tpu.dma_semaphore, #tpu.memory_space<semaphore_mem>>) {add = true}
    %dma_wait3A_199 = arith.constant 77 : i32
    %dma_wait3A_200 = arith.constant 0 : i32
    %dma_wait3A_201 = tpu.memref_slice %arg6[%dma_wait3A_199, %dma_wait3A_200] : memref<79x128xi32, #tpu.memory_space<vmem>> -> memref<1x128xi32, #tpu.memory_space<vmem>>
    %dma_wait3A_202 = tpu.memref_squeeze %dma_wait3A_201 : memref<1x128xi32, #tpu.memory_space<vmem>> -> memref<128xi32, #tpu.memory_space<vmem>>
    %dma_wait3A_203 = arith.constant 0 : i32
    %dma_wait3A_204 = arith.constant 0 : i32
    %dma_wait3A_205 = tpu.memref_slice %arg31[%dma_wait3A_203, %dma_wait3A_204] : memref<10016x64xbf16, #tpu.memory_space<vmem_shared>> -> memref<10016x64xbf16, #tpu.memory_space<vmem_shared>>
    tpu.wait_indirect_dma semaphore(%arg30 : memref<!tpu.dma_semaphore, #tpu.memory_space<semaphore_mem>>) src(%arg18 : memref<128x64xbf16, #tpu.memory_space<vmem>>) dst(%dma_wait3A_205 : memref<10016x64xbf16, #tpu.memory_space<vmem_shared>>)
    %dma_wait3A_206 = arith.constant 78 : i32
    %dma_wait3A_207 = arith.constant 0 : i32
    %dma_wait3A_208 = tpu.memref_slice %arg5[%dma_wait3A_206, %dma_wait3A_207] : memref<79x128xi32, #tpu.memory_space<vmem>> -> memref<1x128xi32, #tpu.memory_space<vmem>>
    %dma_wait3A_209 = tpu.memref_squeeze %dma_wait3A_208 : memref<1x128xi32, #tpu.memory_space<vmem>> -> memref<128xi32, #tpu.memory_space<vmem>>
    %dma_wait3A_210 = arith.constant 0 : i32
    %dma_wait3A_211 = arith.constant 0 : i32
    %dma_wait3A_212 = tpu.memref_slice %arg2[%dma_wait3A_210, %dma_wait3A_211] : memref<10016x64xbf16, #tpu.memory_space<hbm>> -> memref<10016x64xbf16, #tpu.memory_space<hbm>>
    tpu.wait_indirect_dma semaphore(%arg25 : memref<!tpu.dma_semaphore, #tpu.memory_space<semaphore_mem>>) src(%dma_wait3A_212 : memref<10016x64xbf16, #tpu.memory_space<hbm>>) dst(%arg13 : memref<128x64xbf16, #tpu.memory_space<vmem>>)
    %dma_start3A_213 = arith.constant 78 : i32
    %dma_start3A_214 = arith.constant 0 : i32
    %dma_start3A_215 = tpu.memref_slice %arg6[%dma_start3A_213, %dma_start3A_214] : memref<79x128xi32, #tpu.memory_space<vmem>> -> memref<1x128xi32, #tpu.memory_space<vmem>>
    %dma_start3A_216 = tpu.memref_squeeze %dma_start3A_215 : memref<1x128xi32, #tpu.memory_space<vmem>> -> memref<128xi32, #tpu.memory_space<vmem>>
    %dma_start3A_217 = arith.constant 0 : i32
    %dma_start3A_218 = arith.constant 0 : i32
    %dma_start3A_219 = tpu.memref_slice %arg31[%dma_start3A_217, %dma_start3A_218] : memref<10016x64xbf16, #tpu.memory_space<vmem_shared>> -> memref<10016x64xbf16, #tpu.memory_space<vmem_shared>>
    tpu.enqueue_indirect_dma source(%arg13 : memref<128x64xbf16, #tpu.memory_space<vmem>>) target(%dma_start3A_219 : memref<10016x64xbf16, #tpu.memory_space<vmem_shared>>) offsets(%dma_start3A_216 : memref<128xi32, #tpu.memory_space<vmem>>) semaphore(%arg25 : memref<!tpu.dma_semaphore, #tpu.memory_space<semaphore_mem>>) {add = true}
    %dma_wait3A_220 = arith.constant 78 : i32
    %dma_wait3A_221 = arith.constant 0 : i32
    %dma_wait3A_222 = tpu.memref_slice %arg6[%dma_wait3A_220, %dma_wait3A_221] : memref<79x128xi32, #tpu.memory_space<vmem>> -> memref<1x128xi32, #tpu.memory_space<vmem>>
    %dma_wait3A_223 = tpu.memref_squeeze %dma_wait3A_222 : memref<1x128xi32, #tpu.memory_space<vmem>> -> memref<128xi32, #tpu.memory_space<vmem>>
    %dma_wait3A_224 = arith.constant 0 : i32
    %dma_wait3A_225 = arith.constant 0 : i32
    %dma_wait3A_226 = tpu.memref_slice %arg31[%dma_wait3A_224, %dma_wait3A_225] : memref<10016x64xbf16, #tpu.memory_space<vmem_shared>> -> memref<10016x64xbf16, #tpu.memory_space<vmem_shared>>
    tpu.wait_indirect_dma semaphore(%arg19 : memref<!tpu.dma_semaphore, #tpu.memory_space<semaphore_mem>>) src(%arg7 : memref<128x64xbf16, #tpu.memory_space<vmem>>) dst(%dma_wait3A_226 : memref<10016x64xbf16, #tpu.memory_space<vmem_shared>>)
    %dma_wait3A_227 = arith.constant 73 : i32
    %dma_wait3A_228 = arith.constant 0 : i32
    %dma_wait3A_229 = tpu.memref_slice %arg6[%dma_wait3A_227, %dma_wait3A_228] : memref<79x128xi32, #tpu.memory_space<vmem>> -> memref<1x128xi32, #tpu.memory_space<vmem>>
    %dma_wait3A_230 = tpu.memref_squeeze %dma_wait3A_229 : memref<1x128xi32, #tpu.memory_space<vmem>> -> memref<128xi32, #tpu.memory_space<vmem>>
    %dma_wait3A_231 = arith.constant 0 : i32
    %dma_wait3A_232 = arith.constant 0 : i32
    %dma_wait3A_233 = tpu.memref_slice %arg31[%dma_wait3A_231, %dma_wait3A_232] : memref<10016x64xbf16, #tpu.memory_space<vmem_shared>> -> memref<10016x64xbf16, #tpu.memory_space<vmem_shared>>
    tpu.wait_indirect_dma semaphore(%arg20 : memref<!tpu.dma_semaphore, #tpu.memory_space<semaphore_mem>>) src(%arg8 : memref<128x64xbf16, #tpu.memory_space<vmem>>) dst(%dma_wait3A_233 : memref<10016x64xbf16, #tpu.memory_space<vmem_shared>>)
    %dma_wait3A_234 = arith.constant 74 : i32
    %dma_wait3A_235 = arith.constant 0 : i32
    %dma_wait3A_236 = tpu.memref_slice %arg6[%dma_wait3A_234, %dma_wait3A_235] : memref<79x128xi32, #tpu.memory_space<vmem>> -> memref<1x128xi32, #tpu.memory_space<vmem>>
    %dma_wait3A_237 = tpu.memref_squeeze %dma_wait3A_236 : memref<1x128xi32, #tpu.memory_space<vmem>> -> memref<128xi32, #tpu.memory_space<vmem>>
    %dma_wait3A_238 = arith.constant 0 : i32
    %dma_wait3A_239 = arith.constant 0 : i32
    %dma_wait3A_240 = tpu.memref_slice %arg31[%dma_wait3A_238, %dma_wait3A_239] : memref<10016x64xbf16, #tpu.memory_space<vmem_shared>> -> memref<10016x64xbf16, #tpu.memory_space<vmem_shared>>
    tpu.wait_indirect_dma semaphore(%arg21 : memref<!tpu.dma_semaphore, #tpu.memory_space<semaphore_mem>>) src(%arg9 : memref<128x64xbf16, #tpu.memory_space<vmem>>) dst(%dma_wait3A_240 : memref<10016x64xbf16, #tpu.memory_space<vmem_shared>>)
    %dma_wait3A_241 = arith.constant 75 : i32
    %dma_wait3A_242 = arith.constant 0 : i32
    %dma_wait3A_243 = tpu.memref_slice %arg6[%dma_wait3A_241, %dma_wait3A_242] : memref<79x128xi32, #tpu.memory_space<vmem>> -> memref<1x128xi32, #tpu.memory_space<vmem>>
    %dma_wait3A_244 = tpu.memref_squeeze %dma_wait3A_243 : memref<1x128xi32, #tpu.memory_space<vmem>> -> memref<128xi32, #tpu.memory_space<vmem>>
    %dma_wait3A_245 = arith.constant 0 : i32
    %dma_wait3A_246 = arith.constant 0 : i32
    %dma_wait3A_247 = tpu.memref_slice %arg31[%dma_wait3A_245, %dma_wait3A_246] : memref<10016x64xbf16, #tpu.memory_space<vmem_shared>> -> memref<10016x64xbf16, #tpu.memory_space<vmem_shared>>
    tpu.wait_indirect_dma semaphore(%arg22 : memref<!tpu.dma_semaphore, #tpu.memory_space<semaphore_mem>>) src(%arg10 : memref<128x64xbf16, #tpu.memory_space<vmem>>) dst(%dma_wait3A_247 : memref<10016x64xbf16, #tpu.memory_space<vmem_shared>>)
    %dma_wait3A_248 = arith.constant 76 : i32
    %dma_wait3A_249 = arith.constant 0 : i32
    %dma_wait3A_250 = tpu.memref_slice %arg6[%dma_wait3A_248, %dma_wait3A_249] : memref<79x128xi32, #tpu.memory_space<vmem>> -> memref<1x128xi32, #tpu.memory_space<vmem>>
    %dma_wait3A_251 = tpu.memref_squeeze %dma_wait3A_250 : memref<1x128xi32, #tpu.memory_space<vmem>> -> memref<128xi32, #tpu.memory_space<vmem>>
    %dma_wait3A_252 = arith.constant 0 : i32
    %dma_wait3A_253 = arith.constant 0 : i32
    %dma_wait3A_254 = tpu.memref_slice %arg31[%dma_wait3A_252, %dma_wait3A_253] : memref<10016x64xbf16, #tpu.memory_space<vmem_shared>> -> memref<10016x64xbf16, #tpu.memory_space<vmem_shared>>
    tpu.wait_indirect_dma semaphore(%arg23 : memref<!tpu.dma_semaphore, #tpu.memory_space<semaphore_mem>>) src(%arg11 : memref<128x64xbf16, #tpu.memory_space<vmem>>) dst(%dma_wait3A_254 : memref<10016x64xbf16, #tpu.memory_space<vmem_shared>>)
    %dma_wait3A_255 = arith.constant 77 : i32
    %dma_wait3A_256 = arith.constant 0 : i32
    %dma_wait3A_257 = tpu.memref_slice %arg6[%dma_wait3A_255, %dma_wait3A_256] : memref<79x128xi32, #tpu.memory_space<vmem>> -> memref<1x128xi32, #tpu.memory_space<vmem>>
    %dma_wait3A_258 = tpu.memref_squeeze %dma_wait3A_257 : memref<1x128xi32, #tpu.memory_space<vmem>> -> memref<128xi32, #tpu.memory_space<vmem>>
    %dma_wait3A_259 = arith.constant 0 : i32
    %dma_wait3A_260 = arith.constant 0 : i32
    %dma_wait3A_261 = tpu.memref_slice %arg31[%dma_wait3A_259, %dma_wait3A_260] : memref<10016x64xbf16, #tpu.memory_space<vmem_shared>> -> memref<10016x64xbf16, #tpu.memory_space<vmem_shared>>
    tpu.wait_indirect_dma semaphore(%arg24 : memref<!tpu.dma_semaphore, #tpu.memory_space<semaphore_mem>>) src(%arg12 : memref<128x64xbf16, #tpu.memory_space<vmem>>) dst(%dma_wait3A_261 : memref<10016x64xbf16, #tpu.memory_space<vmem_shared>>)
    %dma_wait3A_262 = arith.constant 78 : i32
    %dma_wait3A_263 = arith.constant 0 : i32
    %dma_wait3A_264 = tpu.memref_slice %arg6[%dma_wait3A_262, %dma_wait3A_263] : memref<79x128xi32, #tpu.memory_space<vmem>> -> memref<1x128xi32, #tpu.memory_space<vmem>>
    %dma_wait3A_265 = tpu.memref_squeeze %dma_wait3A_264 : memref<1x128xi32, #tpu.memory_space<vmem>> -> memref<128xi32, #tpu.memory_space<vmem>>
    %dma_wait3A_266 = arith.constant 0 : i32
    %dma_wait3A_267 = arith.constant 0 : i32
    %dma_wait3A_268 = tpu.memref_slice %arg31[%dma_wait3A_266, %dma_wait3A_267] : memref<10016x64xbf16, #tpu.memory_space<vmem_shared>> -> memref<10016x64xbf16, #tpu.memory_space<vmem_shared>>
    tpu.wait_indirect_dma semaphore(%arg25 : memref<!tpu.dma_semaphore, #tpu.memory_space<semaphore_mem>>) src(%arg13 : memref<128x64xbf16, #tpu.memory_space<vmem>>) dst(%dma_wait3A_268 : memref<10016x64xbf16, #tpu.memory_space<vmem_shared>>)
    %barrier3A_269 = arith.constant 0 : index
    tpu.barrier barrier_id(%barrier3A_269)
    %mul3A_270 = arith.constant 626 : i32
    %mul3A_271 = arith.muli %arg1, %mul3A_270 : i32
    %add3A_272 = arith.constant 0 : i32
    %add3A_273 = arith.addi %mul3A_271, %add3A_272 : i32
    %mul3A_274 = arith.constant 626 : i32
    %mul3A_275 = arith.muli %arg1, %mul3A_274 : i32
    %add3A_276 = arith.constant 0 : i32
    %add3A_277 = arith.addi %mul3A_275, %add3A_276 : i32
    "tpu.region"() ({
      %run_scoped3A_310 = tpu.sem_alloc : memref<!tpu.dma_semaphore, #tpu.memory_space<semaphore_mem>>
      %dma_start3A_311 = arith.constant 0 : i32
      %dma_start3A_312 = arith.constant 0 : i32
      %dma_start3A_313 = tpu.memref_slice %arg4[%arg0, %dma_start3A_311, %dma_start3A_312] : memref<2x10016x64xbf16, #tpu.memory_space<hbm>> -> memref<1x10016x64xbf16, #tpu.memory_space<hbm>>
      %dma_start3A_314 = tpu.memref_squeeze %dma_start3A_313 : memref<1x10016x64xbf16, #tpu.memory_space<hbm>> -> memref<10016x64xbf16, #tpu.memory_space<hbm>>
      %dma_start3A_315 = arith.constant 0 : i32
      %dma_start3A_316 = tpu.memref_slice %dma_start3A_314[%add3A_277, %dma_start3A_315] : memref<10016x64xbf16, #tpu.memory_space<hbm>> -> memref<128x64xbf16, #tpu.memory_space<hbm>>
      %dma_start3A_317 = arith.constant 0 : i32
      %dma_start3A_318 = tpu.memref_slice %arg31[%add3A_273, %dma_start3A_317] : memref<10016x64xbf16, #tpu.memory_space<vmem_shared>> -> memref<128x64xbf16, #tpu.memory_space<vmem_shared>>
      tpu.enqueue_dma source(%dma_start3A_318 : memref<128x64xbf16, #tpu.memory_space<vmem_shared>>) target(%dma_start3A_316 : memref<128x64xbf16, #tpu.memory_space<hbm>>) target_semaphore(%run_scoped3A_310 : memref<!tpu.dma_semaphore, #tpu.memory_space<semaphore_mem>>)
      %dma_wait3A_319 = arith.constant 0 : i32
      %dma_wait3A_320 = arith.constant 0 : i32
      %dma_wait3A_321 = tpu.memref_slice %arg4[%arg0, %dma_wait3A_319, %dma_wait3A_320] : memref<2x10016x64xbf16, #tpu.memory_space<hbm>> -> memref<1x10016x64xbf16, #tpu.memory_space<hbm>>
      %dma_wait3A_322 = tpu.memref_squeeze %dma_wait3A_321 : memref<1x10016x64xbf16, #tpu.memory_space<hbm>> -> memref<10016x64xbf16, #tpu.memory_space<hbm>>
      %dma_wait3A_323 = arith.constant 0 : i32
      %dma_wait3A_324 = tpu.memref_slice %dma_wait3A_322[%add3A_277, %dma_wait3A_323] : memref<10016x64xbf16, #tpu.memory_space<hbm>> -> memref<128x64xbf16, #tpu.memory_space<hbm>>
      %dma_wait3A_325 = arith.constant 0 : i32
      %dma_wait3A_326 = tpu.memref_slice %arg31[%add3A_273, %dma_wait3A_325] : memref<10016x64xbf16, #tpu.memory_space<vmem_shared>> -> memref<128x64xbf16, #tpu.memory_space<vmem_shared>>
      tpu.wait_dma2 semaphore(%run_scoped3A_310 : memref<!tpu.dma_semaphore, #tpu.memory_space<semaphore_mem>>) src(%dma_wait3A_326 : memref<128x64xbf16, #tpu.memory_space<vmem_shared>>) dst(%dma_wait3A_324 : memref<128x64xbf16, #tpu.memory_space<hbm>>)
      tpu.yield
    }) : () -> ()
    %mul3A_278 = arith.constant 626 : i32
    %mul3A_279 = arith.muli %arg1, %mul3A_278 : i32
    %add3A_280 = arith.constant 128 : i32
    %add3A_281 = arith.addi %mul3A_279, %add3A_280 : i32
    %mul3A_282 = arith.constant 626 : i32
    %mul3A_283 = arith.muli %arg1, %mul3A_282 : i32
    %add3A_284 = arith.constant 128 : i32
    %add3A_285 = arith.addi %mul3A_283, %add3A_284 : i32
    "tpu.region"() ({
      %run_scoped3A_310 = tpu.sem_alloc : memref<!tpu.dma_semaphore, #tpu.memory_space<semaphore_mem>>
      %dma_start3A_311 = arith.constant 0 : i32
      %dma_start3A_312 = arith.constant 0 : i32
      %dma_start3A_313 = tpu.memref_slice %arg4[%arg0, %dma_start3A_311, %dma_start3A_312] : memref<2x10016x64xbf16, #tpu.memory_space<hbm>> -> memref<1x10016x64xbf16, #tpu.memory_space<hbm>>
      %dma_start3A_314 = tpu.memref_squeeze %dma_start3A_313 : memref<1x10016x64xbf16, #tpu.memory_space<hbm>> -> memref<10016x64xbf16, #tpu.memory_space<hbm>>
      %dma_start3A_315 = arith.constant 0 : i32
      %dma_start3A_316 = tpu.memref_slice %dma_start3A_314[%add3A_285, %dma_start3A_315] : memref<10016x64xbf16, #tpu.memory_space<hbm>> -> memref<128x64xbf16, #tpu.memory_space<hbm>>
      %dma_start3A_317 = arith.constant 0 : i32
      %dma_start3A_318 = tpu.memref_slice %arg31[%add3A_281, %dma_start3A_317] : memref<10016x64xbf16, #tpu.memory_space<vmem_shared>> -> memref<128x64xbf16, #tpu.memory_space<vmem_shared>>
      tpu.enqueue_dma source(%dma_start3A_318 : memref<128x64xbf16, #tpu.memory_space<vmem_shared>>) target(%dma_start3A_316 : memref<128x64xbf16, #tpu.memory_space<hbm>>) target_semaphore(%run_scoped3A_310 : memref<!tpu.dma_semaphore, #tpu.memory_space<semaphore_mem>>)
      %dma_wait3A_319 = arith.constant 0 : i32
      %dma_wait3A_320 = arith.constant 0 : i32
      %dma_wait3A_321 = tpu.memref_slice %arg4[%arg0, %dma_wait3A_319, %dma_wait3A_320] : memref<2x10016x64xbf16, #tpu.memory_space<hbm>> -> memref<1x10016x64xbf16, #tpu.memory_space<hbm>>
      %dma_wait3A_322 = tpu.memref_squeeze %dma_wait3A_321 : memref<1x10016x64xbf16, #tpu.memory_space<hbm>> -> memref<10016x64xbf16, #tpu.memory_space<hbm>>
      %dma_wait3A_323 = arith.constant 0 : i32
      %dma_wait3A_324 = tpu.memref_slice %dma_wait3A_322[%add3A_285, %dma_wait3A_323] : memref<10016x64xbf16, #tpu.memory_space<hbm>> -> memref<128x64xbf16, #tpu.memory_space<hbm>>
      %dma_wait3A_325 = arith.constant 0 : i32
      %dma_wait3A_326 = tpu.memref_slice %arg31[%add3A_281, %dma_wait3A_325] : memref<10016x64xbf16, #tpu.memory_space<vmem_shared>> -> memref<128x64xbf16, #tpu.memory_space<vmem_shared>>
      tpu.wait_dma2 semaphore(%run_scoped3A_310 : memref<!tpu.dma_semaphore, #tpu.memory_space<semaphore_mem>>) src(%dma_wait3A_326 : memref<128x64xbf16, #tpu.memory_space<vmem_shared>>) dst(%dma_wait3A_324 : memref<128x64xbf16, #tpu.memory_space<hbm>>)
      tpu.yield
    }) : () -> ()
    %mul3A_286 = arith.constant 626 : i32
    %mul3A_287 = arith.muli %arg1, %mul3A_286 : i32
    %add3A_288 = arith.constant 256 : i32
    %add3A_289 = arith.addi %mul3A_287, %add3A_288 : i32
    %mul3A_290 = arith.constant 626 : i32
    %mul3A_291 = arith.muli %arg1, %mul3A_290 : i32
    %add3A_292 = arith.constant 256 : i32
    %add3A_293 = arith.addi %mul3A_291, %add3A_292 : i32
    "tpu.region"() ({
      %run_scoped3A_310 = tpu.sem_alloc : memref<!tpu.dma_semaphore, #tpu.memory_space<semaphore_mem>>
      %dma_start3A_311 = arith.constant 0 : i32
      %dma_start3A_312 = arith.constant 0 : i32
      %dma_start3A_313 = tpu.memref_slice %arg4[%arg0, %dma_start3A_311, %dma_start3A_312] : memref<2x10016x64xbf16, #tpu.memory_space<hbm>> -> memref<1x10016x64xbf16, #tpu.memory_space<hbm>>
      %dma_start3A_314 = tpu.memref_squeeze %dma_start3A_313 : memref<1x10016x64xbf16, #tpu.memory_space<hbm>> -> memref<10016x64xbf16, #tpu.memory_space<hbm>>
      %dma_start3A_315 = arith.constant 0 : i32
      %dma_start3A_316 = tpu.memref_slice %dma_start3A_314[%add3A_293, %dma_start3A_315] : memref<10016x64xbf16, #tpu.memory_space<hbm>> -> memref<128x64xbf16, #tpu.memory_space<hbm>>
      %dma_start3A_317 = arith.constant 0 : i32
      %dma_start3A_318 = tpu.memref_slice %arg31[%add3A_289, %dma_start3A_317] : memref<10016x64xbf16, #tpu.memory_space<vmem_shared>> -> memref<128x64xbf16, #tpu.memory_space<vmem_shared>>
      tpu.enqueue_dma source(%dma_start3A_318 : memref<128x64xbf16, #tpu.memory_space<vmem_shared>>) target(%dma_start3A_316 : memref<128x64xbf16, #tpu.memory_space<hbm>>) target_semaphore(%run_scoped3A_310 : memref<!tpu.dma_semaphore, #tpu.memory_space<semaphore_mem>>)
      %dma_wait3A_319 = arith.constant 0 : i32
      %dma_wait3A_320 = arith.constant 0 : i32
      %dma_wait3A_321 = tpu.memref_slice %arg4[%arg0, %dma_wait3A_319, %dma_wait3A_320] : memref<2x10016x64xbf16, #tpu.memory_space<hbm>> -> memref<1x10016x64xbf16, #tpu.memory_space<hbm>>
      %dma_wait3A_322 = tpu.memref_squeeze %dma_wait3A_321 : memref<1x10016x64xbf16, #tpu.memory_space<hbm>> -> memref<10016x64xbf16, #tpu.memory_space<hbm>>
      %dma_wait3A_323 = arith.constant 0 : i32
      %dma_wait3A_324 = tpu.memref_slice %dma_wait3A_322[%add3A_293, %dma_wait3A_323] : memref<10016x64xbf16, #tpu.memory_space<hbm>> -> memref<128x64xbf16, #tpu.memory_space<hbm>>
      %dma_wait3A_325 = arith.constant 0 : i32
      %dma_wait3A_326 = tpu.memref_slice %arg31[%add3A_289, %dma_wait3A_325] : memref<10016x64xbf16, #tpu.memory_space<vmem_shared>> -> memref<128x64xbf16, #tpu.memory_space<vmem_shared>>
      tpu.wait_dma2 semaphore(%run_scoped3A_310 : memref<!tpu.dma_semaphore, #tpu.memory_space<semaphore_mem>>) src(%dma_wait3A_326 : memref<128x64xbf16, #tpu.memory_space<vmem_shared>>) dst(%dma_wait3A_324 : memref<128x64xbf16, #tpu.memory_space<hbm>>)
      tpu.yield
    }) : () -> ()
    %mul3A_294 = arith.constant 626 : i32
    %mul3A_295 = arith.muli %arg1, %mul3A_294 : i32
    %add3A_296 = arith.constant 384 : i32
    %add3A_297 = arith.addi %mul3A_295, %add3A_296 : i32
    %mul3A_298 = arith.constant 626 : i32
    %mul3A_299 = arith.muli %arg1, %mul3A_298 : i32
    %add3A_300 = arith.constant 384 : i32
    %add3A_301 = arith.addi %mul3A_299, %add3A_300 : i32
    "tpu.region"() ({
      %run_scoped3A_310 = tpu.sem_alloc : memref<!tpu.dma_semaphore, #tpu.memory_space<semaphore_mem>>
      %dma_start3A_311 = arith.constant 0 : i32
      %dma_start3A_312 = arith.constant 0 : i32
      %dma_start3A_313 = tpu.memref_slice %arg4[%arg0, %dma_start3A_311, %dma_start3A_312] : memref<2x10016x64xbf16, #tpu.memory_space<hbm>> -> memref<1x10016x64xbf16, #tpu.memory_space<hbm>>
      %dma_start3A_314 = tpu.memref_squeeze %dma_start3A_313 : memref<1x10016x64xbf16, #tpu.memory_space<hbm>> -> memref<10016x64xbf16, #tpu.memory_space<hbm>>
      %dma_start3A_315 = arith.constant 0 : i32
      %dma_start3A_316 = tpu.memref_slice %dma_start3A_314[%add3A_301, %dma_start3A_315] : memref<10016x64xbf16, #tpu.memory_space<hbm>> -> memref<128x64xbf16, #tpu.memory_space<hbm>>
      %dma_start3A_317 = arith.constant 0 : i32
      %dma_start3A_318 = tpu.memref_slice %arg31[%add3A_297, %dma_start3A_317] : memref<10016x64xbf16, #tpu.memory_space<vmem_shared>> -> memref<128x64xbf16, #tpu.memory_space<vmem_shared>>
      tpu.enqueue_dma source(%dma_start3A_318 : memref<128x64xbf16, #tpu.memory_space<vmem_shared>>) target(%dma_start3A_316 : memref<128x64xbf16, #tpu.memory_space<hbm>>) target_semaphore(%run_scoped3A_310 : memref<!tpu.dma_semaphore, #tpu.memory_space<semaphore_mem>>)
      %dma_wait3A_319 = arith.constant 0 : i32
      %dma_wait3A_320 = arith.constant 0 : i32
      %dma_wait3A_321 = tpu.memref_slice %arg4[%arg0, %dma_wait3A_319, %dma_wait3A_320] : memref<2x10016x64xbf16, #tpu.memory_space<hbm>> -> memref<1x10016x64xbf16, #tpu.memory_space<hbm>>
      %dma_wait3A_322 = tpu.memref_squeeze %dma_wait3A_321 : memref<1x10016x64xbf16, #tpu.memory_space<hbm>> -> memref<10016x64xbf16, #tpu.memory_space<hbm>>
      %dma_wait3A_323 = arith.constant 0 : i32
      %dma_wait3A_324 = tpu.memref_slice %dma_wait3A_322[%add3A_301, %dma_wait3A_323] : memref<10016x64xbf16, #tpu.memory_space<hbm>> -> memref<128x64xbf16, #tpu.memory_space<hbm>>
      %dma_wait3A_325 = arith.constant 0 : i32
      %dma_wait3A_326 = tpu.memref_slice %arg31[%add3A_297, %dma_wait3A_325] : memref<10016x64xbf16, #tpu.memory_space<vmem_shared>> -> memref<128x64xbf16, #tpu.memory_space<vmem_shared>>
      tpu.wait_dma2 semaphore(%run_scoped3A_310 : memref<!tpu.dma_semaphore, #tpu.memory_space<semaphore_mem>>) src(%dma_wait3A_326 : memref<128x64xbf16, #tpu.memory_space<vmem_shared>>) dst(%dma_wait3A_324 : memref<128x64xbf16, #tpu.memory_space<hbm>>)
      tpu.yield
    }) : () -> ()
    %mul3A_302 = arith.constant 626 : i32
    %mul3A_303 = arith.muli %arg1, %mul3A_302 : i32
    %add3A_304 = arith.constant 512 : i32
    %add3A_305 = arith.addi %mul3A_303, %add3A_304 : i32
    %mul3A_306 = arith.constant 626 : i32
    %mul3A_307 = arith.muli %arg1, %mul3A_306 : i32
    %add3A_308 = arith.constant 512 : i32
    %add3A_309 = arith.addi %mul3A_307, %add3A_308 : i32
    "tpu.region"() ({
      %run_scoped3A_310 = tpu.sem_alloc : memref<!tpu.dma_semaphore, #tpu.memory_space<semaphore_mem>>
      %dma_start3A_311 = arith.constant 0 : i32
      %dma_start3A_312 = arith.constant 0 : i32
      %dma_start3A_313 = tpu.memref_slice %arg4[%arg0, %dma_start3A_311, %dma_start3A_312] : memref<2x10016x64xbf16, #tpu.memory_space<hbm>> -> memref<1x10016x64xbf16, #tpu.memory_space<hbm>>
      %dma_start3A_314 = tpu.memref_squeeze %dma_start3A_313 : memref<1x10016x64xbf16, #tpu.memory_space<hbm>> -> memref<10016x64xbf16, #tpu.memory_space<hbm>>
      %dma_start3A_315 = arith.constant 0 : i32
      %dma_start3A_316 = tpu.memref_slice %dma_start3A_314[%add3A_309, %dma_start3A_315] : memref<10016x64xbf16, #tpu.memory_space<hbm>> -> memref<114x64xbf16, #tpu.memory_space<hbm>>
      %dma_start3A_317 = arith.constant 0 : i32
      %dma_start3A_318 = tpu.memref_slice %arg31[%add3A_305, %dma_start3A_317] : memref<10016x64xbf16, #tpu.memory_space<vmem_shared>> -> memref<114x64xbf16, #tpu.memory_space<vmem_shared>>
      tpu.enqueue_dma source(%dma_start3A_318 : memref<114x64xbf16, #tpu.memory_space<vmem_shared>>) target(%dma_start3A_316 : memref<114x64xbf16, #tpu.memory_space<hbm>>) target_semaphore(%run_scoped3A_310 : memref<!tpu.dma_semaphore, #tpu.memory_space<semaphore_mem>>)
      %dma_wait3A_319 = arith.constant 0 : i32
      %dma_wait3A_320 = arith.constant 0 : i32
      %dma_wait3A_321 = tpu.memref_slice %arg4[%arg0, %dma_wait3A_319, %dma_wait3A_320] : memref<2x10016x64xbf16, #tpu.memory_space<hbm>> -> memref<1x10016x64xbf16, #tpu.memory_space<hbm>>
      %dma_wait3A_322 = tpu.memref_squeeze %dma_wait3A_321 : memref<1x10016x64xbf16, #tpu.memory_space<hbm>> -> memref<10016x64xbf16, #tpu.memory_space<hbm>>
      %dma_wait3A_323 = arith.constant 0 : i32
      %dma_wait3A_324 = tpu.memref_slice %dma_wait3A_322[%add3A_309, %dma_wait3A_323] : memref<10016x64xbf16, #tpu.memory_space<hbm>> -> memref<114x64xbf16, #tpu.memory_space<hbm>>
      %dma_wait3A_325 = arith.constant 0 : i32
      %dma_wait3A_326 = tpu.memref_slice %arg31[%add3A_305, %dma_wait3A_325] : memref<10016x64xbf16, #tpu.memory_space<vmem_shared>> -> memref<114x64xbf16, #tpu.memory_space<vmem_shared>>
      tpu.wait_dma2 semaphore(%run_scoped3A_310 : memref<!tpu.dma_semaphore, #tpu.memory_space<semaphore_mem>>) src(%dma_wait3A_326 : memref<114x64xbf16, #tpu.memory_space<vmem_shared>>) dst(%dma_wait3A_324 : memref<114x64xbf16, #tpu.memory_space<hbm>>)
      tpu.yield
    }) : () -> ()
    return
  }
}

module attributes {stable_mosaic.version = 14 : i64} {
  func.func @body(%arg0: memref<10000x128xf32, #tpu.memory_space<vmem>>, %arg1: memref<128x64xf32, #tpu.memory_space<vmem>>, %arg2: memref<10000x64xf32, #tpu.memory_space<vmem>>) attributes {dimension_semantics = [], scalar_prefetch = 0 : i64, scratch_operands = 0 : i64, tpu.core_type = #tpu.core_type<tc>} {
    %get3A = arith.constant 0 : index
    %get3A_0 = arith.constant 0 : index
    %get3A_1 = vector.load %arg0[%get3A, %get3A_0] : memref<10000x128xf32, #tpu.memory_space<vmem>>, vector<10000x128xf32>
    %get3A_2 = arith.constant 0 : index
    %get3A_3 = arith.constant 0 : index
    %get3A_4 = vector.load %arg1[%get3A_2, %get3A_3] : memref<128x64xf32, #tpu.memory_space<vmem>>, vector<128x64xf32>
    %dot_general3A = arith.constant dense<0.000000e+00> : vector<10000x64xf32>
    %dot_general3A_5 = tpu.matmul %get3A_1, %get3A_4, %dot_general3A {dimension_numbers = #tpu.dot_dimension_numbers<[1], [0], [0], [1], [0, 0, 1, 1], [], []>, transpose_lhs_hint = false} : vector<10000x128xf32>, vector<128x64xf32>, vector<10000x64xf32> -> vector<10000x64xf32>
    %swap3A = arith.constant 0 : index
    %swap3A_6 = arith.constant 0 : index
    %swap3A_7 = vector.load %arg2[%swap3A, %swap3A_6] : memref<10000x64xf32, #tpu.memory_space<vmem>>, vector<10000x64xf32>
    tpu.vector_store %arg2[%swap3A, %swap3A_6], %dot_general3A_5 {strides = array<i32>} : memref<10000x64xf32, #tpu.memory_space<vmem>>, vector<10000x64xf32>,
    return
  }
}

module attributes {stable_mosaic.version = 14 : i64} {
  func.func @body(%arg0: memref<10000x64xf32, #tpu.memory_space<vmem>>, %arg1: memref<20480x2xf32, #tpu.memory_space<vmem>>, %arg2: memref<10016x64xbf16, #tpu.memory_space<vmem>>) attributes {dimension_semantics = [], scalar_prefetch = 0 : i64, scratch_operands = 0 : i64, tpu.core_type = #tpu.core_type<tc>} {
    %get3A = arith.constant 0 : index
    %get3A_0 = arith.constant 0 : index
    %get3A_1 = vector.load %arg1[%get3A, %get3A_0] : memref<20480x2xf32, #tpu.memory_space<vmem>>, vector<20480x2xf32>
    %reduce_sum3A = arith.constant dense<0.000000e+00> : vector<20480xf32>
    %reduce_sum3A_2 = vector.multi_reduction <add>, %get3A_1, %reduce_sum3A [1] : vector<20480x2xf32> to vector<20480xf32>
    %broadcast_in_dim3A = vector.shape_cast %reduce_sum3A_2 : vector<20480xf32> to vector<20480x1xf32>
    %slice3A = vector.extract_strided_slice %broadcast_in_dim3A {offsets = [0, 0], sizes = [10000, 1], strides = [1, 1]} : vector<20480x1xf32> to vector<10000x1xf32>
    %max3A = arith.constant 1.000000e+00 : f32
    %max3A_3 = vector.broadcast %max3A : f32 to vector<10000x1xf32>
    %max3A_4 = arith.maximumf %slice3A, %max3A_3 : vector<10000x1xf32>
    %rsqrt3A = math.rsqrt %max3A_4 : vector<10000x1xf32>
    %get3A_5 = arith.constant 0 : index
    %get3A_6 = arith.constant 0 : index
    %get3A_7 = vector.load %arg0[%get3A_5, %get3A_6] : memref<10000x64xf32, #tpu.memory_space<vmem>>, vector<10000x64xf32>
    %mul3A = vector.broadcast %rsqrt3A : vector<10000x1xf32> to vector<10000x64xf32>
    %mul3A_8 = arith.mulf %get3A_7, %mul3A : vector<10000x64xf32>
    %convert_element_type3A = arith.truncf %mul3A_8 : vector<10000x64xf32> to vector<10000x64xbf16>
    %broadcast_in_dim3A_9 = arith.constant 0.000000e+00 : bf16
    %broadcast_in_dim3A_10 = vector.broadcast %broadcast_in_dim3A_9 : bf16 to vector<16x64xbf16>
    %concatenate3A = tpu.concatenate %convert_element_type3A, %broadcast_in_dim3A_10 in 0 : vector<10000x64xbf16>, vector<16x64xbf16> -> vector<10016x64xbf16>
    %swap3A = arith.constant 0 : index
    %swap3A_11 = arith.constant 0 : index
    %swap3A_12 = vector.load %arg2[%swap3A, %swap3A_11] : memref<10016x64xbf16, #tpu.memory_space<vmem>>, vector<10016x64xbf16>
    tpu.vector_store %arg2[%swap3A, %swap3A_11], %concatenate3A {strides = array<i32>} : memref<10016x64xbf16, #tpu.memory_space<vmem>>, vector<10016x64xbf16>,
    return
  }
}

module attributes {stable_mosaic.version = 14 : i64} {
  func.func @body(%arg0: memref<20480x2xf32, #tpu.memory_space<vmem>>, %arg1: memref<10000x128xf32, #tpu.memory_space<vmem>>) attributes {dimension_semantics = [], scalar_prefetch = 0 : i64, scratch_operands = 0 : i64, tpu.core_type = #tpu.core_type<tc>} {
    %get3A = arith.constant 0 : index
    %get3A_0 = arith.constant 0 : index
    %get3A_1 = vector.load %arg0[%get3A, %get3A_0] : memref<20480x2xf32, #tpu.memory_space<vmem>>, vector<20480x2xf32>
    %reduce_sum3A = arith.constant dense<0.000000e+00> : vector<20480xf32>
    %reduce_sum3A_2 = vector.multi_reduction <add>, %get3A_1, %reduce_sum3A [1] : vector<20480x2xf32> to vector<20480xf32>
    %broadcast_in_dim3A = vector.shape_cast %reduce_sum3A_2 : vector<20480xf32> to vector<20480x1xf32>
    %slice3A = vector.extract_strided_slice %broadcast_in_dim3A {offsets = [0, 0], sizes = [10000, 1], strides = [1, 1]} : vector<20480x1xf32> to vector<10000x1xf32>
    %max3A = arith.constant 1.000000e+00 : f32
    %max3A_3 = vector.broadcast %max3A : f32 to vector<10000x1xf32>
    %max3A_4 = arith.maximumf %slice3A, %max3A_3 : vector<10000x1xf32>
    %rsqrt3A = math.rsqrt %max3A_4 : vector<10000x1xf32>
    %slice3A_5 = vector.extract_strided_slice %broadcast_in_dim3A {offsets = [10240, 0], sizes = [10000, 1], strides = [1, 1]} : vector<20480x1xf32> to vector<10000x1xf32>
    %max3A_6 = arith.constant 1.000000e+00 : f32
    %max3A_7 = vector.broadcast %max3A_6 : f32 to vector<10000x1xf32>
    %max3A_8 = arith.maximumf %slice3A_5, %max3A_7 : vector<10000x1xf32>
    %rsqrt3A_9 = math.rsqrt %max3A_8 : vector<10000x1xf32>
    %broadcast_in_dim3A_10 = vector.shape_cast %rsqrt3A : vector<10000x1xf32> to vector<10000x1xf32>
    %broadcast_in_dim3A_11 = vector.broadcast %broadcast_in_dim3A_10 : vector<10000x1xf32> to vector<10000x64xf32>
    %broadcast_in_dim3A_12 = vector.shape_cast %rsqrt3A_9 : vector<10000x1xf32> to vector<10000x1xf32>
    %broadcast_in_dim3A_13 = vector.broadcast %broadcast_in_dim3A_12 : vector<10000x1xf32> to vector<10000x64xf32>
    %concatenate3A = tpu.concatenate %broadcast_in_dim3A_11, %broadcast_in_dim3A_13 in 1 : vector<10000x64xf32>, vector<10000x64xf32> -> vector<10000x128xf32>
    %swap3A = arith.constant 0 : index
    %swap3A_14 = arith.constant 0 : index
    %swap3A_15 = vector.load %arg1[%swap3A, %swap3A_14] : memref<10000x128xf32, #tpu.memory_space<vmem>>, vector<10000x128xf32>
    tpu.vector_store %arg1[%swap3A, %swap3A_14], %concatenate3A {strides = array<i32>} : memref<10000x128xf32, #tpu.memory_space<vmem>>, vector<10000x128xf32>,
    return
  }
}

module attributes {stable_mosaic.version = 14 : i64} {
  func.func @body(%arg0: memref<2x10016x64xbf16, #tpu.memory_space<vmem>>, %arg1: memref<10000x128xf32, #tpu.memory_space<vmem>>, %arg2: memref<64x64xf32, #tpu.memory_space<vmem>>, %arg3: memref<1x64xf32, #tpu.memory_space<vmem>>, %arg4: memref<10016x64xbf16, #tpu.memory_space<vmem>>) attributes {dimension_semantics = [], scalar_prefetch = 0 : i64, scratch_operands = 0 : i64, tpu.core_type = #tpu.core_type<tc>} {
    %get3A = arith.constant 0 : index
    %get3A_0 = arith.constant 0 : index
    %get3A_1 = vector.load %arg1[%get3A, %get3A_0] : memref<10000x128xf32, #tpu.memory_space<vmem>>, vector<10000x1xf32>
    %get3A_2 = arith.constant 0 : index
    %get3A_3 = arith.constant 64 : index
    %get3A_4 = vector.load %arg1[%get3A_2, %get3A_3] : memref<10000x128xf32, #tpu.memory_space<vmem>>, vector<10000x1xf32>
    %get3A_5 = arith.constant 0 : index
    %get3A_6 = arith.constant 0 : index
    %get3A_7 = arith.constant 0 : index
    %get3A_8 = vector.load %arg0[%get3A_5, %get3A_6, %get3A_7] : memref<2x10016x64xbf16, #tpu.memory_space<vmem>>, vector<1x10016x64xbf16>
    %get3A_9 = vector.shape_cast %get3A_8 : vector<1x10016x64xbf16> to vector<10016x64xbf16>
    %convert_element_type3A = arith.extf %get3A_9 : vector<10016x64xbf16> to vector<10016x64xf32>
    %get3A_10 = arith.constant 1 : index
    %get3A_11 = arith.constant 0 : index
    %get3A_12 = arith.constant 0 : index
    %get3A_13 = vector.load %arg0[%get3A_10, %get3A_11, %get3A_12] : memref<2x10016x64xbf16, #tpu.memory_space<vmem>>, vector<1x10016x64xbf16>
    %get3A_14 = vector.shape_cast %get3A_13 : vector<1x10016x64xbf16> to vector<10016x64xbf16>
    %convert_element_type3A_15 = arith.extf %get3A_14 : vector<10016x64xbf16> to vector<10016x64xf32>
    %add3A = arith.addf %convert_element_type3A, %convert_element_type3A_15 : vector<10016x64xf32>
    %slice3A = vector.extract_strided_slice %add3A {offsets = [0, 0], sizes = [10000, 64], strides = [1, 1]} : vector<10016x64xf32> to vector<10000x64xf32>
    %mul3A = vector.broadcast %get3A_4 : vector<10000x1xf32> to vector<10000x64xf32>
    %mul3A_16 = arith.mulf %slice3A, %mul3A : vector<10000x64xf32>
    %get3A_17 = arith.constant 0 : index
    %get3A_18 = arith.constant 0 : index
    %get3A_19 = vector.load %arg3[%get3A_17, %get3A_18] : memref<1x64xf32, #tpu.memory_space<vmem>>, vector<1x64xf32>
    %add3A_20 = vector.broadcast %get3A_19 : vector<1x64xf32> to vector<10000x64xf32>
    %add3A_21 = arith.addf %mul3A_16, %add3A_20 : vector<10000x64xf32>
    %max3A = arith.constant 0.000000e+00 : f32
    %max3A_22 = vector.broadcast %max3A : f32 to vector<10000x64xf32>
    %max3A_23 = arith.maximumf %add3A_21, %max3A_22 : vector<10000x64xf32>
    %get3A_24 = arith.constant 0 : index
    %get3A_25 = arith.constant 0 : index
    %get3A_26 = vector.load %arg2[%get3A_24, %get3A_25] : memref<64x64xf32, #tpu.memory_space<vmem>>, vector<64x64xf32>
    %dot_general3A = arith.constant dense<0.000000e+00> : vector<10000x64xf32>
    %dot_general3A_27 = tpu.matmul %max3A_23, %get3A_26, %dot_general3A {dimension_numbers = #tpu.dot_dimension_numbers<[1], [0], [0], [1], [0, 0, 1, 1], [], []>, transpose_lhs_hint = false} : vector<10000x64xf32>, vector<64x64xf32>, vector<10000x64xf32> -> vector<10000x64xf32>
    %mul3A_28 = vector.broadcast %get3A_1 : vector<10000x1xf32> to vector<10000x64xf32>
    %mul3A_29 = arith.mulf %dot_general3A_27, %mul3A_28 : vector<10000x64xf32>
    %convert_element_type3A_30 = arith.truncf %mul3A_29 : vector<10000x64xf32> to vector<10000x64xbf16>
    %broadcast_in_dim3A = arith.constant 0.000000e+00 : bf16
    %broadcast_in_dim3A_31 = vector.broadcast %broadcast_in_dim3A : bf16 to vector<16x64xbf16>
    %concatenate3A = tpu.concatenate %convert_element_type3A_30, %broadcast_in_dim3A_31 in 0 : vector<10000x64xbf16>, vector<16x64xbf16> -> vector<10016x64xbf16>
    %swap3A = arith.constant 0 : index
    %swap3A_32 = arith.constant 0 : index
    %swap3A_33 = vector.load %arg4[%swap3A, %swap3A_32] : memref<10016x64xbf16, #tpu.memory_space<vmem>>, vector<10016x64xbf16>
    tpu.vector_store %arg4[%swap3A, %swap3A_32], %concatenate3A {strides = array<i32>} : memref<10016x64xbf16, #tpu.memory_space<vmem>>, vector<10016x64xbf16>,
    return
  }
}

module attributes {stable_mosaic.version = 14 : i64} {
  func.func @body(%arg0: memref<2x10016x64xbf16, #tpu.memory_space<vmem>>, %arg1: memref<10000x128xf32, #tpu.memory_space<vmem>>, %arg2: memref<1x64xf32, #tpu.memory_space<vmem>>, %arg3: memref<10000x40xf32, #tpu.memory_space<vmem>>) attributes {dimension_semantics = [], scalar_prefetch = 0 : i64, scratch_operands = 0 : i64, tpu.core_type = #tpu.core_type<tc>} {
    %get3A = arith.constant 0 : index
    %get3A_0 = arith.constant 64 : index
    %get3A_1 = vector.load %arg1[%get3A, %get3A_0] : memref<10000x128xf32, #tpu.memory_space<vmem>>, vector<10000x1xf32>
    %get3A_2 = arith.constant 0 : index
    %get3A_3 = arith.constant 0 : index
    %get3A_4 = arith.constant 0 : index
    %get3A_5 = vector.load %arg0[%get3A_2, %get3A_3, %get3A_4] : memref<2x10016x64xbf16, #tpu.memory_space<vmem>>, vector<1x10016x64xbf16>
    %get3A_6 = vector.shape_cast %get3A_5 : vector<1x10016x64xbf16> to vector<10016x64xbf16>
    %convert_element_type3A = arith.extf %get3A_6 : vector<10016x64xbf16> to vector<10016x64xf32>
    %get3A_7 = arith.constant 1 : index
    %get3A_8 = arith.constant 0 : index
    %get3A_9 = arith.constant 0 : index
    %get3A_10 = vector.load %arg0[%get3A_7, %get3A_8, %get3A_9] : memref<2x10016x64xbf16, #tpu.memory_space<vmem>>, vector<1x10016x64xbf16>
    %get3A_11 = vector.shape_cast %get3A_10 : vector<1x10016x64xbf16> to vector<10016x64xbf16>
    %convert_element_type3A_12 = arith.extf %get3A_11 : vector<10016x64xbf16> to vector<10016x64xf32>
    %add3A = arith.addf %convert_element_type3A, %convert_element_type3A_12 : vector<10016x64xf32>
    %slice3A = vector.extract_strided_slice %add3A {offsets = [0, 0], sizes = [10000, 64], strides = [1, 1]} : vector<10016x64xf32> to vector<10000x64xf32>
    %mul3A = vector.broadcast %get3A_1 : vector<10000x1xf32> to vector<10000x64xf32>
    %mul3A_13 = arith.mulf %slice3A, %mul3A : vector<10000x64xf32>
    %get3A_14 = arith.constant 0 : index
    %get3A_15 = arith.constant 0 : index
    %get3A_16 = vector.load %arg2[%get3A_14, %get3A_15] : memref<1x64xf32, #tpu.memory_space<vmem>>, vector<1x64xf32>
    %add3A_17 = vector.broadcast %get3A_16 : vector<1x64xf32> to vector<10000x64xf32>
    %add3A_18 = arith.addf %mul3A_13, %add3A_17 : vector<10000x64xf32>
    %max3A = arith.constant 0.000000e+00 : f32
    %max3A_19 = vector.broadcast %max3A : f32 to vector<10000x64xf32>
    %max3A_20 = arith.maximumf %add3A_18, %max3A_19 : vector<10000x64xf32>
    %slice3A_21 = vector.extract_strided_slice %max3A_20 {offsets = [0, 0], sizes = [10000, 40], strides = [1, 1]} : vector<10000x64xf32> to vector<10000x40xf32>
    %swap3A = arith.constant 0 : index
    %swap3A_22 = arith.constant 0 : index
    %swap3A_23 = vector.load %arg3[%swap3A, %swap3A_22] : memref<10000x40xf32, #tpu.memory_space<vmem>>, vector<10000x40xf32>
    tpu.vector_store %arg3[%swap3A, %swap3A_22], %slice3A_21 {strides = array<i32>} : memref<10000x40xf32, #tpu.memory_space<vmem>>, vector<10000x40xf32>,
    return
  }
}

</mosaic_0001>

<sc_bundles>
// kernel: kernel.10.cloned.1.call-start
scs
__scs_entry_jumppad:
0x0: {  	(pc) =	sbr.rel $0x88, $3  }
0x1: {  	(tag) =	ssettag $0x0;
	lr =	simm.s32 $0x1  }
0x2: {  	[smem:$0x3F9B] =	sst lr;
	_ =	strace $0xD0000000  }
0x3: {  	_ = 	snop  }
0x4: {  	_ = 	snop  }
0x5: {  	_ = 	snop  }
0x6: {  	_ = 	snop  }
0x7: {  	_ = 	snop  }
__scs_overlays_trampoline_lowered:
0x8: {  	[smem:$0x3FAA] =	sst s0  }
0x9: {  	[smem:$0x3FAB] =	sst s1  }
0xa: {  	[smem:$0x3FAC] =	sst s2  }
0xb: {  	[smem:$0x3FAD] =	sst s3  }
0xc: {  	[smem:$0x3FAE] =	sst s4  }
0xd: {  	[smem:$0x3FAF] =	sst s5  }
0xe: {  	[smem:$0x3FB0] =	sst s6  }
0xf: {  	[smem:$0x3FB1] =	sst s7  }
0x10: {  	[smem:$0x3FB2] =	sst s8  }
0x11: {  	[smem:$0x3FB3] =	sst s9;
	s0 =	simm.s32 @!p0 $0x0  }
0x12: {  	s1 =	sld [smem:$0x3F99];
	s0 =	simm.s32 @p0 $0x1  }
0x13: {  	[smem:$0x3FB4] =	sst s0;
	s0 =	simm.s32 @!p1 $0x0  }
0x14: {  	s2 =	sld [smem:$0x3F98];
	s0 =	simm.s32 @p1 $0x1  }
0x15: {  	[smem:$0x3FB5] =	sst s0;
	s0 =	simm.s32 @!p2 $0x0  }
0x16: {  	s3 =	sld [smem:$0x3FDB];
	s0 =	simm.s32 @p2 $0x1  }
0x17: {  	s4 =	simm.s32 $0x1BF5;
	[smem:$0x3FB7] =	sst s0  }
0x18: {  	s0 =	sld [smem:$0x3F9A];
	_ =	swait.ge [sflag:s4], $0x0  }
0x19: {  	s7 =	sld [smem:$0x3F9B]  }
0x1a: {  	s8 =	sadd.s32 $0xFFFFE003, lr  }
0x1b: {  	s9 =	sadd.s32 $0xFFFFFEF7, lr;
	s5 =	simm.s32 $0xFFFFFFFF;
	p2 =	slt.u32 s8, $0xFFFFF086  }
0x1c: {  	p1 =	slt.u32 s9, $0xF7A;
	s5 =	simm.s32 @!p2 $0x0  }
0x1d: {  	s5 =	simm.s32 @p1 $0x1;
	p0 =	seq.s32 s7, s2  }
0x1e: {  	s7 =	smul.u32 @!p0 $0xF7A, s2;
	p2 =	seq.s32 @!p0 s5, $0x0  }
0x1f: {  	s9 =	smul.u32 $0xF7A, s1;
	s8 =	simm.s32 @!p0 $0x1BF5;
	p2 =	por !p2, p0  }
0x20: {  	[sflag:s8] =	ssyncset.s32 @!p0 $0xFFFFF086;
	s6 =	sadd.s32 @!p0 s3, s7;
	s7 =	simm.s32 @!p0 $0x108  }
0x21: {  	s3 =	sadd.s32 s3, s9;
	s6 =	sadd.s32 @!p0 $0x88, s6;
	s7 =	simm.s32 @p2 $0x1082  }
0x22: {  	[simem:s7], [sflag:s8] =	dma.local @!p0 [hbm:s6], $0xF7A  }
0x23: {  	s9 =	sor.u32 $0xD0000000, s2;
	s6 =	simm.s32 $0x108;
	_ =	swait.ge @!p0 [sflag:s8], $0x0  }
0x24: {  	s3 =	sadd.s32 $0x88, s3;
	s6 =	simm.s32 @!p1 $0x1082;
	[sflag:s4] =	ssyncset.s32 $0xFFFFF086  }
0x25: {  	[simem:s6], [sflag:s4] =	dma.local [hbm:s3], $0xF7A  }
0x26: {  	[smem:$0x3F9B] =	sst s1;
	(tag) =	ssettag s2;
	_ =	strace s9  }
0x27: {  	s1 =	sld [smem:$0x3FAB]  }
0x28: {  	s2 =	sld [smem:$0x3FAC]  }
0x29: {  	s4 =	sld [smem:$0x3FAE]  }
0x2a: {  	p0 =	seq.s32 s5, $0x0;
	s5 =	sld [smem:$0x3FAF]  }
0x2b: {  	s6 =	sld [smem:$0x3FB0]  }
0x2c: {  	s7 =	sld [smem:$0x3FB1]  }
0x2d: {  	s3 =	simm.s32 $0x108;
	s8 =	sld [smem:$0x3FB2]  }
0x2e: {  	s3 =	simm.s32 @!p0 $0x1082;
	s9 =	sld [smem:$0x3FB3]  }
0x2f: {  	lr =	sadd.s32 s0, s3;
	s0 =	sld [smem:$0x3FAA]  }
0x30: {  	s3 =	sld [smem:$0x3FAD]  }
0x31: {  	[smem:$0x3FB6] =	sst s10  }
0x32: {  	s10 =	sld [smem:$0x3FB4];
	_ =	sdelay $0x3  }
0x33: {  	p0 =	seq.s32 s10, $0x1;
	s10 =	sld [smem:$0x3FB6];
	_ =	sdelay $0x3  }
0x34: {  	[smem:$0x3FB6] =	sst s10  }
0x35: {  	s10 =	sld [smem:$0x3FB5];
	_ =	sdelay $0x3  }
0x36: {  	p1 =	seq.s32 s10, $0x1;
	s10 =	sld [smem:$0x3FB6];
	_ =	sdelay $0x3  }
0x37: {  	[smem:$0x3FB6] =	sst s10  }
0x38: {  	s10 =	sld [smem:$0x3FB7]  }
0x39: {  	_ = 	snop;
	(pc) =	sbr.ind lr, $3  }
0x3a: {  	_ = 	snop  }
0x3b: {  	_ = 	snop  }
0x3c: {  	p2 =	seq.s32 s10, $0x1;
	s10 =	sld [smem:$0x3FB6]  }
0x3d: {  	_ =	shalt  }
0x3e: {  	_ =	shalt  }
0x3f: {  	_ =	shalt  }
0x40: {  	_ =	shalt  }
0x41: {  	_ =	shalt  }
0x42: {  	_ =	shalt  }
0x43: {  	_ =	shalt  }
0x44: {  	_ =	shalt  }
0x45: {  	_ =	shalt  }
0x46: {  	_ =	shalt  }
0x47: {  	_ =	shalt  }
0x48: {  	_ =	shalt  }
0x49: {  	_ =	shalt  }
0x4a: {  	_ =	shalt  }
0x4b: {  	_ =	shalt  }
0x4c: {  	_ =	shalt  }
0x4d: {  	_ =	shalt  }
0x4e: {  	_ =	shalt  }
0x4f: {  	_ =	shalt  }
0x50: {  	_ =	shalt  }
0x51: {  	_ =	shalt  }
0x52: {  	_ =	shalt  }
0x53: {  	_ =	shalt  }
0x54: {  	_ =	shalt  }
0x55: {  	_ =	shalt  }
0x56: {  	_ =	shalt  }
0x57: {  	_ =	shalt  }
0x58: {  	_ =	shalt  }
0x59: {  	_ =	shalt  }
0x5a: {  	_ =	shalt  }
0x5b: {  	_ =	shalt  }
0x5c: {  	_ =	shalt  }
0x5d: {  	_ =	shalt  }
0x5e: {  	_ =	shalt  }
0x5f: {  	_ =	shalt  }
0x60: {  	_ =	shalt  }
0x61: {  	_ =	shalt  }
0x62: {  	_ =	shalt  }
0x63: {  	_ =	shalt  }
0x64: {  	_ =	shalt  }
0x65: {  	_ =	shalt  }
0x66: {  	_ =	shalt  }
0x67: {  	_ =	shalt  }
0x68: {  	_ =	shalt  }
0x69: {  	_ =	shalt  }
0x6a: {  	_ =	shalt  }
0x6b: {  	_ =	shalt  }
0x6c: {  	_ =	shalt  }
0x6d: {  	_ =	shalt  }
0x6e: {  	_ =	shalt  }
0x6f: {  	_ =	shalt  }
0x70: {  	_ =	shalt  }
0x71: {  	_ =	shalt  }
0x72: {  	_ =	shalt  }
0x73: {  	_ =	shalt  }
0x74: {  	_ =	shalt  }
0x75: {  	_ =	shalt  }
0x76: {  	_ =	shalt  }
0x77: {  	_ =	shalt  }
0x78: {  	_ =	shalt  }
0x79: {  	_ =	shalt  }
0x7a: {  	_ =	shalt  }
0x7b: {  	_ =	shalt  }
0x7c: {  	_ =	shalt  }
0x7d: {  	_ =	shalt  }
0x7e: {  	_ =	shalt  }
0x7f: {  	_ =	shalt  }
0x80: {  	_ =	shalt  }
0x81: {  	_ =	shalt  }
0x82: {  	_ =	shalt  }
0x83: {  	_ =	shalt  }
0x84: {  	_ =	shalt  }
0x85: {  	_ =	shalt  }
0x86: {  	_ =	shalt  }
0x87: {  	_ =	shalt  }
.Lfunc_end0:
.L_simem_size_0:
called_computation_lowered:
.L_overlay_start_0:
0x88: {  	s2 =	sld [smem:$0x3FD9]  }
0x89: {  	s3 =	sld [smem:$0x3FFE];
	_ =	sdelay $0x1  }
0x8a: {  	s1 =	srdreg.scid  }
0x8b: {  	s0 =	sand.u32 $0x1, s1  }
0x8c: {  	s17 =	sshll.u32 s0, $0xA;
	s2 =	sadd.s32 s3, s2  }
0x8d: {  	s2 =	sadd.s32 s2, s17  }
0x8e: {  	[smem:$0x3FC2] =	sst s2  }
0x8f: {  	_ = 	snop  }
0x90: {  	s2 =	sld [smem:$0x3FD0];
	(tm) =	ssettm $0x1  }
0x91: {  	s18 =	sld [smem:$0x3FFB];
	_ =	sdelay $0x3  }
0x92: {  	_ =	strace s18  }
0x93: {  	s3 =	sld [smem:$0x3FFC];
	_ =	sdelay $0x3  }
0x94: {  	_ =	strace s3  }
0x95: {  	s3 =	sld [smem:$0x3FFD];
	_ =	sdelay $0x3  }
0x96: {  	_ =	strace s3  }
0x97: {  	_ =	strace $0x8FFFFFFF  }
0x98: {  	s19 =	sld [smem:$0x3FDB];
	_ =	sdelay $0x1  }
0x99: {  	s4 =	simm.s32 $_scs_section_size  }
0x9a: {  	s5 =	simm.s32 $_size__tile_overlayer_lowered;
	s6 =	simm.s32 $_tile_overlayer_lowered  }
0x9b: {  	s22 =	simm.s32 $0x1BFF;
	s21 =	sshll.u32 s6, $0x1;
	s3 =	sadd.s32 s4, s19  }
0x9c: {  	s7 =	simm.s32 $0x0;
	s20 =	sshll.u32 s5, $0x1;
	s5 =	sadd.s32 s21, s3  }
0x9d: {  	[timem:s7], [sflag:s22] =	dma.local [hbm:s5], s20  }
0x9e: {  	_ =	swait.ge [sflag:s22], s20  }
0x9f: {  	s4 =	ssub.s32 $0x0, s20;
	[sflag:s22] =	ssyncset.done $0x0  }
0xa0: {  	[sflag:s22] =	ssyncadd.s32 s4;
	_ =	sdelay $0x1  }
0xa1: {  	s23 =	simm.s32 $0x1B8B  }
0xa2: {  	_ =	swait.ge [sflag:s23], $0x1  }
0xa3: {  	[sflag:s23] =	ssyncset.done $0x0  }
0xa4: {  	s25 =	simm.s32 $0x1B8E;
	s24 =	sld [smem:$0x3FFE];
	[sflag:s23] =	ssyncadd.s32 $0xFFFFFFFF  }
0xa5: {  	s26 =	simm.s32 $execute0_lowered;
	[smem:$0x3FD2] =	sst s25  }
0xa6: {  	s5 =	sshll.u32 s26, $0x1;
	_ =	strace $0x80000046;
	[dreg:$0x1] =	wrdreg $0xFFFFFFFF  }
0xa7: {  	s28 =	simm.s32 $_size_execute0_lowered;
	s3 =	sadd.s32 s3, s5;
	[dreg:$0x0] =	wrdreg $0x0  }
0xa8: {  	s5 =	sshll.u32 s28, $0x1;
	[dreg:$0x2] =	wrdreg s3  }
0xa9: {  	[dreg:$0x3] =	wrdreg s5  }
0xaa: {  	[dreg:$0x4] =	wrdreg $0xC0  }
0xab: {  	_ =	task [dreg:s7], $0x5FFFF  }
0xac: {  	[dreg:$0x1] =	wrdreg $0xFFFFFFFF  }
0xad: {  	[dreg:$0x0] =	wrdreg $0x60  }
0xae: {  	[dreg:$0x2] =	wrdreg s24  }
0xaf: {  	[dreg:$0x3] =	wrdreg s2  }
0xb0: {  	[dreg:$0x4] =	wrdreg $0x50000  }
0xb1: {  	[dreg:$0x5] =	wrdreg $0x52800  }
0xb2: {  	[dreg:$0x6] =	wrdreg $0x9  }
0xb3: {  	_ =	task.clear_ibuf [dreg:s7], $0x7FFFF;
	_ =	strace $0x90000046  }
0xb4: {  	s29 =	simm.s32 $0x9;
	_ =	strace $0x80000048  }
0xb5: {  	_ =	swait.ge [sflag:s29], $0x1  }
0xb6: {  	[sflag:s29] =	ssyncadd.s32 $0xFFFFFFFF  }
0xb7: {  	_ =	strace $0x90000048  }
0xb8: {  	_ =	sfence  }
0xb9: {  	s30 =	sld [smem:$0x0];
	_ =	sdelay $0x2  }
0xba: {  	s31 =	sshll.u32 s1, $0xD;
	s1 =	sshrl.u32 s1, $0x2  }
0xbb: {  	s3 =	sand.u32 $0x4000, s31;
	s1 =	sadd.s32 s1, s30  }
0xbc: {  	s0 =	sor.u32 s3, s0;
	s1 =	sshll.u32 s1, $0x11  }
0xbd: {  	s0 =	sor.u32 s1, s0  }
0xbe: {  	s0 =	sadd.s32 $0x8F2B, s0  }
0xbf: {  	[sflag:s0] =	ssyncadd.remote.s32 $0x1  }
0xc0: {  	_ =	sfence.sel $0xFFFF  }
0xc1: {  	[dreg:$0x0] =	wrdreg $0xFFFFFFFF;
	(pc) =	sbr.abs _section_cstart, $3  }
0xc2: {  	[dreg:$0x1] =	wrdreg $0xFFFFFFFF  }
0xc3: {  	_ =	task.clear_ibuf [dreg:s7], $0x2FFFF;
	_ =	strace $0x9FFFFFFF  }
0xc4: {  	(tm) =	ssettm $0x7FFFFFFF  }
0xc5: {  	_ =	shalt  }
tec
execute0_lowered:
.L_overlay_start_1:
0x0: {  	(tag) =	ssettag $0x1  }
0x1: {  	s16 =	rddreg [dreg:$0x0]  }
0x2: {  	s17 =	rddreg [dreg:$0x1]  }
0x3: {  	s1 =	srdreg.scid;
	s2 =	rddreg [dreg:$0x2]  }
0x4: {  	s0 =	stileid.u32;
	s3 =	rddreg [dreg:$0x3]  }
0x5: {  	s4 =	simm.s32 $0x0;
	s14 =	sand.u32 $0x1, s1;
	s1 =	rddreg [dreg:$0x4]  }
0x6: {  	s23 =	simm.s32 $0x1;
	s29 =	sshll.u32 s0, $0x1;
	[smem:$0x7FF] =	sst s4  }
0x7: {  	s18 =	smul.u32 $0x280, s0;
	s31 =	sadd.s32 $0xBA00, s16;
	s5 =	sor.u32 s14, s29  }
0x8: {  	s30 =	ssub.s32 $0x2, s14;
	_ =	strace $0x80000047;
	s22 =	smul.u32 $0xA00, s14  }
0x9: {  	s19 =	smul.u32 $0x4F0, s5;
	s6 =	sshrl.u32 s30, $0x1;
	s5 =	sadd.s32 s18, s2  }
0xa: {  	s8 =	sadd.s32 $0x80, s18;
	s10 =	sadd.s32 $0x100, s18;
	s12 =	sadd.s32 $0x180, s18  }
0xb: {  	s21 =	sadd.s32 $0x200, s18;
	s25 =	sshrl.u32 s18, $0x3;
	s20 =	ssub.s32 s30, s6  }
0xc: {  	s6 =	sadd.s32 s18, s3;
	s7 =	sadd.s32 s8, s2;
	s8 =	sadd.s32 s8, s3  }
0xd: {  	s9 =	sadd.s32 s10, s2;
	s10 =	sadd.s32 s10, s3;
	s11 =	sadd.s32 s12, s2  }
0xe: {  	s12 =	sadd.s32 s12, s3;
	s13 =	sadd.s32 s21, s2;
	s14 =	sadd.s32 s21, s3  }
0xf: {  	s24 =	sadd.s32 s17, s22;
	s17 =	simm.s32 $0x4F80;
	s18 =	simm.s32 $0x2  }
0x10: {  	s21 =	simm.s32 $0x80;
	s22 =	simm.s32 $0x4F00;
	s15 =	sadd.s32 s19, s16  }
0x11: {  	s16 =	smax.u32 s20, $0x1;
	s19 =	sadd.s32 s19, s31;
	s20 =	simm.s32 $0x2780  }
0x12: {  	v0 =	vimm.f32 $0.0e+00;
	v1 =	vimm.f32 $1.000000000e+00;
	s24 =	sadd.s32 s25, s24;
	s25 =	simm.s32 $0x0;
	s15 =	sadd.s32 $0x1C00, s15  }
.LBB2_1:
0x13: {  	[tilespmem:$0x4F80] =	vst v0  }
0x14: {  	[tilespmem:$0x4F90] =	vst v0  }
0x15: {  	[tilespmem:$0x4FA0] =	vst v0  }
0x16: {  	[tilespmem:$0x4FB0] =	vst v0  }
0x17: {  	[tilespmem:$0x4FC0] =	vst v0  }
0x18: {  	[tilespmem:$0x4FD0] =	vst v0  }
0x19: {  	[tilespmem:$0x4FE0] =	vst v0  }
0x1a: {  	[tilespmem:$0x4FF0] =	vst v0  }
0x1b: {  	[tilespmem:$0x4F00] =	vst v1  }
0x1c: {  	[tilespmem:$0x4F10] =	vst v1  }
0x1d: {  	[tilespmem:$0x4F20] =	vst v1  }
0x1e: {  	[tilespmem:$0x4F30] =	vst v1  }
0x1f: {  	[tilespmem:$0x4F40] =	vst v1  }
0x20: {  	[tilespmem:$0x4F50] =	vst v1  }
0x21: {  	[tilespmem:$0x4F60] =	vst v1  }
0x22: {  	[tilespmem:$0x4F70] =	vst v1  }
0x23: {  	[spmem:s5] =	stream.linear.scatter [tilespmem:s17], [sflag:$0x2], $0x80, $0x38;
	[tilespmem:$0x5500] =	vst v63  }
0x24: {  	_ =	swait.ge [sflag:s18], $0x80  }
0x25: {  	[sflag:s18] =	ssyncset.done $0x0  }
0x26: {  	[sflag:s18] =	ssyncadd.s32 $0xFFFFFF80  }
0x27: {  	[spmem:s6] =	stream.linear.scatter [tilespmem:s17], [sflag:$0x2], $0x80, $0x38;
	[tilespmem:$0x5500] =	vst v63  }
0x28: {  	_ =	swait.ge [sflag:s18], $0x80  }
0x29: {  	[sflag:s18] =	ssyncset.done $0x0  }
0x2a: {  	[sflag:s18] =	ssyncadd.s32 $0xFFFFFF80  }
0x2b: {  	[spmem:s7] =	stream.linear.scatter [tilespmem:s17], [sflag:$0x2], $0x80, $0x38;
	[tilespmem:$0x5500] =	vst v63  }
0x2c: {  	_ =	swait.ge [sflag:s18], $0x80  }
0x2d: {  	[sflag:s18] =	ssyncset.done $0x0  }
0x2e: {  	[sflag:s18] =	ssyncadd.s32 $0xFFFFFF80  }
0x2f: {  	[spmem:s8] =	stream.linear.scatter [tilespmem:s17], [sflag:$0x2], $0x80, $0x38;
	[tilespmem:$0x5500] =	vst v63  }
0x30: {  	_ =	swait.ge [sflag:s18], $0x80  }
0x31: {  	[sflag:s18] =	ssyncset.done $0x0  }
0x32: {  	[sflag:s18] =	ssyncadd.s32 $0xFFFFFF80  }
0x33: {  	[spmem:s9] =	stream.linear.scatter [tilespmem:s17], [sflag:$0x2], $0x80, $0x38;
	[tilespmem:$0x5500] =	vst v63  }
0x34: {  	_ =	swait.ge [sflag:s18], $0x80  }
0x35: {  	[sflag:s18] =	ssyncset.done $0x0  }
0x36: {  	[sflag:s18] =	ssyncadd.s32 $0xFFFFFF80  }
0x37: {  	[spmem:s10] =	stream.linear.scatter [tilespmem:s17], [sflag:$0x2], $0x80, $0x38;
	[tilespmem:$0x5500] =	vst v63  }
0x38: {  	_ =	swait.ge [sflag:s18], $0x80  }
0x39: {  	[sflag:s18] =	ssyncset.done $0x0  }
0x3a: {  	[sflag:s18] =	ssyncadd.s32 $0xFFFFFF80  }
0x3b: {  	[spmem:s11] =	stream.linear.scatter [tilespmem:s17], [sflag:$0x2], $0x80, $0x38;
	[tilespmem:$0x5500] =	vst v63  }
0x3c: {  	_ =	swait.ge [sflag:s18], $0x80  }
0x3d: {  	[sflag:s18] =	ssyncset.done $0x0  }
0x3e: {  	[sflag:s18] =	ssyncadd.s32 $0xFFFFFF80  }
0x3f: {  	[spmem:s12] =	stream.linear.scatter [tilespmem:s17], [sflag:$0x2], $0x80, $0x38;
	[tilespmem:$0x5500] =	vst v63  }
0x40: {  	_ =	swait.ge [sflag:s18], $0x80  }
0x41: {  	[sflag:s18] =	ssyncset.done $0x0  }
0x42: {  	[sflag:s18] =	ssyncadd.s32 $0xFFFFFF80  }
0x43: {  	[spmem:s13] =	stream.linear.scatter [tilespmem:s17], [sflag:$0x2], $0x80, $0x38;
	[tilespmem:$0x5500] =	vst v63  }
0x44: {  	_ =	swait.ge [sflag:s18], $0x80  }
0x45: {  	[sflag:s18] =	ssyncset.done $0x0  }
0x46: {  	[sflag:s18] =	ssyncadd.s32 $0xFFFFFF80  }
0x47: {  	[spmem:s14] =	stream.linear.scatter [tilespmem:s17], [sflag:$0x2], $0x80, $0x38;
	[tilespmem:$0x5500] =	vst v63  }
0x48: {  	_ =	swait.ge [sflag:s18], $0x80  }
0x49: {  	[sflag:s18] =	ssyncset.done $0x0  }
0x4a: {  	[sflag:s18] =	ssyncadd.s32 $0xFFFFFF80  }
0x4b: {  	[tilespmem:s4], [sflag:$0x2] =	stream.linear.gather [hbm4b:s15+s4], $0x2780, $0x38;
	[tilespmem:$0x5500] =	vst v63  }
0x4c: {  	_ =	swait.ge [sflag:s18], $0x2780  }
0x4d: {  	[sflag:s18] =	ssyncset.done $0x0  }
0x4e: {  	[sflag:s18] =	ssyncadd.s32 $0xFFFFD880  }
0x4f: {  	[tilespmem:s20], [sflag:$0x2] =	stream.linear.gather [hbm4b:s19+s4], $0x2780, $0x38;
	[tilespmem:$0x5500] =	vst v63  }
0x50: {  	_ =	swait.ge [sflag:s18], $0x2780  }
0x51: {  	[sflag:s18] =	ssyncset.done $0x0  }
0x52: {  	[sflag:s18] =	ssyncadd.s32 $0xFFFFD880  }
0x53: {  	s26 =	simm.s32 $0x0;
	s28 =	simm.s32 $0x0;
	[bflag:$0x0] =	sbarrier.arrive $0xFFFF  }
.LBB2_2:
0x54: {  	[spmem:s2] =	stream.indirect.scatter.add.f32 [tilespmem:s22], [sflag:$0x1], $0x1, s26, s21, $0xb8;
	[tilespmem:$0x5500] =	vst v63  }
0x55: {  	p0 =	slt.u32 s28, $0x8;
	s28 =	sadd.s32 $0x1, s28  }
0x56: {  	p1 =	sne.s32 s28, $0x4F  }
.Ltmp0:
0x57: {  	_ = 	snop;
	(pc) =	sbr.rel @p1 .LBB2_2-.Ltmp0, $4  }
0x58: {  	s29 =	simm.s32 @!p0 $0x1  }
0x59: {  	_ =	swait.ge @!p0 [sflag:s29], $0x80  }
0x5a: {  	[sflag:s29] =	ssyncset.done @!p0 $0x0  }
0x5b: {  	s26 =	sadd.s32 $0x80, s26;
	[sflag:s29] =	ssyncadd.s32 @!p0 $0xFFFFFF80  }
0x5c: {  	s26 =	simm.s32 $0x2780  }
0x5d: {  	[spmem:s3] =	stream.indirect.scatter.add.f32 [tilespmem:s22], [sflag:$0x1], $0x1, s26, s21, $0xb8;
	[tilespmem:$0x5500] =	vst v63  }
0x5e: {  	s26 =	simm.s32 $0x200;
	_ =	swait.ge [sflag:s23], $0x80  }
.LBB2_4:
0x5f: {  	s28 =	sshra.s32 s26, $0x2;
	[sflag:s23] =	ssyncset.done $0x0;
	p0 =	sne.s32 s26, $0x9C00  }
.Ltmp1:
0x60: {  	s28 =	sadd.s32 $0x2780, s28;
	[sflag:s23] =	ssyncadd.s32 $0xFFFFFF80;
	(pc) =	sbr.rel @p0 .LBB2_4-.Ltmp1, $3  }
0x61: {  	[spmem:s3] =	stream.indirect.scatter.add.f32 [tilespmem:s22], [sflag:$0x1], $0x1, s28, s21, $0xb8;
	[tilespmem:$0x5500] =	vst v63  }
0x62: {  	s26 =	sadd.s32 $0x200, s26;
	_ =	sdelay $0x1  }
0x63: {  	_ =	swait.ge [sflag:s23], $0x80  }
0x64: {  	[sflag:s23] =	ssyncset.done $0x0  }
0x65: {  	[sflag:s23] =	ssyncadd.s32 $0xFFFFFF80  }
0x66: {  	_ =	swait.ge [sflag:s23], $0x80  }
0x67: {  	[sflag:s23] =	ssyncset.done $0x0  }
0x68: {  	[sflag:s23] =	ssyncadd.s32 $0xFFFFFF80  }
0x69: {  	_ =	swait.ge [sflag:s23], $0x80  }
0x6a: {  	[sflag:s23] =	ssyncset.done $0x0  }
0x6b: {  	[sflag:s23] =	ssyncadd.s32 $0xFFFFFF80  }
0x6c: {  	_ =	swait.ge [sflag:s23], $0x80  }
0x6d: {  	[sflag:s23] =	ssyncset.done $0x0  }
0x6e: {  	[sflag:s23] =	ssyncadd.s32 $0xFFFFFF80  }
0x6f: {  	_ =	swait.ge [sflag:s23], $0x80  }
0x70: {  	[sflag:s23] =	ssyncset.done $0x0  }
0x71: {  	[sflag:s23] =	ssyncadd.s32 $0xFFFFFF80  }
0x72: {  	_ =	swait.ge [sflag:s23], $0x80  }
0x73: {  	[sflag:s23] =	ssyncset.done $0x0  }
0x74: {  	[sflag:s23] =	ssyncadd.s32 $0xFFFFFF80  }
0x75: {  	_ =	swait.ge [sflag:s23], $0x80  }
0x76: {  	[sflag:s23] =	ssyncset.done $0x0  }
0x77: {  	[sflag:s23] =	ssyncadd.s32 $0xFFFFFF80  }
0x78: {  	_ =	swait.ge [sflag:s23], $0x80  }
0x79: {  	[sflag:s23] =	ssyncset.done $0x0  }
0x7a: {  	[sflag:s23] =	ssyncadd.s32 $0xFFFFFF80  }
0x7b: {  	_ =	swait.ge [sflag:s23], $0x80  }
0x7c: {  	[sflag:s23] =	ssyncset.done $0x0  }
0x7d: {  	s26 =	sshll.u32 s0, $0x6;
	[sflag:s23] =	ssyncadd.s32 $0xFFFFFF80  }
0x7e: {  	s28 =	sshrl.u32 s5, $0x3;
	s26 =	sor.u32 $0x1C02, s26;
	[bflag:$0x0] =	sbarrier.arrive $0xFFFF  }
0x7f: {  	[hbm:s24], [sflag:s26] =	dma.local [spmem:s28], $0x50  }
0x80: {  	s25 =	sadd.s32 $0x1, s25;
	_ =	swait.ge [sflag:s18], $0x50  }
0x81: {  	s31 =	sadd.s32 $0x500, s24;
	p0 =	sne.s32 s25, s16;
	[sflag:s18] =	ssyncset.done $0x0  }
.Ltmp2:
0x82: {  	s29 =	sshrl.u32 s6, $0x3;
	[sflag:s18] =	ssyncadd.s32 $0xFFFFFFB0;
	(pc) =	sbr.rel @p0 .LBB2_1-.Ltmp2, $4  }
0x83: {  	[hbm:s31], [sflag:s26] =	dma.local [spmem:s29], $0x50  }
0x84: {  	_ =	swait.ge [sflag:s18], $0x50  }
0x85: {  	[sflag:s18] =	ssyncset.done $0x0  }
0x86: {  	[sflag:s18] =	ssyncadd.s32 $0xFFFFFFB0  }
0x87: {  	_ =	sfence.sel $0x180000  }
0x88: {  	[bflag:$0x0] =	sbarrier.arrive $0xFFFF  }
0x89: {  	p0 =	sne.s32 s0, $0x0;
	_ =	strace $0x90000047  }
0x8a: {  	s0 =	sadd.s32 @!p0 $0x100000, s1;
	[bflag:$0x2] =	sbarrier.arrive $0xFFFF  }
0x8b: {  	[sflag:s0] =	ssyncadd.tile.s32 @!p0 $0x1;
	_ =	shalt  }
.Lfunc_end2:
_tile_overlayer_lowered:
.L_overlay_start_2:
0x8c: {  	(tag) =	ssettag $0x2  }
0x8d: {  	s0 =	rddreg [dreg:$0x0];
	s2 =	stileid.u32  }
0x8e: {  	s1 =	rddreg [dreg:$0x1];
	p0 =	sne.s32 s2, $0x0  }
0x8f: {  	s3 =	rddreg [dreg:$0x2];
	[bflag:$0x3] =	sbarrier.arrive $0xFFFF;
	s2 =	simm.s32 @!p0 $0x1C02  }
0x90: {  	[timem:s3], [sflag:s2] =	dma.local @!p0 [hbm:s0], s1  }
0x91: {  	s0 =	simm.s32 @!p0 $0x2  }
0x92: {  	_ =	swait.ge @!p0 [sflag:s0], s1  }
0x93: {  	s1 =	ssub.s32 @!p0 $0x0, s1;
	[sflag:s0] =	ssyncset.done @!p0 $0x0  }
0x94: {  	[sflag:s0] =	ssyncadd.s32 @!p0 s1  }
0x95: {  	[bflag:$0x3] =	sbarrier.arrive $0xFFFF  }
0x96: {  	_ =	shalt  }

// kernel: kernel.13.cloned.1.call-start
scs
__scs_entry_jumppad:
0x0: {  	(pc) =	sbr.rel $0x88, $3  }
0x1: {  	(tag) =	ssettag $0x0;
	lr =	simm.s32 $0x1  }
0x2: {  	[smem:$0x3F9B] =	sst lr;
	_ =	strace $0xD0000000  }
0x3: {  	_ = 	snop  }
0x4: {  	_ = 	snop  }
0x5: {  	_ = 	snop  }
0x6: {  	_ = 	snop  }
0x7: {  	_ = 	snop  }
__scs_overlays_trampoline_lowered:
0x8: {  	[smem:$0x3FAA] =	sst s0  }
0x9: {  	[smem:$0x3FAB] =	sst s1  }
0xa: {  	[smem:$0x3FAC] =	sst s2  }
0xb: {  	[smem:$0x3FAD] =	sst s3  }
0xc: {  	[smem:$0x3FAE] =	sst s4  }
0xd: {  	[smem:$0x3FAF] =	sst s5  }
0xe: {  	[smem:$0x3FB0] =	sst s6  }
0xf: {  	[smem:$0x3FB1] =	sst s7  }
0x10: {  	[smem:$0x3FB2] =	sst s8  }
0x11: {  	[smem:$0x3FB3] =	sst s9;
	s0 =	simm.s32 @!p0 $0x0  }
0x12: {  	s1 =	sld [smem:$0x3F99];
	s0 =	simm.s32 @p0 $0x1  }
0x13: {  	[smem:$0x3FB4] =	sst s0;
	s0 =	simm.s32 @!p1 $0x0  }
0x14: {  	s2 =	sld [smem:$0x3F98];
	s0 =	simm.s32 @p1 $0x1  }
0x15: {  	[smem:$0x3FB5] =	sst s0;
	s0 =	simm.s32 @!p2 $0x0  }
0x16: {  	s3 =	sld [smem:$0x3FDB];
	s0 =	simm.s32 @p2 $0x1  }
0x17: {  	s4 =	simm.s32 $0x1BF5;
	[smem:$0x3FB7] =	sst s0  }
0x18: {  	s0 =	sld [smem:$0x3F9A];
	_ =	swait.ge [sflag:s4], $0x0  }
0x19: {  	s7 =	sld [smem:$0x3F9B]  }
0x1a: {  	s8 =	sadd.s32 $0xFFFFE003, lr  }
0x1b: {  	s9 =	sadd.s32 $0xFFFFFEF7, lr;
	s5 =	simm.s32 $0xFFFFFFFF;
	p2 =	slt.u32 s8, $0xFFFFF086  }
0x1c: {  	p1 =	slt.u32 s9, $0xF7A;
	s5 =	simm.s32 @!p2 $0x0  }
0x1d: {  	s5 =	simm.s32 @p1 $0x1;
	p0 =	seq.s32 s7, s2  }
0x1e: {  	s7 =	smul.u32 @!p0 $0xF7A, s2;
	p2 =	seq.s32 @!p0 s5, $0x0  }
0x1f: {  	s9 =	smul.u32 $0xF7A, s1;
	s8 =	simm.s32 @!p0 $0x1BF5;
	p2 =	por !p2, p0  }
0x20: {  	[sflag:s8] =	ssyncset.s32 @!p0 $0xFFFFF086;
	s6 =	sadd.s32 @!p0 s3, s7;
	s7 =	simm.s32 @!p0 $0x108  }
0x21: {  	s3 =	sadd.s32 s3, s9;
	s6 =	sadd.s32 @!p0 $0x88, s6;
	s7 =	simm.s32 @p2 $0x1082  }
0x22: {  	[simem:s7], [sflag:s8] =	dma.local @!p0 [hbm:s6], $0xF7A  }
0x23: {  	s9 =	sor.u32 $0xD0000000, s2;
	s6 =	simm.s32 $0x108;
	_ =	swait.ge @!p0 [sflag:s8], $0x0  }
0x24: {  	s3 =	sadd.s32 $0x88, s3;
	s6 =	simm.s32 @!p1 $0x1082;
	[sflag:s4] =	ssyncset.s32 $0xFFFFF086  }
0x25: {  	[simem:s6], [sflag:s4] =	dma.local [hbm:s3], $0xF7A  }
0x26: {  	[smem:$0x3F9B] =	sst s1;
	(tag) =	ssettag s2;
	_ =	strace s9  }
0x27: {  	s1 =	sld [smem:$0x3FAB]  }
0x28: {  	s2 =	sld [smem:$0x3FAC]  }
0x29: {  	s4 =	sld [smem:$0x3FAE]  }
0x2a: {  	p0 =	seq.s32 s5, $0x0;
	s5 =	sld [smem:$0x3FAF]  }
0x2b: {  	s6 =	sld [smem:$0x3FB0]  }
0x2c: {  	s7 =	sld [smem:$0x3FB1]  }
0x2d: {  	s3 =	simm.s32 $0x108;
	s8 =	sld [smem:$0x3FB2]  }
0x2e: {  	s3 =	simm.s32 @!p0 $0x1082;
	s9 =	sld [smem:$0x3FB3]  }
0x2f: {  	lr =	sadd.s32 s0, s3;
	s0 =	sld [smem:$0x3FAA]  }
0x30: {  	s3 =	sld [smem:$0x3FAD]  }
0x31: {  	[smem:$0x3FB6] =	sst s10  }
0x32: {  	s10 =	sld [smem:$0x3FB4];
	_ =	sdelay $0x3  }
0x33: {  	p0 =	seq.s32 s10, $0x1;
	s10 =	sld [smem:$0x3FB6];
	_ =	sdelay $0x3  }
0x34: {  	[smem:$0x3FB6] =	sst s10  }
0x35: {  	s10 =	sld [smem:$0x3FB5];
	_ =	sdelay $0x3  }
0x36: {  	p1 =	seq.s32 s10, $0x1;
	s10 =	sld [smem:$0x3FB6];
	_ =	sdelay $0x3  }
0x37: {  	[smem:$0x3FB6] =	sst s10  }
0x38: {  	s10 =	sld [smem:$0x3FB7]  }
0x39: {  	_ = 	snop;
	(pc) =	sbr.ind lr, $3  }
0x3a: {  	_ = 	snop  }
0x3b: {  	_ = 	snop  }
0x3c: {  	p2 =	seq.s32 s10, $0x1;
	s10 =	sld [smem:$0x3FB6]  }
0x3d: {  	_ =	shalt  }
0x3e: {  	_ =	shalt  }
0x3f: {  	_ =	shalt  }
0x40: {  	_ =	shalt  }
0x41: {  	_ =	shalt  }
0x42: {  	_ =	shalt  }
0x43: {  	_ =	shalt  }
0x44: {  	_ =	shalt  }
0x45: {  	_ =	shalt  }
0x46: {  	_ =	shalt  }
0x47: {  	_ =	shalt  }
0x48: {  	_ =	shalt  }
0x49: {  	_ =	shalt  }
0x4a: {  	_ =	shalt  }
0x4b: {  	_ =	shalt  }
0x4c: {  	_ =	shalt  }
0x4d: {  	_ =	shalt  }
0x4e: {  	_ =	shalt  }
0x4f: {  	_ =	shalt  }
0x50: {  	_ =	shalt  }
0x51: {  	_ =	shalt  }
0x52: {  	_ =	shalt  }
0x53: {  	_ =	shalt  }
0x54: {  	_ =	shalt  }
0x55: {  	_ =	shalt  }
0x56: {  	_ =	shalt  }
0x57: {  	_ =	shalt  }
0x58: {  	_ =	shalt  }
0x59: {  	_ =	shalt  }
0x5a: {  	_ =	shalt  }
0x5b: {  	_ =	shalt  }
0x5c: {  	_ =	shalt  }
0x5d: {  	_ =	shalt  }
0x5e: {  	_ =	shalt  }
0x5f: {  	_ =	shalt  }
0x60: {  	_ =	shalt  }
0x61: {  	_ =	shalt  }
0x62: {  	_ =	shalt  }
0x63: {  	_ =	shalt  }
0x64: {  	_ =	shalt  }
0x65: {  	_ =	shalt  }
0x66: {  	_ =	shalt  }
0x67: {  	_ =	shalt  }
0x68: {  	_ =	shalt  }
0x69: {  	_ =	shalt  }
0x6a: {  	_ =	shalt  }
0x6b: {  	_ =	shalt  }
0x6c: {  	_ =	shalt  }
0x6d: {  	_ =	shalt  }
0x6e: {  	_ =	shalt  }
0x6f: {  	_ =	shalt  }
0x70: {  	_ =	shalt  }
0x71: {  	_ =	shalt  }
0x72: {  	_ =	shalt  }
0x73: {  	_ =	shalt  }
0x74: {  	_ =	shalt  }
0x75: {  	_ =	shalt  }
0x76: {  	_ =	shalt  }
0x77: {  	_ =	shalt  }
0x78: {  	_ =	shalt  }
0x79: {  	_ =	shalt  }
0x7a: {  	_ =	shalt  }
0x7b: {  	_ =	shalt  }
0x7c: {  	_ =	shalt  }
0x7d: {  	_ =	shalt  }
0x7e: {  	_ =	shalt  }
0x7f: {  	_ =	shalt  }
0x80: {  	_ =	shalt  }
0x81: {  	_ =	shalt  }
0x82: {  	_ =	shalt  }
0x83: {  	_ =	shalt  }
0x84: {  	_ =	shalt  }
0x85: {  	_ =	shalt  }
0x86: {  	_ =	shalt  }
0x87: {  	_ =	shalt  }
.Lfunc_end0:
.L_simem_size_0:
called_computation.1_lowered:
.L_overlay_start_0:
0x88: {  	s2 =	sld [smem:$0x3FD9]  }
0x89: {  	s3 =	sld [smem:$0x3FFE];
	_ =	sdelay $0x1  }
0x8a: {  	s1 =	srdreg.scid  }
0x8b: {  	s0 =	sand.u32 $0x1, s1  }
0x8c: {  	s17 =	sshll.u32 s0, $0xA;
	s2 =	sadd.s32 s3, s2  }
0x8d: {  	s2 =	sadd.s32 s2, s17  }
0x8e: {  	[smem:$0x3FC2] =	sst s2  }
0x8f: {  	_ = 	snop  }
0x90: {  	s2 =	sld [smem:$0x3FD0];
	(tm) =	ssettm $0x1  }
0x91: {  	s18 =	sld [smem:$0x3FFB];
	_ =	sdelay $0x3  }
0x92: {  	_ =	strace s18  }
0x93: {  	s3 =	sld [smem:$0x3FFC];
	_ =	sdelay $0x3  }
0x94: {  	_ =	strace s3  }
0x95: {  	s3 =	sld [smem:$0x3FFD];
	_ =	sdelay $0x3  }
0x96: {  	_ =	strace s3  }
0x97: {  	_ =	strace $0x8FFFFFFF  }
0x98: {  	s19 =	sld [smem:$0x3FDB];
	_ =	sdelay $0x1  }
0x99: {  	s4 =	simm.s32 $_scs_section_size  }
0x9a: {  	s5 =	simm.s32 $_size__tile_overlayer_lowered;
	s6 =	simm.s32 $_tile_overlayer_lowered  }
0x9b: {  	s22 =	simm.s32 $0x1BFF;
	s21 =	sshll.u32 s6, $0x1;
	s3 =	sadd.s32 s4, s19  }
0x9c: {  	s7 =	simm.s32 $0x0;
	s20 =	sshll.u32 s5, $0x1;
	s5 =	sadd.s32 s21, s3  }
0x9d: {  	[timem:s7], [sflag:s22] =	dma.local [hbm:s5], s20  }
0x9e: {  	_ =	swait.ge [sflag:s22], s20  }
0x9f: {  	s4 =	ssub.s32 $0x0, s20;
	[sflag:s22] =	ssyncset.done $0x0  }
0xa0: {  	[sflag:s22] =	ssyncadd.s32 s4;
	_ =	sdelay $0x1  }
0xa1: {  	s23 =	simm.s32 $0x1B8B  }
0xa2: {  	_ =	swait.ge [sflag:s23], $0x1  }
0xa3: {  	[sflag:s23] =	ssyncset.done $0x0  }
0xa4: {  	s25 =	simm.s32 $0x1B8E;
	s24 =	sld [smem:$0x3FFE];
	[sflag:s23] =	ssyncadd.s32 $0xFFFFFFFF  }
0xa5: {  	s26 =	simm.s32 $execute0_lowered;
	[smem:$0x3FD2] =	sst s25  }
0xa6: {  	s5 =	sshll.u32 s26, $0x1;
	_ =	strace $0x80000049;
	[dreg:$0x1] =	wrdreg $0xFFFFFFFF  }
0xa7: {  	s28 =	simm.s32 $_size_execute0_lowered;
	s3 =	sadd.s32 s3, s5;
	[dreg:$0x0] =	wrdreg $0x0  }
0xa8: {  	s5 =	sshll.u32 s28, $0x1;
	[dreg:$0x2] =	wrdreg s3  }
0xa9: {  	[dreg:$0x3] =	wrdreg s5  }
0xaa: {  	[dreg:$0x4] =	wrdreg $0xC0  }
0xab: {  	_ =	task [dreg:s7], $0x5FFFF  }
0xac: {  	[dreg:$0x1] =	wrdreg $0xFFFFFFFF  }
0xad: {  	[dreg:$0x0] =	wrdreg $0x60  }
0xae: {  	[dreg:$0x2] =	wrdreg s2  }
0xaf: {  	[dreg:$0x3] =	wrdreg s24  }
0xb0: {  	[dreg:$0x4] =	wrdreg $0x10F000  }
0xb1: {  	[dreg:$0x5] =	wrdreg $0x9  }
0xb2: {  	_ =	task.clear_ibuf [dreg:s7], $0x6FFFF;
	_ =	strace $0x90000049  }
0xb3: {  	s29 =	simm.s32 $0x9;
	_ =	strace $0x8000004B  }
0xb4: {  	_ =	swait.ge [sflag:s29], $0x1  }
0xb5: {  	[sflag:s29] =	ssyncadd.s32 $0xFFFFFFFF  }
0xb6: {  	_ =	strace $0x9000004B  }
0xb7: {  	_ =	sfence  }
0xb8: {  	s30 =	sld [smem:$0x0];
	_ =	sdelay $0x2  }
0xb9: {  	s31 =	sshll.u32 s1, $0xD;
	s1 =	sshrl.u32 s1, $0x2  }
0xba: {  	s3 =	sand.u32 $0x4000, s31;
	s1 =	sadd.s32 s1, s30  }
0xbb: {  	s0 =	sor.u32 s3, s0;
	s1 =	sshll.u32 s1, $0x11  }
0xbc: {  	s0 =	sor.u32 s1, s0  }
0xbd: {  	s0 =	sadd.s32 $0x8F2B, s0  }
0xbe: {  	[sflag:s0] =	ssyncadd.remote.s32 $0x1  }
0xbf: {  	_ =	sfence.sel $0xFFFF  }
0xc0: {  	[dreg:$0x0] =	wrdreg $0xFFFFFFFF;
	(pc) =	sbr.abs _section_cstart, $3  }
0xc1: {  	[dreg:$0x1] =	wrdreg $0xFFFFFFFF  }
0xc2: {  	_ =	task.clear_ibuf [dreg:s7], $0x2FFFF;
	_ =	strace $0x9FFFFFFF  }
0xc3: {  	(tm) =	ssettm $0x7FFFFFFF  }
tec
execute0_lowered:
.L_overlay_start_1:
0x0: {  	(tag) =	ssettag $0x1  }
0x1: {  	s0 =	srdreg.scid;
	s1 =	rddreg [dreg:$0x0]  }
0x2: {  	s4 =	stileid.u32;
	s5 =	rddreg [dreg:$0x1]  }
0x3: {  	s3 =	rddreg [dreg:$0x2];
	s8 =	simm.s32 $0x0;
	s7 =	simm.s32 $0x0  }
0x4: {  	s16 =	simm.s32 $0x80;
	s29 =	simm.s32 $0x8F00;
	s31 =	simm.s32 $0x9F00  }
0x5: {  	s28 =	simm.s32 $0xCF00;
	s30 =	simm.s32 $0x4;
	s0 =	sand.u32 $0x1, s0  }
0x6: {  	s2 =	sshll.u32 s4, $0x1;
	[dreg:$0x4] =	wrdreg s7;
	s17 =	smul.u32 $0x9C80, s4  }
0x7: {  	[smem:$0x7FF] =	sst s8;
	s2 =	sor.u32 s0, s2;
	s6 =	smul.u32 $0x9C80, s0  }
0x8: {  	_ =	strace $0x8000004A;
	s0 =	ssub.s32 $0x2, s0;
	s2 =	smul.u32 $0x4F0, s2  }
0x9: {  	s9 =	sadd.s32 $0x2000, s17;
	s10 =	sshrl.u32 s0, $0x1;
	s11 =	sshrl.u32 s17, $0x1  }
0xa: {  	s21 =	sadd.s32 $0x4000, s17;
	s22 =	sadd.s32 $0x6000, s17;
	s23 =	sadd.s32 $0x8000, s17  }
0xb: {  	s7 =	sshrl.u32 s17, $0x4;
	s17 =	simm.s32 $0x5F00;
	s6 =	sadd.s32 s6, s5  }
0xc: {  	s12 =	sshrl.u32 s9, $0x1;
	s0 =	ssub.s32 s0, s10;
	s19 =	sadd.s32 s11, s3  }
0xd: {  	s13 =	sshrl.u32 s21, $0x1;
	s14 =	sshrl.u32 s22, $0x1;
	s15 =	sshrl.u32 s23, $0x1  }
0xe: {  	s10 =	simm.s32 $0xDF00;
	s11 =	simm.s32 $0x5;
	s18 =	sadd.s32 s2, s5  }
0xf: {  	[dreg:$0x5] =	wrdreg s19;
	s20 =	sadd.s32 s12, s3;
	s24 =	sadd.s32 s13, s3  }
0x10: {  	s25 =	sadd.s32 s14, s3;
	s26 =	sadd.s32 s15, s3;
	s5 =	sadd.s32 $0xBA00, s5  }
0x11: {  	s6 =	sadd.s32 $0x15800, s6;
	s14 =	sshrl.u32 s9, $0x4;
	[dreg:$0x6] =	wrdreg s20  }
0x12: {  	s15 =	sshrl.u32 s21, $0x4;
	s0 =	smax.u32 s0, $0x1;
	[dreg:$0x7] =	wrdreg s24  }
0x13: {  	s12 =	simm.s32 $0x4F00;
	s19 =	simm.s32 $0x6F00;
	[dreg:$0x8] =	wrdreg s25  }
0x14: {  	[dreg:$0x9] =	wrdreg s26;
	s13 =	sadd.s32 $0x1C00, s18;
	s18 =	sshrl.u32 s22, $0x4  }
0x15: {  	s20 =	sshrl.u32 s23, $0x4;
	[dreg:$0xb] =	wrdreg s0;
	s21 =	sadd.s32 s2, s5  }
0x16: {  	s22 =	sadd.s32 s7, s6;
	s23 =	sadd.s32 s14, s6;
	[dreg:$0xa] =	wrdreg s13  }
0x17: {  	s24 =	sadd.s32 s15, s6;
	s2 =	simm.s32 $0x1;
	[dreg:$0xc] =	wrdreg s21  }
0x18: {  	s15 =	simm.s32 $0xAF00;
	s0 =	simm.s32 $0xBF00;
	[dreg:$0xd] =	wrdreg s22  }
0x19: {  	s14 =	simm.s32 $0xEF00;
	s5 =	simm.s32 $0xA;
	[dreg:$0xe] =	wrdreg s23  }
0x1a: {  	s7 =	simm.s32 $0xC;
	[dreg:$0xf] =	wrdreg s24;
	s25 =	sadd.s32 s18, s6  }
0x1b: {  	s26 =	sadd.s32 s20, s6;
	s18 =	simm.s32 $0x2;
	s20 =	simm.s32 $0x6  }
0x1c: {  	s21 =	simm.s32 $0xFF00;
	s22 =	simm.s32 $0x7;
	s23 =	simm.s32 $0x8  }
0x1d: {  	s24 =	simm.s32 $0x9;
	s6 =	simm.s32 $0xB;
	[dreg:$0x10] =	wrdreg s25  }
0x1e: {  	v0 =	vimm.bf16 $0.0e+00;
	[dreg:$0x11] =	wrdreg s26;
	s26 =	simm.s32 $0x7F00;
	s25 =	simm.s32 $0x3  }
.LBB2_1:
0x1f: {  	s8 =	simm.s32 $0x80;
	s9 =	simm.s32 $0x0  }
.LBB2_2:
0x20: {  	p0 =	sne.s32 s8, $0x3F80;
	[tilespmem:s9+$0x4F00] =	vst v0;
	s4 =	smov.u32 s8;
	s8 =	sadd.s32 $0x80, s8  }
.Ltmp0:
0x21: {  	[tilespmem:s9+$0x4F10] =	vst v0;
	(pc) =	sbr.rel @p0 .LBB2_2-.Ltmp0, $2  }
0x22: {  	_ =	sdelay $0x2  }
0x23: {  	s9 =	sshra.s32 s4, $0x2  }
0x24: {  	[tilespmem:s9+$0x4F00] =	vst v0  }
0x25: {  	[tilespmem:s9+$0x4F10] =	vst v0;
	s4 =	rddreg [dreg:$0x5];
	s9 =	simm.s32 $0xD  }
0x26: {  	[spmem:s4] =	stream.linear.scatter [tilespmem:s12], [sflag:$0xD], $0x1000, $0x38;
	[tilespmem:$0x15D40] =	vst v63  }
0x27: {  	_ =	swait.ge [sflag:s9], $0x1000  }
0x28: {  	[sflag:s9] =	ssyncset.done $0x0  }
0x29: {  	s8 =	rddreg [dreg:$0x6];
	[sflag:s9] =	ssyncadd.s32 $0xFFFFF000  }
0x2a: {  	[spmem:s8] =	stream.linear.scatter [tilespmem:s12], [sflag:$0xD], $0x1000, $0x38;
	[tilespmem:$0x15D40] =	vst v63  }
0x2b: {  	_ =	swait.ge [sflag:s9], $0x1000  }
0x2c: {  	[sflag:s9] =	ssyncset.done $0x0  }
0x2d: {  	s13 =	rddreg [dreg:$0x7];
	[sflag:s9] =	ssyncadd.s32 $0xFFFFF000  }
0x2e: {  	[spmem:s13] =	stream.linear.scatter [tilespmem:s12], [sflag:$0xD], $0x1000, $0x38;
	[tilespmem:$0x15D40] =	vst v63  }
0x2f: {  	_ =	swait.ge [sflag:s9], $0x1000  }
0x30: {  	[sflag:s9] =	ssyncset.done $0x0  }
0x31: {  	s8 =	rddreg [dreg:$0x8];
	[sflag:s9] =	ssyncadd.s32 $0xFFFFF000  }
0x32: {  	[spmem:s8] =	stream.linear.scatter [tilespmem:s12], [sflag:$0xD], $0x1000, $0x38;
	[tilespmem:$0x15D40] =	vst v63  }
0x33: {  	_ =	swait.ge [sflag:s9], $0x1000  }
0x34: {  	[sflag:s9] =	ssyncset.done $0x0  }
0x35: {  	s13 =	rddreg [dreg:$0x9];
	[sflag:s9] =	ssyncadd.s32 $0xFFFFF000  }
0x36: {  	[spmem:s13] =	stream.linear.scatter [tilespmem:s12], [sflag:$0xD], $0xE40, $0x38;
	[tilespmem:$0x15D40] =	vst v63  }
0x37: {  	_ =	swait.ge [sflag:s9], $0xE40  }
0x38: {  	[sflag:s9] =	ssyncset.done $0x0  }
0x39: {  	s4 =	simm.s32 $0x0;
	s8 =	rddreg [dreg:$0xa];
	[sflag:s9] =	ssyncadd.s32 $0xFFFFF1C0  }
0x3a: {  	[tilespmem:s4], [sflag:$0xD] =	stream.linear.gather [hbm4b:s8+s4], $0x2780, $0x38;
	[tilespmem:$0x15D40] =	vst v63  }
0x3b: {  	_ =	swait.ge [sflag:s9], $0x2780  }
0x3c: {  	[sflag:s9] =	ssyncset.done $0x0  }
0x3d: {  	s13 =	simm.s32 $0x2780;
	s8 =	rddreg [dreg:$0xc];
	[sflag:s9] =	ssyncadd.s32 $0xFFFFD880  }
0x3e: {  	[tilespmem:s13], [sflag:$0xD] =	stream.linear.gather [hbm4b:s8+s4], $0x2780, $0x38;
	[tilespmem:$0x15D40] =	vst v63  }
0x3f: {  	_ =	swait.ge [sflag:s9], $0x2780  }
0x40: {  	[sflag:s9] =	ssyncset.done $0x0  }
0x41: {  	[sflag:s9] =	ssyncadd.s32 $0xFFFFD880  }
0x42: {  	[bflag:$0x0] =	sbarrier.arrive $0xFFFF  }
0x43: {  	[tilespmem:s12], [sflag:$0x1] =	stream.indirect.gather [hbm4b:s1+s16], $0x20, s4, s16, $0xb8;
	[tilespmem:$0x15D40] =	vst v63  }
0x44: {  	_ = 	snop  }
0x45: {  	[tilespmem:s17], [sflag:$0x2] =	stream.indirect.gather [hbm4b:s1+s16], $0x20, s16, s16, $0xb8;
	[tilespmem:$0x15D40] =	vst v63  }
0x46: {  	s8 =	simm.s32 $0x100  }
0x47: {  	[tilespmem:s19], [sflag:$0x3] =	stream.indirect.gather [hbm4b:s1+s16], $0x20, s8, s16, $0xb8;
	[tilespmem:$0x15D40] =	vst v63  }
0x48: {  	s9 =	simm.s32 $0x180  }
0x49: {  	[tilespmem:s26], [sflag:$0x4] =	stream.indirect.gather [hbm4b:s1+s16], $0x20, s9, s16, $0xb8;
	[tilespmem:$0x15D40] =	vst v63  }
0x4a: {  	s13 =	simm.s32 $0x200  }
0x4b: {  	[tilespmem:s29], [sflag:$0x5] =	stream.indirect.gather [hbm4b:s1+s16], $0x20, s13, s16, $0xb8;
	[tilespmem:$0x15D40] =	vst v63  }
0x4c: {  	s8 =	simm.s32 $0x280  }
0x4d: {  	[tilespmem:s31], [sflag:$0x6] =	stream.indirect.gather [hbm4b:s1+s16], $0x20, s8, s16, $0xb8;
	[tilespmem:$0x15D40] =	vst v63  }
0x4e: {  	_ =	swait.ge [sflag:s2], $0x1000  }
0x4f: {  	p0 =	por $0x1, $0x1;
	[sflag:s2] =	ssyncset.done $0x0  }
0x50: {  	s9 =	simm.s32 $0x2780;
	s8 =	simm.s32 @!p0 $0x7;
	[sflag:s2] =	ssyncadd.s32 $0xFFFFF000  }
0x51: {  	[spmem:s3] =	stream.indirect.scatter.add.bf16 [tilespmem:s12], [sflag:$0x1], $0x20, s9, s16, $0xb8;
	[tilespmem:$0x15D40] =	vst v63  }
0x52: {  	_ =	swait.ge @!p0 [sflag:s8], $0x1000  }
0x53: {  	[sflag:s8] =	ssyncset.done @!p0 $0x0  }
0x54: {  	s13 =	simm.s32 $0x300;
	[sflag:s8] =	ssyncadd.s32 @!p0 $0xFFFFF000  }
0x55: {  	[tilespmem:s15], [sflag:$0x7] =	stream.indirect.gather [hbm4b:s1+s16], $0x20, s13, s16, $0xb8;
	[tilespmem:$0x15D40] =	vst v63  }
0x56: {  	_ =	swait.ge [sflag:s18], $0x1000  }
0x57: {  	[sflag:s18] =	ssyncset.done $0x0  }
0x58: {  	s9 =	simm.s32 $0x2800;
	s8 =	simm.s32 @!p0 $0x8;
	[sflag:s18] =	ssyncadd.s32 $0xFFFFF000  }
0x59: {  	[spmem:s3] =	stream.indirect.scatter.add.bf16 [tilespmem:s17], [sflag:$0x2], $0x20, s9, s16, $0xb8;
	[tilespmem:$0x15D40] =	vst v63  }
0x5a: {  	_ =	swait.ge @!p0 [sflag:s8], $0x1000  }
0x5b: {  	[sflag:s8] =	ssyncset.done @!p0 $0x0  }
0x5c: {  	s13 =	simm.s32 $0x380;
	[sflag:s8] =	ssyncadd.s32 @!p0 $0xFFFFF000  }
0x5d: {  	[tilespmem:s0], [sflag:$0x8] =	stream.indirect.gather [hbm4b:s1+s16], $0x20, s13, s16, $0xb8;
	[tilespmem:$0x15D40] =	vst v63  }
0x5e: {  	_ =	swait.ge [sflag:s25], $0x1000  }
0x5f: {  	[sflag:s25] =	ssyncset.done $0x0  }
0x60: {  	s9 =	simm.s32 $0x2880;
	s8 =	simm.s32 @!p0 $0x9;
	[sflag:s25] =	ssyncadd.s32 $0xFFFFF000  }
0x61: {  	[spmem:s3] =	stream.indirect.scatter.add.bf16 [tilespmem:s19], [sflag:$0x3], $0x20, s9, s16, $0xb8;
	[tilespmem:$0x15D40] =	vst v63  }
0x62: {  	_ =	swait.ge @!p0 [sflag:s8], $0x1000  }
0x63: {  	[sflag:s8] =	ssyncset.done @!p0 $0x0  }
0x64: {  	s13 =	simm.s32 $0x400;
	[sflag:s8] =	ssyncadd.s32 @!p0 $0xFFFFF000  }
0x65: {  	[tilespmem:s28], [sflag:$0x9] =	stream.indirect.gather [hbm4b:s1+s16], $0x20, s13, s16, $0xb8;
	[tilespmem:$0x15D40] =	vst v63  }
0x66: {  	_ =	swait.ge [sflag:s30], $0x1000  }
0x67: {  	[sflag:s30] =	ssyncset.done $0x0  }
0x68: {  	s9 =	simm.s32 $0x2900;
	s8 =	simm.s32 @!p0 $0xA;
	[sflag:s30] =	ssyncadd.s32 $0xFFFFF000  }
0x69: {  	[spmem:s3] =	stream.indirect.scatter.add.bf16 [tilespmem:s26], [sflag:$0x4], $0x20, s9, s16, $0xb8;
	[tilespmem:$0x15D40] =	vst v63  }
0x6a: {  	_ =	swait.ge @!p0 [sflag:s8], $0x1000  }
0x6b: {  	[sflag:s8] =	ssyncset.done @!p0 $0x0  }
0x6c: {  	s13 =	simm.s32 $0x480;
	[sflag:s8] =	ssyncadd.s32 @!p0 $0xFFFFF000  }
0x6d: {  	[tilespmem:s10], [sflag:$0xA] =	stream.indirect.gather [hbm4b:s1+s16], $0x20, s13, s16, $0xb8;
	[tilespmem:$0x15D40] =	vst v63  }
0x6e: {  	_ =	swait.ge [sflag:s11], $0x1000  }
0x6f: {  	[sflag:s11] =	ssyncset.done $0x0  }
0x70: {  	s9 =	simm.s32 $0x2980;
	s8 =	simm.s32 @!p0 $0xB;
	[sflag:s11] =	ssyncadd.s32 $0xFFFFF000  }
0x71: {  	[spmem:s3] =	stream.indirect.scatter.add.bf16 [tilespmem:s29], [sflag:$0x5], $0x20, s9, s16, $0xb8;
	[tilespmem:$0x15D40] =	vst v63  }
0x72: {  	_ =	swait.ge @!p0 [sflag:s8], $0x1000  }
0x73: {  	[sflag:s8] =	ssyncset.done @!p0 $0x0  }
0x74: {  	s13 =	simm.s32 $0x500;
	[sflag:s8] =	ssyncadd.s32 @!p0 $0xFFFFF000  }
0x75: {  	[tilespmem:s14], [sflag:$0xB] =	stream.indirect.gather [hbm4b:s1+s16], $0x20, s13, s16, $0xb8;
	[tilespmem:$0x15D40] =	vst v63  }
0x76: {  	_ =	swait.ge [sflag:s20], $0x1000  }
0x77: {  	[sflag:s20] =	ssyncset.done $0x0  }
0x78: {  	s9 =	simm.s32 $0x2A00;
	s8 =	simm.s32 @!p0 $0xC;
	[sflag:s20] =	ssyncadd.s32 $0xFFFFF000  }
0x79: {  	[spmem:s3] =	stream.indirect.scatter.add.bf16 [tilespmem:s31], [sflag:$0x6], $0x20, s9, s16, $0xb8;
	[tilespmem:$0x15D40] =	vst v63  }
0x7a: {  	_ =	swait.ge @!p0 [sflag:s8], $0x1000  }
0x7b: {  	[sflag:s8] =	ssyncset.done @!p0 $0x0  }
0x7c: {  	s13 =	simm.s32 $0x580;
	[sflag:s8] =	ssyncadd.s32 @!p0 $0xFFFFF000  }
0x7d: {  	[tilespmem:s21], [sflag:$0xC] =	stream.indirect.gather [hbm4b:s1+s16], $0x20, s13, s16, $0xb8;
	[tilespmem:$0x15D40] =	vst v63  }
0x7e: {  	_ =	swait.ge [sflag:s22], $0x1000  }
0x7f: {  	[sflag:s22] =	ssyncset.done $0x0  }
0x80: {  	s9 =	simm.s32 $0x2A80;
	[sflag:s22] =	ssyncadd.s32 $0xFFFFF000  }
0x81: {  	[spmem:s3] =	stream.indirect.scatter.add.bf16 [tilespmem:s15], [sflag:$0x7], $0x20, s9, s16, $0xb8;
	[tilespmem:$0x15D40] =	vst v63  }
0x82: {  	_ =	swait.ge [sflag:s2], $0x1000  }
0x83: {  	[sflag:s2] =	ssyncset.done $0x0  }
0x84: {  	s13 =	simm.s32 $0x600;
	[sflag:s2] =	ssyncadd.s32 $0xFFFFF000  }
0x85: {  	[tilespmem:s12], [sflag:$0x1] =	stream.indirect.gather [hbm4b:s1+s16], $0x20, s13, s16, $0xb8;
	[tilespmem:$0x15D40] =	vst v63  }
0x86: {  	_ =	swait.ge [sflag:s23], $0x1000  }
0x87: {  	[sflag:s23] =	ssyncset.done $0x0  }
0x88: {  	s8 =	simm.s32 $0x2B00;
	[sflag:s23] =	ssyncadd.s32 $0xFFFFF000  }
0x89: {  	[spmem:s3] =	stream.indirect.scatter.add.bf16 [tilespmem:s0], [sflag:$0x8], $0x20, s8, s16, $0xb8;
	[tilespmem:$0x15D40] =	vst v63  }
0x8a: {  	_ =	swait.ge [sflag:s18], $0x1000  }
0x8b: {  	[sflag:s18] =	ssyncset.done $0x0  }
0x8c: {  	s9 =	simm.s32 $0x680;
	[sflag:s18] =	ssyncadd.s32 $0xFFFFF000  }
0x8d: {  	[tilespmem:s17], [sflag:$0x2] =	stream.indirect.gather [hbm4b:s1+s16], $0x20, s9, s16, $0xb8;
	[tilespmem:$0x15D40] =	vst v63  }
0x8e: {  	_ =	swait.ge [sflag:s24], $0x1000  }
0x8f: {  	[sflag:s24] =	ssyncset.done $0x0  }
0x90: {  	s13 =	simm.s32 $0x2B80;
	[sflag:s24] =	ssyncadd.s32 $0xFFFFF000  }
0x91: {  	[spmem:s3] =	stream.indirect.scatter.add.bf16 [tilespmem:s28], [sflag:$0x9], $0x20, s13, s16, $0xb8;
	[tilespmem:$0x15D40] =	vst v63  }
0x92: {  	_ =	swait.ge [sflag:s25], $0x1000  }
0x93: {  	[sflag:s25] =	ssyncset.done $0x0  }
0x94: {  	s8 =	simm.s32 $0x700;
	[sflag:s25] =	ssyncadd.s32 $0xFFFFF000  }
0x95: {  	[tilespmem:s19], [sflag:$0x3] =	stream.indirect.gather [hbm4b:s1+s16], $0x20, s8, s16, $0xb8;
	[tilespmem:$0x15D40] =	vst v63  }
0x96: {  	_ =	swait.ge [sflag:s5], $0x1000  }
0x97: {  	[sflag:s5] =	ssyncset.done $0x0  }
0x98: {  	s9 =	simm.s32 $0x2C00;
	[sflag:s5] =	ssyncadd.s32 $0xFFFFF000  }
0x99: {  	[spmem:s3] =	stream.indirect.scatter.add.bf16 [tilespmem:s10], [sflag:$0xA], $0x20, s9, s16, $0xb8;
	[tilespmem:$0x15D40] =	vst v63  }
0x9a: {  	_ =	swait.ge [sflag:s30], $0x1000  }
0x9b: {  	[sflag:s30] =	ssyncset.done $0x0  }
0x9c: {  	s13 =	simm.s32 $0x780;
	[sflag:s30] =	ssyncadd.s32 $0xFFFFF000  }
0x9d: {  	[tilespmem:s26], [sflag:$0x4] =	stream.indirect.gather [hbm4b:s1+s16], $0x20, s13, s16, $0xb8;
	[tilespmem:$0x15D40] =	vst v63  }
0x9e: {  	_ =	swait.ge [sflag:s6], $0x1000  }
0x9f: {  	[sflag:s6] =	ssyncset.done $0x0  }
0xa0: {  	s8 =	simm.s32 $0x2C80;
	[sflag:s6] =	ssyncadd.s32 $0xFFFFF000  }
0xa1: {  	[spmem:s3] =	stream.indirect.scatter.add.bf16 [tilespmem:s14], [sflag:$0xB], $0x20, s8, s16, $0xb8;
	[tilespmem:$0x15D40] =	vst v63  }
0xa2: {  	_ =	swait.ge [sflag:s11], $0x1000  }
0xa3: {  	[sflag:s11] =	ssyncset.done $0x0  }
0xa4: {  	s9 =	simm.s32 $0x800;
	[sflag:s11] =	ssyncadd.s32 $0xFFFFF000  }
0xa5: {  	[tilespmem:s29], [sflag:$0x5] =	stream.indirect.gather [hbm4b:s1+s16], $0x20, s9, s16, $0xb8;
	[tilespmem:$0x15D40] =	vst v63  }
0xa6: {  	_ =	swait.ge [sflag:s7], $0x1000  }
0xa7: {  	[sflag:s7] =	ssyncset.done $0x0  }
0xa8: {  	s13 =	simm.s32 $0x2D00;
	[sflag:s7] =	ssyncadd.s32 $0xFFFFF000  }
0xa9: {  	[spmem:s3] =	stream.indirect.scatter.add.bf16 [tilespmem:s21], [sflag:$0xC], $0x20, s13, s16, $0xb8;
	[tilespmem:$0x15D40] =	vst v63  }
0xaa: {  	_ =	swait.ge [sflag:s20], $0x1000  }
0xab: {  	s8 =	simm.s32 $0x1800;
	s9 =	simm.s32 $0x880;
	[sflag:s20] =	ssyncset.done $0x0  }
.LBB2_4:
0xac: {  	[sflag:s20] =	ssyncadd.s32 $0xFFFFF000;
	s4 =	smov.u32 s8;
	s8 =	sadd.s32 $0x1800, s8  }
0xad: {  	[tilespmem:s31], [sflag:$0x6] =	stream.indirect.gather [hbm4b:s1+s16], $0x20, s9, s16, $0xb8;
	[tilespmem:$0x15D40] =	vst v63  }
0xae: {  	s9 =	sshra.s32 s4, $0x2;
	p0 =	sne.s32 s8, $0x9000;
	_ =	swait.ge [sflag:s2], $0x1000  }
0xaf: {  	p1 =	seq.s32 s4, $0x0;
	s13 =	sadd.s32 $0x2780, s9;
	[sflag:s2] =	ssyncset.done $0x0  }
0xb0: {  	s4 =	simm.s32 @!p1 $0x7;
	[sflag:s2] =	ssyncadd.s32 $0xFFFFF000  }
0xb1: {  	[spmem:s3] =	stream.indirect.scatter.add.bf16 [tilespmem:s12], [sflag:$0x1], $0x20, s13, s16, $0xb8;
	[tilespmem:$0x15D40] =	vst v63  }
0xb2: {  	_ =	swait.ge @!p1 [sflag:s4], $0x1000  }
0xb3: {  	s13 =	sadd.s32 $0x300, s9;
	[sflag:s4] =	ssyncset.done @!p1 $0x0  }
0xb4: {  	[sflag:s4] =	ssyncadd.s32 @!p1 $0xFFFFF000  }
0xb5: {  	[tilespmem:s15], [sflag:$0x7] =	stream.indirect.gather [hbm4b:s1+s16], $0x20, s13, s16, $0xb8;
	[tilespmem:$0x15D40] =	vst v63  }
0xb6: {  	_ =	swait.ge [sflag:s18], $0x1000  }
0xb7: {  	s4 =	sadd.s32 $0x2800, s9;
	[sflag:s18] =	ssyncset.done $0x0  }
0xb8: {  	s13 =	simm.s32 @!p1 $0x8;
	[sflag:s18] =	ssyncadd.s32 $0xFFFFF000  }
0xb9: {  	[spmem:s3] =	stream.indirect.scatter.add.bf16 [tilespmem:s17], [sflag:$0x2], $0x20, s4, s16, $0xb8;
	[tilespmem:$0x15D40] =	vst v63  }
0xba: {  	_ =	swait.ge @!p1 [sflag:s13], $0x1000  }
0xbb: {  	s4 =	sadd.s32 $0x380, s9;
	[sflag:s13] =	ssyncset.done @!p1 $0x0  }
0xbc: {  	[sflag:s13] =	ssyncadd.s32 @!p1 $0xFFFFF000  }
0xbd: {  	[tilespmem:s0], [sflag:$0x8] =	stream.indirect.gather [hbm4b:s1+s16], $0x20, s4, s16, $0xb8;
	[tilespmem:$0x15D40] =	vst v63  }
0xbe: {  	_ =	swait.ge [sflag:s25], $0x1000  }
0xbf: {  	s4 =	sadd.s32 $0x2880, s9;
	[sflag:s25] =	ssyncset.done $0x0  }
0xc0: {  	s13 =	simm.s32 @!p1 $0x9;
	[sflag:s25] =	ssyncadd.s32 $0xFFFFF000  }
0xc1: {  	[spmem:s3] =	stream.indirect.scatter.add.bf16 [tilespmem:s19], [sflag:$0x3], $0x20, s4, s16, $0xb8;
	[tilespmem:$0x15D40] =	vst v63  }
0xc2: {  	_ =	swait.ge @!p1 [sflag:s13], $0x1000  }
0xc3: {  	s4 =	sadd.s32 $0x400, s9;
	[sflag:s13] =	ssyncset.done @!p1 $0x0  }
0xc4: {  	[sflag:s13] =	ssyncadd.s32 @!p1 $0xFFFFF000  }
0xc5: {  	[tilespmem:s28], [sflag:$0x9] =	stream.indirect.gather [hbm4b:s1+s16], $0x20, s4, s16, $0xb8;
	[tilespmem:$0x15D40] =	vst v63  }
0xc6: {  	_ =	swait.ge [sflag:s30], $0x1000  }
0xc7: {  	s4 =	sadd.s32 $0x2900, s9;
	[sflag:s30] =	ssyncset.done $0x0  }
0xc8: {  	s13 =	simm.s32 @!p1 $0xA;
	[sflag:s30] =	ssyncadd.s32 $0xFFFFF000  }
0xc9: {  	[spmem:s3] =	stream.indirect.scatter.add.bf16 [tilespmem:s26], [sflag:$0x4], $0x20, s4, s16, $0xb8;
	[tilespmem:$0x15D40] =	vst v63  }
0xca: {  	_ =	swait.ge @!p1 [sflag:s13], $0x1000  }
0xcb: {  	s4 =	sadd.s32 $0x480, s9;
	[sflag:s13] =	ssyncset.done @!p1 $0x0  }
0xcc: {  	[sflag:s13] =	ssyncadd.s32 @!p1 $0xFFFFF000  }
0xcd: {  	[tilespmem:s10], [sflag:$0xA] =	stream.indirect.gather [hbm4b:s1+s16], $0x20, s4, s16, $0xb8;
	[tilespmem:$0x15D40] =	vst v63  }
0xce: {  	_ =	swait.ge [sflag:s11], $0x1000  }
0xcf: {  	s4 =	sadd.s32 $0x2980, s9;
	[sflag:s11] =	ssyncset.done $0x0  }
0xd0: {  	s13 =	simm.s32 @!p1 $0xB;
	[sflag:s11] =	ssyncadd.s32 $0xFFFFF000  }
0xd1: {  	[spmem:s3] =	stream.indirect.scatter.add.bf16 [tilespmem:s29], [sflag:$0x5], $0x20, s4, s16, $0xb8;
	[tilespmem:$0x15D40] =	vst v63  }
0xd2: {  	_ =	swait.ge @!p1 [sflag:s13], $0x1000  }
0xd3: {  	s4 =	sadd.s32 $0x500, s9;
	[sflag:s13] =	ssyncset.done @!p1 $0x0  }
0xd4: {  	[sflag:s13] =	ssyncadd.s32 @!p1 $0xFFFFF000  }
0xd5: {  	[tilespmem:s14], [sflag:$0xB] =	stream.indirect.gather [hbm4b:s1+s16], $0x20, s4, s16, $0xb8;
	[tilespmem:$0x15D40] =	vst v63  }
0xd6: {  	_ =	swait.ge [sflag:s20], $0x1000  }
0xd7: {  	s4 =	sadd.s32 $0x2A00, s9;
	[sflag:s20] =	ssyncset.done $0x0  }
0xd8: {  	s13 =	simm.s32 @!p1 $0xC;
	[sflag:s20] =	ssyncadd.s32 $0xFFFFF000  }
0xd9: {  	[spmem:s3] =	stream.indirect.scatter.add.bf16 [tilespmem:s31], [sflag:$0x6], $0x20, s4, s16, $0xb8;
	[tilespmem:$0x15D40] =	vst v63  }
0xda: {  	_ =	swait.ge @!p1 [sflag:s13], $0x1000  }
0xdb: {  	s4 =	sadd.s32 $0x580, s9;
	[sflag:s13] =	ssyncset.done @!p1 $0x0  }
0xdc: {  	[sflag:s13] =	ssyncadd.s32 @!p1 $0xFFFFF000  }
0xdd: {  	[tilespmem:s21], [sflag:$0xC] =	stream.indirect.gather [hbm4b:s1+s16], $0x20, s4, s16, $0xb8;
	[tilespmem:$0x15D40] =	vst v63  }
0xde: {  	_ =	swait.ge [sflag:s22], $0x1000  }
0xdf: {  	s4 =	sadd.s32 $0x2A80, s9;
	[sflag:s22] =	ssyncset.done $0x0  }
0xe0: {  	[sflag:s22] =	ssyncadd.s32 $0xFFFFF000  }
0xe1: {  	[spmem:s3] =	stream.indirect.scatter.add.bf16 [tilespmem:s15], [sflag:$0x7], $0x20, s4, s16, $0xb8;
	[tilespmem:$0x15D40] =	vst v63  }
0xe2: {  	_ =	swait.ge [sflag:s2], $0x1000  }
0xe3: {  	s4 =	sadd.s32 $0x600, s9;
	[sflag:s2] =	ssyncset.done $0x0  }
0xe4: {  	[sflag:s2] =	ssyncadd.s32 $0xFFFFF000  }
0xe5: {  	[tilespmem:s12], [sflag:$0x1] =	stream.indirect.gather [hbm4b:s1+s16], $0x20, s4, s16, $0xb8;
	[tilespmem:$0x15D40] =	vst v63  }
0xe6: {  	_ =	swait.ge [sflag:s23], $0x1000  }
0xe7: {  	s4 =	sadd.s32 $0x2B00, s9;
	[sflag:s23] =	ssyncset.done $0x0  }
0xe8: {  	[sflag:s23] =	ssyncadd.s32 $0xFFFFF000  }
0xe9: {  	[spmem:s3] =	stream.indirect.scatter.add.bf16 [tilespmem:s0], [sflag:$0x8], $0x20, s4, s16, $0xb8;
	[tilespmem:$0x15D40] =	vst v63  }
0xea: {  	_ =	swait.ge [sflag:s18], $0x1000  }
0xeb: {  	s4 =	sadd.s32 $0x680, s9;
	[sflag:s18] =	ssyncset.done $0x0  }
0xec: {  	[sflag:s18] =	ssyncadd.s32 $0xFFFFF000  }
0xed: {  	[tilespmem:s17], [sflag:$0x2] =	stream.indirect.gather [hbm4b:s1+s16], $0x20, s4, s16, $0xb8;
	[tilespmem:$0x15D40] =	vst v63  }
0xee: {  	_ =	swait.ge [sflag:s24], $0x1000  }
0xef: {  	s4 =	sadd.s32 $0x2B80, s9;
	[sflag:s24] =	ssyncset.done $0x0  }
0xf0: {  	[sflag:s24] =	ssyncadd.s32 $0xFFFFF000  }
0xf1: {  	[spmem:s3] =	stream.indirect.scatter.add.bf16 [tilespmem:s28], [sflag:$0x9], $0x20, s4, s16, $0xb8;
	[tilespmem:$0x15D40] =	vst v63  }
0xf2: {  	_ =	swait.ge [sflag:s25], $0x1000  }
0xf3: {  	s4 =	sadd.s32 $0x700, s9;
	[sflag:s25] =	ssyncset.done $0x0  }
0xf4: {  	[sflag:s25] =	ssyncadd.s32 $0xFFFFF000  }
0xf5: {  	[tilespmem:s19], [sflag:$0x3] =	stream.indirect.gather [hbm4b:s1+s16], $0x20, s4, s16, $0xb8;
	[tilespmem:$0x15D40] =	vst v63  }
0xf6: {  	_ =	swait.ge [sflag:s5], $0x1000  }
0xf7: {  	s4 =	sadd.s32 $0x2C00, s9;
	[sflag:s5] =	ssyncset.done $0x0  }
0xf8: {  	[sflag:s5] =	ssyncadd.s32 $0xFFFFF000  }
0xf9: {  	[spmem:s3] =	stream.indirect.scatter.add.bf16 [tilespmem:s10], [sflag:$0xA], $0x20, s4, s16, $0xb8;
	[tilespmem:$0x15D40] =	vst v63  }
0xfa: {  	_ =	swait.ge [sflag:s30], $0x1000  }
0xfb: {  	s4 =	sadd.s32 $0x780, s9;
	[sflag:s30] =	ssyncset.done $0x0  }
0xfc: {  	[sflag:s30] =	ssyncadd.s32 $0xFFFFF000  }
0xfd: {  	[tilespmem:s26], [sflag:$0x4] =	stream.indirect.gather [hbm4b:s1+s16], $0x20, s4, s16, $0xb8;
	[tilespmem:$0x15D40] =	vst v63  }
0xfe: {  	_ =	swait.ge [sflag:s6], $0x1000  }
0xff: {  	s4 =	sadd.s32 $0x2C80, s9;
	[sflag:s6] =	ssyncset.done $0x0  }
0x100: {  	[sflag:s6] =	ssyncadd.s32 $0xFFFFF000  }
0x101: {  	[spmem:s3] =	stream.indirect.scatter.add.bf16 [tilespmem:s14], [sflag:$0xB], $0x20, s4, s16, $0xb8;
	[tilespmem:$0x15D40] =	vst v63  }
0x102: {  	_ =	swait.ge [sflag:s11], $0x1000  }
0x103: {  	s4 =	sadd.s32 $0x800, s9;
	[sflag:s11] =	ssyncset.done $0x0  }
0x104: {  	[sflag:s11] =	ssyncadd.s32 $0xFFFFF000  }
0x105: {  	[tilespmem:s29], [sflag:$0x5] =	stream.indirect.gather [hbm4b:s1+s16], $0x20, s4, s16, $0xb8;
	[tilespmem:$0x15D40] =	vst v63  }
0x106: {  	_ =	swait.ge [sflag:s7], $0x1000  }
.Ltmp1:
0x107: {  	s4 =	sadd.s32 $0x2D00, s9;
	[sflag:s7] =	ssyncset.done $0x0;
	(pc) =	sbr.rel @p0 .LBB2_4-.Ltmp1, $4  }
0x108: {  	[sflag:s7] =	ssyncadd.s32 $0xFFFFF000  }
0x109: {  	[spmem:s3] =	stream.indirect.scatter.add.bf16 [tilespmem:s21], [sflag:$0xC], $0x20, s4, s16, $0xb8;
	[tilespmem:$0x15D40] =	vst v63  }
0x10a: {  	_ =	swait.ge [sflag:s20], $0x1000  }
0x10b: {  	s9 =	sadd.s32 $0x880, s9;
	[sflag:s20] =	ssyncset.done $0x0  }
0x10c: {  	[sflag:s20] =	ssyncadd.s32 $0xFFFFF000  }
0x10d: {  	[tilespmem:s31], [sflag:$0x6] =	stream.indirect.gather [hbm4b:s1+s16], $0x20, s9, s16, $0xb8;
	[tilespmem:$0x15D40] =	vst v63  }
0x10e: {  	_ =	swait.ge [sflag:s2], $0x1000  }
0x10f: {  	[sflag:s2] =	ssyncset.done $0x0  }
0x110: {  	s4 =	simm.s32 $0x4B80;
	[sflag:s2] =	ssyncadd.s32 $0xFFFFF000  }
0x111: {  	[spmem:s3] =	stream.indirect.scatter.add.bf16 [tilespmem:s12], [sflag:$0x1], $0x20, s4, s16, $0xb8;
	[tilespmem:$0x15D40] =	vst v63  }
0x112: {  	_ =	swait.ge [sflag:s22], $0x1000  }
0x113: {  	[sflag:s22] =	ssyncset.done $0x0  }
0x114: {  	s8 =	simm.s32 $0x2700;
	[sflag:s22] =	ssyncadd.s32 $0xFFFFF000  }
0x115: {  	[tilespmem:s15], [sflag:$0x7] =	stream.indirect.gather [hbm4b:s1+s16], $0x20, s8, s16, $0xb8;
	[tilespmem:$0x15D40] =	vst v63  }
0x116: {  	_ =	swait.ge [sflag:s18], $0x1000  }
0x117: {  	[sflag:s18] =	ssyncset.done $0x0  }
0x118: {  	s9 =	simm.s32 $0x4C00;
	[sflag:s18] =	ssyncadd.s32 $0xFFFFF000  }
0x119: {  	[spmem:s3] =	stream.indirect.scatter.add.bf16 [tilespmem:s17], [sflag:$0x2], $0x20, s9, s16, $0xb8;
	[tilespmem:$0x15D40] =	vst v63  }
0x11a: {  	_ =	swait.ge [sflag:s23], $0x1000  }
0x11b: {  	[sflag:s23] =	ssyncset.done $0x0  }
0x11c: {  	[sflag:s23] =	ssyncadd.s32 $0xFFFFF000  }
0x11d: {  	_ =	swait.ge [sflag:s25], $0x1000  }
0x11e: {  	[sflag:s25] =	ssyncset.done $0x0  }
0x11f: {  	s13 =	simm.s32 $0x4C80;
	[sflag:s25] =	ssyncadd.s32 $0xFFFFF000  }
0x120: {  	[spmem:s3] =	stream.indirect.scatter.add.bf16 [tilespmem:s19], [sflag:$0x3], $0x20, s13, s16, $0xb8;
	[tilespmem:$0x15D40] =	vst v63  }
0x121: {  	_ =	swait.ge [sflag:s24], $0x1000  }
0x122: {  	[sflag:s24] =	ssyncset.done $0x0  }
0x123: {  	[sflag:s24] =	ssyncadd.s32 $0xFFFFF000  }
0x124: {  	_ =	swait.ge [sflag:s30], $0x1000  }
0x125: {  	[sflag:s30] =	ssyncset.done $0x0  }
0x126: {  	s8 =	simm.s32 $0x4D00;
	[sflag:s30] =	ssyncadd.s32 $0xFFFFF000  }
0x127: {  	[spmem:s3] =	stream.indirect.scatter.add.bf16 [tilespmem:s26], [sflag:$0x4], $0x20, s8, s16, $0xb8;
	[tilespmem:$0x15D40] =	vst v63  }
0x128: {  	_ =	swait.ge [sflag:s5], $0x1000  }
0x129: {  	[sflag:s5] =	ssyncset.done $0x0  }
0x12a: {  	[sflag:s5] =	ssyncadd.s32 $0xFFFFF000  }
0x12b: {  	_ =	swait.ge [sflag:s11], $0x1000  }
0x12c: {  	[sflag:s11] =	ssyncset.done $0x0  }
0x12d: {  	s9 =	simm.s32 $0x4D80;
	[sflag:s11] =	ssyncadd.s32 $0xFFFFF000  }
0x12e: {  	[spmem:s3] =	stream.indirect.scatter.add.bf16 [tilespmem:s29], [sflag:$0x5], $0x20, s9, s16, $0xb8;
	[tilespmem:$0x15D40] =	vst v63  }
0x12f: {  	_ =	swait.ge [sflag:s6], $0x1000  }
0x130: {  	[sflag:s6] =	ssyncset.done $0x0  }
0x131: {  	[sflag:s6] =	ssyncadd.s32 $0xFFFFF000  }
0x132: {  	_ =	swait.ge [sflag:s20], $0x1000  }
0x133: {  	[sflag:s20] =	ssyncset.done $0x0  }
0x134: {  	s13 =	simm.s32 $0x4E00;
	[sflag:s20] =	ssyncadd.s32 $0xFFFFF000  }
0x135: {  	[spmem:s3] =	stream.indirect.scatter.add.bf16 [tilespmem:s31], [sflag:$0x6], $0x20, s13, s16, $0xb8;
	[tilespmem:$0x15D40] =	vst v63  }
0x136: {  	_ =	swait.ge [sflag:s7], $0x1000  }
0x137: {  	[sflag:s7] =	ssyncset.done $0x0  }
0x138: {  	[sflag:s7] =	ssyncadd.s32 $0xFFFFF000  }
0x139: {  	_ =	swait.ge [sflag:s22], $0x1000  }
0x13a: {  	[sflag:s22] =	ssyncset.done $0x0  }
0x13b: {  	s8 =	simm.s32 $0x4E80;
	[sflag:s22] =	ssyncadd.s32 $0xFFFFF000  }
0x13c: {  	[spmem:s3] =	stream.indirect.scatter.add.bf16 [tilespmem:s15], [sflag:$0x7], $0x20, s8, s16, $0xb8;
	[tilespmem:$0x15D40] =	vst v63  }
0x13d: {  	_ =	swait.ge [sflag:s2], $0x1000  }
0x13e: {  	[sflag:s2] =	ssyncset.done $0x0  }
0x13f: {  	[sflag:s2] =	ssyncadd.s32 $0xFFFFF000  }
0x140: {  	_ =	swait.ge [sflag:s18], $0x1000  }
0x141: {  	[sflag:s18] =	ssyncset.done $0x0  }
0x142: {  	[sflag:s18] =	ssyncadd.s32 $0xFFFFF000  }
0x143: {  	_ =	swait.ge [sflag:s25], $0x1000  }
0x144: {  	[sflag:s25] =	ssyncset.done $0x0  }
0x145: {  	[sflag:s25] =	ssyncadd.s32 $0xFFFFF000  }
0x146: {  	_ =	swait.ge [sflag:s30], $0x1000  }
0x147: {  	[sflag:s30] =	ssyncset.done $0x0  }
0x148: {  	[sflag:s30] =	ssyncadd.s32 $0xFFFFF000  }
0x149: {  	_ =	swait.ge [sflag:s11], $0x1000  }
0x14a: {  	[sflag:s11] =	ssyncset.done $0x0  }
0x14b: {  	[sflag:s11] =	ssyncadd.s32 $0xFFFFF000  }
0x14c: {  	_ =	swait.ge [sflag:s20], $0x1000  }
0x14d: {  	[sflag:s20] =	ssyncset.done $0x0  }
0x14e: {  	[sflag:s20] =	ssyncadd.s32 $0xFFFFF000  }
0x14f: {  	_ =	swait.ge [sflag:s22], $0x1000  }
0x150: {  	[sflag:s22] =	ssyncset.done $0x0  }
0x151: {  	[sflag:s22] =	ssyncadd.s32 $0xFFFFF000  }
0x152: {  	s9 =	stileid.u32;
	[bflag:$0x0] =	sbarrier.arrive $0xFFFF  }
0x153: {  	s4 =	sshll.u32 s9, $0x6;
	s9 =	simm.s32 $0xD;
	s8 =	rddreg [dreg:$0x5]  }
0x154: {  	s4 =	sor.u32 $0x1C0D, s4;
	s13 =	rddreg [dreg:$0xd];
	s8 =	sshrl.u32 s8, $0x3  }
0x155: {  	[hbm:s13], [sflag:s4] =	dma.local [spmem:s8], $0x200  }
0x156: {  	_ =	swait.ge [sflag:s9], $0x200  }
0x157: {  	[sflag:s9] =	ssyncset.done $0x0;
	s13 =	rddreg [dreg:$0x6]  }
0x158: {  	[sflag:s9] =	ssyncadd.s32 $0xFFFFFE00;
	s8 =	sshrl.u32 s13, $0x3;
	s13 =	rddreg [dreg:$0xe]  }
0x159: {  	[hbm:s13], [sflag:s4] =	dma.local [spmem:s8], $0x200  }
0x15a: {  	_ =	swait.ge [sflag:s9], $0x200  }
0x15b: {  	[sflag:s9] =	ssyncset.done $0x0;
	s13 =	rddreg [dreg:$0x7]  }
0x15c: {  	[sflag:s9] =	ssyncadd.s32 $0xFFFFFE00;
	s8 =	sshrl.u32 s13, $0x3;
	s13 =	rddreg [dreg:$0xf]  }
0x15d: {  	[hbm:s13], [sflag:s4] =	dma.local [spmem:s8], $0x200  }
0x15e: {  	_ =	swait.ge [sflag:s9], $0x200  }
0x15f: {  	[sflag:s9] =	ssyncset.done $0x0;
	s13 =	rddreg [dreg:$0x8]  }
0x160: {  	[sflag:s9] =	ssyncadd.s32 $0xFFFFFE00;
	s8 =	sshrl.u32 s13, $0x3;
	s13 =	rddreg [dreg:$0x10]  }
0x161: {  	[hbm:s13], [sflag:s4] =	dma.local [spmem:s8], $0x200  }
0x162: {  	_ =	swait.ge [sflag:s9], $0x200  }
0x163: {  	[sflag:s9] =	ssyncset.done $0x0;
	s13 =	rddreg [dreg:$0x9]  }
0x164: {  	[sflag:s9] =	ssyncadd.s32 $0xFFFFFE00;
	s8 =	sshrl.u32 s13, $0x3;
	s13 =	rddreg [dreg:$0x11]  }
0x165: {  	[hbm:s13], [sflag:s4] =	dma.local [spmem:s8], $0x1C8  }
0x166: {  	_ =	swait.ge [sflag:s9], $0x1C8  }
0x167: {  	s8 =	rddreg [dreg:$0x4]  }
0x168: {  	s13 =	rddreg [dreg:$0xb];
	s4 =	sadd.s32 $0x1, s8  }
0x169: {  	p0 =	sne.s32 s4, s13  }
.Ltmp2:
0x16a: {  	_ = 	snop;
	(pc) =	sbr.rel @p0 .LBB2_1-.Ltmp2, $3  }
0x16b: {  	_ =	sdelay $0x1  }
0x16c: {  	[sflag:s9] =	ssyncset.done $0x0  }
0x16d: {  	[sflag:s9] =	ssyncadd.s32 $0xFFFFFE38;
	[dreg:$0x4] =	wrdreg s4  }
0x16e: {  	_ =	sfence.sel $0x180000  }
0x16f: {  	[bflag:$0x0] =	sbarrier.arrive $0xFFFF  }
0x170: {  	_ =	strace $0x9000004A  }
0x171: {  	s0 =	stileid.u32;
	[bflag:$0x2] =	sbarrier.arrive $0xFFFF  }
0x172: {  	p0 =	sne.s32 s0, $0x0;
	s0 =	rddreg [dreg:$0x3]  }
0x173: {  	s0 =	sadd.s32 @!p0 $0x100000, s0  }
0x174: {  	[sflag:s0] =	ssyncadd.tile.s32 @!p0 $0x1;
	_ =	shalt  }
.Lfunc_end2:
_tile_overlayer_lowered:
.L_overlay_start_2:
0x175: {  	(tag) =	ssettag $0x2  }
0x176: {  	s0 =	rddreg [dreg:$0x0];
	s2 =	stileid.u32  }
0x177: {  	s1 =	rddreg [dreg:$0x1];
	p0 =	sne.s32 s2, $0x0  }
0x178: {  	s3 =	rddreg [dreg:$0x2];
	[bflag:$0x3] =	sbarrier.arrive $0xFFFF;
	s2 =	simm.s32 @!p0 $0x1C0D  }
0x179: {  	[timem:s3], [sflag:s2] =	dma.local @!p0 [hbm:s0], s1  }
0x17a: {  	s0 =	simm.s32 @!p0 $0xD  }
0x17b: {  	_ =	swait.ge @!p0 [sflag:s0], s1  }
0x17c: {  	s1 =	ssub.s32 @!p0 $0x0, s1;
	[sflag:s0] =	ssyncset.done @!p0 $0x0  }
0x17d: {  	[sflag:s0] =	ssyncadd.s32 @!p0 s1  }
0x17e: {  	[bflag:$0x3] =	sbarrier.arrive $0xFFFF  }
0x17f: {  	_ =	shalt  }

// kernel: kernel.16.cloned.1.call-start
scs
__scs_entry_jumppad:
0x0: {  	(pc) =	sbr.rel $0x88, $3  }
0x1: {  	(tag) =	ssettag $0x0;
	lr =	simm.s32 $0x1  }
0x2: {  	[smem:$0x3F9B] =	sst lr;
	_ =	strace $0xD0000000  }
0x3: {  	_ = 	snop  }
0x4: {  	_ = 	snop  }
0x5: {  	_ = 	snop  }
0x6: {  	_ = 	snop  }
0x7: {  	_ = 	snop  }
__scs_overlays_trampoline_lowered:
0x8: {  	[smem:$0x3FAA] =	sst s0  }
0x9: {  	[smem:$0x3FAB] =	sst s1  }
0xa: {  	[smem:$0x3FAC] =	sst s2  }
0xb: {  	[smem:$0x3FAD] =	sst s3  }
0xc: {  	[smem:$0x3FAE] =	sst s4  }
0xd: {  	[smem:$0x3FAF] =	sst s5  }
0xe: {  	[smem:$0x3FB0] =	sst s6  }
0xf: {  	[smem:$0x3FB1] =	sst s7  }
0x10: {  	[smem:$0x3FB2] =	sst s8  }
0x11: {  	[smem:$0x3FB3] =	sst s9;
	s0 =	simm.s32 @!p0 $0x0  }
0x12: {  	s1 =	sld [smem:$0x3F99];
	s0 =	simm.s32 @p0 $0x1  }
0x13: {  	[smem:$0x3FB4] =	sst s0;
	s0 =	simm.s32 @!p1 $0x0  }
0x14: {  	s2 =	sld [smem:$0x3F98];
	s0 =	simm.s32 @p1 $0x1  }
0x15: {  	[smem:$0x3FB5] =	sst s0;
	s0 =	simm.s32 @!p2 $0x0  }
0x16: {  	s3 =	sld [smem:$0x3FDB];
	s0 =	simm.s32 @p2 $0x1  }
0x17: {  	s4 =	simm.s32 $0x1BF5;
	[smem:$0x3FB7] =	sst s0  }
0x18: {  	s0 =	sld [smem:$0x3F9A];
	_ =	swait.ge [sflag:s4], $0x0  }
0x19: {  	s7 =	sld [smem:$0x3F9B]  }
0x1a: {  	s8 =	sadd.s32 $0xFFFFE003, lr  }
0x1b: {  	s9 =	sadd.s32 $0xFFFFFEF7, lr;
	s5 =	simm.s32 $0xFFFFFFFF;
	p2 =	slt.u32 s8, $0xFFFFF086  }
0x1c: {  	p1 =	slt.u32 s9, $0xF7A;
	s5 =	simm.s32 @!p2 $0x0  }
0x1d: {  	s5 =	simm.s32 @p1 $0x1;
	p0 =	seq.s32 s7, s2  }
0x1e: {  	s7 =	smul.u32 @!p0 $0xF7A, s2;
	p2 =	seq.s32 @!p0 s5, $0x0  }
0x1f: {  	s9 =	smul.u32 $0xF7A, s1;
	s8 =	simm.s32 @!p0 $0x1BF5;
	p2 =	por !p2, p0  }
0x20: {  	[sflag:s8] =	ssyncset.s32 @!p0 $0xFFFFF086;
	s6 =	sadd.s32 @!p0 s3, s7;
	s7 =	simm.s32 @!p0 $0x108  }
0x21: {  	s3 =	sadd.s32 s3, s9;
	s6 =	sadd.s32 @!p0 $0x88, s6;
	s7 =	simm.s32 @p2 $0x1082  }
0x22: {  	[simem:s7], [sflag:s8] =	dma.local @!p0 [hbm:s6], $0xF7A  }
0x23: {  	s9 =	sor.u32 $0xD0000000, s2;
	s6 =	simm.s32 $0x108;
	_ =	swait.ge @!p0 [sflag:s8], $0x0  }
0x24: {  	s3 =	sadd.s32 $0x88, s3;
	s6 =	simm.s32 @!p1 $0x1082;
	[sflag:s4] =	ssyncset.s32 $0xFFFFF086  }
0x25: {  	[simem:s6], [sflag:s4] =	dma.local [hbm:s3], $0xF7A  }
0x26: {  	[smem:$0x3F9B] =	sst s1;
	(tag) =	ssettag s2;
	_ =	strace s9  }
0x27: {  	s1 =	sld [smem:$0x3FAB]  }
0x28: {  	s2 =	sld [smem:$0x3FAC]  }
0x29: {  	s4 =	sld [smem:$0x3FAE]  }
0x2a: {  	p0 =	seq.s32 s5, $0x0;
	s5 =	sld [smem:$0x3FAF]  }
0x2b: {  	s6 =	sld [smem:$0x3FB0]  }
0x2c: {  	s7 =	sld [smem:$0x3FB1]  }
0x2d: {  	s3 =	simm.s32 $0x108;
	s8 =	sld [smem:$0x3FB2]  }
0x2e: {  	s3 =	simm.s32 @!p0 $0x1082;
	s9 =	sld [smem:$0x3FB3]  }
0x2f: {  	lr =	sadd.s32 s0, s3;
	s0 =	sld [smem:$0x3FAA]  }
0x30: {  	s3 =	sld [smem:$0x3FAD]  }
0x31: {  	[smem:$0x3FB6] =	sst s10  }
0x32: {  	s10 =	sld [smem:$0x3FB4];
	_ =	sdelay $0x3  }
0x33: {  	p0 =	seq.s32 s10, $0x1;
	s10 =	sld [smem:$0x3FB6];
	_ =	sdelay $0x3  }
0x34: {  	[smem:$0x3FB6] =	sst s10  }
0x35: {  	s10 =	sld [smem:$0x3FB5];
	_ =	sdelay $0x3  }
0x36: {  	p1 =	seq.s32 s10, $0x1;
	s10 =	sld [smem:$0x3FB6];
	_ =	sdelay $0x3  }
0x37: {  	[smem:$0x3FB6] =	sst s10  }
0x38: {  	s10 =	sld [smem:$0x3FB7]  }
0x39: {  	_ = 	snop;
	(pc) =	sbr.ind lr, $3  }
0x3a: {  	_ = 	snop  }
0x3b: {  	_ = 	snop  }
0x3c: {  	p2 =	seq.s32 s10, $0x1;
	s10 =	sld [smem:$0x3FB6]  }
0x3d: {  	_ =	shalt  }
0x3e: {  	_ =	shalt  }
0x3f: {  	_ =	shalt  }
0x40: {  	_ =	shalt  }
0x41: {  	_ =	shalt  }
0x42: {  	_ =	shalt  }
0x43: {  	_ =	shalt  }
0x44: {  	_ =	shalt  }
0x45: {  	_ =	shalt  }
0x46: {  	_ =	shalt  }
0x47: {  	_ =	shalt  }
0x48: {  	_ =	shalt  }
0x49: {  	_ =	shalt  }
0x4a: {  	_ =	shalt  }
0x4b: {  	_ =	shalt  }
0x4c: {  	_ =	shalt  }
0x4d: {  	_ =	shalt  }
0x4e: {  	_ =	shalt  }
0x4f: {  	_ =	shalt  }
0x50: {  	_ =	shalt  }
0x51: {  	_ =	shalt  }
0x52: {  	_ =	shalt  }
0x53: {  	_ =	shalt  }
0x54: {  	_ =	shalt  }
0x55: {  	_ =	shalt  }
0x56: {  	_ =	shalt  }
0x57: {  	_ =	shalt  }
0x58: {  	_ =	shalt  }
0x59: {  	_ =	shalt  }
0x5a: {  	_ =	shalt  }
0x5b: {  	_ =	shalt  }
0x5c: {  	_ =	shalt  }
0x5d: {  	_ =	shalt  }
0x5e: {  	_ =	shalt  }
0x5f: {  	_ =	shalt  }
0x60: {  	_ =	shalt  }
0x61: {  	_ =	shalt  }
0x62: {  	_ =	shalt  }
0x63: {  	_ =	shalt  }
0x64: {  	_ =	shalt  }
0x65: {  	_ =	shalt  }
0x66: {  	_ =	shalt  }
0x67: {  	_ =	shalt  }
0x68: {  	_ =	shalt  }
0x69: {  	_ =	shalt  }
0x6a: {  	_ =	shalt  }
0x6b: {  	_ =	shalt  }
0x6c: {  	_ =	shalt  }
0x6d: {  	_ =	shalt  }
0x6e: {  	_ =	shalt  }
0x6f: {  	_ =	shalt  }
0x70: {  	_ =	shalt  }
0x71: {  	_ =	shalt  }
0x72: {  	_ =	shalt  }
0x73: {  	_ =	shalt  }
0x74: {  	_ =	shalt  }
0x75: {  	_ =	shalt  }
0x76: {  	_ =	shalt  }
0x77: {  	_ =	shalt  }
0x78: {  	_ =	shalt  }
0x79: {  	_ =	shalt  }
0x7a: {  	_ =	shalt  }
0x7b: {  	_ =	shalt  }
0x7c: {  	_ =	shalt  }
0x7d: {  	_ =	shalt  }
0x7e: {  	_ =	shalt  }
0x7f: {  	_ =	shalt  }
0x80: {  	_ =	shalt  }
0x81: {  	_ =	shalt  }
0x82: {  	_ =	shalt  }
0x83: {  	_ =	shalt  }
0x84: {  	_ =	shalt  }
0x85: {  	_ =	shalt  }
0x86: {  	_ =	shalt  }
0x87: {  	_ =	shalt  }
.Lfunc_end0:
.L_simem_size_0:
called_computation.2_lowered:
.L_overlay_start_0:
0x88: {  	s2 =	sld [smem:$0x3FD9]  }
0x89: {  	s3 =	sld [smem:$0x3FFE];
	_ =	sdelay $0x1  }
0x8a: {  	s1 =	srdreg.scid  }
0x8b: {  	s0 =	sand.u32 $0x1, s1  }
0x8c: {  	s17 =	sshll.u32 s0, $0xA;
	s2 =	sadd.s32 s3, s2  }
0x8d: {  	s2 =	sadd.s32 s2, s17  }
0x8e: {  	[smem:$0x3FC2] =	sst s2  }
0x8f: {  	_ = 	snop  }
0x90: {  	s2 =	sld [smem:$0x3FD0];
	(tm) =	ssettm $0x1  }
0x91: {  	s18 =	sld [smem:$0x3FFB];
	_ =	sdelay $0x3  }
0x92: {  	_ =	strace s18  }
0x93: {  	s3 =	sld [smem:$0x3FFC];
	_ =	sdelay $0x3  }
0x94: {  	_ =	strace s3  }
0x95: {  	s3 =	sld [smem:$0x3FFD];
	_ =	sdelay $0x3  }
0x96: {  	_ =	strace s3  }
0x97: {  	_ =	strace $0x8FFFFFFF  }
0x98: {  	s19 =	sld [smem:$0x3FDB];
	_ =	sdelay $0x1  }
0x99: {  	s4 =	simm.s32 $_scs_section_size  }
0x9a: {  	s5 =	simm.s32 $_size__tile_overlayer_lowered;
	s6 =	simm.s32 $_tile_overlayer_lowered  }
0x9b: {  	s22 =	simm.s32 $0x1BFF;
	s21 =	sshll.u32 s6, $0x1;
	s3 =	sadd.s32 s4, s19  }
0x9c: {  	s7 =	simm.s32 $0x0;
	s20 =	sshll.u32 s5, $0x1;
	s5 =	sadd.s32 s21, s3  }
0x9d: {  	[timem:s7], [sflag:s22] =	dma.local [hbm:s5], s20  }
0x9e: {  	_ =	swait.ge [sflag:s22], s20  }
0x9f: {  	s4 =	ssub.s32 $0x0, s20;
	[sflag:s22] =	ssyncset.done $0x0  }
0xa0: {  	[sflag:s22] =	ssyncadd.s32 s4;
	_ =	sdelay $0x1  }
0xa1: {  	s23 =	simm.s32 $0x1B8B  }
0xa2: {  	_ =	swait.ge [sflag:s23], $0x1  }
0xa3: {  	[sflag:s23] =	ssyncset.done $0x0  }
0xa4: {  	s25 =	simm.s32 $0x1B8E;
	s24 =	sld [smem:$0x3FFE];
	[sflag:s23] =	ssyncadd.s32 $0xFFFFFFFF  }
0xa5: {  	s26 =	simm.s32 $execute0_lowered;
	[smem:$0x3FD2] =	sst s25  }
0xa6: {  	s5 =	sshll.u32 s26, $0x1;
	_ =	strace $0x8000004C;
	[dreg:$0x1] =	wrdreg $0xFFFFFFFF  }
0xa7: {  	s28 =	simm.s32 $_size_execute0_lowered;
	s3 =	sadd.s32 s3, s5;
	[dreg:$0x0] =	wrdreg $0x0  }
0xa8: {  	s5 =	sshll.u32 s28, $0x1;
	[dreg:$0x2] =	wrdreg s3  }
0xa9: {  	[dreg:$0x3] =	wrdreg s5  }
0xaa: {  	[dreg:$0x4] =	wrdreg $0xC0  }
0xab: {  	_ =	task [dreg:s7], $0x5FFFF  }
0xac: {  	[dreg:$0x1] =	wrdreg $0xFFFFFFFF  }
0xad: {  	[dreg:$0x0] =	wrdreg $0x60  }
0xae: {  	[dreg:$0x2] =	wrdreg s2  }
0xaf: {  	[dreg:$0x3] =	wrdreg s24  }
0xb0: {  	[dreg:$0x4] =	wrdreg $0x10F000  }
0xb1: {  	[dreg:$0x5] =	wrdreg $0x9  }
0xb2: {  	_ =	task.clear_ibuf [dreg:s7], $0x6FFFF;
	_ =	strace $0x9000004C  }
0xb3: {  	s29 =	simm.s32 $0x9;
	_ =	strace $0x8000004E  }
0xb4: {  	_ =	swait.ge [sflag:s29], $0x1  }
0xb5: {  	[sflag:s29] =	ssyncadd.s32 $0xFFFFFFFF  }
0xb6: {  	_ =	strace $0x9000004E  }
0xb7: {  	_ =	sfence  }
0xb8: {  	s30 =	sld [smem:$0x0];
	_ =	sdelay $0x2  }
0xb9: {  	s31 =	sshll.u32 s1, $0xD;
	s1 =	sshrl.u32 s1, $0x2  }
0xba: {  	s3 =	sand.u32 $0x4000, s31;
	s1 =	sadd.s32 s1, s30  }
0xbb: {  	s0 =	sor.u32 s3, s0;
	s1 =	sshll.u32 s1, $0x11  }
0xbc: {  	s0 =	sor.u32 s1, s0  }
0xbd: {  	s0 =	sadd.s32 $0x8F2B, s0  }
0xbe: {  	[sflag:s0] =	ssyncadd.remote.s32 $0x1  }
0xbf: {  	_ =	sfence.sel $0xFFFF  }
0xc0: {  	[dreg:$0x0] =	wrdreg $0xFFFFFFFF;
	(pc) =	sbr.abs _section_cstart, $3  }
0xc1: {  	[dreg:$0x1] =	wrdreg $0xFFFFFFFF  }
0xc2: {  	_ =	task.clear_ibuf [dreg:s7], $0x2FFFF;
	_ =	strace $0x9FFFFFFF  }
0xc3: {  	(tm) =	ssettm $0x7FFFFFFF  }
tec
execute0_lowered:
.L_overlay_start_1:
0x0: {  	(tag) =	ssettag $0x1  }
0x1: {  	s0 =	srdreg.scid;
	s1 =	rddreg [dreg:$0x0]  }
0x2: {  	s4 =	stileid.u32;
	s5 =	rddreg [dreg:$0x1]  }
0x3: {  	s3 =	rddreg [dreg:$0x2];
	s8 =	simm.s32 $0x0;
	s7 =	simm.s32 $0x0  }
0x4: {  	s16 =	simm.s32 $0x80;
	s29 =	simm.s32 $0x8F00;
	s31 =	simm.s32 $0x9F00  }
0x5: {  	s28 =	simm.s32 $0xCF00;
	s30 =	simm.s32 $0x4;
	s0 =	sand.u32 $0x1, s0  }
0x6: {  	s2 =	sshll.u32 s4, $0x1;
	[dreg:$0x4] =	wrdreg s7;
	s17 =	smul.u32 $0x9C80, s4  }
0x7: {  	[smem:$0x7FF] =	sst s8;
	s2 =	sor.u32 s0, s2;
	s6 =	smul.u32 $0x9C80, s0  }
0x8: {  	_ =	strace $0x8000004D;
	s0 =	ssub.s32 $0x2, s0;
	s2 =	smul.u32 $0x4F0, s2  }
0x9: {  	s9 =	sadd.s32 $0x2000, s17;
	s10 =	sshrl.u32 s0, $0x1;
	s11 =	sshrl.u32 s17, $0x1  }
0xa: {  	s21 =	sadd.s32 $0x4000, s17;
	s22 =	sadd.s32 $0x6000, s17;
	s23 =	sadd.s32 $0x8000, s17  }
0xb: {  	s7 =	sshrl.u32 s17, $0x4;
	s17 =	simm.s32 $0x5F00;
	s6 =	sadd.s32 s6, s5  }
0xc: {  	s12 =	sshrl.u32 s9, $0x1;
	s0 =	ssub.s32 s0, s10;
	s19 =	sadd.s32 s11, s3  }
0xd: {  	s13 =	sshrl.u32 s21, $0x1;
	s14 =	sshrl.u32 s22, $0x1;
	s15 =	sshrl.u32 s23, $0x1  }
0xe: {  	s10 =	simm.s32 $0xDF00;
	s11 =	simm.s32 $0x5;
	s18 =	sadd.s32 s2, s5  }
0xf: {  	[dreg:$0x5] =	wrdreg s19;
	s20 =	sadd.s32 s12, s3;
	s24 =	sadd.s32 s13, s3  }
0x10: {  	s25 =	sadd.s32 s14, s3;
	s26 =	sadd.s32 s15, s3;
	s5 =	sadd.s32 $0xBA00, s5  }
0x11: {  	s6 =	sadd.s32 $0x15800, s6;
	s14 =	sshrl.u32 s9, $0x4;
	[dreg:$0x6] =	wrdreg s20  }
0x12: {  	s15 =	sshrl.u32 s21, $0x4;
	s0 =	smax.u32 s0, $0x1;
	[dreg:$0x7] =	wrdreg s24  }
0x13: {  	s12 =	simm.s32 $0x4F00;
	s19 =	simm.s32 $0x6F00;
	[dreg:$0x8] =	wrdreg s25  }
0x14: {  	[dreg:$0x9] =	wrdreg s26;
	s13 =	sadd.s32 $0x1C00, s18;
	s18 =	sshrl.u32 s22, $0x4  }
0x15: {  	s20 =	sshrl.u32 s23, $0x4;
	[dreg:$0xb] =	wrdreg s0;
	s21 =	sadd.s32 s2, s5  }
0x16: {  	s22 =	sadd.s32 s7, s6;
	s23 =	sadd.s32 s14, s6;
	[dreg:$0xa] =	wrdreg s13  }
0x17: {  	s24 =	sadd.s32 s15, s6;
	s2 =	simm.s32 $0x1;
	[dreg:$0xc] =	wrdreg s21  }
0x18: {  	s15 =	simm.s32 $0xAF00;
	s0 =	simm.s32 $0xBF00;
	[dreg:$0xd] =	wrdreg s22  }
0x19: {  	s14 =	simm.s32 $0xEF00;
	s5 =	simm.s32 $0xA;
	[dreg:$0xe] =	wrdreg s23  }
0x1a: {  	s7 =	simm.s32 $0xC;
	[dreg:$0xf] =	wrdreg s24;
	s25 =	sadd.s32 s18, s6  }
0x1b: {  	s26 =	sadd.s32 s20, s6;
	s18 =	simm.s32 $0x2;
	s20 =	simm.s32 $0x6  }
0x1c: {  	s21 =	simm.s32 $0xFF00;
	s22 =	simm.s32 $0x7;
	s23 =	simm.s32 $0x8  }
0x1d: {  	s24 =	simm.s32 $0x9;
	s6 =	simm.s32 $0xB;
	[dreg:$0x10] =	wrdreg s25  }
0x1e: {  	v0 =	vimm.bf16 $0.0e+00;
	[dreg:$0x11] =	wrdreg s26;
	s26 =	simm.s32 $0x7F00;
	s25 =	simm.s32 $0x3  }
.LBB2_1:
0x1f: {  	s8 =	simm.s32 $0x80;
	s9 =	simm.s32 $0x0  }
.LBB2_2:
0x20: {  	p0 =	sne.s32 s8, $0x3F80;
	[tilespmem:s9+$0x4F00] =	vst v0;
	s4 =	smov.u32 s8;
	s8 =	sadd.s32 $0x80, s8  }
.Ltmp0:
0x21: {  	[tilespmem:s9+$0x4F10] =	vst v0;
	(pc) =	sbr.rel @p0 .LBB2_2-.Ltmp0, $2  }
0x22: {  	_ =	sdelay $0x2  }
0x23: {  	s9 =	sshra.s32 s4, $0x2  }
0x24: {  	[tilespmem:s9+$0x4F00] =	vst v0  }
0x25: {  	[tilespmem:s9+$0x4F10] =	vst v0;
	s4 =	rddreg [dreg:$0x5];
	s9 =	simm.s32 $0xD  }
0x26: {  	[spmem:s4] =	stream.linear.scatter [tilespmem:s12], [sflag:$0xD], $0x1000, $0x38;
	[tilespmem:$0x15D40] =	vst v63  }
0x27: {  	_ =	swait.ge [sflag:s9], $0x1000  }
0x28: {  	[sflag:s9] =	ssyncset.done $0x0  }
0x29: {  	s8 =	rddreg [dreg:$0x6];
	[sflag:s9] =	ssyncadd.s32 $0xFFFFF000  }
0x2a: {  	[spmem:s8] =	stream.linear.scatter [tilespmem:s12], [sflag:$0xD], $0x1000, $0x38;
	[tilespmem:$0x15D40] =	vst v63  }
0x2b: {  	_ =	swait.ge [sflag:s9], $0x1000  }
0x2c: {  	[sflag:s9] =	ssyncset.done $0x0  }
0x2d: {  	s13 =	rddreg [dreg:$0x7];
	[sflag:s9] =	ssyncadd.s32 $0xFFFFF000  }
0x2e: {  	[spmem:s13] =	stream.linear.scatter [tilespmem:s12], [sflag:$0xD], $0x1000, $0x38;
	[tilespmem:$0x15D40] =	vst v63  }
0x2f: {  	_ =	swait.ge [sflag:s9], $0x1000  }
0x30: {  	[sflag:s9] =	ssyncset.done $0x0  }
0x31: {  	s8 =	rddreg [dreg:$0x8];
	[sflag:s9] =	ssyncadd.s32 $0xFFFFF000  }
0x32: {  	[spmem:s8] =	stream.linear.scatter [tilespmem:s12], [sflag:$0xD], $0x1000, $0x38;
	[tilespmem:$0x15D40] =	vst v63  }
0x33: {  	_ =	swait.ge [sflag:s9], $0x1000  }
0x34: {  	[sflag:s9] =	ssyncset.done $0x0  }
0x35: {  	s13 =	rddreg [dreg:$0x9];
	[sflag:s9] =	ssyncadd.s32 $0xFFFFF000  }
0x36: {  	[spmem:s13] =	stream.linear.scatter [tilespmem:s12], [sflag:$0xD], $0xE40, $0x38;
	[tilespmem:$0x15D40] =	vst v63  }
0x37: {  	_ =	swait.ge [sflag:s9], $0xE40  }
0x38: {  	[sflag:s9] =	ssyncset.done $0x0  }
0x39: {  	s4 =	simm.s32 $0x0;
	s8 =	rddreg [dreg:$0xa];
	[sflag:s9] =	ssyncadd.s32 $0xFFFFF1C0  }
0x3a: {  	[tilespmem:s4], [sflag:$0xD] =	stream.linear.gather [hbm4b:s8+s4], $0x2780, $0x38;
	[tilespmem:$0x15D40] =	vst v63  }
0x3b: {  	_ =	swait.ge [sflag:s9], $0x2780  }
0x3c: {  	[sflag:s9] =	ssyncset.done $0x0  }
0x3d: {  	s13 =	simm.s32 $0x2780;
	s8 =	rddreg [dreg:$0xc];
	[sflag:s9] =	ssyncadd.s32 $0xFFFFD880  }
0x3e: {  	[tilespmem:s13], [sflag:$0xD] =	stream.linear.gather [hbm4b:s8+s4], $0x2780, $0x38;
	[tilespmem:$0x15D40] =	vst v63  }
0x3f: {  	_ =	swait.ge [sflag:s9], $0x2780  }
0x40: {  	[sflag:s9] =	ssyncset.done $0x0  }
0x41: {  	[sflag:s9] =	ssyncadd.s32 $0xFFFFD880  }
0x42: {  	[bflag:$0x0] =	sbarrier.arrive $0xFFFF  }
0x43: {  	[tilespmem:s12], [sflag:$0x1] =	stream.indirect.gather [hbm4b:s1+s16], $0x20, s4, s16, $0xb8;
	[tilespmem:$0x15D40] =	vst v63  }
0x44: {  	_ = 	snop  }
0x45: {  	[tilespmem:s17], [sflag:$0x2] =	stream.indirect.gather [hbm4b:s1+s16], $0x20, s16, s16, $0xb8;
	[tilespmem:$0x15D40] =	vst v63  }
0x46: {  	s8 =	simm.s32 $0x100  }
0x47: {  	[tilespmem:s19], [sflag:$0x3] =	stream.indirect.gather [hbm4b:s1+s16], $0x20, s8, s16, $0xb8;
	[tilespmem:$0x15D40] =	vst v63  }
0x48: {  	s9 =	simm.s32 $0x180  }
0x49: {  	[tilespmem:s26], [sflag:$0x4] =	stream.indirect.gather [hbm4b:s1+s16], $0x20, s9, s16, $0xb8;
	[tilespmem:$0x15D40] =	vst v63  }
0x4a: {  	s13 =	simm.s32 $0x200  }
0x4b: {  	[tilespmem:s29], [sflag:$0x5] =	stream.indirect.gather [hbm4b:s1+s16], $0x20, s13, s16, $0xb8;
	[tilespmem:$0x15D40] =	vst v63  }
0x4c: {  	s8 =	simm.s32 $0x280  }
0x4d: {  	[tilespmem:s31], [sflag:$0x6] =	stream.indirect.gather [hbm4b:s1+s16], $0x20, s8, s16, $0xb8;
	[tilespmem:$0x15D40] =	vst v63  }
0x4e: {  	_ =	swait.ge [sflag:s2], $0x1000  }
0x4f: {  	p0 =	por $0x1, $0x1;
	[sflag:s2] =	ssyncset.done $0x0  }
0x50: {  	s9 =	simm.s32 $0x2780;
	s8 =	simm.s32 @!p0 $0x7;
	[sflag:s2] =	ssyncadd.s32 $0xFFFFF000  }
0x51: {  	[spmem:s3] =	stream.indirect.scatter.add.bf16 [tilespmem:s12], [sflag:$0x1], $0x20, s9, s16, $0xb8;
	[tilespmem:$0x15D40] =	vst v63  }
0x52: {  	_ =	swait.ge @!p0 [sflag:s8], $0x1000  }
0x53: {  	[sflag:s8] =	ssyncset.done @!p0 $0x0  }
0x54: {  	s13 =	simm.s32 $0x300;
	[sflag:s8] =	ssyncadd.s32 @!p0 $0xFFFFF000  }
0x55: {  	[tilespmem:s15], [sflag:$0x7] =	stream.indirect.gather [hbm4b:s1+s16], $0x20, s13, s16, $0xb8;
	[tilespmem:$0x15D40] =	vst v63  }
0x56: {  	_ =	swait.ge [sflag:s18], $0x1000  }
0x57: {  	[sflag:s18] =	ssyncset.done $0x0  }
0x58: {  	s9 =	simm.s32 $0x2800;
	s8 =	simm.s32 @!p0 $0x8;
	[sflag:s18] =	ssyncadd.s32 $0xFFFFF000  }
0x59: {  	[spmem:s3] =	stream.indirect.scatter.add.bf16 [tilespmem:s17], [sflag:$0x2], $0x20, s9, s16, $0xb8;
	[tilespmem:$0x15D40] =	vst v63  }
0x5a: {  	_ =	swait.ge @!p0 [sflag:s8], $0x1000  }
0x5b: {  	[sflag:s8] =	ssyncset.done @!p0 $0x0  }
0x5c: {  	s13 =	simm.s32 $0x380;
	[sflag:s8] =	ssyncadd.s32 @!p0 $0xFFFFF000  }
0x5d: {  	[tilespmem:s0], [sflag:$0x8] =	stream.indirect.gather [hbm4b:s1+s16], $0x20, s13, s16, $0xb8;
	[tilespmem:$0x15D40] =	vst v63  }
0x5e: {  	_ =	swait.ge [sflag:s25], $0x1000  }
0x5f: {  	[sflag:s25] =	ssyncset.done $0x0  }
0x60: {  	s9 =	simm.s32 $0x2880;
	s8 =	simm.s32 @!p0 $0x9;
	[sflag:s25] =	ssyncadd.s32 $0xFFFFF000  }
0x61: {  	[spmem:s3] =	stream.indirect.scatter.add.bf16 [tilespmem:s19], [sflag:$0x3], $0x20, s9, s16, $0xb8;
	[tilespmem:$0x15D40] =	vst v63  }
0x62: {  	_ =	swait.ge @!p0 [sflag:s8], $0x1000  }
0x63: {  	[sflag:s8] =	ssyncset.done @!p0 $0x0  }
0x64: {  	s13 =	simm.s32 $0x400;
	[sflag:s8] =	ssyncadd.s32 @!p0 $0xFFFFF000  }
0x65: {  	[tilespmem:s28], [sflag:$0x9] =	stream.indirect.gather [hbm4b:s1+s16], $0x20, s13, s16, $0xb8;
	[tilespmem:$0x15D40] =	vst v63  }
0x66: {  	_ =	swait.ge [sflag:s30], $0x1000  }
0x67: {  	[sflag:s30] =	ssyncset.done $0x0  }
0x68: {  	s9 =	simm.s32 $0x2900;
	s8 =	simm.s32 @!p0 $0xA;
	[sflag:s30] =	ssyncadd.s32 $0xFFFFF000  }
0x69: {  	[spmem:s3] =	stream.indirect.scatter.add.bf16 [tilespmem:s26], [sflag:$0x4], $0x20, s9, s16, $0xb8;
	[tilespmem:$0x15D40] =	vst v63  }
0x6a: {  	_ =	swait.ge @!p0 [sflag:s8], $0x1000  }
0x6b: {  	[sflag:s8] =	ssyncset.done @!p0 $0x0  }
0x6c: {  	s13 =	simm.s32 $0x480;
	[sflag:s8] =	ssyncadd.s32 @!p0 $0xFFFFF000  }
0x6d: {  	[tilespmem:s10], [sflag:$0xA] =	stream.indirect.gather [hbm4b:s1+s16], $0x20, s13, s16, $0xb8;
	[tilespmem:$0x15D40] =	vst v63  }
0x6e: {  	_ =	swait.ge [sflag:s11], $0x1000  }
0x6f: {  	[sflag:s11] =	ssyncset.done $0x0  }
0x70: {  	s9 =	simm.s32 $0x2980;
	s8 =	simm.s32 @!p0 $0xB;
	[sflag:s11] =	ssyncadd.s32 $0xFFFFF000  }
0x71: {  	[spmem:s3] =	stream.indirect.scatter.add.bf16 [tilespmem:s29], [sflag:$0x5], $0x20, s9, s16, $0xb8;
	[tilespmem:$0x15D40] =	vst v63  }
0x72: {  	_ =	swait.ge @!p0 [sflag:s8], $0x1000  }
0x73: {  	[sflag:s8] =	ssyncset.done @!p0 $0x0  }
0x74: {  	s13 =	simm.s32 $0x500;
	[sflag:s8] =	ssyncadd.s32 @!p0 $0xFFFFF000  }
0x75: {  	[tilespmem:s14], [sflag:$0xB] =	stream.indirect.gather [hbm4b:s1+s16], $0x20, s13, s16, $0xb8;
	[tilespmem:$0x15D40] =	vst v63  }
0x76: {  	_ =	swait.ge [sflag:s20], $0x1000  }
0x77: {  	[sflag:s20] =	ssyncset.done $0x0  }
0x78: {  	s9 =	simm.s32 $0x2A00;
	s8 =	simm.s32 @!p0 $0xC;
	[sflag:s20] =	ssyncadd.s32 $0xFFFFF000  }
0x79: {  	[spmem:s3] =	stream.indirect.scatter.add.bf16 [tilespmem:s31], [sflag:$0x6], $0x20, s9, s16, $0xb8;
	[tilespmem:$0x15D40] =	vst v63  }
0x7a: {  	_ =	swait.ge @!p0 [sflag:s8], $0x1000  }
0x7b: {  	[sflag:s8] =	ssyncset.done @!p0 $0x0  }
0x7c: {  	s13 =	simm.s32 $0x580;
	[sflag:s8] =	ssyncadd.s32 @!p0 $0xFFFFF000  }
0x7d: {  	[tilespmem:s21], [sflag:$0xC] =	stream.indirect.gather [hbm4b:s1+s16], $0x20, s13, s16, $0xb8;
	[tilespmem:$0x15D40] =	vst v63  }
0x7e: {  	_ =	swait.ge [sflag:s22], $0x1000  }
0x7f: {  	[sflag:s22] =	ssyncset.done $0x0  }
0x80: {  	s9 =	simm.s32 $0x2A80;
	[sflag:s22] =	ssyncadd.s32 $0xFFFFF000  }
0x81: {  	[spmem:s3] =	stream.indirect.scatter.add.bf16 [tilespmem:s15], [sflag:$0x7], $0x20, s9, s16, $0xb8;
	[tilespmem:$0x15D40] =	vst v63  }
0x82: {  	_ =	swait.ge [sflag:s2], $0x1000  }
0x83: {  	[sflag:s2] =	ssyncset.done $0x0  }
0x84: {  	s13 =	simm.s32 $0x600;
	[sflag:s2] =	ssyncadd.s32 $0xFFFFF000  }
0x85: {  	[tilespmem:s12], [sflag:$0x1] =	stream.indirect.gather [hbm4b:s1+s16], $0x20, s13, s16, $0xb8;
	[tilespmem:$0x15D40] =	vst v63  }
0x86: {  	_ =	swait.ge [sflag:s23], $0x1000  }
0x87: {  	[sflag:s23] =	ssyncset.done $0x0  }
0x88: {  	s8 =	simm.s32 $0x2B00;
	[sflag:s23] =	ssyncadd.s32 $0xFFFFF000  }
0x89: {  	[spmem:s3] =	stream.indirect.scatter.add.bf16 [tilespmem:s0], [sflag:$0x8], $0x20, s8, s16, $0xb8;
	[tilespmem:$0x15D40] =	vst v63  }
0x8a: {  	_ =	swait.ge [sflag:s18], $0x1000  }
0x8b: {  	[sflag:s18] =	ssyncset.done $0x0  }
0x8c: {  	s9 =	simm.s32 $0x680;
	[sflag:s18] =	ssyncadd.s32 $0xFFFFF000  }
0x8d: {  	[tilespmem:s17], [sflag:$0x2] =	stream.indirect.gather [hbm4b:s1+s16], $0x20, s9, s16, $0xb8;
	[tilespmem:$0x15D40] =	vst v63  }
0x8e: {  	_ =	swait.ge [sflag:s24], $0x1000  }
0x8f: {  	[sflag:s24] =	ssyncset.done $0x0  }
0x90: {  	s13 =	simm.s32 $0x2B80;
	[sflag:s24] =	ssyncadd.s32 $0xFFFFF000  }
0x91: {  	[spmem:s3] =	stream.indirect.scatter.add.bf16 [tilespmem:s28], [sflag:$0x9], $0x20, s13, s16, $0xb8;
	[tilespmem:$0x15D40] =	vst v63  }
0x92: {  	_ =	swait.ge [sflag:s25], $0x1000  }
0x93: {  	[sflag:s25] =	ssyncset.done $0x0  }
0x94: {  	s8 =	simm.s32 $0x700;
	[sflag:s25] =	ssyncadd.s32 $0xFFFFF000  }
0x95: {  	[tilespmem:s19], [sflag:$0x3] =	stream.indirect.gather [hbm4b:s1+s16], $0x20, s8, s16, $0xb8;
	[tilespmem:$0x15D40] =	vst v63  }
0x96: {  	_ =	swait.ge [sflag:s5], $0x1000  }
0x97: {  	[sflag:s5] =	ssyncset.done $0x0  }
0x98: {  	s9 =	simm.s32 $0x2C00;
	[sflag:s5] =	ssyncadd.s32 $0xFFFFF000  }
0x99: {  	[spmem:s3] =	stream.indirect.scatter.add.bf16 [tilespmem:s10], [sflag:$0xA], $0x20, s9, s16, $0xb8;
	[tilespmem:$0x15D40] =	vst v63  }
0x9a: {  	_ =	swait.ge [sflag:s30], $0x1000  }
0x9b: {  	[sflag:s30] =	ssyncset.done $0x0  }
0x9c: {  	s13 =	simm.s32 $0x780;
	[sflag:s30] =	ssyncadd.s32 $0xFFFFF000  }
0x9d: {  	[tilespmem:s26], [sflag:$0x4] =	stream.indirect.gather [hbm4b:s1+s16], $0x20, s13, s16, $0xb8;
	[tilespmem:$0x15D40] =	vst v63  }
0x9e: {  	_ =	swait.ge [sflag:s6], $0x1000  }
0x9f: {  	[sflag:s6] =	ssyncset.done $0x0  }
0xa0: {  	s8 =	simm.s32 $0x2C80;
	[sflag:s6] =	ssyncadd.s32 $0xFFFFF000  }
0xa1: {  	[spmem:s3] =	stream.indirect.scatter.add.bf16 [tilespmem:s14], [sflag:$0xB], $0x20, s8, s16, $0xb8;
	[tilespmem:$0x15D40] =	vst v63  }
0xa2: {  	_ =	swait.ge [sflag:s11], $0x1000  }
0xa3: {  	[sflag:s11] =	ssyncset.done $0x0  }
0xa4: {  	s9 =	simm.s32 $0x800;
	[sflag:s11] =	ssyncadd.s32 $0xFFFFF000  }
0xa5: {  	[tilespmem:s29], [sflag:$0x5] =	stream.indirect.gather [hbm4b:s1+s16], $0x20, s9, s16, $0xb8;
	[tilespmem:$0x15D40] =	vst v63  }
0xa6: {  	_ =	swait.ge [sflag:s7], $0x1000  }
0xa7: {  	[sflag:s7] =	ssyncset.done $0x0  }
0xa8: {  	s13 =	simm.s32 $0x2D00;
	[sflag:s7] =	ssyncadd.s32 $0xFFFFF000  }
0xa9: {  	[spmem:s3] =	stream.indirect.scatter.add.bf16 [tilespmem:s21], [sflag:$0xC], $0x20, s13, s16, $0xb8;
	[tilespmem:$0x15D40] =	vst v63  }
0xaa: {  	_ =	swait.ge [sflag:s20], $0x1000  }
0xab: {  	s8 =	simm.s32 $0x1800;
	s9 =	simm.s32 $0x880;
	[sflag:s20] =	ssyncset.done $0x0  }
.LBB2_4:
0xac: {  	[sflag:s20] =	ssyncadd.s32 $0xFFFFF000;
	s4 =	smov.u32 s8;
	s8 =	sadd.s32 $0x1800, s8  }
0xad: {  	[tilespmem:s31], [sflag:$0x6] =	stream.indirect.gather [hbm4b:s1+s16], $0x20, s9, s16, $0xb8;
	[tilespmem:$0x15D40] =	vst v63  }
0xae: {  	s9 =	sshra.s32 s4, $0x2;
	p0 =	sne.s32 s8, $0x9000;
	_ =	swait.ge [sflag:s2], $0x1000  }
0xaf: {  	p1 =	seq.s32 s4, $0x0;
	s13 =	sadd.s32 $0x2780, s9;
	[sflag:s2] =	ssyncset.done $0x0  }
0xb0: {  	s4 =	simm.s32 @!p1 $0x7;
	[sflag:s2] =	ssyncadd.s32 $0xFFFFF000  }
0xb1: {  	[spmem:s3] =	stream.indirect.scatter.add.bf16 [tilespmem:s12], [sflag:$0x1], $0x20, s13, s16, $0xb8;
	[tilespmem:$0x15D40] =	vst v63  }
0xb2: {  	_ =	swait.ge @!p1 [sflag:s4], $0x1000  }
0xb3: {  	s13 =	sadd.s32 $0x300, s9;
	[sflag:s4] =	ssyncset.done @!p1 $0x0  }
0xb4: {  	[sflag:s4] =	ssyncadd.s32 @!p1 $0xFFFFF000  }
0xb5: {  	[tilespmem:s15], [sflag:$0x7] =	stream.indirect.gather [hbm4b:s1+s16], $0x20, s13, s16, $0xb8;
	[tilespmem:$0x15D40] =	vst v63  }
0xb6: {  	_ =	swait.ge [sflag:s18], $0x1000  }
0xb7: {  	s4 =	sadd.s32 $0x2800, s9;
	[sflag:s18] =	ssyncset.done $0x0  }
0xb8: {  	s13 =	simm.s32 @!p1 $0x8;
	[sflag:s18] =	ssyncadd.s32 $0xFFFFF000  }
0xb9: {  	[spmem:s3] =	stream.indirect.scatter.add.bf16 [tilespmem:s17], [sflag:$0x2], $0x20, s4, s16, $0xb8;
	[tilespmem:$0x15D40] =	vst v63  }
0xba: {  	_ =	swait.ge @!p1 [sflag:s13], $0x1000  }
0xbb: {  	s4 =	sadd.s32 $0x380, s9;
	[sflag:s13] =	ssyncset.done @!p1 $0x0  }
0xbc: {  	[sflag:s13] =	ssyncadd.s32 @!p1 $0xFFFFF000  }
0xbd: {  	[tilespmem:s0], [sflag:$0x8] =	stream.indirect.gather [hbm4b:s1+s16], $0x20, s4, s16, $0xb8;
	[tilespmem:$0x15D40] =	vst v63  }
0xbe: {  	_ =	swait.ge [sflag:s25], $0x1000  }
0xbf: {  	s4 =	sadd.s32 $0x2880, s9;
	[sflag:s25] =	ssyncset.done $0x0  }
0xc0: {  	s13 =	simm.s32 @!p1 $0x9;
	[sflag:s25] =	ssyncadd.s32 $0xFFFFF000  }
0xc1: {  	[spmem:s3] =	stream.indirect.scatter.add.bf16 [tilespmem:s19], [sflag:$0x3], $0x20, s4, s16, $0xb8;
	[tilespmem:$0x15D40] =	vst v63  }
0xc2: {  	_ =	swait.ge @!p1 [sflag:s13], $0x1000  }
0xc3: {  	s4 =	sadd.s32 $0x400, s9;
	[sflag:s13] =	ssyncset.done @!p1 $0x0  }
0xc4: {  	[sflag:s13] =	ssyncadd.s32 @!p1 $0xFFFFF000  }
0xc5: {  	[tilespmem:s28], [sflag:$0x9] =	stream.indirect.gather [hbm4b:s1+s16], $0x20, s4, s16, $0xb8;
	[tilespmem:$0x15D40] =	vst v63  }
0xc6: {  	_ =	swait.ge [sflag:s30], $0x1000  }
0xc7: {  	s4 =	sadd.s32 $0x2900, s9;
	[sflag:s30] =	ssyncset.done $0x0  }
0xc8: {  	s13 =	simm.s32 @!p1 $0xA;
	[sflag:s30] =	ssyncadd.s32 $0xFFFFF000  }
0xc9: {  	[spmem:s3] =	stream.indirect.scatter.add.bf16 [tilespmem:s26], [sflag:$0x4], $0x20, s4, s16, $0xb8;
	[tilespmem:$0x15D40] =	vst v63  }
0xca: {  	_ =	swait.ge @!p1 [sflag:s13], $0x1000  }
0xcb: {  	s4 =	sadd.s32 $0x480, s9;
	[sflag:s13] =	ssyncset.done @!p1 $0x0  }
0xcc: {  	[sflag:s13] =	ssyncadd.s32 @!p1 $0xFFFFF000  }
0xcd: {  	[tilespmem:s10], [sflag:$0xA] =	stream.indirect.gather [hbm4b:s1+s16], $0x20, s4, s16, $0xb8;
	[tilespmem:$0x15D40] =	vst v63  }
0xce: {  	_ =	swait.ge [sflag:s11], $0x1000  }
0xcf: {  	s4 =	sadd.s32 $0x2980, s9;
	[sflag:s11] =	ssyncset.done $0x0  }
0xd0: {  	s13 =	simm.s32 @!p1 $0xB;
	[sflag:s11] =	ssyncadd.s32 $0xFFFFF000  }
0xd1: {  	[spmem:s3] =	stream.indirect.scatter.add.bf16 [tilespmem:s29], [sflag:$0x5], $0x20, s4, s16, $0xb8;
	[tilespmem:$0x15D40] =	vst v63  }
0xd2: {  	_ =	swait.ge @!p1 [sflag:s13], $0x1000  }
0xd3: {  	s4 =	sadd.s32 $0x500, s9;
	[sflag:s13] =	ssyncset.done @!p1 $0x0  }
0xd4: {  	[sflag:s13] =	ssyncadd.s32 @!p1 $0xFFFFF000  }
0xd5: {  	[tilespmem:s14], [sflag:$0xB] =	stream.indirect.gather [hbm4b:s1+s16], $0x20, s4, s16, $0xb8;
	[tilespmem:$0x15D40] =	vst v63  }
0xd6: {  	_ =	swait.ge [sflag:s20], $0x1000  }
0xd7: {  	s4 =	sadd.s32 $0x2A00, s9;
	[sflag:s20] =	ssyncset.done $0x0  }
0xd8: {  	s13 =	simm.s32 @!p1 $0xC;
	[sflag:s20] =	ssyncadd.s32 $0xFFFFF000  }
0xd9: {  	[spmem:s3] =	stream.indirect.scatter.add.bf16 [tilespmem:s31], [sflag:$0x6], $0x20, s4, s16, $0xb8;
	[tilespmem:$0x15D40] =	vst v63  }
0xda: {  	_ =	swait.ge @!p1 [sflag:s13], $0x1000  }
0xdb: {  	s4 =	sadd.s32 $0x580, s9;
	[sflag:s13] =	ssyncset.done @!p1 $0x0  }
0xdc: {  	[sflag:s13] =	ssyncadd.s32 @!p1 $0xFFFFF000  }
0xdd: {  	[tilespmem:s21], [sflag:$0xC] =	stream.indirect.gather [hbm4b:s1+s16], $0x20, s4, s16, $0xb8;
	[tilespmem:$0x15D40] =	vst v63  }
0xde: {  	_ =	swait.ge [sflag:s22], $0x1000  }
0xdf: {  	s4 =	sadd.s32 $0x2A80, s9;
	[sflag:s22] =	ssyncset.done $0x0  }
0xe0: {  	[sflag:s22] =	ssyncadd.s32 $0xFFFFF000  }
0xe1: {  	[spmem:s3] =	stream.indirect.scatter.add.bf16 [tilespmem:s15], [sflag:$0x7], $0x20, s4, s16, $0xb8;
	[tilespmem:$0x15D40] =	vst v63  }
0xe2: {  	_ =	swait.ge [sflag:s2], $0x1000  }
0xe3: {  	s4 =	sadd.s32 $0x600, s9;
	[sflag:s2] =	ssyncset.done $0x0  }
0xe4: {  	[sflag:s2] =	ssyncadd.s32 $0xFFFFF000  }
0xe5: {  	[tilespmem:s12], [sflag:$0x1] =	stream.indirect.gather [hbm4b:s1+s16], $0x20, s4, s16, $0xb8;
	[tilespmem:$0x15D40] =	vst v63  }
0xe6: {  	_ =	swait.ge [sflag:s23], $0x1000  }
0xe7: {  	s4 =	sadd.s32 $0x2B00, s9;
	[sflag:s23] =	ssyncset.done $0x0  }
0xe8: {  	[sflag:s23] =	ssyncadd.s32 $0xFFFFF000  }
0xe9: {  	[spmem:s3] =	stream.indirect.scatter.add.bf16 [tilespmem:s0], [sflag:$0x8], $0x20, s4, s16, $0xb8;
	[tilespmem:$0x15D40] =	vst v63  }
0xea: {  	_ =	swait.ge [sflag:s18], $0x1000  }
0xeb: {  	s4 =	sadd.s32 $0x680, s9;
	[sflag:s18] =	ssyncset.done $0x0  }
0xec: {  	[sflag:s18] =	ssyncadd.s32 $0xFFFFF000  }
0xed: {  	[tilespmem:s17], [sflag:$0x2] =	stream.indirect.gather [hbm4b:s1+s16], $0x20, s4, s16, $0xb8;
	[tilespmem:$0x15D40] =	vst v63  }
0xee: {  	_ =	swait.ge [sflag:s24], $0x1000  }
0xef: {  	s4 =	sadd.s32 $0x2B80, s9;
	[sflag:s24] =	ssyncset.done $0x0  }
0xf0: {  	[sflag:s24] =	ssyncadd.s32 $0xFFFFF000  }
0xf1: {  	[spmem:s3] =	stream.indirect.scatter.add.bf16 [tilespmem:s28], [sflag:$0x9], $0x20, s4, s16, $0xb8;
	[tilespmem:$0x15D40] =	vst v63  }
0xf2: {  	_ =	swait.ge [sflag:s25], $0x1000  }
0xf3: {  	s4 =	sadd.s32 $0x700, s9;
	[sflag:s25] =	ssyncset.done $0x0  }
0xf4: {  	[sflag:s25] =	ssyncadd.s32 $0xFFFFF000  }
0xf5: {  	[tilespmem:s19], [sflag:$0x3] =	stream.indirect.gather [hbm4b:s1+s16], $0x20, s4, s16, $0xb8;
	[tilespmem:$0x15D40] =	vst v63  }
0xf6: {  	_ =	swait.ge [sflag:s5], $0x1000  }
0xf7: {  	s4 =	sadd.s32 $0x2C00, s9;
	[sflag:s5] =	ssyncset.done $0x0  }
0xf8: {  	[sflag:s5] =	ssyncadd.s32 $0xFFFFF000  }
0xf9: {  	[spmem:s3] =	stream.indirect.scatter.add.bf16 [tilespmem:s10], [sflag:$0xA], $0x20, s4, s16, $0xb8;
	[tilespmem:$0x15D40] =	vst v63  }
0xfa: {  	_ =	swait.ge [sflag:s30], $0x1000  }
0xfb: {  	s4 =	sadd.s32 $0x780, s9;
	[sflag:s30] =	ssyncset.done $0x0  }
0xfc: {  	[sflag:s30] =	ssyncadd.s32 $0xFFFFF000  }
0xfd: {  	[tilespmem:s26], [sflag:$0x4] =	stream.indirect.gather [hbm4b:s1+s16], $0x20, s4, s16, $0xb8;
	[tilespmem:$0x15D40] =	vst v63  }
0xfe: {  	_ =	swait.ge [sflag:s6], $0x1000  }
0xff: {  	s4 =	sadd.s32 $0x2C80, s9;
	[sflag:s6] =	ssyncset.done $0x0  }
0x100: {  	[sflag:s6] =	ssyncadd.s32 $0xFFFFF000  }
0x101: {  	[spmem:s3] =	stream.indirect.scatter.add.bf16 [tilespmem:s14], [sflag:$0xB], $0x20, s4, s16, $0xb8;
	[tilespmem:$0x15D40] =	vst v63  }
0x102: {  	_ =	swait.ge [sflag:s11], $0x1000  }
0x103: {  	s4 =	sadd.s32 $0x800, s9;
	[sflag:s11] =	ssyncset.done $0x0  }
0x104: {  	[sflag:s11] =	ssyncadd.s32 $0xFFFFF000  }
0x105: {  	[tilespmem:s29], [sflag:$0x5] =	stream.indirect.gather [hbm4b:s1+s16], $0x20, s4, s16, $0xb8;
	[tilespmem:$0x15D40] =	vst v63  }
0x106: {  	_ =	swait.ge [sflag:s7], $0x1000  }
.Ltmp1:
0x107: {  	s4 =	sadd.s32 $0x2D00, s9;
	[sflag:s7] =	ssyncset.done $0x0;
	(pc) =	sbr.rel @p0 .LBB2_4-.Ltmp1, $4  }
0x108: {  	[sflag:s7] =	ssyncadd.s32 $0xFFFFF000  }
0x109: {  	[spmem:s3] =	stream.indirect.scatter.add.bf16 [tilespmem:s21], [sflag:$0xC], $0x20, s4, s16, $0xb8;
	[tilespmem:$0x15D40] =	vst v63  }
0x10a: {  	_ =	swait.ge [sflag:s20], $0x1000  }
0x10b: {  	s9 =	sadd.s32 $0x880, s9;
	[sflag:s20] =	ssyncset.done $0x0  }
0x10c: {  	[sflag:s20] =	ssyncadd.s32 $0xFFFFF000  }
0x10d: {  	[tilespmem:s31], [sflag:$0x6] =	stream.indirect.gather [hbm4b:s1+s16], $0x20, s9, s16, $0xb8;
	[tilespmem:$0x15D40] =	vst v63  }
0x10e: {  	_ =	swait.ge [sflag:s2], $0x1000  }
0x10f: {  	[sflag:s2] =	ssyncset.done $0x0  }
0x110: {  	s4 =	simm.s32 $0x4B80;
	[sflag:s2] =	ssyncadd.s32 $0xFFFFF000  }
0x111: {  	[spmem:s3] =	stream.indirect.scatter.add.bf16 [tilespmem:s12], [sflag:$0x1], $0x20, s4, s16, $0xb8;
	[tilespmem:$0x15D40] =	vst v63  }
0x112: {  	_ =	swait.ge [sflag:s22], $0x1000  }
0x113: {  	[sflag:s22] =	ssyncset.done $0x0  }
0x114: {  	s8 =	simm.s32 $0x2700;
	[sflag:s22] =	ssyncadd.s32 $0xFFFFF000  }
0x115: {  	[tilespmem:s15], [sflag:$0x7] =	stream.indirect.gather [hbm4b:s1+s16], $0x20, s8, s16, $0xb8;
	[tilespmem:$0x15D40] =	vst v63  }
0x116: {  	_ =	swait.ge [sflag:s18], $0x1000  }
0x117: {  	[sflag:s18] =	ssyncset.done $0x0  }
0x118: {  	s9 =	simm.s32 $0x4C00;
	[sflag:s18] =	ssyncadd.s32 $0xFFFFF000  }
0x119: {  	[spmem:s3] =	stream.indirect.scatter.add.bf16 [tilespmem:s17], [sflag:$0x2], $0x20, s9, s16, $0xb8;
	[tilespmem:$0x15D40] =	vst v63  }
0x11a: {  	_ =	swait.ge [sflag:s23], $0x1000  }
0x11b: {  	[sflag:s23] =	ssyncset.done $0x0  }
0x11c: {  	[sflag:s23] =	ssyncadd.s32 $0xFFFFF000  }
0x11d: {  	_ =	swait.ge [sflag:s25], $0x1000  }
0x11e: {  	[sflag:s25] =	ssyncset.done $0x0  }
0x11f: {  	s13 =	simm.s32 $0x4C80;
	[sflag:s25] =	ssyncadd.s32 $0xFFFFF000  }
0x120: {  	[spmem:s3] =	stream.indirect.scatter.add.bf16 [tilespmem:s19], [sflag:$0x3], $0x20, s13, s16, $0xb8;
	[tilespmem:$0x15D40] =	vst v63  }
0x121: {  	_ =	swait.ge [sflag:s24], $0x1000  }
0x122: {  	[sflag:s24] =	ssyncset.done $0x0  }
0x123: {  	[sflag:s24] =	ssyncadd.s32 $0xFFFFF000  }
0x124: {  	_ =	swait.ge [sflag:s30], $0x1000  }
0x125: {  	[sflag:s30] =	ssyncset.done $0x0  }
0x126: {  	s8 =	simm.s32 $0x4D00;
	[sflag:s30] =	ssyncadd.s32 $0xFFFFF000  }
0x127: {  	[spmem:s3] =	stream.indirect.scatter.add.bf16 [tilespmem:s26], [sflag:$0x4], $0x20, s8, s16, $0xb8;
	[tilespmem:$0x15D40] =	vst v63  }
0x128: {  	_ =	swait.ge [sflag:s5], $0x1000  }
0x129: {  	[sflag:s5] =	ssyncset.done $0x0  }
0x12a: {  	[sflag:s5] =	ssyncadd.s32 $0xFFFFF000  }
0x12b: {  	_ =	swait.ge [sflag:s11], $0x1000  }
0x12c: {  	[sflag:s11] =	ssyncset.done $0x0  }
0x12d: {  	s9 =	simm.s32 $0x4D80;
	[sflag:s11] =	ssyncadd.s32 $0xFFFFF000  }
0x12e: {  	[spmem:s3] =	stream.indirect.scatter.add.bf16 [tilespmem:s29], [sflag:$0x5], $0x20, s9, s16, $0xb8;
	[tilespmem:$0x15D40] =	vst v63  }
0x12f: {  	_ =	swait.ge [sflag:s6], $0x1000  }
0x130: {  	[sflag:s6] =	ssyncset.done $0x0  }
0x131: {  	[sflag:s6] =	ssyncadd.s32 $0xFFFFF000  }
0x132: {  	_ =	swait.ge [sflag:s20], $0x1000  }
0x133: {  	[sflag:s20] =	ssyncset.done $0x0  }
0x134: {  	s13 =	simm.s32 $0x4E00;
	[sflag:s20] =	ssyncadd.s32 $0xFFFFF000  }
0x135: {  	[spmem:s3] =	stream.indirect.scatter.add.bf16 [tilespmem:s31], [sflag:$0x6], $0x20, s13, s16, $0xb8;
	[tilespmem:$0x15D40] =	vst v63  }
0x136: {  	_ =	swait.ge [sflag:s7], $0x1000  }
0x137: {  	[sflag:s7] =	ssyncset.done $0x0  }
0x138: {  	[sflag:s7] =	ssyncadd.s32 $0xFFFFF000  }
0x139: {  	_ =	swait.ge [sflag:s22], $0x1000  }
0x13a: {  	[sflag:s22] =	ssyncset.done $0x0  }
0x13b: {  	s8 =	simm.s32 $0x4E80;
	[sflag:s22] =	ssyncadd.s32 $0xFFFFF000  }
0x13c: {  	[spmem:s3] =	stream.indirect.scatter.add.bf16 [tilespmem:s15], [sflag:$0x7], $0x20, s8, s16, $0xb8;
	[tilespmem:$0x15D40] =	vst v63  }
0x13d: {  	_ =	swait.ge [sflag:s2], $0x1000  }
0x13e: {  	[sflag:s2] =	ssyncset.done $0x0  }
0x13f: {  	[sflag:s2] =	ssyncadd.s32 $0xFFFFF000  }
0x140: {  	_ =	swait.ge [sflag:s18], $0x1000  }
0x141: {  	[sflag:s18] =	ssyncset.done $0x0  }
0x142: {  	[sflag:s18] =	ssyncadd.s32 $0xFFFFF000  }
0x143: {  	_ =	swait.ge [sflag:s25], $0x1000  }
0x144: {  	[sflag:s25] =	ssyncset.done $0x0  }
0x145: {  	[sflag:s25] =	ssyncadd.s32 $0xFFFFF000  }
0x146: {  	_ =	swait.ge [sflag:s30], $0x1000  }
0x147: {  	[sflag:s30] =	ssyncset.done $0x0  }
0x148: {  	[sflag:s30] =	ssyncadd.s32 $0xFFFFF000  }
0x149: {  	_ =	swait.ge [sflag:s11], $0x1000  }
0x14a: {  	[sflag:s11] =	ssyncset.done $0x0  }
0x14b: {  	[sflag:s11] =	ssyncadd.s32 $0xFFFFF000  }
0x14c: {  	_ =	swait.ge [sflag:s20], $0x1000  }
0x14d: {  	[sflag:s20] =	ssyncset.done $0x0  }
0x14e: {  	[sflag:s20] =	ssyncadd.s32 $0xFFFFF000  }
0x14f: {  	_ =	swait.ge [sflag:s22], $0x1000  }
0x150: {  	[sflag:s22] =	ssyncset.done $0x0  }
0x151: {  	[sflag:s22] =	ssyncadd.s32 $0xFFFFF000  }
0x152: {  	s9 =	stileid.u32;
	[bflag:$0x0] =	sbarrier.arrive $0xFFFF  }
0x153: {  	s4 =	sshll.u32 s9, $0x6;
	s9 =	simm.s32 $0xD;
	s8 =	rddreg [dreg:$0x5]  }
0x154: {  	s4 =	sor.u32 $0x1C0D, s4;
	s13 =	rddreg [dreg:$0xd];
	s8 =	sshrl.u32 s8, $0x3  }
0x155: {  	[hbm:s13], [sflag:s4] =	dma.local [spmem:s8], $0x200  }
0x156: {  	_ =	swait.ge [sflag:s9], $0x200  }
0x157: {  	[sflag:s9] =	ssyncset.done $0x0;
	s13 =	rddreg [dreg:$0x6]  }
0x158: {  	[sflag:s9] =	ssyncadd.s32 $0xFFFFFE00;
	s8 =	sshrl.u32 s13, $0x3;
	s13 =	rddreg [dreg:$0xe]  }
0x159: {  	[hbm:s13], [sflag:s4] =	dma.local [spmem:s8], $0x200  }
0x15a: {  	_ =	swait.ge [sflag:s9], $0x200  }
0x15b: {  	[sflag:s9] =	ssyncset.done $0x0;
	s13 =	rddreg [dreg:$0x7]  }
0x15c: {  	[sflag:s9] =	ssyncadd.s32 $0xFFFFFE00;
	s8 =	sshrl.u32 s13, $0x3;
	s13 =	rddreg [dreg:$0xf]  }
0x15d: {  	[hbm:s13], [sflag:s4] =	dma.local [spmem:s8], $0x200  }
0x15e: {  	_ =	swait.ge [sflag:s9], $0x200  }
0x15f: {  	[sflag:s9] =	ssyncset.done $0x0;
	s13 =	rddreg [dreg:$0x8]  }
0x160: {  	[sflag:s9] =	ssyncadd.s32 $0xFFFFFE00;
	s8 =	sshrl.u32 s13, $0x3;
	s13 =	rddreg [dreg:$0x10]  }
0x161: {  	[hbm:s13], [sflag:s4] =	dma.local [spmem:s8], $0x200  }
0x162: {  	_ =	swait.ge [sflag:s9], $0x200  }
0x163: {  	[sflag:s9] =	ssyncset.done $0x0;
	s13 =	rddreg [dreg:$0x9]  }
0x164: {  	[sflag:s9] =	ssyncadd.s32 $0xFFFFFE00;
	s8 =	sshrl.u32 s13, $0x3;
	s13 =	rddreg [dreg:$0x11]  }
0x165: {  	[hbm:s13], [sflag:s4] =	dma.local [spmem:s8], $0x1C8  }
0x166: {  	_ =	swait.ge [sflag:s9], $0x1C8  }
0x167: {  	s8 =	rddreg [dreg:$0x4]  }
0x168: {  	s13 =	rddreg [dreg:$0xb];
	s4 =	sadd.s32 $0x1, s8  }
0x169: {  	p0 =	sne.s32 s4, s13  }
.Ltmp2:
0x16a: {  	_ = 	snop;
	(pc) =	sbr.rel @p0 .LBB2_1-.Ltmp2, $3  }
0x16b: {  	_ =	sdelay $0x1  }
0x16c: {  	[sflag:s9] =	ssyncset.done $0x0  }
0x16d: {  	[sflag:s9] =	ssyncadd.s32 $0xFFFFFE38;
	[dreg:$0x4] =	wrdreg s4  }
0x16e: {  	_ =	sfence.sel $0x180000  }
0x16f: {  	[bflag:$0x0] =	sbarrier.arrive $0xFFFF  }
0x170: {  	_ =	strace $0x9000004D  }
0x171: {  	s0 =	stileid.u32;
	[bflag:$0x2] =	sbarrier.arrive $0xFFFF  }
0x172: {  	p0 =	sne.s32 s0, $0x0;
	s0 =	rddreg [dreg:$0x3]  }
0x173: {  	s0 =	sadd.s32 @!p0 $0x100000, s0  }
0x174: {  	[sflag:s0] =	ssyncadd.tile.s32 @!p0 $0x1;
	_ =	shalt  }
.Lfunc_end2:
_tile_overlayer_lowered:
.L_overlay_start_2:
0x175: {  	(tag) =	ssettag $0x2  }
0x176: {  	s0 =	rddreg [dreg:$0x0];
	s2 =	stileid.u32  }
0x177: {  	s1 =	rddreg [dreg:$0x1];
	p0 =	sne.s32 s2, $0x0  }
0x178: {  	s3 =	rddreg [dreg:$0x2];
	[bflag:$0x3] =	sbarrier.arrive $0xFFFF;
	s2 =	simm.s32 @!p0 $0x1C0D  }
0x179: {  	[timem:s3], [sflag:s2] =	dma.local @!p0 [hbm:s0], s1  }
0x17a: {  	s0 =	simm.s32 @!p0 $0xD  }
0x17b: {  	_ =	swait.ge @!p0 [sflag:s0], s1  }
0x17c: {  	s1 =	ssub.s32 @!p0 $0x0, s1;
	[sflag:s0] =	ssyncset.done @!p0 $0x0  }
0x17d: {  	[sflag:s0] =	ssyncadd.s32 @!p0 s1  }
0x17e: {  	[bflag:$0x3] =	sbarrier.arrive $0xFFFF  }
0x17f: {  	_ =	shalt  }

</sc_bundles>
